<compile_context>
chip_gen: v7x
topology: tpu7x:2x2x1
jax: 0.10.2.dev20260603
libtpu: 0.0.44.dev20260713+nightly
codegen_flags: <defaults>
</compile_context>

<pallas_src>
import jax
import jax.numpy as jnp
from jax import lax
from jax.experimental import pallas as pl
from jax.experimental.pallas import tpu as pltpu
from jax.experimental.pallas import tpu_sc as plsc

NN = 10000
EE = 320000
DF = 128
H = 32
NG = 128
NL = 10

NC = 2
NS = 16
NW = NC * NS
CH = 128
KCH = 79
EP = NW * KCH * CH
NP = NN + 112
RT = NP // NS

_mesh = plsc.VectorSubcoreMesh(core_axis_name="c", subcore_axis_name="s")
_sc_params = pltpu.CompilerParams(use_tc_tiling_on_sc=False)



EPT = EE // NW
EFILL = KCH * CH - EPT


def _stage_edges_start(e_h, wid, src_v, dst_v, sem):
    pltpu.async_copy(e_h.at[0, pl.ds(wid * EPT, EPT)], src_v.at[pl.ds(0, EPT)], sem)
    pltpu.async_copy(e_h.at[1, pl.ds(wid * EPT, EPT)], dst_v.at[pl.ds(0, EPT)], sem)


def _stage_edges_finish(e_h, wid, src_v, dst_v, sem):
    pltpu.make_async_copy(
        e_h.at[0, pl.ds(wid * EPT, EPT)], src_v.at[pl.ds(0, EPT)], sem).wait()
    pltpu.make_async_copy(
        e_h.at[1, pl.ds(wid * EPT, EPT)], dst_v.at[pl.ds(0, EPT)], sem).wait()
    pad16 = lax.iota(jnp.int32, 16) + NN

    def fill(g, carry):
        src_v[pl.ds(EPT + g * 16, 16)] = pad16 + g * 16
        dst_v[pl.ds(EPT + g * 16, 16)] = pad16 + g * 16
        return carry

    lax.fori_loop(0, EFILL // 16, fill, 0)


def _deg_body(e_h, ones_h, z_h, deg_h,
              src_v, dst_v, ones_v, acc_in, acc_out, isem, osem):
    c = lax.axis_index("c")
    s = lax.axis_index("s")
    wid = s * NC + c
    _stage_edges_start(e_h, wid, src_v, dst_v, isem)
    pltpu.async_copy(z_h.at[pl.ds(s * RT, RT)], acc_in.at[pl.ds(s * RT, RT)], osem)
    pltpu.async_copy(z_h.at[pl.ds(s * RT, RT)], acc_out.at[pl.ds(s * RT, RT)], osem)
    pltpu.sync_copy(ones_h, ones_v)
    _stage_edges_finish(e_h, wid, src_v, dst_v, isem)
    pltpu.make_async_copy(z_h.at[pl.ds(s * RT, RT)],
                          acc_in.at[pl.ds(s * RT, RT)], osem).wait()
    pltpu.make_async_copy(z_h.at[pl.ds(s * RT, RT)],
                          acc_out.at[pl.ds(s * RT, RT)], osem).wait()
    plsc.subcore_barrier()

    def body(j, carry):
        pltpu.async_copy(ones_v, acc_in.at[dst_v.at[pl.ds(j * CH, CH)]],
                         isem, add=True)
        pltpu.async_copy(ones_v, acc_out.at[src_v.at[pl.ds(j * CH, CH)]],
                         osem, add=True)
        return carry

    lax.fori_loop(0, KCH, body, 0)

    def drain(j, carry):
        pltpu.make_async_copy(ones_v, acc_in.at[dst_v.at[pl.ds(j * CH, CH)]],
                              isem).wait()
        pltpu.make_async_copy(ones_v, acc_out.at[src_v.at[pl.ds(j * CH, CH)]],
                              osem).wait()
        return carry

    lax.fori_loop(0, KCH, drain, 0)
    plsc.subcore_barrier()
    pltpu.sync_copy(acc_in.at[pl.ds(s * RT, RT)],
                    deg_h.at[pl.ds(s * RT, RT), pl.ds(c * 8, 8)])
    pltpu.sync_copy(acc_out.at[pl.ds(s * RT, RT)],
                    deg_h.at[pl.ds(s * RT, RT), pl.ds(16 + c * 8, 8)])


_sc_deg = pl.kernel(
    _deg_body,
    out_type=jax.ShapeDtypeStruct((NP, 128), jnp.float32),
    mesh=_mesh,
    scratch_types=[
        pltpu.VMEM((KCH * CH,), jnp.int32),
        pltpu.VMEM((KCH * CH,), jnp.int32),
        pltpu.VMEM((CH, 8), jnp.float32),
        pltpu.VMEM_SHARED((NP, 8), jnp.float32),
        pltpu.VMEM_SHARED((NP, 8), jnp.float32),
        pltpu.SemaphoreType.DMA,
        pltpu.SemaphoreType.DMA,
    ],
    compiler_params=_sc_params,
)


NBUF = 4


def _agg_body(p_h, e_h, z_h, out_h,
              src_v, dst_v, rows, p_sh, acc, gsems, ssems):
    c = lax.axis_index("c")
    s = lax.axis_index("s")
    wid = s * NC + c
    _stage_edges_start(e_h, wid, src_v, dst_v, gsems.at[0])
    pltpu.async_copy(z_h.at[pl.ds(s * RT, RT)], acc.at[pl.ds(s * RT, RT)],
                     ssems.at[0])
    pltpu.async_copy(p_h.at[pl.ds(s * RT, RT), pl.ds(0, H)],
                     p_sh.at[pl.ds(s * RT, RT)], ssems.at[1])
    _stage_edges_finish(e_h, wid, src_v, dst_v, gsems.at[0])
    pltpu.make_async_copy(z_h.at[pl.ds(s * RT, RT)],
                          acc.at[pl.ds(s * RT, RT)], ssems.at[0]).wait()
    pltpu.make_async_copy(p_h.at[pl.ds(s * RT, RT), pl.ds(0, H)],
                          p_sh.at[pl.ds(s * RT, RT)], ssems.at[1]).wait()
    plsc.subcore_barrier()

    def gsrc(j):
        return p_sh.at[src_v.at[pl.ds(j * CH, CH)]]

    def sidx(j):
        return dst_v.at[pl.ds(j * CH, CH)]

    def step(j, b):
        buf = rows.at[b]
        pltpu.make_async_copy(gsrc(j), buf, gsems.at[b]).wait()
        pltpu.async_copy(buf, acc.at[sidx(j)], ssems.at[b], add=True)

        @pl.when(j + 2 < KCH)
        def _():
            b2 = (b + 2) % NBUF
            buf2 = rows.at[b2]

            @pl.when(j >= 2)
            def _():
                pltpu.make_async_copy(
                    buf2, acc.at[sidx(j - 2)], ssems.at[b2]).wait()

            pltpu.async_copy(gsrc(j + 2), buf2, gsems.at[b2])

    pltpu.async_copy(gsrc(0), rows.at[0], gsems.at[0])
    pltpu.async_copy(gsrc(1), rows.at[1], gsems.at[1])

    def body(j, carry):
        for b in range(NBUF):
            @pl.when(lax.rem(j, NBUF) == b)
            def _(j=j, b=b):
                step(j, b)
        return carry

    lax.fori_loop(0, KCH, body, 0)
    for t in range(KCH - NBUF, KCH):
        b = t % NBUF
        pltpu.make_async_copy(rows.at[b], acc.at[sidx(t)], ssems.at[b]).wait()
    plsc.subcore_barrier()
    pltpu.sync_copy(acc.at[pl.ds(s * RT, RT)],
                    out_h.at[pl.ds(s * RT, RT), pl.ds(c * H, H)])


_sc_agg = pl.kernel(
    _agg_body,
    out_type=jax.ShapeDtypeStruct((NP, 128), jnp.float32),
    mesh=_mesh,
    scratch_types=[
        pltpu.VMEM((KCH * CH,), jnp.int32),
        pltpu.VMEM((KCH * CH,), jnp.int32),
        pltpu.VMEM((NBUF, CH, H), jnp.float32),
        pltpu.VMEM_SHARED((NP, H), jnp.float32),
        pltpu.VMEM_SHARED((NP, H), jnp.float32),
        pltpu.SemaphoreType.DMA((NBUF,)),
        pltpu.SemaphoreType.DMA((NBUF,)),
    ],
    compiler_params=_sc_params,
)



def _mm1_body(x_ref, wg_ref, ws_ref, q_ref, s_ref):
    x = x_ref[...]
    q_ref[...] = jnp.dot(x, wg_ref[...], preferred_element_type=jnp.float32)
    s_ref[...] = jnp.dot(x, ws_ref[...], preferred_element_type=jnp.float32)


_tc_mm1 = pl.pallas_call(
    _mm1_body,
    out_shape=(
        jax.ShapeDtypeStruct((NP, H), jnp.float32),
        jax.ShapeDtypeStruct((NP, H), jnp.float32),
    ),
)


def _scale_body(deg_ref, q_ref, p_ref, dib_ref, dob_ref):
    deg_in = deg_ref[:, 0:1] + deg_ref[:, 8:9]
    deg_out = deg_ref[:, 16:17] + deg_ref[:, 24:25]
    di = jnp.where(deg_in > 0, lax.rsqrt(jnp.maximum(deg_in, 1.0)), 0.0)
    do = jnp.where(deg_out > 0, lax.rsqrt(jnp.maximum(deg_out, 1.0)), 0.0)
    p_ref[:, 0:H] = do * q_ref[...]
    dib_ref[...] = jnp.broadcast_to(di, (NP, H))
    dob_ref[...] = jnp.broadcast_to(do, (NP, H))


_tc_scale = pl.pallas_call(
    _scale_body,
    out_shape=(
        jax.ShapeDtypeStruct((NP, 128), jnp.float32),
        jax.ShapeDtypeStruct((NP, H), jnp.float32),
        jax.ShapeDtypeStruct((NP, H), jnp.float32),
    ),
)


def _mid_body(aggp_ref, s_ref, dib_ref, dob_ref, b_ref, wg_ref, ws_ref,
              pn_ref, sn_ref):
    agg = aggp_ref[:, 0:H] + aggp_ref[:, H:2 * H]
    h = jnp.maximum(dib_ref[...] * agg + s_ref[...] + b_ref[...], 0.0)
    pn_ref[:, 0:H] = dob_ref[...] * jnp.dot(h, wg_ref[...],
                                            preferred_element_type=jnp.float32)
    sn_ref[...] = jnp.dot(h, ws_ref[...], preferred_element_type=jnp.float32)


_tc_mid = pl.pallas_call(
    _mid_body,
    out_shape=(
        jax.ShapeDtypeStruct((NP, 128), jnp.float32),
        jax.ShapeDtypeStruct((NP, H), jnp.float32),
    ),
)


def _final_body(aggp_ref, s_ref, dib_ref, b_ref, i_ref, wd_ref, bd_ref, out_ref):
    agg = aggp_ref[:, 0:H] + aggp_ref[:, H:2 * H]
    h = jnp.maximum(dib_ref[...] * agg + s_ref[...] + b_ref[...], 0.0)
    gids = lax.broadcasted_iota(jnp.int32, (NG, NP), 0)
    onehot_t = (gids == i_ref[...]).astype(jnp.float32)
    sums = jnp.dot(onehot_t, h, preferred_element_type=jnp.float32)
    counts = jnp.sum(onehot_t, axis=1, keepdims=True)
    pooled = sums / jnp.maximum(counts, 1.0)
    logits = jnp.dot(pooled, wd_ref[...],
                     preferred_element_type=jnp.float32) + bd_ref[...]
    m = jnp.max(logits, axis=1, keepdims=True)
    e = jnp.exp(logits - m)
    out_ref[...] = e / jnp.sum(e, axis=1, keepdims=True)


_tc_final = pl.pallas_call(
    _final_body,
    out_shape=jax.ShapeDtypeStruct((NG, NL), jnp.float32),
)



def kernel(x, edge_index, i, Wg1, Ws1, b1, Wg2, Ws2, b2, Wg3, Ws3, b3, Wd, bd):
    xp = jnp.pad(x, ((0, NP - NN), (0, 0)))
    ip = jnp.pad(i, (0, NP - NN), constant_values=NG).reshape(1, NP)
    z8 = jnp.zeros((NP, 8), jnp.float32)
    z32 = jnp.zeros((NP, H), jnp.float32)
    ones8 = jnp.ones((CH, 8), jnp.float32)

    deg = _sc_deg(edge_index, ones8, z8)
    q1, s1 = _tc_mm1(xp, Wg1, Ws1)
    p1, dib, dob = _tc_scale(deg, q1)
    agg1 = _sc_agg(p1, edge_index, z32)
    p2, s2 = _tc_mid(agg1, s1, dib, dob, b1.reshape(1, H), Wg2, Ws2)
    agg2 = _sc_agg(p2, edge_index, z32)
    p3, s3 = _tc_mid(agg2, s2, dib, dob, b2.reshape(1, H), Wg3, Ws3)
    agg3 = _sc_agg(p3, edge_index, z32)
    return _tc_final(agg3, s3, dib, b3.reshape(1, H), ip, Wd,
                     bd.reshape(1, NL))

# --- scband reference (transcript-rebuilt; emitter-appended) ---
"""Pipeline reference for scband-net-84911503442108 (READ-ONLY COPY).

The authoritative reference and input builder live on the scoring server;
editing this copy changes nothing except your own understanding.
"""

import jax, jax.numpy as jnp
import numpy as np

N = 10000
E = 320000
D_FEAT = 128
HIDDEN = 32
N_GRAPHS = 128
N_LABELS = 10


def _glorot(key, shape):
    lim = float(np.sqrt(6.0 / (shape[0] + shape[1])))
    return jax.random.uniform(key, shape, jnp.float32, -lim, lim)


def setup_inputs(seed: int = 0) -> dict:
    key = jax.random.key(seed)
    ks = jax.random.split(key, 12)
    inp = {}
    inp["x"] = jax.random.normal(ks[0], (N, D_FEAT), dtype=jnp.float32)
    inp["edge_index"] = jax.random.randint(ks[1], (2, E), 0, N, dtype=jnp.int32)
    inp["i"] = jnp.sort(jax.random.randint(ks[2], (N,), 0, N_GRAPHS, dtype=jnp.int32))
    # GCSConv layer 1 (in=128 -> out=32): W graph branch, W skip branch, bias
    inp["Wg1"] = _glorot(ks[3], (D_FEAT, HIDDEN))
    inp["Ws1"] = _glorot(ks[4], (D_FEAT, HIDDEN))
    inp["b1"] = jnp.zeros((HIDDEN,), jnp.float32)
    # GCSConv layer 2 (32 -> 32)
    inp["Wg2"] = _glorot(ks[5], (HIDDEN, HIDDEN))
    inp["Ws2"] = _glorot(ks[6], (HIDDEN, HIDDEN))
    inp["b2"] = jnp.zeros((HIDDEN,), jnp.float32)
    # GCSConv layer 3 (32 -> 32)
    inp["Wg3"] = _glorot(ks[7], (HIDDEN, HIDDEN))
    inp["Ws3"] = _glorot(ks[8], (HIDDEN, HIDDEN))
    inp["b3"] = jnp.zeros((HIDDEN,), jnp.float32)
    # Final dense softmax classifier (32 -> n_labels)
    inp["Wd"] = _glorot(ks[9], (HIDDEN, N_LABELS))
    inp["bd"] = jnp.zeros((N_LABELS,), jnp.float32)
    return inp


def _gcs_conv(x, src, dst, norm, Wg, Ws, b):
    # GCSConv: relu( D^-1/2 A D^-1/2 X Wg + X Ws + b )
    msg = x[src] * norm[:, None]                       # gather + edge scale
    agg = jax.ops.segment_sum(msg, dst, num_segments=N)  # scatter-add
    return jax.nn.relu(agg @ Wg + x @ Ws + b)


def reference(x, edge_index, i, Wg1, Ws1, b1, Wg2, Ws2, b2, Wg3, Ws3, b3, Wd, bd):
    src = edge_index[0]
    dst = edge_index[1]
    ones_e = jnp.ones((E,), jnp.float32)
    deg_in = jax.ops.segment_sum(ones_e, dst, num_segments=N)
    deg_out = jax.ops.segment_sum(ones_e, src, num_segments=N)
    di = jnp.where(deg_in > 0, 1.0 / jnp.sqrt(jnp.maximum(deg_in, 1.0)), 0.0)
    do = jnp.where(deg_out > 0, 1.0 / jnp.sqrt(jnp.maximum(deg_out, 1.0)), 0.0)
    norm = do[src] * di[dst]
    h = _gcs_conv(x, src, dst, norm, Wg1, Ws1, b1)
    h = _gcs_conv(h, src, dst, norm, Wg2, Ws2, b2)
    h = _gcs_conv(h, src, dst, norm, Wg3, Ws3, b3)
    # GlobalAvgPool over graph-id segments
    sums = jax.ops.segment_sum(h, i, num_segments=N_GRAPHS)
    counts = jax.ops.segment_sum(jnp.ones((N,), jnp.float32), i, num_segments=N_GRAPHS)
    pooled = sums / jnp.maximum(counts, 1.0)[:, None]
    return jax.nn.softmax(pooled @ Wd + bd, axis=-1)

if __name__ == "__main__":
    import jax
    _d = setup_inputs()
    print(jax.jit(kernel)(*tuple(_d.values())))

</pallas_src>

<mosaic_0001>
#map = affine_map<(d0, d1) -> (0, 0)>
module attributes {stable_mosaic.version = 14 : i64} {
  func.func @_agg_body(%arg0: i32, %arg1: i32, %arg2: memref<10112x128xf32, #tpu.memory_space<hbm>>, %arg3: memref<2x320000xi32, #tpu.memory_space<hbm>>, %arg4: memref<10112x32xf32, #tpu.memory_space<hbm>>, %arg5: memref<10112x128xf32, #tpu.memory_space<hbm>>, %arg6: memref<10112xi32, #tpu.memory_space<vmem>>, %arg7: memref<10112xi32, #tpu.memory_space<vmem>>, %arg8: memref<4x128x32xf32, #tpu.memory_space<vmem>>, %arg9: memref<10112x32xf32, #tpu.memory_space<vmem_shared>>, %arg10: memref<10112x32xf32, #tpu.memory_space<vmem_shared>>, %arg11: memref<4x!tpu.dma_semaphore, #tpu.memory_space<semaphore_mem>>, %arg12: memref<4x!tpu.dma_semaphore, #tpu.memory_space<semaphore_mem>>) attributes {dimension_semantics = [#tpu.dimension_semantics<core_parallel>, #tpu.dimension_semantics<subcore_parallel>], iteration_bounds = array<i64: 2, 16>, scalar_prefetch = 0 : i64, scratch_operands = 7 : i64, tpu.core_type = #tpu.core_type<sc_vector_subcore>, window_params = [{transform_indices = #map}, {transform_indices = #map}, {transform_indices = #map}, {transform_indices = #map}]} {
    %mul3A = arith.constant 2 : i32
    %mul3A_0 = arith.muli %arg1, %mul3A : i32
    %add3A = arith.addi %mul3A_0, %arg0 : i32
    %mul3A_1 = arith.constant 10000 : i32
    %mul3A_2 = arith.muli %add3A, %mul3A_1 : i32
    %dma_start3A = arith.constant 0 : i32
    %dma_start3A_3 = arith.constant 0 : i32
    %dma_start3A_4 = arith.constant 0 : i32
    %dma_start3A_5 = tpu.memref_slice %arg6[%dma_start3A_4] : memref<10112xi32, #tpu.memory_space<vmem>> -> memref<10000xi32, #tpu.memory_space<vmem>>
    %dma_start3A_6 = tpu.memref_slice %arg3[%dma_start3A, %mul3A_2] : memref<2x320000xi32, #tpu.memory_space<hbm>> -> memref<1x10000xi32, #tpu.memory_space<hbm>>
    %dma_start3A_7 = tpu.memref_squeeze %dma_start3A_6 : memref<1x10000xi32, #tpu.memory_space<hbm>> -> memref<10000xi32, #tpu.memory_space<hbm>>
    %dma_start3A_8 = tpu.memref_slice %arg11[%dma_start3A_3] : memref<4x!tpu.dma_semaphore, #tpu.memory_space<semaphore_mem>> -> memref<1x!tpu.dma_semaphore, #tpu.memory_space<semaphore_mem>>
    %dma_start3A_9 = tpu.memref_squeeze %dma_start3A_8 : memref<1x!tpu.dma_semaphore, #tpu.memory_space<semaphore_mem>> -> memref<!tpu.dma_semaphore, #tpu.memory_space<semaphore_mem>>
    %dma_start3A_10 = arith.constant 0 : i32
    %dma_start3A_11 = tpu.memref_slice %arg6[%dma_start3A_10] : memref<10112xi32, #tpu.memory_space<vmem>> -> memref<10000xi32, #tpu.memory_space<vmem>>
    %dma_start3A_12 = tpu.memref_slice %arg3[%dma_start3A, %mul3A_2] : memref<2x320000xi32, #tpu.memory_space<hbm>> -> memref<1x10000xi32, #tpu.memory_space<hbm>>
    %dma_start3A_13 = tpu.memref_squeeze %dma_start3A_12 : memref<1x10000xi32, #tpu.memory_space<hbm>> -> memref<10000xi32, #tpu.memory_space<hbm>>
    tpu.enqueue_dma source(%dma_start3A_13 : memref<10000xi32, #tpu.memory_space<hbm>>) target(%dma_start3A_11 : memref<10000xi32, #tpu.memory_space<vmem>>) target_semaphore(%dma_start3A_9 : memref<!tpu.dma_semaphore, #tpu.memory_space<semaphore_mem>>)
    %mul3A_14 = arith.constant 10000 : i32
    %mul3A_15 = arith.muli %add3A, %mul3A_14 : i32
    %dma_start3A_16 = arith.constant 1 : i32
    %dma_start3A_17 = arith.constant 0 : i32
    %dma_start3A_18 = arith.constant 0 : i32
    %dma_start3A_19 = tpu.memref_slice %arg7[%dma_start3A_18] : memref<10112xi32, #tpu.memory_space<vmem>> -> memref<10000xi32, #tpu.memory_space<vmem>>
    %dma_start3A_20 = tpu.memref_slice %arg3[%dma_start3A_16, %mul3A_15] : memref<2x320000xi32, #tpu.memory_space<hbm>> -> memref<1x10000xi32, #tpu.memory_space<hbm>>
    %dma_start3A_21 = tpu.memref_squeeze %dma_start3A_20 : memref<1x10000xi32, #tpu.memory_space<hbm>> -> memref<10000xi32, #tpu.memory_space<hbm>>
    %dma_start3A_22 = tpu.memref_slice %arg11[%dma_start3A_17] : memref<4x!tpu.dma_semaphore, #tpu.memory_space<semaphore_mem>> -> memref<1x!tpu.dma_semaphore, #tpu.memory_space<semaphore_mem>>
    %dma_start3A_23 = tpu.memref_squeeze %dma_start3A_22 : memref<1x!tpu.dma_semaphore, #tpu.memory_space<semaphore_mem>> -> memref<!tpu.dma_semaphore, #tpu.memory_space<semaphore_mem>>
    %dma_start3A_24 = arith.constant 0 : i32
    %dma_start3A_25 = tpu.memref_slice %arg7[%dma_start3A_24] : memref<10112xi32, #tpu.memory_space<vmem>> -> memref<10000xi32, #tpu.memory_space<vmem>>
    %dma_start3A_26 = tpu.memref_slice %arg3[%dma_start3A_16, %mul3A_15] : memref<2x320000xi32, #tpu.memory_space<hbm>> -> memref<1x10000xi32, #tpu.memory_space<hbm>>
    %dma_start3A_27 = tpu.memref_squeeze %dma_start3A_26 : memref<1x10000xi32, #tpu.memory_space<hbm>> -> memref<10000xi32, #tpu.memory_space<hbm>>
    tpu.enqueue_dma source(%dma_start3A_27 : memref<10000xi32, #tpu.memory_space<hbm>>) target(%dma_start3A_25 : memref<10000xi32, #tpu.memory_space<vmem>>) target_semaphore(%dma_start3A_23 : memref<!tpu.dma_semaphore, #tpu.memory_space<semaphore_mem>>)
    %mul3A_28 = arith.constant 632 : i32
    %mul3A_29 = arith.muli %arg1, %mul3A_28 : i32
    %mul3A_30 = arith.constant 632 : i32
    %mul3A_31 = arith.muli %arg1, %mul3A_30 : i32
    %dma_start3A_32 = arith.constant 0 : i32
    %dma_start3A_33 = tpu.memref_slice %arg12[%dma_start3A_32] : memref<4x!tpu.dma_semaphore, #tpu.memory_space<semaphore_mem>> -> memref<1x!tpu.dma_semaphore, #tpu.memory_space<semaphore_mem>>
    %dma_start3A_34 = tpu.memref_squeeze %dma_start3A_33 : memref<1x!tpu.dma_semaphore, #tpu.memory_space<semaphore_mem>> -> memref<!tpu.dma_semaphore, #tpu.memory_space<semaphore_mem>>
    %dma_start3A_35 = arith.constant 0 : i32
    %dma_start3A_36 = tpu.memref_slice %arg10[%mul3A_31, %dma_start3A_35] : memref<10112x32xf32, #tpu.memory_space<vmem_shared>> -> memref<632x32xf32, #tpu.memory_space<vmem_shared>>
    %dma_start3A_37 = arith.constant 0 : i32
    %dma_start3A_38 = tpu.memref_slice %arg4[%mul3A_29, %dma_start3A_37] : memref<10112x32xf32, #tpu.memory_space<hbm>> -> memref<632x32xf32, #tpu.memory_space<hbm>>
    tpu.enqueue_dma source(%dma_start3A_38 : memref<632x32xf32, #tpu.memory_space<hbm>>) target(%dma_start3A_36 : memref<632x32xf32, #tpu.memory_space<vmem_shared>>) target_semaphore(%dma_start3A_34 : memref<!tpu.dma_semaphore, #tpu.memory_space<semaphore_mem>>)
    %mul3A_39 = arith.constant 632 : i32
    %mul3A_40 = arith.muli %arg1, %mul3A_39 : i32
    %mul3A_41 = arith.constant 632 : i32
    %mul3A_42 = arith.muli %arg1, %mul3A_41 : i32
    %dma_start3A_43 = arith.constant 1 : i32
    %dma_start3A_44 = tpu.memref_slice %arg12[%dma_start3A_43] : memref<4x!tpu.dma_semaphore, #tpu.memory_space<semaphore_mem>> -> memref<1x!tpu.dma_semaphore, #tpu.memory_space<semaphore_mem>>
    %dma_start3A_45 = tpu.memref_squeeze %dma_start3A_44 : memref<1x!tpu.dma_semaphore, #tpu.memory_space<semaphore_mem>> -> memref<!tpu.dma_semaphore, #tpu.memory_space<semaphore_mem>>
    %dma_start3A_46 = arith.constant 0 : i32
    %dma_start3A_47 = tpu.memref_slice %arg9[%mul3A_42, %dma_start3A_46] : memref<10112x32xf32, #tpu.memory_space<vmem_shared>> -> memref<632x32xf32, #tpu.memory_space<vmem_shared>>
    %dma_start3A_48 = arith.constant 0 : i32
    %dma_start3A_49 = tpu.memref_slice %arg2[%mul3A_40, %dma_start3A_48] : memref<10112x128xf32, #tpu.memory_space<hbm>> -> memref<632x32xf32, #tpu.memory_space<hbm>>
    tpu.enqueue_dma source(%dma_start3A_49 : memref<632x32xf32, #tpu.memory_space<hbm>>) target(%dma_start3A_47 : memref<632x32xf32, #tpu.memory_space<vmem_shared>>) target_semaphore(%dma_start3A_45 : memref<!tpu.dma_semaphore, #tpu.memory_space<semaphore_mem>>)
    %mul3A_50 = arith.constant 10000 : i32
    %mul3A_51 = arith.muli %add3A, %mul3A_50 : i32
    %dma_wait3A = arith.constant 0 : i32
    %dma_wait3A_52 = arith.constant 0 : i32
    %dma_wait3A_53 = arith.constant 0 : i32
    %dma_wait3A_54 = tpu.memref_slice %arg6[%dma_wait3A_53] : memref<10112xi32, #tpu.memory_space<vmem>> -> memref<10000xi32, #tpu.memory_space<vmem>>
    %dma_wait3A_55 = tpu.memref_slice %arg3[%dma_wait3A, %mul3A_51] : memref<2x320000xi32, #tpu.memory_space<hbm>> -> memref<1x10000xi32, #tpu.memory_space<hbm>>
    %dma_wait3A_56 = tpu.memref_squeeze %dma_wait3A_55 : memref<1x10000xi32, #tpu.memory_space<hbm>> -> memref<10000xi32, #tpu.memory_space<hbm>>
    %dma_wait3A_57 = tpu.memref_slice %arg11[%dma_wait3A_52] : memref<4x!tpu.dma_semaphore, #tpu.memory_space<semaphore_mem>> -> memref<1x!tpu.dma_semaphore, #tpu.memory_space<semaphore_mem>>
    %dma_wait3A_58 = tpu.memref_squeeze %dma_wait3A_57 : memref<1x!tpu.dma_semaphore, #tpu.memory_space<semaphore_mem>> -> memref<!tpu.dma_semaphore, #tpu.memory_space<semaphore_mem>>
    %dma_wait3A_59 = arith.constant 0 : i32
    %dma_wait3A_60 = tpu.memref_slice %arg6[%dma_wait3A_59] : memref<10112xi32, #tpu.memory_space<vmem>> -> memref<10000xi32, #tpu.memory_space<vmem>>
    %dma_wait3A_61 = tpu.memref_slice %arg3[%dma_wait3A, %mul3A_51] : memref<2x320000xi32, #tpu.memory_space<hbm>> -> memref<1x10000xi32, #tpu.memory_space<hbm>>
    %dma_wait3A_62 = tpu.memref_squeeze %dma_wait3A_61 : memref<1x10000xi32, #tpu.memory_space<hbm>> -> memref<10000xi32, #tpu.memory_space<hbm>>
    tpu.wait_dma2 semaphore(%dma_wait3A_58 : memref<!tpu.dma_semaphore, #tpu.memory_space<semaphore_mem>>) src(%dma_wait3A_62 : memref<10000xi32, #tpu.memory_space<hbm>>) dst(%dma_wait3A_60 : memref<10000xi32, #tpu.memory_space<vmem>>)
    %mul3A_63 = arith.constant 10000 : i32
    %mul3A_64 = arith.muli %add3A, %mul3A_63 : i32
    %dma_wait3A_65 = arith.constant 1 : i32
    %dma_wait3A_66 = arith.constant 0 : i32
    %dma_wait3A_67 = arith.constant 0 : i32
    %dma_wait3A_68 = tpu.memref_slice %arg7[%dma_wait3A_67] : memref<10112xi32, #tpu.memory_space<vmem>> -> memref<10000xi32, #tpu.memory_space<vmem>>
    %dma_wait3A_69 = tpu.memref_slice %arg3[%dma_wait3A_65, %mul3A_64] : memref<2x320000xi32, #tpu.memory_space<hbm>> -> memref<1x10000xi32, #tpu.memory_space<hbm>>
    %dma_wait3A_70 = tpu.memref_squeeze %dma_wait3A_69 : memref<1x10000xi32, #tpu.memory_space<hbm>> -> memref<10000xi32, #tpu.memory_space<hbm>>
    %dma_wait3A_71 = tpu.memref_slice %arg11[%dma_wait3A_66] : memref<4x!tpu.dma_semaphore, #tpu.memory_space<semaphore_mem>> -> memref<1x!tpu.dma_semaphore, #tpu.memory_space<semaphore_mem>>
    %dma_wait3A_72 = tpu.memref_squeeze %dma_wait3A_71 : memref<1x!tpu.dma_semaphore, #tpu.memory_space<semaphore_mem>> -> memref<!tpu.dma_semaphore, #tpu.memory_space<semaphore_mem>>
    %dma_wait3A_73 = arith.constant 0 : i32
    %dma_wait3A_74 = tpu.memref_slice %arg7[%dma_wait3A_73] : memref<10112xi32, #tpu.memory_space<vmem>> -> memref<10000xi32, #tpu.memory_space<vmem>>
    %dma_wait3A_75 = tpu.memref_slice %arg3[%dma_wait3A_65, %mul3A_64] : memref<2x320000xi32, #tpu.memory_space<hbm>> -> memref<1x10000xi32, #tpu.memory_space<hbm>>
    %dma_wait3A_76 = tpu.memref_squeeze %dma_wait3A_75 : memref<1x10000xi32, #tpu.memory_space<hbm>> -> memref<10000xi32, #tpu.memory_space<hbm>>
    tpu.wait_dma2 semaphore(%dma_wait3A_72 : memref<!tpu.dma_semaphore, #tpu.memory_space<semaphore_mem>>) src(%dma_wait3A_76 : memref<10000xi32, #tpu.memory_space<hbm>>) dst(%dma_wait3A_74 : memref<10000xi32, #tpu.memory_space<vmem>>)
    %iota3A = tpu.iota {dimensions = array<i32: 0>} : vector<16xi32>
    %add3A_77 = arith.constant 10000 : i32
    %add3A_78 = vector.broadcast %add3A_77 : i32 to vector<16xi32>
    %add3A_79 = arith.addi %iota3A, %add3A_78 : vector<16xi32>
    %scan3A = arith.constant 0 : i32
    %scan3A_80 = arith.constant 0 : i32
    %scan3A_81 = arith.constant 7 : i32
    %scan3A_82 = arith.addi %scan3A_80, %scan3A_81 : i32
    %scan3A_83 = arith.constant 1 : i32
    scf.for %scan3A_198 = %scan3A_80 to %scan3A_82 step %scan3A_83  : i32 {
      %mul3A_199 = arith.constant 16 : i32
      %mul3A_200 = arith.muli %scan3A_198, %mul3A_199 : i32
      %add3A_201 = vector.broadcast %mul3A_200 : i32 to vector<16xi32>
      %add3A_202 = arith.addi %add3A_79, %add3A_201 : vector<16xi32>
      %mul3A_203 = arith.constant 16 : i32
      %mul3A_204 = arith.muli %scan3A_198, %mul3A_203 : i32
      %add3A_205 = arith.constant 10000 : i32
      %add3A_206 = arith.addi %add3A_205, %mul3A_204 : i32
      %swap3A = arith.index_cast %add3A_206 : i32 to index
      %swap3A_207 = tpu.vector_load %arg6[%swap3A] {strides = array<i32>} : memref<10112xi32, #tpu.memory_space<vmem>>, vector<16xi32>,
      %swap3A_208 = vector.shape_cast %swap3A_207 : vector<16xi32> to vector<16xi32>
      %swap3A_209 = vector.shape_cast %add3A_202 : vector<16xi32> to vector<16xi32>
      tpu.vector_store %arg6[%swap3A], %swap3A_209 {strides = array<i32>} : memref<10112xi32, #tpu.memory_space<vmem>>, vector<16xi32>,
      %mul3A_210 = arith.constant 16 : i32
      %mul3A_211 = arith.muli %scan3A_198, %mul3A_210 : i32
      %add3A_212 = vector.broadcast %mul3A_211 : i32 to vector<16xi32>
      %add3A_213 = arith.addi %add3A_79, %add3A_212 : vector<16xi32>
      %mul3A_214 = arith.constant 16 : i32
      %mul3A_215 = arith.muli %scan3A_198, %mul3A_214 : i32
      %add3A_216 = arith.constant 10000 : i32
      %add3A_217 = arith.addi %add3A_216, %mul3A_215 : i32
      %swap3A_218 = arith.index_cast %add3A_217 : i32 to index
      %swap3A_219 = tpu.vector_load %arg7[%swap3A_218] {strides = array<i32>} : memref<10112xi32, #tpu.memory_space<vmem>>, vector<16xi32>,
      %swap3A_220 = vector.shape_cast %swap3A_219 : vector<16xi32> to vector<16xi32>
      %swap3A_221 = vector.shape_cast %add3A_213 : vector<16xi32> to vector<16xi32>
      tpu.vector_store %arg7[%swap3A_218], %swap3A_221 {strides = array<i32>} : memref<10112xi32, #tpu.memory_space<vmem>>, vector<16xi32>,
    }
    %scan3A_84 = arith.constant 7 : i32
    %mul3A_85 = arith.constant 632 : i32
    %mul3A_86 = arith.muli %arg1, %mul3A_85 : i32
    %mul3A_87 = arith.constant 632 : i32
    %mul3A_88 = arith.muli %arg1, %mul3A_87 : i32
    %dma_wait3A_89 = arith.constant 0 : i32
    %dma_wait3A_90 = tpu.memref_slice %arg12[%dma_wait3A_89] : memref<4x!tpu.dma_semaphore, #tpu.memory_space<semaphore_mem>> -> memref<1x!tpu.dma_semaphore, #tpu.memory_space<semaphore_mem>>
    %dma_wait3A_91 = tpu.memref_squeeze %dma_wait3A_90 : memref<1x!tpu.dma_semaphore, #tpu.memory_space<semaphore_mem>> -> memref<!tpu.dma_semaphore, #tpu.memory_space<semaphore_mem>>
    %dma_wait3A_92 = arith.constant 0 : i32
    %dma_wait3A_93 = tpu.memref_slice %arg10[%mul3A_88, %dma_wait3A_92] : memref<10112x32xf32, #tpu.memory_space<vmem_shared>> -> memref<632x32xf32, #tpu.memory_space<vmem_shared>>
    %dma_wait3A_94 = arith.constant 0 : i32
    %dma_wait3A_95 = tpu.memref_slice %arg4[%mul3A_86, %dma_wait3A_94] : memref<10112x32xf32, #tpu.memory_space<hbm>> -> memref<632x32xf32, #tpu.memory_space<hbm>>
    tpu.wait_dma2 semaphore(%dma_wait3A_91 : memref<!tpu.dma_semaphore, #tpu.memory_space<semaphore_mem>>) src(%dma_wait3A_95 : memref<632x32xf32, #tpu.memory_space<hbm>>) dst(%dma_wait3A_93 : memref<632x32xf32, #tpu.memory_space<vmem_shared>>)
    %mul3A_96 = arith.constant 632 : i32
    %mul3A_97 = arith.muli %arg1, %mul3A_96 : i32
    %mul3A_98 = arith.constant 632 : i32
    %mul3A_99 = arith.muli %arg1, %mul3A_98 : i32
    %dma_wait3A_100 = arith.constant 1 : i32
    %dma_wait3A_101 = tpu.memref_slice %arg12[%dma_wait3A_100] : memref<4x!tpu.dma_semaphore, #tpu.memory_space<semaphore_mem>> -> memref<1x!tpu.dma_semaphore, #tpu.memory_space<semaphore_mem>>
    %dma_wait3A_102 = tpu.memref_squeeze %dma_wait3A_101 : memref<1x!tpu.dma_semaphore, #tpu.memory_space<semaphore_mem>> -> memref<!tpu.dma_semaphore, #tpu.memory_space<semaphore_mem>>
    %dma_wait3A_103 = arith.constant 0 : i32
    %dma_wait3A_104 = tpu.memref_slice %arg9[%mul3A_99, %dma_wait3A_103] : memref<10112x32xf32, #tpu.memory_space<vmem_shared>> -> memref<632x32xf32, #tpu.memory_space<vmem_shared>>
    %dma_wait3A_105 = arith.constant 0 : i32
    %dma_wait3A_106 = tpu.memref_slice %arg2[%mul3A_97, %dma_wait3A_105] : memref<10112x128xf32, #tpu.memory_space<hbm>> -> memref<632x32xf32, #tpu.memory_space<hbm>>
    tpu.wait_dma2 semaphore(%dma_wait3A_102 : memref<!tpu.dma_semaphore, #tpu.memory_space<semaphore_mem>>) src(%dma_wait3A_106 : memref<632x32xf32, #tpu.memory_space<hbm>>) dst(%dma_wait3A_104 : memref<632x32xf32, #tpu.memory_space<vmem_shared>>)
    %barrier3A = arith.constant 0 : index
    tpu.barrier barrier_id(%barrier3A)
    %dma_start3A_107 = arith.constant 0 : i32
    %dma_start3A_108 = arith.constant 0 : i32
    %dma_start3A_109 = arith.constant 0 : i32
    %dma_start3A_110 = arith.constant 0 : i32
    %dma_start3A_111 = tpu.memref_slice %arg8[%dma_start3A_107, %dma_start3A_109, %dma_start3A_110] : memref<4x128x32xf32, #tpu.memory_space<vmem>> -> memref<1x128x32xf32, #tpu.memory_space<vmem>>
    %dma_start3A_112 = tpu.memref_squeeze %dma_start3A_111 : memref<1x128x32xf32, #tpu.memory_space<vmem>> -> memref<128x32xf32, #tpu.memory_space<vmem>>
    %dma_start3A_113 = arith.constant 0 : i32
    %dma_start3A_114 = tpu.memref_slice %arg6[%dma_start3A_113] : memref<10112xi32, #tpu.memory_space<vmem>> -> memref<128xi32, #tpu.memory_space<vmem>>
    %dma_start3A_115 = arith.constant 0 : i32
    %dma_start3A_116 = arith.constant 0 : i32
    %dma_start3A_117 = tpu.memref_slice %arg9[%dma_start3A_115, %dma_start3A_116] : memref<10112x32xf32, #tpu.memory_space<vmem_shared>> -> memref<10112x32xf32, #tpu.memory_space<vmem_shared>>
    %dma_start3A_118 = tpu.memref_slice %arg11[%dma_start3A_108] : memref<4x!tpu.dma_semaphore, #tpu.memory_space<semaphore_mem>> -> memref<1x!tpu.dma_semaphore, #tpu.memory_space<semaphore_mem>>
    %dma_start3A_119 = tpu.memref_squeeze %dma_start3A_118 : memref<1x!tpu.dma_semaphore, #tpu.memory_space<semaphore_mem>> -> memref<!tpu.dma_semaphore, #tpu.memory_space<semaphore_mem>>
    tpu.enqueue_indirect_dma source(%dma_start3A_117 : memref<10112x32xf32, #tpu.memory_space<vmem_shared>>) target(%dma_start3A_112 : memref<128x32xf32, #tpu.memory_space<vmem>>) offsets(%dma_start3A_114 : memref<128xi32, #tpu.memory_space<vmem>>) semaphore(%dma_start3A_119 : memref<!tpu.dma_semaphore, #tpu.memory_space<semaphore_mem>>)
    %dma_start3A_120 = arith.constant 1 : i32
    %dma_start3A_121 = arith.constant 1 : i32
    %dma_start3A_122 = arith.constant 0 : i32
    %dma_start3A_123 = arith.constant 0 : i32
    %dma_start3A_124 = tpu.memref_slice %arg8[%dma_start3A_120, %dma_start3A_122, %dma_start3A_123] : memref<4x128x32xf32, #tpu.memory_space<vmem>> -> memref<1x128x32xf32, #tpu.memory_space<vmem>>
    %dma_start3A_125 = tpu.memref_squeeze %dma_start3A_124 : memref<1x128x32xf32, #tpu.memory_space<vmem>> -> memref<128x32xf32, #tpu.memory_space<vmem>>
    %dma_start3A_126 = arith.constant 128 : i32
    %dma_start3A_127 = tpu.memref_slice %arg6[%dma_start3A_126] : memref<10112xi32, #tpu.memory_space<vmem>> -> memref<128xi32, #tpu.memory_space<vmem>>
    %dma_start3A_128 = arith.constant 0 : i32
    %dma_start3A_129 = arith.constant 0 : i32
    %dma_start3A_130 = tpu.memref_slice %arg9[%dma_start3A_128, %dma_start3A_129] : memref<10112x32xf32, #tpu.memory_space<vmem_shared>> -> memref<10112x32xf32, #tpu.memory_space<vmem_shared>>
    %dma_start3A_131 = tpu.memref_slice %arg11[%dma_start3A_121] : memref<4x!tpu.dma_semaphore, #tpu.memory_space<semaphore_mem>> -> memref<1x!tpu.dma_semaphore, #tpu.memory_space<semaphore_mem>>
    %dma_start3A_132 = tpu.memref_squeeze %dma_start3A_131 : memref<1x!tpu.dma_semaphore, #tpu.memory_space<semaphore_mem>> -> memref<!tpu.dma_semaphore, #tpu.memory_space<semaphore_mem>>
    tpu.enqueue_indirect_dma source(%dma_start3A_130 : memref<10112x32xf32, #tpu.memory_space<vmem_shared>>) target(%dma_start3A_125 : memref<128x32xf32, #tpu.memory_space<vmem>>) offsets(%dma_start3A_127 : memref<128xi32, #tpu.memory_space<vmem>>) semaphore(%dma_start3A_132 : memref<!tpu.dma_semaphore, #tpu.memory_space<semaphore_mem>>)
    %scan3A_133 = arith.constant 0 : i32
    %scan3A_134 = arith.constant 0 : i32
    %scan3A_135 = arith.constant 79 : i32
    %scan3A_136 = arith.addi %scan3A_134, %scan3A_135 : i32
    %scan3A_137 = arith.constant 1 : i32
    scf.for %scan3A_198 = %scan3A_134 to %scan3A_136 step %scan3A_137  : i32 {
      %rem3A = arith.constant 4 : i32
      %rem3A_199 = arith.remsi %scan3A_198, %rem3A : i32
      %eq3A = arith.constant 0 : i32
      %eq3A_200 = arith.cmpi eq, %rem3A_199, %eq3A : i32
      %convert_element_type3A = arith.extui %eq3A_200 : i1 to i32
      %cond3A = arith.constant 0 : i32
      %cond3A_201 = arith.cmpi ne, %convert_element_type3A, %cond3A : i32
      scf.if %cond3A_201 {
        %mul3A_223 = arith.constant 128 : i32
        %mul3A_224 = arith.muli %scan3A_198, %mul3A_223 : i32
        %dma_wait3A_225 = arith.constant 0 : i32
        %dma_wait3A_226 = arith.constant 0 : i32
        %dma_wait3A_227 = arith.constant 0 : i32
        %dma_wait3A_228 = arith.constant 0 : i32
        %dma_wait3A_229 = tpu.memref_slice %arg8[%dma_wait3A_225, %dma_wait3A_227, %dma_wait3A_228] : memref<4x128x32xf32, #tpu.memory_space<vmem>> -> memref<1x128x32xf32, #tpu.memory_space<vmem>>
        %dma_wait3A_230 = tpu.memref_squeeze %dma_wait3A_229 : memref<1x128x32xf32, #tpu.memory_space<vmem>> -> memref<128x32xf32, #tpu.memory_space<vmem>>
        %dma_wait3A_231 = tpu.memref_slice %arg6[%mul3A_224] : memref<10112xi32, #tpu.memory_space<vmem>> -> memref<128xi32, #tpu.memory_space<vmem>>
        %dma_wait3A_232 = arith.constant 0 : i32
        %dma_wait3A_233 = arith.constant 0 : i32
        %dma_wait3A_234 = tpu.memref_slice %arg9[%dma_wait3A_232, %dma_wait3A_233] : memref<10112x32xf32, #tpu.memory_space<vmem_shared>> -> memref<10112x32xf32, #tpu.memory_space<vmem_shared>>
        %dma_wait3A_235 = tpu.memref_slice %arg11[%dma_wait3A_226] : memref<4x!tpu.dma_semaphore, #tpu.memory_space<semaphore_mem>> -> memref<1x!tpu.dma_semaphore, #tpu.memory_space<semaphore_mem>>
        %dma_wait3A_236 = tpu.memref_squeeze %dma_wait3A_235 : memref<1x!tpu.dma_semaphore, #tpu.memory_space<semaphore_mem>> -> memref<!tpu.dma_semaphore, #tpu.memory_space<semaphore_mem>>
        tpu.wait_indirect_dma semaphore(%dma_wait3A_236 : memref<!tpu.dma_semaphore, #tpu.memory_space<semaphore_mem>>) src(%dma_wait3A_234 : memref<10112x32xf32, #tpu.memory_space<vmem_shared>>) dst(%dma_wait3A_230 : memref<128x32xf32, #tpu.memory_space<vmem>>)
        %mul3A_237 = arith.constant 128 : i32
        %mul3A_238 = arith.muli %scan3A_198, %mul3A_237 : i32
        %dma_start3A_239 = arith.constant 0 : i32
        %dma_start3A_240 = arith.constant 0 : i32
        %dma_start3A_241 = arith.constant 0 : i32
        %dma_start3A_242 = arith.constant 0 : i32
        %dma_start3A_243 = tpu.memref_slice %arg8[%dma_start3A_239, %dma_start3A_241, %dma_start3A_242] : memref<4x128x32xf32, #tpu.memory_space<vmem>> -> memref<1x128x32xf32, #tpu.memory_space<vmem>>
        %dma_start3A_244 = tpu.memref_squeeze %dma_start3A_243 : memref<1x128x32xf32, #tpu.memory_space<vmem>> -> memref<128x32xf32, #tpu.memory_space<vmem>>
        %dma_start3A_245 = tpu.memref_slice %arg7[%mul3A_238] : memref<10112xi32, #tpu.memory_space<vmem>> -> memref<128xi32, #tpu.memory_space<vmem>>
        %dma_start3A_246 = arith.constant 0 : i32
        %dma_start3A_247 = arith.constant 0 : i32
        %dma_start3A_248 = tpu.memref_slice %arg10[%dma_start3A_246, %dma_start3A_247] : memref<10112x32xf32, #tpu.memory_space<vmem_shared>> -> memref<10112x32xf32, #tpu.memory_space<vmem_shared>>
        %dma_start3A_249 = tpu.memref_slice %arg12[%dma_start3A_240] : memref<4x!tpu.dma_semaphore, #tpu.memory_space<semaphore_mem>> -> memref<1x!tpu.dma_semaphore, #tpu.memory_space<semaphore_mem>>
        %dma_start3A_250 = tpu.memref_squeeze %dma_start3A_249 : memref<1x!tpu.dma_semaphore, #tpu.memory_space<semaphore_mem>> -> memref<!tpu.dma_semaphore, #tpu.memory_space<semaphore_mem>>
        tpu.enqueue_indirect_dma source(%dma_start3A_244 : memref<128x32xf32, #tpu.memory_space<vmem>>) target(%dma_start3A_248 : memref<10112x32xf32, #tpu.memory_space<vmem_shared>>) offsets(%dma_start3A_245 : memref<128xi32, #tpu.memory_space<vmem>>) semaphore(%dma_start3A_250 : memref<!tpu.dma_semaphore, #tpu.memory_space<semaphore_mem>>) {add = true}
        %add3A_251 = arith.constant 2 : i32
        %add3A_252 = arith.addi %scan3A_198, %add3A_251 : i32
        %lt3A = arith.constant 79 : i32
        %lt3A_253 = arith.cmpi slt, %add3A_252, %lt3A : i32
        %convert_element_type3A_254 = arith.extui %lt3A_253 : i1 to i32
        %cond3A_255 = arith.constant 0 : i32
        %cond3A_256 = arith.cmpi ne, %convert_element_type3A_254, %cond3A_255 : i32
        scf.if %cond3A_256 {
          %ge3A = arith.constant 2 : i32
          %ge3A_257 = arith.cmpi sge, %scan3A_198, %ge3A : i32
          %convert_element_type3A_258 = arith.extui %ge3A_257 : i1 to i32
          %cond3A_259 = arith.constant 2 : i32
          %cond3A_260 = arith.constant 0 : i32
          %cond3A_261 = arith.cmpi ne, %convert_element_type3A_258, %cond3A_260 : i32
          scf.if %cond3A_261 {
            %sub3A = arith.constant 2 : i32
            %sub3A_278 = arith.subi %scan3A_198, %sub3A : i32
            %mul3A_279 = arith.constant 128 : i32
            %mul3A_280 = arith.muli %sub3A_278, %mul3A_279 : i32
            %dma_wait3A_281 = arith.constant 2 : i32
            %dma_wait3A_282 = arith.constant 0 : i32
            %dma_wait3A_283 = arith.constant 0 : i32
            %dma_wait3A_284 = tpu.memref_slice %arg8[%cond3A_259, %dma_wait3A_282, %dma_wait3A_283] : memref<4x128x32xf32, #tpu.memory_space<vmem>> -> memref<1x128x32xf32, #tpu.memory_space<vmem>>
            %dma_wait3A_285 = tpu.memref_squeeze %dma_wait3A_284 : memref<1x128x32xf32, #tpu.memory_space<vmem>> -> memref<128x32xf32, #tpu.memory_space<vmem>>
            %dma_wait3A_286 = tpu.memref_slice %arg7[%mul3A_280] : memref<10112xi32, #tpu.memory_space<vmem>> -> memref<128xi32, #tpu.memory_space<vmem>>
            %dma_wait3A_287 = arith.constant 0 : i32
            %dma_wait3A_288 = arith.constant 0 : i32
            %dma_wait3A_289 = tpu.memref_slice %arg10[%dma_wait3A_287, %dma_wait3A_288] : memref<10112x32xf32, #tpu.memory_space<vmem_shared>> -> memref<10112x32xf32, #tpu.memory_space<vmem_shared>>
            %dma_wait3A_290 = tpu.memref_slice %arg12[%dma_wait3A_281] : memref<4x!tpu.dma_semaphore, #tpu.memory_space<semaphore_mem>> -> memref<1x!tpu.dma_semaphore, #tpu.memory_space<semaphore_mem>>
            %dma_wait3A_291 = tpu.memref_squeeze %dma_wait3A_290 : memref<1x!tpu.dma_semaphore, #tpu.memory_space<semaphore_mem>> -> memref<!tpu.dma_semaphore, #tpu.memory_space<semaphore_mem>>
            tpu.wait_indirect_dma semaphore(%dma_wait3A_291 : memref<!tpu.dma_semaphore, #tpu.memory_space<semaphore_mem>>) src(%dma_wait3A_285 : memref<128x32xf32, #tpu.memory_space<vmem>>) dst(%dma_wait3A_289 : memref<10112x32xf32, #tpu.memory_space<vmem_shared>>)
          } else {
          }
          %add3A_262 = arith.constant 2 : i32
          %add3A_263 = arith.addi %scan3A_198, %add3A_262 : i32
          %mul3A_264 = arith.constant 128 : i32
          %mul3A_265 = arith.muli %add3A_263, %mul3A_264 : i32
          %dma_start3A_266 = arith.constant 2 : i32
          %dma_start3A_267 = arith.constant 2 : i32
          %dma_start3A_268 = arith.constant 0 : i32
          %dma_start3A_269 = arith.constant 0 : i32
          %dma_start3A_270 = tpu.memref_slice %arg8[%dma_start3A_266, %dma_start3A_268, %dma_start3A_269] : memref<4x128x32xf32, #tpu.memory_space<vmem>> -> memref<1x128x32xf32, #tpu.memory_space<vmem>>
          %dma_start3A_271 = tpu.memref_squeeze %dma_start3A_270 : memref<1x128x32xf32, #tpu.memory_space<vmem>> -> memref<128x32xf32, #tpu.memory_space<vmem>>
          %dma_start3A_272 = tpu.memref_slice %arg6[%mul3A_265] : memref<10112xi32, #tpu.memory_space<vmem>> -> memref<128xi32, #tpu.memory_space<vmem>>
          %dma_start3A_273 = arith.constant 0 : i32
          %dma_start3A_274 = arith.constant 0 : i32
          %dma_start3A_275 = tpu.memref_slice %arg9[%dma_start3A_273, %dma_start3A_274] : memref<10112x32xf32, #tpu.memory_space<vmem_shared>> -> memref<10112x32xf32, #tpu.memory_space<vmem_shared>>
          %dma_start3A_276 = tpu.memref_slice %arg11[%dma_start3A_267] : memref<4x!tpu.dma_semaphore, #tpu.memory_space<semaphore_mem>> -> memref<1x!tpu.dma_semaphore, #tpu.memory_space<semaphore_mem>>
          %dma_start3A_277 = tpu.memref_squeeze %dma_start3A_276 : memref<1x!tpu.dma_semaphore, #tpu.memory_space<semaphore_mem>> -> memref<!tpu.dma_semaphore, #tpu.memory_space<semaphore_mem>>
          tpu.enqueue_indirect_dma source(%dma_start3A_275 : memref<10112x32xf32, #tpu.memory_space<vmem_shared>>) target(%dma_start3A_271 : memref<128x32xf32, #tpu.memory_space<vmem>>) offsets(%dma_start3A_272 : memref<128xi32, #tpu.memory_space<vmem>>) semaphore(%dma_start3A_277 : memref<!tpu.dma_semaphore, #tpu.memory_space<semaphore_mem>>)
        } else {
        }
      } else {
      }
      %rem3A_202 = arith.constant 4 : i32
      %rem3A_203 = arith.remsi %scan3A_198, %rem3A_202 : i32
      %eq3A_204 = arith.constant 1 : i32
      %eq3A_205 = arith.cmpi eq, %rem3A_203, %eq3A_204 : i32
      %convert_element_type3A_206 = arith.extui %eq3A_205 : i1 to i32
      %cond3A_207 = arith.constant 0 : i32
      %cond3A_208 = arith.cmpi ne, %convert_element_type3A_206, %cond3A_207 : i32
      scf.if %cond3A_208 {
        %mul3A_223 = arith.constant 128 : i32
        %mul3A_224 = arith.muli %scan3A_198, %mul3A_223 : i32
        %dma_wait3A_225 = arith.constant 1 : i32
        %dma_wait3A_226 = arith.constant 1 : i32
        %dma_wait3A_227 = arith.constant 0 : i32
        %dma_wait3A_228 = arith.constant 0 : i32
        %dma_wait3A_229 = tpu.memref_slice %arg8[%dma_wait3A_225, %dma_wait3A_227, %dma_wait3A_228] : memref<4x128x32xf32, #tpu.memory_space<vmem>> -> memref<1x128x32xf32, #tpu.memory_space<vmem>>
        %dma_wait3A_230 = tpu.memref_squeeze %dma_wait3A_229 : memref<1x128x32xf32, #tpu.memory_space<vmem>> -> memref<128x32xf32, #tpu.memory_space<vmem>>
        %dma_wait3A_231 = tpu.memref_slice %arg6[%mul3A_224] : memref<10112xi32, #tpu.memory_space<vmem>> -> memref<128xi32, #tpu.memory_space<vmem>>
        %dma_wait3A_232 = arith.constant 0 : i32
        %dma_wait3A_233 = arith.constant 0 : i32
        %dma_wait3A_234 = tpu.memref_slice %arg9[%dma_wait3A_232, %dma_wait3A_233] : memref<10112x32xf32, #tpu.memory_space<vmem_shared>> -> memref<10112x32xf32, #tpu.memory_space<vmem_shared>>
        %dma_wait3A_235 = tpu.memref_slice %arg11[%dma_wait3A_226] : memref<4x!tpu.dma_semaphore, #tpu.memory_space<semaphore_mem>> -> memref<1x!tpu.dma_semaphore, #tpu.memory_space<semaphore_mem>>
        %dma_wait3A_236 = tpu.memref_squeeze %dma_wait3A_235 : memref<1x!tpu.dma_semaphore, #tpu.memory_space<semaphore_mem>> -> memref<!tpu.dma_semaphore, #tpu.memory_space<semaphore_mem>>
        tpu.wait_indirect_dma semaphore(%dma_wait3A_236 : memref<!tpu.dma_semaphore, #tpu.memory_space<semaphore_mem>>) src(%dma_wait3A_234 : memref<10112x32xf32, #tpu.memory_space<vmem_shared>>) dst(%dma_wait3A_230 : memref<128x32xf32, #tpu.memory_space<vmem>>)
        %mul3A_237 = arith.constant 128 : i32
        %mul3A_238 = arith.muli %scan3A_198, %mul3A_237 : i32
        %dma_start3A_239 = arith.constant 1 : i32
        %dma_start3A_240 = arith.constant 1 : i32
        %dma_start3A_241 = arith.constant 0 : i32
        %dma_start3A_242 = arith.constant 0 : i32
        %dma_start3A_243 = tpu.memref_slice %arg8[%dma_start3A_239, %dma_start3A_241, %dma_start3A_242] : memref<4x128x32xf32, #tpu.memory_space<vmem>> -> memref<1x128x32xf32, #tpu.memory_space<vmem>>
        %dma_start3A_244 = tpu.memref_squeeze %dma_start3A_243 : memref<1x128x32xf32, #tpu.memory_space<vmem>> -> memref<128x32xf32, #tpu.memory_space<vmem>>
        %dma_start3A_245 = tpu.memref_slice %arg7[%mul3A_238] : memref<10112xi32, #tpu.memory_space<vmem>> -> memref<128xi32, #tpu.memory_space<vmem>>
        %dma_start3A_246 = arith.constant 0 : i32
        %dma_start3A_247 = arith.constant 0 : i32
        %dma_start3A_248 = tpu.memref_slice %arg10[%dma_start3A_246, %dma_start3A_247] : memref<10112x32xf32, #tpu.memory_space<vmem_shared>> -> memref<10112x32xf32, #tpu.memory_space<vmem_shared>>
        %dma_start3A_249 = tpu.memref_slice %arg12[%dma_start3A_240] : memref<4x!tpu.dma_semaphore, #tpu.memory_space<semaphore_mem>> -> memref<1x!tpu.dma_semaphore, #tpu.memory_space<semaphore_mem>>
        %dma_start3A_250 = tpu.memref_squeeze %dma_start3A_249 : memref<1x!tpu.dma_semaphore, #tpu.memory_space<semaphore_mem>> -> memref<!tpu.dma_semaphore, #tpu.memory_space<semaphore_mem>>
        tpu.enqueue_indirect_dma source(%dma_start3A_244 : memref<128x32xf32, #tpu.memory_space<vmem>>) target(%dma_start3A_248 : memref<10112x32xf32, #tpu.memory_space<vmem_shared>>) offsets(%dma_start3A_245 : memref<128xi32, #tpu.memory_space<vmem>>) semaphore(%dma_start3A_250 : memref<!tpu.dma_semaphore, #tpu.memory_space<semaphore_mem>>) {add = true}
        %add3A_251 = arith.constant 2 : i32
        %add3A_252 = arith.addi %scan3A_198, %add3A_251 : i32
        %lt3A = arith.constant 79 : i32
        %lt3A_253 = arith.cmpi slt, %add3A_252, %lt3A : i32
        %convert_element_type3A_254 = arith.extui %lt3A_253 : i1 to i32
        %cond3A_255 = arith.constant 0 : i32
        %cond3A_256 = arith.cmpi ne, %convert_element_type3A_254, %cond3A_255 : i32
        scf.if %cond3A_256 {
          %ge3A = arith.constant 2 : i32
          %ge3A_257 = arith.cmpi sge, %scan3A_198, %ge3A : i32
          %convert_element_type3A_258 = arith.extui %ge3A_257 : i1 to i32
          %cond3A_259 = arith.constant 3 : i32
          %cond3A_260 = arith.constant 0 : i32
          %cond3A_261 = arith.cmpi ne, %convert_element_type3A_258, %cond3A_260 : i32
          scf.if %cond3A_261 {
            %sub3A = arith.constant 2 : i32
            %sub3A_278 = arith.subi %scan3A_198, %sub3A : i32
            %mul3A_279 = arith.constant 128 : i32
            %mul3A_280 = arith.muli %sub3A_278, %mul3A_279 : i32
            %dma_wait3A_281 = arith.constant 3 : i32
            %dma_wait3A_282 = arith.constant 0 : i32
            %dma_wait3A_283 = arith.constant 0 : i32
            %dma_wait3A_284 = tpu.memref_slice %arg8[%cond3A_259, %dma_wait3A_282, %dma_wait3A_283] : memref<4x128x32xf32, #tpu.memory_space<vmem>> -> memref<1x128x32xf32, #tpu.memory_space<vmem>>
            %dma_wait3A_285 = tpu.memref_squeeze %dma_wait3A_284 : memref<1x128x32xf32, #tpu.memory_space<vmem>> -> memref<128x32xf32, #tpu.memory_space<vmem>>
            %dma_wait3A_286 = tpu.memref_slice %arg7[%mul3A_280] : memref<10112xi32, #tpu.memory_space<vmem>> -> memref<128xi32, #tpu.memory_space<vmem>>
            %dma_wait3A_287 = arith.constant 0 : i32
            %dma_wait3A_288 = arith.constant 0 : i32
            %dma_wait3A_289 = tpu.memref_slice %arg10[%dma_wait3A_287, %dma_wait3A_288] : memref<10112x32xf32, #tpu.memory_space<vmem_shared>> -> memref<10112x32xf32, #tpu.memory_space<vmem_shared>>
            %dma_wait3A_290 = tpu.memref_slice %arg12[%dma_wait3A_281] : memref<4x!tpu.dma_semaphore, #tpu.memory_space<semaphore_mem>> -> memref<1x!tpu.dma_semaphore, #tpu.memory_space<semaphore_mem>>
            %dma_wait3A_291 = tpu.memref_squeeze %dma_wait3A_290 : memref<1x!tpu.dma_semaphore, #tpu.memory_space<semaphore_mem>> -> memref<!tpu.dma_semaphore, #tpu.memory_space<semaphore_mem>>
            tpu.wait_indirect_dma semaphore(%dma_wait3A_291 : memref<!tpu.dma_semaphore, #tpu.memory_space<semaphore_mem>>) src(%dma_wait3A_285 : memref<128x32xf32, #tpu.memory_space<vmem>>) dst(%dma_wait3A_289 : memref<10112x32xf32, #tpu.memory_space<vmem_shared>>)
          } else {
          }
          %add3A_262 = arith.constant 2 : i32
          %add3A_263 = arith.addi %scan3A_198, %add3A_262 : i32
          %mul3A_264 = arith.constant 128 : i32
          %mul3A_265 = arith.muli %add3A_263, %mul3A_264 : i32
          %dma_start3A_266 = arith.constant 3 : i32
          %dma_start3A_267 = arith.constant 3 : i32
          %dma_start3A_268 = arith.constant 0 : i32
          %dma_start3A_269 = arith.constant 0 : i32
          %dma_start3A_270 = tpu.memref_slice %arg8[%dma_start3A_266, %dma_start3A_268, %dma_start3A_269] : memref<4x128x32xf32, #tpu.memory_space<vmem>> -> memref<1x128x32xf32, #tpu.memory_space<vmem>>
          %dma_start3A_271 = tpu.memref_squeeze %dma_start3A_270 : memref<1x128x32xf32, #tpu.memory_space<vmem>> -> memref<128x32xf32, #tpu.memory_space<vmem>>
          %dma_start3A_272 = tpu.memref_slice %arg6[%mul3A_265] : memref<10112xi32, #tpu.memory_space<vmem>> -> memref<128xi32, #tpu.memory_space<vmem>>
          %dma_start3A_273 = arith.constant 0 : i32
          %dma_start3A_274 = arith.constant 0 : i32
          %dma_start3A_275 = tpu.memref_slice %arg9[%dma_start3A_273, %dma_start3A_274] : memref<10112x32xf32, #tpu.memory_space<vmem_shared>> -> memref<10112x32xf32, #tpu.memory_space<vmem_shared>>
          %dma_start3A_276 = tpu.memref_slice %arg11[%dma_start3A_267] : memref<4x!tpu.dma_semaphore, #tpu.memory_space<semaphore_mem>> -> memref<1x!tpu.dma_semaphore, #tpu.memory_space<semaphore_mem>>
          %dma_start3A_277 = tpu.memref_squeeze %dma_start3A_276 : memref<1x!tpu.dma_semaphore, #tpu.memory_space<semaphore_mem>> -> memref<!tpu.dma_semaphore, #tpu.memory_space<semaphore_mem>>
          tpu.enqueue_indirect_dma source(%dma_start3A_275 : memref<10112x32xf32, #tpu.memory_space<vmem_shared>>) target(%dma_start3A_271 : memref<128x32xf32, #tpu.memory_space<vmem>>) offsets(%dma_start3A_272 : memref<128xi32, #tpu.memory_space<vmem>>) semaphore(%dma_start3A_277 : memref<!tpu.dma_semaphore, #tpu.memory_space<semaphore_mem>>)
        } else {
        }
      } else {
      }
      %rem3A_209 = arith.constant 4 : i32
      %rem3A_210 = arith.remsi %scan3A_198, %rem3A_209 : i32
      %eq3A_211 = arith.constant 2 : i32
      %eq3A_212 = arith.cmpi eq, %rem3A_210, %eq3A_211 : i32
      %convert_element_type3A_213 = arith.extui %eq3A_212 : i1 to i32
      %cond3A_214 = arith.constant 0 : i32
      %cond3A_215 = arith.cmpi ne, %convert_element_type3A_213, %cond3A_214 : i32
      scf.if %cond3A_215 {
        %mul3A_223 = arith.constant 128 : i32
        %mul3A_224 = arith.muli %scan3A_198, %mul3A_223 : i32
        %dma_wait3A_225 = arith.constant 2 : i32
        %dma_wait3A_226 = arith.constant 2 : i32
        %dma_wait3A_227 = arith.constant 0 : i32
        %dma_wait3A_228 = arith.constant 0 : i32
        %dma_wait3A_229 = tpu.memref_slice %arg8[%dma_wait3A_225, %dma_wait3A_227, %dma_wait3A_228] : memref<4x128x32xf32, #tpu.memory_space<vmem>> -> memref<1x128x32xf32, #tpu.memory_space<vmem>>
        %dma_wait3A_230 = tpu.memref_squeeze %dma_wait3A_229 : memref<1x128x32xf32, #tpu.memory_space<vmem>> -> memref<128x32xf32, #tpu.memory_space<vmem>>
        %dma_wait3A_231 = tpu.memref_slice %arg6[%mul3A_224] : memref<10112xi32, #tpu.memory_space<vmem>> -> memref<128xi32, #tpu.memory_space<vmem>>
        %dma_wait3A_232 = arith.constant 0 : i32
        %dma_wait3A_233 = arith.constant 0 : i32
        %dma_wait3A_234 = tpu.memref_slice %arg9[%dma_wait3A_232, %dma_wait3A_233] : memref<10112x32xf32, #tpu.memory_space<vmem_shared>> -> memref<10112x32xf32, #tpu.memory_space<vmem_shared>>
        %dma_wait3A_235 = tpu.memref_slice %arg11[%dma_wait3A_226] : memref<4x!tpu.dma_semaphore, #tpu.memory_space<semaphore_mem>> -> memref<1x!tpu.dma_semaphore, #tpu.memory_space<semaphore_mem>>
        %dma_wait3A_236 = tpu.memref_squeeze %dma_wait3A_235 : memref<1x!tpu.dma_semaphore, #tpu.memory_space<semaphore_mem>> -> memref<!tpu.dma_semaphore, #tpu.memory_space<semaphore_mem>>
        tpu.wait_indirect_dma semaphore(%dma_wait3A_236 : memref<!tpu.dma_semaphore, #tpu.memory_space<semaphore_mem>>) src(%dma_wait3A_234 : memref<10112x32xf32, #tpu.memory_space<vmem_shared>>) dst(%dma_wait3A_230 : memref<128x32xf32, #tpu.memory_space<vmem>>)
        %mul3A_237 = arith.constant 128 : i32
        %mul3A_238 = arith.muli %scan3A_198, %mul3A_237 : i32
        %dma_start3A_239 = arith.constant 2 : i32
        %dma_start3A_240 = arith.constant 2 : i32
        %dma_start3A_241 = arith.constant 0 : i32
        %dma_start3A_242 = arith.constant 0 : i32
        %dma_start3A_243 = tpu.memref_slice %arg8[%dma_start3A_239, %dma_start3A_241, %dma_start3A_242] : memref<4x128x32xf32, #tpu.memory_space<vmem>> -> memref<1x128x32xf32, #tpu.memory_space<vmem>>
        %dma_start3A_244 = tpu.memref_squeeze %dma_start3A_243 : memref<1x128x32xf32, #tpu.memory_space<vmem>> -> memref<128x32xf32, #tpu.memory_space<vmem>>
        %dma_start3A_245 = tpu.memref_slice %arg7[%mul3A_238] : memref<10112xi32, #tpu.memory_space<vmem>> -> memref<128xi32, #tpu.memory_space<vmem>>
        %dma_start3A_246 = arith.constant 0 : i32
        %dma_start3A_247 = arith.constant 0 : i32
        %dma_start3A_248 = tpu.memref_slice %arg10[%dma_start3A_246, %dma_start3A_247] : memref<10112x32xf32, #tpu.memory_space<vmem_shared>> -> memref<10112x32xf32, #tpu.memory_space<vmem_shared>>
        %dma_start3A_249 = tpu.memref_slice %arg12[%dma_start3A_240] : memref<4x!tpu.dma_semaphore, #tpu.memory_space<semaphore_mem>> -> memref<1x!tpu.dma_semaphore, #tpu.memory_space<semaphore_mem>>
        %dma_start3A_250 = tpu.memref_squeeze %dma_start3A_249 : memref<1x!tpu.dma_semaphore, #tpu.memory_space<semaphore_mem>> -> memref<!tpu.dma_semaphore, #tpu.memory_space<semaphore_mem>>
        tpu.enqueue_indirect_dma source(%dma_start3A_244 : memref<128x32xf32, #tpu.memory_space<vmem>>) target(%dma_start3A_248 : memref<10112x32xf32, #tpu.memory_space<vmem_shared>>) offsets(%dma_start3A_245 : memref<128xi32, #tpu.memory_space<vmem>>) semaphore(%dma_start3A_250 : memref<!tpu.dma_semaphore, #tpu.memory_space<semaphore_mem>>) {add = true}
        %add3A_251 = arith.constant 2 : i32
        %add3A_252 = arith.addi %scan3A_198, %add3A_251 : i32
        %lt3A = arith.constant 79 : i32
        %lt3A_253 = arith.cmpi slt, %add3A_252, %lt3A : i32
        %convert_element_type3A_254 = arith.extui %lt3A_253 : i1 to i32
        %cond3A_255 = arith.constant 0 : i32
        %cond3A_256 = arith.cmpi ne, %convert_element_type3A_254, %cond3A_255 : i32
        scf.if %cond3A_256 {
          %ge3A = arith.constant 2 : i32
          %ge3A_257 = arith.cmpi sge, %scan3A_198, %ge3A : i32
          %convert_element_type3A_258 = arith.extui %ge3A_257 : i1 to i32
          %cond3A_259 = arith.constant 0 : i32
          %cond3A_260 = arith.constant 0 : i32
          %cond3A_261 = arith.cmpi ne, %convert_element_type3A_258, %cond3A_260 : i32
          scf.if %cond3A_261 {
            %sub3A = arith.constant 2 : i32
            %sub3A_278 = arith.subi %scan3A_198, %sub3A : i32
            %mul3A_279 = arith.constant 128 : i32
            %mul3A_280 = arith.muli %sub3A_278, %mul3A_279 : i32
            %dma_wait3A_281 = arith.constant 0 : i32
            %dma_wait3A_282 = arith.constant 0 : i32
            %dma_wait3A_283 = arith.constant 0 : i32
            %dma_wait3A_284 = tpu.memref_slice %arg8[%cond3A_259, %dma_wait3A_282, %dma_wait3A_283] : memref<4x128x32xf32, #tpu.memory_space<vmem>> -> memref<1x128x32xf32, #tpu.memory_space<vmem>>
            %dma_wait3A_285 = tpu.memref_squeeze %dma_wait3A_284 : memref<1x128x32xf32, #tpu.memory_space<vmem>> -> memref<128x32xf32, #tpu.memory_space<vmem>>
            %dma_wait3A_286 = tpu.memref_slice %arg7[%mul3A_280] : memref<10112xi32, #tpu.memory_space<vmem>> -> memref<128xi32, #tpu.memory_space<vmem>>
            %dma_wait3A_287 = arith.constant 0 : i32
            %dma_wait3A_288 = arith.constant 0 : i32
            %dma_wait3A_289 = tpu.memref_slice %arg10[%dma_wait3A_287, %dma_wait3A_288] : memref<10112x32xf32, #tpu.memory_space<vmem_shared>> -> memref<10112x32xf32, #tpu.memory_space<vmem_shared>>
            %dma_wait3A_290 = tpu.memref_slice %arg12[%dma_wait3A_281] : memref<4x!tpu.dma_semaphore, #tpu.memory_space<semaphore_mem>> -> memref<1x!tpu.dma_semaphore, #tpu.memory_space<semaphore_mem>>
            %dma_wait3A_291 = tpu.memref_squeeze %dma_wait3A_290 : memref<1x!tpu.dma_semaphore, #tpu.memory_space<semaphore_mem>> -> memref<!tpu.dma_semaphore, #tpu.memory_space<semaphore_mem>>
            tpu.wait_indirect_dma semaphore(%dma_wait3A_291 : memref<!tpu.dma_semaphore, #tpu.memory_space<semaphore_mem>>) src(%dma_wait3A_285 : memref<128x32xf32, #tpu.memory_space<vmem>>) dst(%dma_wait3A_289 : memref<10112x32xf32, #tpu.memory_space<vmem_shared>>)
          } else {
          }
          %add3A_262 = arith.constant 2 : i32
          %add3A_263 = arith.addi %scan3A_198, %add3A_262 : i32
          %mul3A_264 = arith.constant 128 : i32
          %mul3A_265 = arith.muli %add3A_263, %mul3A_264 : i32
          %dma_start3A_266 = arith.constant 0 : i32
          %dma_start3A_267 = arith.constant 0 : i32
          %dma_start3A_268 = arith.constant 0 : i32
          %dma_start3A_269 = arith.constant 0 : i32
          %dma_start3A_270 = tpu.memref_slice %arg8[%dma_start3A_266, %dma_start3A_268, %dma_start3A_269] : memref<4x128x32xf32, #tpu.memory_space<vmem>> -> memref<1x128x32xf32, #tpu.memory_space<vmem>>
          %dma_start3A_271 = tpu.memref_squeeze %dma_start3A_270 : memref<1x128x32xf32, #tpu.memory_space<vmem>> -> memref<128x32xf32, #tpu.memory_space<vmem>>
          %dma_start3A_272 = tpu.memref_slice %arg6[%mul3A_265] : memref<10112xi32, #tpu.memory_space<vmem>> -> memref<128xi32, #tpu.memory_space<vmem>>
          %dma_start3A_273 = arith.constant 0 : i32
          %dma_start3A_274 = arith.constant 0 : i32
          %dma_start3A_275 = tpu.memref_slice %arg9[%dma_start3A_273, %dma_start3A_274] : memref<10112x32xf32, #tpu.memory_space<vmem_shared>> -> memref<10112x32xf32, #tpu.memory_space<vmem_shared>>
          %dma_start3A_276 = tpu.memref_slice %arg11[%dma_start3A_267] : memref<4x!tpu.dma_semaphore, #tpu.memory_space<semaphore_mem>> -> memref<1x!tpu.dma_semaphore, #tpu.memory_space<semaphore_mem>>
          %dma_start3A_277 = tpu.memref_squeeze %dma_start3A_276 : memref<1x!tpu.dma_semaphore, #tpu.memory_space<semaphore_mem>> -> memref<!tpu.dma_semaphore, #tpu.memory_space<semaphore_mem>>
          tpu.enqueue_indirect_dma source(%dma_start3A_275 : memref<10112x32xf32, #tpu.memory_space<vmem_shared>>) target(%dma_start3A_271 : memref<128x32xf32, #tpu.memory_space<vmem>>) offsets(%dma_start3A_272 : memref<128xi32, #tpu.memory_space<vmem>>) semaphore(%dma_start3A_277 : memref<!tpu.dma_semaphore, #tpu.memory_space<semaphore_mem>>)
        } else {
        }
      } else {
      }
      %rem3A_216 = arith.constant 4 : i32
      %rem3A_217 = arith.remsi %scan3A_198, %rem3A_216 : i32
      %eq3A_218 = arith.constant 3 : i32
      %eq3A_219 = arith.cmpi eq, %rem3A_217, %eq3A_218 : i32
      %convert_element_type3A_220 = arith.extui %eq3A_219 : i1 to i32
      %cond3A_221 = arith.constant 0 : i32
      %cond3A_222 = arith.cmpi ne, %convert_element_type3A_220, %cond3A_221 : i32
      scf.if %cond3A_222 {
        %mul3A_223 = arith.constant 128 : i32
        %mul3A_224 = arith.muli %scan3A_198, %mul3A_223 : i32
        %dma_wait3A_225 = arith.constant 3 : i32
        %dma_wait3A_226 = arith.constant 3 : i32
        %dma_wait3A_227 = arith.constant 0 : i32
        %dma_wait3A_228 = arith.constant 0 : i32
        %dma_wait3A_229 = tpu.memref_slice %arg8[%dma_wait3A_225, %dma_wait3A_227, %dma_wait3A_228] : memref<4x128x32xf32, #tpu.memory_space<vmem>> -> memref<1x128x32xf32, #tpu.memory_space<vmem>>
        %dma_wait3A_230 = tpu.memref_squeeze %dma_wait3A_229 : memref<1x128x32xf32, #tpu.memory_space<vmem>> -> memref<128x32xf32, #tpu.memory_space<vmem>>
        %dma_wait3A_231 = tpu.memref_slice %arg6[%mul3A_224] : memref<10112xi32, #tpu.memory_space<vmem>> -> memref<128xi32, #tpu.memory_space<vmem>>
        %dma_wait3A_232 = arith.constant 0 : i32
        %dma_wait3A_233 = arith.constant 0 : i32
        %dma_wait3A_234 = tpu.memref_slice %arg9[%dma_wait3A_232, %dma_wait3A_233] : memref<10112x32xf32, #tpu.memory_space<vmem_shared>> -> memref<10112x32xf32, #tpu.memory_space<vmem_shared>>
        %dma_wait3A_235 = tpu.memref_slice %arg11[%dma_wait3A_226] : memref<4x!tpu.dma_semaphore, #tpu.memory_space<semaphore_mem>> -> memref<1x!tpu.dma_semaphore, #tpu.memory_space<semaphore_mem>>
        %dma_wait3A_236 = tpu.memref_squeeze %dma_wait3A_235 : memref<1x!tpu.dma_semaphore, #tpu.memory_space<semaphore_mem>> -> memref<!tpu.dma_semaphore, #tpu.memory_space<semaphore_mem>>
        tpu.wait_indirect_dma semaphore(%dma_wait3A_236 : memref<!tpu.dma_semaphore, #tpu.memory_space<semaphore_mem>>) src(%dma_wait3A_234 : memref<10112x32xf32, #tpu.memory_space<vmem_shared>>) dst(%dma_wait3A_230 : memref<128x32xf32, #tpu.memory_space<vmem>>)
        %mul3A_237 = arith.constant 128 : i32
        %mul3A_238 = arith.muli %scan3A_198, %mul3A_237 : i32
        %dma_start3A_239 = arith.constant 3 : i32
        %dma_start3A_240 = arith.constant 3 : i32
        %dma_start3A_241 = arith.constant 0 : i32
        %dma_start3A_242 = arith.constant 0 : i32
        %dma_start3A_243 = tpu.memref_slice %arg8[%dma_start3A_239, %dma_start3A_241, %dma_start3A_242] : memref<4x128x32xf32, #tpu.memory_space<vmem>> -> memref<1x128x32xf32, #tpu.memory_space<vmem>>
        %dma_start3A_244 = tpu.memref_squeeze %dma_start3A_243 : memref<1x128x32xf32, #tpu.memory_space<vmem>> -> memref<128x32xf32, #tpu.memory_space<vmem>>
        %dma_start3A_245 = tpu.memref_slice %arg7[%mul3A_238] : memref<10112xi32, #tpu.memory_space<vmem>> -> memref<128xi32, #tpu.memory_space<vmem>>
        %dma_start3A_246 = arith.constant 0 : i32
        %dma_start3A_247 = arith.constant 0 : i32
        %dma_start3A_248 = tpu.memref_slice %arg10[%dma_start3A_246, %dma_start3A_247] : memref<10112x32xf32, #tpu.memory_space<vmem_shared>> -> memref<10112x32xf32, #tpu.memory_space<vmem_shared>>
        %dma_start3A_249 = tpu.memref_slice %arg12[%dma_start3A_240] : memref<4x!tpu.dma_semaphore, #tpu.memory_space<semaphore_mem>> -> memref<1x!tpu.dma_semaphore, #tpu.memory_space<semaphore_mem>>
        %dma_start3A_250 = tpu.memref_squeeze %dma_start3A_249 : memref<1x!tpu.dma_semaphore, #tpu.memory_space<semaphore_mem>> -> memref<!tpu.dma_semaphore, #tpu.memory_space<semaphore_mem>>
        tpu.enqueue_indirect_dma source(%dma_start3A_244 : memref<128x32xf32, #tpu.memory_space<vmem>>) target(%dma_start3A_248 : memref<10112x32xf32, #tpu.memory_space<vmem_shared>>) offsets(%dma_start3A_245 : memref<128xi32, #tpu.memory_space<vmem>>) semaphore(%dma_start3A_250 : memref<!tpu.dma_semaphore, #tpu.memory_space<semaphore_mem>>) {add = true}
        %add3A_251 = arith.constant 2 : i32
        %add3A_252 = arith.addi %scan3A_198, %add3A_251 : i32
        %lt3A = arith.constant 79 : i32
        %lt3A_253 = arith.cmpi slt, %add3A_252, %lt3A : i32
        %convert_element_type3A_254 = arith.extui %lt3A_253 : i1 to i32
        %cond3A_255 = arith.constant 0 : i32
        %cond3A_256 = arith.cmpi ne, %convert_element_type3A_254, %cond3A_255 : i32
        scf.if %cond3A_256 {
          %ge3A = arith.constant 2 : i32
          %ge3A_257 = arith.cmpi sge, %scan3A_198, %ge3A : i32
          %convert_element_type3A_258 = arith.extui %ge3A_257 : i1 to i32
          %cond3A_259 = arith.constant 1 : i32
          %cond3A_260 = arith.constant 0 : i32
          %cond3A_261 = arith.cmpi ne, %convert_element_type3A_258, %cond3A_260 : i32
          scf.if %cond3A_261 {
            %sub3A = arith.constant 2 : i32
            %sub3A_278 = arith.subi %scan3A_198, %sub3A : i32
            %mul3A_279 = arith.constant 128 : i32
            %mul3A_280 = arith.muli %sub3A_278, %mul3A_279 : i32
            %dma_wait3A_281 = arith.constant 1 : i32
            %dma_wait3A_282 = arith.constant 0 : i32
            %dma_wait3A_283 = arith.constant 0 : i32
            %dma_wait3A_284 = tpu.memref_slice %arg8[%cond3A_259, %dma_wait3A_282, %dma_wait3A_283] : memref<4x128x32xf32, #tpu.memory_space<vmem>> -> memref<1x128x32xf32, #tpu.memory_space<vmem>>
            %dma_wait3A_285 = tpu.memref_squeeze %dma_wait3A_284 : memref<1x128x32xf32, #tpu.memory_space<vmem>> -> memref<128x32xf32, #tpu.memory_space<vmem>>
            %dma_wait3A_286 = tpu.memref_slice %arg7[%mul3A_280] : memref<10112xi32, #tpu.memory_space<vmem>> -> memref<128xi32, #tpu.memory_space<vmem>>
            %dma_wait3A_287 = arith.constant 0 : i32
            %dma_wait3A_288 = arith.constant 0 : i32
            %dma_wait3A_289 = tpu.memref_slice %arg10[%dma_wait3A_287, %dma_wait3A_288] : memref<10112x32xf32, #tpu.memory_space<vmem_shared>> -> memref<10112x32xf32, #tpu.memory_space<vmem_shared>>
            %dma_wait3A_290 = tpu.memref_slice %arg12[%dma_wait3A_281] : memref<4x!tpu.dma_semaphore, #tpu.memory_space<semaphore_mem>> -> memref<1x!tpu.dma_semaphore, #tpu.memory_space<semaphore_mem>>
            %dma_wait3A_291 = tpu.memref_squeeze %dma_wait3A_290 : memref<1x!tpu.dma_semaphore, #tpu.memory_space<semaphore_mem>> -> memref<!tpu.dma_semaphore, #tpu.memory_space<semaphore_mem>>
            tpu.wait_indirect_dma semaphore(%dma_wait3A_291 : memref<!tpu.dma_semaphore, #tpu.memory_space<semaphore_mem>>) src(%dma_wait3A_285 : memref<128x32xf32, #tpu.memory_space<vmem>>) dst(%dma_wait3A_289 : memref<10112x32xf32, #tpu.memory_space<vmem_shared>>)
          } else {
          }
          %add3A_262 = arith.constant 2 : i32
          %add3A_263 = arith.addi %scan3A_198, %add3A_262 : i32
          %mul3A_264 = arith.constant 128 : i32
          %mul3A_265 = arith.muli %add3A_263, %mul3A_264 : i32
          %dma_start3A_266 = arith.constant 1 : i32
          %dma_start3A_267 = arith.constant 1 : i32
          %dma_start3A_268 = arith.constant 0 : i32
          %dma_start3A_269 = arith.constant 0 : i32
          %dma_start3A_270 = tpu.memref_slice %arg8[%dma_start3A_266, %dma_start3A_268, %dma_start3A_269] : memref<4x128x32xf32, #tpu.memory_space<vmem>> -> memref<1x128x32xf32, #tpu.memory_space<vmem>>
          %dma_start3A_271 = tpu.memref_squeeze %dma_start3A_270 : memref<1x128x32xf32, #tpu.memory_space<vmem>> -> memref<128x32xf32, #tpu.memory_space<vmem>>
          %dma_start3A_272 = tpu.memref_slice %arg6[%mul3A_265] : memref<10112xi32, #tpu.memory_space<vmem>> -> memref<128xi32, #tpu.memory_space<vmem>>
          %dma_start3A_273 = arith.constant 0 : i32
          %dma_start3A_274 = arith.constant 0 : i32
          %dma_start3A_275 = tpu.memref_slice %arg9[%dma_start3A_273, %dma_start3A_274] : memref<10112x32xf32, #tpu.memory_space<vmem_shared>> -> memref<10112x32xf32, #tpu.memory_space<vmem_shared>>
          %dma_start3A_276 = tpu.memref_slice %arg11[%dma_start3A_267] : memref<4x!tpu.dma_semaphore, #tpu.memory_space<semaphore_mem>> -> memref<1x!tpu.dma_semaphore, #tpu.memory_space<semaphore_mem>>
          %dma_start3A_277 = tpu.memref_squeeze %dma_start3A_276 : memref<1x!tpu.dma_semaphore, #tpu.memory_space<semaphore_mem>> -> memref<!tpu.dma_semaphore, #tpu.memory_space<semaphore_mem>>
          tpu.enqueue_indirect_dma source(%dma_start3A_275 : memref<10112x32xf32, #tpu.memory_space<vmem_shared>>) target(%dma_start3A_271 : memref<128x32xf32, #tpu.memory_space<vmem>>) offsets(%dma_start3A_272 : memref<128xi32, #tpu.memory_space<vmem>>) semaphore(%dma_start3A_277 : memref<!tpu.dma_semaphore, #tpu.memory_space<semaphore_mem>>)
        } else {
        }
      } else {
      }
    }
    %scan3A_138 = arith.constant 79 : i32
    %dma_wait3A_139 = arith.constant 3 : i32
    %dma_wait3A_140 = arith.constant 3 : i32
    %dma_wait3A_141 = arith.constant 0 : i32
    %dma_wait3A_142 = arith.constant 0 : i32
    %dma_wait3A_143 = tpu.memref_slice %arg8[%dma_wait3A_139, %dma_wait3A_141, %dma_wait3A_142] : memref<4x128x32xf32, #tpu.memory_space<vmem>> -> memref<1x128x32xf32, #tpu.memory_space<vmem>>
    %dma_wait3A_144 = tpu.memref_squeeze %dma_wait3A_143 : memref<1x128x32xf32, #tpu.memory_space<vmem>> -> memref<128x32xf32, #tpu.memory_space<vmem>>
    %dma_wait3A_145 = arith.constant 9600 : i32
    %dma_wait3A_146 = tpu.memref_slice %arg7[%dma_wait3A_145] : memref<10112xi32, #tpu.memory_space<vmem>> -> memref<128xi32, #tpu.memory_space<vmem>>
    %dma_wait3A_147 = arith.constant 0 : i32
    %dma_wait3A_148 = arith.constant 0 : i32
    %dma_wait3A_149 = tpu.memref_slice %arg10[%dma_wait3A_147, %dma_wait3A_148] : memref<10112x32xf32, #tpu.memory_space<vmem_shared>> -> memref<10112x32xf32, #tpu.memory_space<vmem_shared>>
    %dma_wait3A_150 = tpu.memref_slice %arg12[%dma_wait3A_140] : memref<4x!tpu.dma_semaphore, #tpu.memory_space<semaphore_mem>> -> memref<1x!tpu.dma_semaphore, #tpu.memory_space<semaphore_mem>>
    %dma_wait3A_151 = tpu.memref_squeeze %dma_wait3A_150 : memref<1x!tpu.dma_semaphore, #tpu.memory_space<semaphore_mem>> -> memref<!tpu.dma_semaphore, #tpu.memory_space<semaphore_mem>>
    tpu.wait_indirect_dma semaphore(%dma_wait3A_151 : memref<!tpu.dma_semaphore, #tpu.memory_space<semaphore_mem>>) src(%dma_wait3A_144 : memref<128x32xf32, #tpu.memory_space<vmem>>) dst(%dma_wait3A_149 : memref<10112x32xf32, #tpu.memory_space<vmem_shared>>)
    %dma_wait3A_152 = arith.constant 0 : i32
    %dma_wait3A_153 = arith.constant 0 : i32
    %dma_wait3A_154 = arith.constant 0 : i32
    %dma_wait3A_155 = arith.constant 0 : i32
    %dma_wait3A_156 = tpu.memref_slice %arg8[%dma_wait3A_152, %dma_wait3A_154, %dma_wait3A_155] : memref<4x128x32xf32, #tpu.memory_space<vmem>> -> memref<1x128x32xf32, #tpu.memory_space<vmem>>
    %dma_wait3A_157 = tpu.memref_squeeze %dma_wait3A_156 : memref<1x128x32xf32, #tpu.memory_space<vmem>> -> memref<128x32xf32, #tpu.memory_space<vmem>>
    %dma_wait3A_158 = arith.constant 9728 : i32
    %dma_wait3A_159 = tpu.memref_slice %arg7[%dma_wait3A_158] : memref<10112xi32, #tpu.memory_space<vmem>> -> memref<128xi32, #tpu.memory_space<vmem>>
    %dma_wait3A_160 = arith.constant 0 : i32
    %dma_wait3A_161 = arith.constant 0 : i32
    %dma_wait3A_162 = tpu.memref_slice %arg10[%dma_wait3A_160, %dma_wait3A_161] : memref<10112x32xf32, #tpu.memory_space<vmem_shared>> -> memref<10112x32xf32, #tpu.memory_space<vmem_shared>>
    %dma_wait3A_163 = tpu.memref_slice %arg12[%dma_wait3A_153] : memref<4x!tpu.dma_semaphore, #tpu.memory_space<semaphore_mem>> -> memref<1x!tpu.dma_semaphore, #tpu.memory_space<semaphore_mem>>
    %dma_wait3A_164 = tpu.memref_squeeze %dma_wait3A_163 : memref<1x!tpu.dma_semaphore, #tpu.memory_space<semaphore_mem>> -> memref<!tpu.dma_semaphore, #tpu.memory_space<semaphore_mem>>
    tpu.wait_indirect_dma semaphore(%dma_wait3A_164 : memref<!tpu.dma_semaphore, #tpu.memory_space<semaphore_mem>>) src(%dma_wait3A_157 : memref<128x32xf32, #tpu.memory_space<vmem>>) dst(%dma_wait3A_162 : memref<10112x32xf32, #tpu.memory_space<vmem_shared>>)
    %dma_wait3A_165 = arith.constant 1 : i32
    %dma_wait3A_166 = arith.constant 1 : i32
    %dma_wait3A_167 = arith.constant 0 : i32
    %dma_wait3A_168 = arith.constant 0 : i32
    %dma_wait3A_169 = tpu.memref_slice %arg8[%dma_wait3A_165, %dma_wait3A_167, %dma_wait3A_168] : memref<4x128x32xf32, #tpu.memory_space<vmem>> -> memref<1x128x32xf32, #tpu.memory_space<vmem>>
    %dma_wait3A_170 = tpu.memref_squeeze %dma_wait3A_169 : memref<1x128x32xf32, #tpu.memory_space<vmem>> -> memref<128x32xf32, #tpu.memory_space<vmem>>
    %dma_wait3A_171 = arith.constant 9856 : i32
    %dma_wait3A_172 = tpu.memref_slice %arg7[%dma_wait3A_171] : memref<10112xi32, #tpu.memory_space<vmem>> -> memref<128xi32, #tpu.memory_space<vmem>>
    %dma_wait3A_173 = arith.constant 0 : i32
    %dma_wait3A_174 = arith.constant 0 : i32
    %dma_wait3A_175 = tpu.memref_slice %arg10[%dma_wait3A_173, %dma_wait3A_174] : memref<10112x32xf32, #tpu.memory_space<vmem_shared>> -> memref<10112x32xf32, #tpu.memory_space<vmem_shared>>
    %dma_wait3A_176 = tpu.memref_slice %arg12[%dma_wait3A_166] : memref<4x!tpu.dma_semaphore, #tpu.memory_space<semaphore_mem>> -> memref<1x!tpu.dma_semaphore, #tpu.memory_space<semaphore_mem>>
    %dma_wait3A_177 = tpu.memref_squeeze %dma_wait3A_176 : memref<1x!tpu.dma_semaphore, #tpu.memory_space<semaphore_mem>> -> memref<!tpu.dma_semaphore, #tpu.memory_space<semaphore_mem>>
    tpu.wait_indirect_dma semaphore(%dma_wait3A_177 : memref<!tpu.dma_semaphore, #tpu.memory_space<semaphore_mem>>) src(%dma_wait3A_170 : memref<128x32xf32, #tpu.memory_space<vmem>>) dst(%dma_wait3A_175 : memref<10112x32xf32, #tpu.memory_space<vmem_shared>>)
    %dma_wait3A_178 = arith.constant 2 : i32
    %dma_wait3A_179 = arith.constant 2 : i32
    %dma_wait3A_180 = arith.constant 0 : i32
    %dma_wait3A_181 = arith.constant 0 : i32
    %dma_wait3A_182 = tpu.memref_slice %arg8[%dma_wait3A_178, %dma_wait3A_180, %dma_wait3A_181] : memref<4x128x32xf32, #tpu.memory_space<vmem>> -> memref<1x128x32xf32, #tpu.memory_space<vmem>>
    %dma_wait3A_183 = tpu.memref_squeeze %dma_wait3A_182 : memref<1x128x32xf32, #tpu.memory_space<vmem>> -> memref<128x32xf32, #tpu.memory_space<vmem>>
    %dma_wait3A_184 = arith.constant 9984 : i32
    %dma_wait3A_185 = tpu.memref_slice %arg7[%dma_wait3A_184] : memref<10112xi32, #tpu.memory_space<vmem>> -> memref<128xi32, #tpu.memory_space<vmem>>
    %dma_wait3A_186 = arith.constant 0 : i32
    %dma_wait3A_187 = arith.constant 0 : i32
    %dma_wait3A_188 = tpu.memref_slice %arg10[%dma_wait3A_186, %dma_wait3A_187] : memref<10112x32xf32, #tpu.memory_space<vmem_shared>> -> memref<10112x32xf32, #tpu.memory_space<vmem_shared>>
    %dma_wait3A_189 = tpu.memref_slice %arg12[%dma_wait3A_179] : memref<4x!tpu.dma_semaphore, #tpu.memory_space<semaphore_mem>> -> memref<1x!tpu.dma_semaphore, #tpu.memory_space<semaphore_mem>>
    %dma_wait3A_190 = tpu.memref_squeeze %dma_wait3A_189 : memref<1x!tpu.dma_semaphore, #tpu.memory_space<semaphore_mem>> -> memref<!tpu.dma_semaphore, #tpu.memory_space<semaphore_mem>>
    tpu.wait_indirect_dma semaphore(%dma_wait3A_190 : memref<!tpu.dma_semaphore, #tpu.memory_space<semaphore_mem>>) src(%dma_wait3A_183 : memref<128x32xf32, #tpu.memory_space<vmem>>) dst(%dma_wait3A_188 : memref<10112x32xf32, #tpu.memory_space<vmem_shared>>)
    %barrier3A_191 = arith.constant 0 : index
    tpu.barrier barrier_id(%barrier3A_191)
    %mul3A_192 = arith.constant 632 : i32
    %mul3A_193 = arith.muli %arg1, %mul3A_192 : i32
    %mul3A_194 = arith.constant 632 : i32
    %mul3A_195 = arith.muli %arg1, %mul3A_194 : i32
    %mul3A_196 = arith.constant 32 : i32
    %mul3A_197 = arith.muli %arg0, %mul3A_196 : i32
    "tpu.region"() ({
      %run_scoped3A = tpu.sem_alloc : memref<!tpu.dma_semaphore, #tpu.memory_space<semaphore_mem>>
      %dma_start3A_198 = tpu.memref_slice %arg5[%mul3A_195, %mul3A_197] : memref<10112x128xf32, #tpu.memory_space<hbm>> -> memref<632x32xf32, #tpu.memory_space<hbm>>
      %dma_start3A_199 = arith.constant 0 : i32
      %dma_start3A_200 = tpu.memref_slice %arg10[%mul3A_193, %dma_start3A_199] : memref<10112x32xf32, #tpu.memory_space<vmem_shared>> -> memref<632x32xf32, #tpu.memory_space<vmem_shared>>
      tpu.enqueue_dma source(%dma_start3A_200 : memref<632x32xf32, #tpu.memory_space<vmem_shared>>) target(%dma_start3A_198 : memref<632x32xf32, #tpu.memory_space<hbm>>) target_semaphore(%run_scoped3A : memref<!tpu.dma_semaphore, #tpu.memory_space<semaphore_mem>>)
      %dma_wait3A_201 = tpu.memref_slice %arg5[%mul3A_195, %mul3A_197] : memref<10112x128xf32, #tpu.memory_space<hbm>> -> memref<632x32xf32, #tpu.memory_space<hbm>>
      %dma_wait3A_202 = arith.constant 0 : i32
      %dma_wait3A_203 = tpu.memref_slice %arg10[%mul3A_193, %dma_wait3A_202] : memref<10112x32xf32, #tpu.memory_space<vmem_shared>> -> memref<632x32xf32, #tpu.memory_space<vmem_shared>>
      tpu.wait_dma2 semaphore(%run_scoped3A : memref<!tpu.dma_semaphore, #tpu.memory_space<semaphore_mem>>) src(%dma_wait3A_203 : memref<632x32xf32, #tpu.memory_space<vmem_shared>>) dst(%dma_wait3A_201 : memref<632x32xf32, #tpu.memory_space<hbm>>)
      tpu.yield
    }) : () -> ()
    return
  }
}

#map = affine_map<(d0, d1) -> (0, 0)>
module attributes {stable_mosaic.version = 14 : i64} {
  func.func @_agg_body(%arg0: i32, %arg1: i32, %arg2: memref<10112x128xf32, #tpu.memory_space<hbm>>, %arg3: memref<2x320000xi32, #tpu.memory_space<hbm>>, %arg4: memref<10112x32xf32, #tpu.memory_space<hbm>>, %arg5: memref<10112x128xf32, #tpu.memory_space<hbm>>, %arg6: memref<10112xi32, #tpu.memory_space<vmem>>, %arg7: memref<10112xi32, #tpu.memory_space<vmem>>, %arg8: memref<4x128x32xf32, #tpu.memory_space<vmem>>, %arg9: memref<10112x32xf32, #tpu.memory_space<vmem_shared>>, %arg10: memref<10112x32xf32, #tpu.memory_space<vmem_shared>>, %arg11: memref<4x!tpu.dma_semaphore, #tpu.memory_space<semaphore_mem>>, %arg12: memref<4x!tpu.dma_semaphore, #tpu.memory_space<semaphore_mem>>) attributes {dimension_semantics = [#tpu.dimension_semantics<core_parallel>, #tpu.dimension_semantics<subcore_parallel>], iteration_bounds = array<i64: 2, 16>, scalar_prefetch = 0 : i64, scratch_operands = 7 : i64, tpu.core_type = #tpu.core_type<sc_vector_subcore>, window_params = [{transform_indices = #map}, {transform_indices = #map}, {transform_indices = #map}, {transform_indices = #map}]} {
    %mul3A = arith.constant 2 : i32
    %mul3A_0 = arith.muli %arg1, %mul3A : i32
    %add3A = arith.addi %mul3A_0, %arg0 : i32
    %mul3A_1 = arith.constant 10000 : i32
    %mul3A_2 = arith.muli %add3A, %mul3A_1 : i32
    %dma_start3A = arith.constant 0 : i32
    %dma_start3A_3 = arith.constant 0 : i32
    %dma_start3A_4 = arith.constant 0 : i32
    %dma_start3A_5 = tpu.memref_slice %arg6[%dma_start3A_4] : memref<10112xi32, #tpu.memory_space<vmem>> -> memref<10000xi32, #tpu.memory_space<vmem>>
    %dma_start3A_6 = tpu.memref_slice %arg3[%dma_start3A, %mul3A_2] : memref<2x320000xi32, #tpu.memory_space<hbm>> -> memref<1x10000xi32, #tpu.memory_space<hbm>>
    %dma_start3A_7 = tpu.memref_squeeze %dma_start3A_6 : memref<1x10000xi32, #tpu.memory_space<hbm>> -> memref<10000xi32, #tpu.memory_space<hbm>>
    %dma_start3A_8 = tpu.memref_slice %arg11[%dma_start3A_3] : memref<4x!tpu.dma_semaphore, #tpu.memory_space<semaphore_mem>> -> memref<1x!tpu.dma_semaphore, #tpu.memory_space<semaphore_mem>>
    %dma_start3A_9 = tpu.memref_squeeze %dma_start3A_8 : memref<1x!tpu.dma_semaphore, #tpu.memory_space<semaphore_mem>> -> memref<!tpu.dma_semaphore, #tpu.memory_space<semaphore_mem>>
    %dma_start3A_10 = arith.constant 0 : i32
    %dma_start3A_11 = tpu.memref_slice %arg6[%dma_start3A_10] : memref<10112xi32, #tpu.memory_space<vmem>> -> memref<10000xi32, #tpu.memory_space<vmem>>
    %dma_start3A_12 = tpu.memref_slice %arg3[%dma_start3A, %mul3A_2] : memref<2x320000xi32, #tpu.memory_space<hbm>> -> memref<1x10000xi32, #tpu.memory_space<hbm>>
    %dma_start3A_13 = tpu.memref_squeeze %dma_start3A_12 : memref<1x10000xi32, #tpu.memory_space<hbm>> -> memref<10000xi32, #tpu.memory_space<hbm>>
    tpu.enqueue_dma source(%dma_start3A_13 : memref<10000xi32, #tpu.memory_space<hbm>>) target(%dma_start3A_11 : memref<10000xi32, #tpu.memory_space<vmem>>) target_semaphore(%dma_start3A_9 : memref<!tpu.dma_semaphore, #tpu.memory_space<semaphore_mem>>)
    %mul3A_14 = arith.constant 10000 : i32
    %mul3A_15 = arith.muli %add3A, %mul3A_14 : i32
    %dma_start3A_16 = arith.constant 1 : i32
    %dma_start3A_17 = arith.constant 0 : i32
    %dma_start3A_18 = arith.constant 0 : i32
    %dma_start3A_19 = tpu.memref_slice %arg7[%dma_start3A_18] : memref<10112xi32, #tpu.memory_space<vmem>> -> memref<10000xi32, #tpu.memory_space<vmem>>
    %dma_start3A_20 = tpu.memref_slice %arg3[%dma_start3A_16, %mul3A_15] : memref<2x320000xi32, #tpu.memory_space<hbm>> -> memref<1x10000xi32, #tpu.memory_space<hbm>>
    %dma_start3A_21 = tpu.memref_squeeze %dma_start3A_20 : memref<1x10000xi32, #tpu.memory_space<hbm>> -> memref<10000xi32, #tpu.memory_space<hbm>>
    %dma_start3A_22 = tpu.memref_slice %arg11[%dma_start3A_17] : memref<4x!tpu.dma_semaphore, #tpu.memory_space<semaphore_mem>> -> memref<1x!tpu.dma_semaphore, #tpu.memory_space<semaphore_mem>>
    %dma_start3A_23 = tpu.memref_squeeze %dma_start3A_22 : memref<1x!tpu.dma_semaphore, #tpu.memory_space<semaphore_mem>> -> memref<!tpu.dma_semaphore, #tpu.memory_space<semaphore_mem>>
    %dma_start3A_24 = arith.constant 0 : i32
    %dma_start3A_25 = tpu.memref_slice %arg7[%dma_start3A_24] : memref<10112xi32, #tpu.memory_space<vmem>> -> memref<10000xi32, #tpu.memory_space<vmem>>
    %dma_start3A_26 = tpu.memref_slice %arg3[%dma_start3A_16, %mul3A_15] : memref<2x320000xi32, #tpu.memory_space<hbm>> -> memref<1x10000xi32, #tpu.memory_space<hbm>>
    %dma_start3A_27 = tpu.memref_squeeze %dma_start3A_26 : memref<1x10000xi32, #tpu.memory_space<hbm>> -> memref<10000xi32, #tpu.memory_space<hbm>>
    tpu.enqueue_dma source(%dma_start3A_27 : memref<10000xi32, #tpu.memory_space<hbm>>) target(%dma_start3A_25 : memref<10000xi32, #tpu.memory_space<vmem>>) target_semaphore(%dma_start3A_23 : memref<!tpu.dma_semaphore, #tpu.memory_space<semaphore_mem>>)
    %mul3A_28 = arith.constant 632 : i32
    %mul3A_29 = arith.muli %arg1, %mul3A_28 : i32
    %mul3A_30 = arith.constant 632 : i32
    %mul3A_31 = arith.muli %arg1, %mul3A_30 : i32
    %dma_start3A_32 = arith.constant 0 : i32
    %dma_start3A_33 = tpu.memref_slice %arg12[%dma_start3A_32] : memref<4x!tpu.dma_semaphore, #tpu.memory_space<semaphore_mem>> -> memref<1x!tpu.dma_semaphore, #tpu.memory_space<semaphore_mem>>
    %dma_start3A_34 = tpu.memref_squeeze %dma_start3A_33 : memref<1x!tpu.dma_semaphore, #tpu.memory_space<semaphore_mem>> -> memref<!tpu.dma_semaphore, #tpu.memory_space<semaphore_mem>>
    %dma_start3A_35 = arith.constant 0 : i32
    %dma_start3A_36 = tpu.memref_slice %arg10[%mul3A_31, %dma_start3A_35] : memref<10112x32xf32, #tpu.memory_space<vmem_shared>> -> memref<632x32xf32, #tpu.memory_space<vmem_shared>>
    %dma_start3A_37 = arith.constant 0 : i32
    %dma_start3A_38 = tpu.memref_slice %arg4[%mul3A_29, %dma_start3A_37] : memref<10112x32xf32, #tpu.memory_space<hbm>> -> memref<632x32xf32, #tpu.memory_space<hbm>>
    tpu.enqueue_dma source(%dma_start3A_38 : memref<632x32xf32, #tpu.memory_space<hbm>>) target(%dma_start3A_36 : memref<632x32xf32, #tpu.memory_space<vmem_shared>>) target_semaphore(%dma_start3A_34 : memref<!tpu.dma_semaphore, #tpu.memory_space<semaphore_mem>>)
    %mul3A_39 = arith.constant 632 : i32
    %mul3A_40 = arith.muli %arg1, %mul3A_39 : i32
    %mul3A_41 = arith.constant 632 : i32
    %mul3A_42 = arith.muli %arg1, %mul3A_41 : i32
    %dma_start3A_43 = arith.constant 1 : i32
    %dma_start3A_44 = tpu.memref_slice %arg12[%dma_start3A_43] : memref<4x!tpu.dma_semaphore, #tpu.memory_space<semaphore_mem>> -> memref<1x!tpu.dma_semaphore, #tpu.memory_space<semaphore_mem>>
    %dma_start3A_45 = tpu.memref_squeeze %dma_start3A_44 : memref<1x!tpu.dma_semaphore, #tpu.memory_space<semaphore_mem>> -> memref<!tpu.dma_semaphore, #tpu.memory_space<semaphore_mem>>
    %dma_start3A_46 = arith.constant 0 : i32
    %dma_start3A_47 = tpu.memref_slice %arg9[%mul3A_42, %dma_start3A_46] : memref<10112x32xf32, #tpu.memory_space<vmem_shared>> -> memref<632x32xf32, #tpu.memory_space<vmem_shared>>
    %dma_start3A_48 = arith.constant 0 : i32
    %dma_start3A_49 = tpu.memref_slice %arg2[%mul3A_40, %dma_start3A_48] : memref<10112x128xf32, #tpu.memory_space<hbm>> -> memref<632x32xf32, #tpu.memory_space<hbm>>
    tpu.enqueue_dma source(%dma_start3A_49 : memref<632x32xf32, #tpu.memory_space<hbm>>) target(%dma_start3A_47 : memref<632x32xf32, #tpu.memory_space<vmem_shared>>) target_semaphore(%dma_start3A_45 : memref<!tpu.dma_semaphore, #tpu.memory_space<semaphore_mem>>)
    %mul3A_50 = arith.constant 10000 : i32
    %mul3A_51 = arith.muli %add3A, %mul3A_50 : i32
    %dma_wait3A = arith.constant 0 : i32
    %dma_wait3A_52 = arith.constant 0 : i32
    %dma_wait3A_53 = arith.constant 0 : i32
    %dma_wait3A_54 = tpu.memref_slice %arg6[%dma_wait3A_53] : memref<10112xi32, #tpu.memory_space<vmem>> -> memref<10000xi32, #tpu.memory_space<vmem>>
    %dma_wait3A_55 = tpu.memref_slice %arg3[%dma_wait3A, %mul3A_51] : memref<2x320000xi32, #tpu.memory_space<hbm>> -> memref<1x10000xi32, #tpu.memory_space<hbm>>
    %dma_wait3A_56 = tpu.memref_squeeze %dma_wait3A_55 : memref<1x10000xi32, #tpu.memory_space<hbm>> -> memref<10000xi32, #tpu.memory_space<hbm>>
    %dma_wait3A_57 = tpu.memref_slice %arg11[%dma_wait3A_52] : memref<4x!tpu.dma_semaphore, #tpu.memory_space<semaphore_mem>> -> memref<1x!tpu.dma_semaphore, #tpu.memory_space<semaphore_mem>>
    %dma_wait3A_58 = tpu.memref_squeeze %dma_wait3A_57 : memref<1x!tpu.dma_semaphore, #tpu.memory_space<semaphore_mem>> -> memref<!tpu.dma_semaphore, #tpu.memory_space<semaphore_mem>>
    %dma_wait3A_59 = arith.constant 0 : i32
    %dma_wait3A_60 = tpu.memref_slice %arg6[%dma_wait3A_59] : memref<10112xi32, #tpu.memory_space<vmem>> -> memref<10000xi32, #tpu.memory_space<vmem>>
    %dma_wait3A_61 = tpu.memref_slice %arg3[%dma_wait3A, %mul3A_51] : memref<2x320000xi32, #tpu.memory_space<hbm>> -> memref<1x10000xi32, #tpu.memory_space<hbm>>
    %dma_wait3A_62 = tpu.memref_squeeze %dma_wait3A_61 : memref<1x10000xi32, #tpu.memory_space<hbm>> -> memref<10000xi32, #tpu.memory_space<hbm>>
    tpu.wait_dma2 semaphore(%dma_wait3A_58 : memref<!tpu.dma_semaphore, #tpu.memory_space<semaphore_mem>>) src(%dma_wait3A_62 : memref<10000xi32, #tpu.memory_space<hbm>>) dst(%dma_wait3A_60 : memref<10000xi32, #tpu.memory_space<vmem>>)
    %mul3A_63 = arith.constant 10000 : i32
    %mul3A_64 = arith.muli %add3A, %mul3A_63 : i32
    %dma_wait3A_65 = arith.constant 1 : i32
    %dma_wait3A_66 = arith.constant 0 : i32
    %dma_wait3A_67 = arith.constant 0 : i32
    %dma_wait3A_68 = tpu.memref_slice %arg7[%dma_wait3A_67] : memref<10112xi32, #tpu.memory_space<vmem>> -> memref<10000xi32, #tpu.memory_space<vmem>>
    %dma_wait3A_69 = tpu.memref_slice %arg3[%dma_wait3A_65, %mul3A_64] : memref<2x320000xi32, #tpu.memory_space<hbm>> -> memref<1x10000xi32, #tpu.memory_space<hbm>>
    %dma_wait3A_70 = tpu.memref_squeeze %dma_wait3A_69 : memref<1x10000xi32, #tpu.memory_space<hbm>> -> memref<10000xi32, #tpu.memory_space<hbm>>
    %dma_wait3A_71 = tpu.memref_slice %arg11[%dma_wait3A_66] : memref<4x!tpu.dma_semaphore, #tpu.memory_space<semaphore_mem>> -> memref<1x!tpu.dma_semaphore, #tpu.memory_space<semaphore_mem>>
    %dma_wait3A_72 = tpu.memref_squeeze %dma_wait3A_71 : memref<1x!tpu.dma_semaphore, #tpu.memory_space<semaphore_mem>> -> memref<!tpu.dma_semaphore, #tpu.memory_space<semaphore_mem>>
    %dma_wait3A_73 = arith.constant 0 : i32
    %dma_wait3A_74 = tpu.memref_slice %arg7[%dma_wait3A_73] : memref<10112xi32, #tpu.memory_space<vmem>> -> memref<10000xi32, #tpu.memory_space<vmem>>
    %dma_wait3A_75 = tpu.memref_slice %arg3[%dma_wait3A_65, %mul3A_64] : memref<2x320000xi32, #tpu.memory_space<hbm>> -> memref<1x10000xi32, #tpu.memory_space<hbm>>
    %dma_wait3A_76 = tpu.memref_squeeze %dma_wait3A_75 : memref<1x10000xi32, #tpu.memory_space<hbm>> -> memref<10000xi32, #tpu.memory_space<hbm>>
    tpu.wait_dma2 semaphore(%dma_wait3A_72 : memref<!tpu.dma_semaphore, #tpu.memory_space<semaphore_mem>>) src(%dma_wait3A_76 : memref<10000xi32, #tpu.memory_space<hbm>>) dst(%dma_wait3A_74 : memref<10000xi32, #tpu.memory_space<vmem>>)
    %iota3A = tpu.iota {dimensions = array<i32: 0>} : vector<16xi32>
    %add3A_77 = arith.constant 10000 : i32
    %add3A_78 = vector.broadcast %add3A_77 : i32 to vector<16xi32>
    %add3A_79 = arith.addi %iota3A, %add3A_78 : vector<16xi32>
    %scan3A = arith.constant 0 : i32
    %scan3A_80 = arith.constant 0 : i32
    %scan3A_81 = arith.constant 7 : i32
    %scan3A_82 = arith.addi %scan3A_80, %scan3A_81 : i32
    %scan3A_83 = arith.constant 1 : i32
    scf.for %scan3A_198 = %scan3A_80 to %scan3A_82 step %scan3A_83  : i32 {
      %mul3A_199 = arith.constant 16 : i32
      %mul3A_200 = arith.muli %scan3A_198, %mul3A_199 : i32
      %add3A_201 = vector.broadcast %mul3A_200 : i32 to vector<16xi32>
      %add3A_202 = arith.addi %add3A_79, %add3A_201 : vector<16xi32>
      %mul3A_203 = arith.constant 16 : i32
      %mul3A_204 = arith.muli %scan3A_198, %mul3A_203 : i32
      %add3A_205 = arith.constant 10000 : i32
      %add3A_206 = arith.addi %add3A_205, %mul3A_204 : i32
      %swap3A = arith.index_cast %add3A_206 : i32 to index
      %swap3A_207 = tpu.vector_load %arg6[%swap3A] {strides = array<i32>} : memref<10112xi32, #tpu.memory_space<vmem>>, vector<16xi32>,
      %swap3A_208 = vector.shape_cast %swap3A_207 : vector<16xi32> to vector<16xi32>
      %swap3A_209 = vector.shape_cast %add3A_202 : vector<16xi32> to vector<16xi32>
      tpu.vector_store %arg6[%swap3A], %swap3A_209 {strides = array<i32>} : memref<10112xi32, #tpu.memory_space<vmem>>, vector<16xi32>,
      %mul3A_210 = arith.constant 16 : i32
      %mul3A_211 = arith.muli %scan3A_198, %mul3A_210 : i32
      %add3A_212 = vector.broadcast %mul3A_211 : i32 to vector<16xi32>
      %add3A_213 = arith.addi %add3A_79, %add3A_212 : vector<16xi32>
      %mul3A_214 = arith.constant 16 : i32
      %mul3A_215 = arith.muli %scan3A_198, %mul3A_214 : i32
      %add3A_216 = arith.constant 10000 : i32
      %add3A_217 = arith.addi %add3A_216, %mul3A_215 : i32
      %swap3A_218 = arith.index_cast %add3A_217 : i32 to index
      %swap3A_219 = tpu.vector_load %arg7[%swap3A_218] {strides = array<i32>} : memref<10112xi32, #tpu.memory_space<vmem>>, vector<16xi32>,
      %swap3A_220 = vector.shape_cast %swap3A_219 : vector<16xi32> to vector<16xi32>
      %swap3A_221 = vector.shape_cast %add3A_213 : vector<16xi32> to vector<16xi32>
      tpu.vector_store %arg7[%swap3A_218], %swap3A_221 {strides = array<i32>} : memref<10112xi32, #tpu.memory_space<vmem>>, vector<16xi32>,
    }
    %scan3A_84 = arith.constant 7 : i32
    %mul3A_85 = arith.constant 632 : i32
    %mul3A_86 = arith.muli %arg1, %mul3A_85 : i32
    %mul3A_87 = arith.constant 632 : i32
    %mul3A_88 = arith.muli %arg1, %mul3A_87 : i32
    %dma_wait3A_89 = arith.constant 0 : i32
    %dma_wait3A_90 = tpu.memref_slice %arg12[%dma_wait3A_89] : memref<4x!tpu.dma_semaphore, #tpu.memory_space<semaphore_mem>> -> memref<1x!tpu.dma_semaphore, #tpu.memory_space<semaphore_mem>>
    %dma_wait3A_91 = tpu.memref_squeeze %dma_wait3A_90 : memref<1x!tpu.dma_semaphore, #tpu.memory_space<semaphore_mem>> -> memref<!tpu.dma_semaphore, #tpu.memory_space<semaphore_mem>>
    %dma_wait3A_92 = arith.constant 0 : i32
    %dma_wait3A_93 = tpu.memref_slice %arg10[%mul3A_88, %dma_wait3A_92] : memref<10112x32xf32, #tpu.memory_space<vmem_shared>> -> memref<632x32xf32, #tpu.memory_space<vmem_shared>>
    %dma_wait3A_94 = arith.constant 0 : i32
    %dma_wait3A_95 = tpu.memref_slice %arg4[%mul3A_86, %dma_wait3A_94] : memref<10112x32xf32, #tpu.memory_space<hbm>> -> memref<632x32xf32, #tpu.memory_space<hbm>>
    tpu.wait_dma2 semaphore(%dma_wait3A_91 : memref<!tpu.dma_semaphore, #tpu.memory_space<semaphore_mem>>) src(%dma_wait3A_95 : memref<632x32xf32, #tpu.memory_space<hbm>>) dst(%dma_wait3A_93 : memref<632x32xf32, #tpu.memory_space<vmem_shared>>)
    %mul3A_96 = arith.constant 632 : i32
    %mul3A_97 = arith.muli %arg1, %mul3A_96 : i32
    %mul3A_98 = arith.constant 632 : i32
    %mul3A_99 = arith.muli %arg1, %mul3A_98 : i32
    %dma_wait3A_100 = arith.constant 1 : i32
    %dma_wait3A_101 = tpu.memref_slice %arg12[%dma_wait3A_100] : memref<4x!tpu.dma_semaphore, #tpu.memory_space<semaphore_mem>> -> memref<1x!tpu.dma_semaphore, #tpu.memory_space<semaphore_mem>>
    %dma_wait3A_102 = tpu.memref_squeeze %dma_wait3A_101 : memref<1x!tpu.dma_semaphore, #tpu.memory_space<semaphore_mem>> -> memref<!tpu.dma_semaphore, #tpu.memory_space<semaphore_mem>>
    %dma_wait3A_103 = arith.constant 0 : i32
    %dma_wait3A_104 = tpu.memref_slice %arg9[%mul3A_99, %dma_wait3A_103] : memref<10112x32xf32, #tpu.memory_space<vmem_shared>> -> memref<632x32xf32, #tpu.memory_space<vmem_shared>>
    %dma_wait3A_105 = arith.constant 0 : i32
    %dma_wait3A_106 = tpu.memref_slice %arg2[%mul3A_97, %dma_wait3A_105] : memref<10112x128xf32, #tpu.memory_space<hbm>> -> memref<632x32xf32, #tpu.memory_space<hbm>>
    tpu.wait_dma2 semaphore(%dma_wait3A_102 : memref<!tpu.dma_semaphore, #tpu.memory_space<semaphore_mem>>) src(%dma_wait3A_106 : memref<632x32xf32, #tpu.memory_space<hbm>>) dst(%dma_wait3A_104 : memref<632x32xf32, #tpu.memory_space<vmem_shared>>)
    %barrier3A = arith.constant 0 : index
    tpu.barrier barrier_id(%barrier3A)
    %dma_start3A_107 = arith.constant 0 : i32
    %dma_start3A_108 = arith.constant 0 : i32
    %dma_start3A_109 = arith.constant 0 : i32
    %dma_start3A_110 = arith.constant 0 : i32
    %dma_start3A_111 = tpu.memref_slice %arg8[%dma_start3A_107, %dma_start3A_109, %dma_start3A_110] : memref<4x128x32xf32, #tpu.memory_space<vmem>> -> memref<1x128x32xf32, #tpu.memory_space<vmem>>
    %dma_start3A_112 = tpu.memref_squeeze %dma_start3A_111 : memref<1x128x32xf32, #tpu.memory_space<vmem>> -> memref<128x32xf32, #tpu.memory_space<vmem>>
    %dma_start3A_113 = arith.constant 0 : i32
    %dma_start3A_114 = tpu.memref_slice %arg6[%dma_start3A_113] : memref<10112xi32, #tpu.memory_space<vmem>> -> memref<128xi32, #tpu.memory_space<vmem>>
    %dma_start3A_115 = arith.constant 0 : i32
    %dma_start3A_116 = arith.constant 0 : i32
    %dma_start3A_117 = tpu.memref_slice %arg9[%dma_start3A_115, %dma_start3A_116] : memref<10112x32xf32, #tpu.memory_space<vmem_shared>> -> memref<10112x32xf32, #tpu.memory_space<vmem_shared>>
    %dma_start3A_118 = tpu.memref_slice %arg11[%dma_start3A_108] : memref<4x!tpu.dma_semaphore, #tpu.memory_space<semaphore_mem>> -> memref<1x!tpu.dma_semaphore, #tpu.memory_space<semaphore_mem>>
    %dma_start3A_119 = tpu.memref_squeeze %dma_start3A_118 : memref<1x!tpu.dma_semaphore, #tpu.memory_space<semaphore_mem>> -> memref<!tpu.dma_semaphore, #tpu.memory_space<semaphore_mem>>
    tpu.enqueue_indirect_dma source(%dma_start3A_117 : memref<10112x32xf32, #tpu.memory_space<vmem_shared>>) target(%dma_start3A_112 : memref<128x32xf32, #tpu.memory_space<vmem>>) offsets(%dma_start3A_114 : memref<128xi32, #tpu.memory_space<vmem>>) semaphore(%dma_start3A_119 : memref<!tpu.dma_semaphore, #tpu.memory_space<semaphore_mem>>)
    %dma_start3A_120 = arith.constant 1 : i32
    %dma_start3A_121 = arith.constant 1 : i32
    %dma_start3A_122 = arith.constant 0 : i32
    %dma_start3A_123 = arith.constant 0 : i32
    %dma_start3A_124 = tpu.memref_slice %arg8[%dma_start3A_120, %dma_start3A_122, %dma_start3A_123] : memref<4x128x32xf32, #tpu.memory_space<vmem>> -> memref<1x128x32xf32, #tpu.memory_space<vmem>>
    %dma_start3A_125 = tpu.memref_squeeze %dma_start3A_124 : memref<1x128x32xf32, #tpu.memory_space<vmem>> -> memref<128x32xf32, #tpu.memory_space<vmem>>
    %dma_start3A_126 = arith.constant 128 : i32
    %dma_start3A_127 = tpu.memref_slice %arg6[%dma_start3A_126] : memref<10112xi32, #tpu.memory_space<vmem>> -> memref<128xi32, #tpu.memory_space<vmem>>
    %dma_start3A_128 = arith.constant 0 : i32
    %dma_start3A_129 = arith.constant 0 : i32
    %dma_start3A_130 = tpu.memref_slice %arg9[%dma_start3A_128, %dma_start3A_129] : memref<10112x32xf32, #tpu.memory_space<vmem_shared>> -> memref<10112x32xf32, #tpu.memory_space<vmem_shared>>
    %dma_start3A_131 = tpu.memref_slice %arg11[%dma_start3A_121] : memref<4x!tpu.dma_semaphore, #tpu.memory_space<semaphore_mem>> -> memref<1x!tpu.dma_semaphore, #tpu.memory_space<semaphore_mem>>
    %dma_start3A_132 = tpu.memref_squeeze %dma_start3A_131 : memref<1x!tpu.dma_semaphore, #tpu.memory_space<semaphore_mem>> -> memref<!tpu.dma_semaphore, #tpu.memory_space<semaphore_mem>>
    tpu.enqueue_indirect_dma source(%dma_start3A_130 : memref<10112x32xf32, #tpu.memory_space<vmem_shared>>) target(%dma_start3A_125 : memref<128x32xf32, #tpu.memory_space<vmem>>) offsets(%dma_start3A_127 : memref<128xi32, #tpu.memory_space<vmem>>) semaphore(%dma_start3A_132 : memref<!tpu.dma_semaphore, #tpu.memory_space<semaphore_mem>>)
    %scan3A_133 = arith.constant 0 : i32
    %scan3A_134 = arith.constant 0 : i32
    %scan3A_135 = arith.constant 79 : i32
    %scan3A_136 = arith.addi %scan3A_134, %scan3A_135 : i32
    %scan3A_137 = arith.constant 1 : i32
    scf.for %scan3A_198 = %scan3A_134 to %scan3A_136 step %scan3A_137  : i32 {
      %rem3A = arith.constant 4 : i32
      %rem3A_199 = arith.remsi %scan3A_198, %rem3A : i32
      %eq3A = arith.constant 0 : i32
      %eq3A_200 = arith.cmpi eq, %rem3A_199, %eq3A : i32
      %convert_element_type3A = arith.extui %eq3A_200 : i1 to i32
      %cond3A = arith.constant 0 : i32
      %cond3A_201 = arith.cmpi ne, %convert_element_type3A, %cond3A : i32
      scf.if %cond3A_201 {
        %mul3A_223 = arith.constant 128 : i32
        %mul3A_224 = arith.muli %scan3A_198, %mul3A_223 : i32
        %dma_wait3A_225 = arith.constant 0 : i32
        %dma_wait3A_226 = arith.constant 0 : i32
        %dma_wait3A_227 = arith.constant 0 : i32
        %dma_wait3A_228 = arith.constant 0 : i32
        %dma_wait3A_229 = tpu.memref_slice %arg8[%dma_wait3A_225, %dma_wait3A_227, %dma_wait3A_228] : memref<4x128x32xf32, #tpu.memory_space<vmem>> -> memref<1x128x32xf32, #tpu.memory_space<vmem>>
        %dma_wait3A_230 = tpu.memref_squeeze %dma_wait3A_229 : memref<1x128x32xf32, #tpu.memory_space<vmem>> -> memref<128x32xf32, #tpu.memory_space<vmem>>
        %dma_wait3A_231 = tpu.memref_slice %arg6[%mul3A_224] : memref<10112xi32, #tpu.memory_space<vmem>> -> memref<128xi32, #tpu.memory_space<vmem>>
        %dma_wait3A_232 = arith.constant 0 : i32
        %dma_wait3A_233 = arith.constant 0 : i32
        %dma_wait3A_234 = tpu.memref_slice %arg9[%dma_wait3A_232, %dma_wait3A_233] : memref<10112x32xf32, #tpu.memory_space<vmem_shared>> -> memref<10112x32xf32, #tpu.memory_space<vmem_shared>>
        %dma_wait3A_235 = tpu.memref_slice %arg11[%dma_wait3A_226] : memref<4x!tpu.dma_semaphore, #tpu.memory_space<semaphore_mem>> -> memref<1x!tpu.dma_semaphore, #tpu.memory_space<semaphore_mem>>
        %dma_wait3A_236 = tpu.memref_squeeze %dma_wait3A_235 : memref<1x!tpu.dma_semaphore, #tpu.memory_space<semaphore_mem>> -> memref<!tpu.dma_semaphore, #tpu.memory_space<semaphore_mem>>
        tpu.wait_indirect_dma semaphore(%dma_wait3A_236 : memref<!tpu.dma_semaphore, #tpu.memory_space<semaphore_mem>>) src(%dma_wait3A_234 : memref<10112x32xf32, #tpu.memory_space<vmem_shared>>) dst(%dma_wait3A_230 : memref<128x32xf32, #tpu.memory_space<vmem>>)
        %mul3A_237 = arith.constant 128 : i32
        %mul3A_238 = arith.muli %scan3A_198, %mul3A_237 : i32
        %dma_start3A_239 = arith.constant 0 : i32
        %dma_start3A_240 = arith.constant 0 : i32
        %dma_start3A_241 = arith.constant 0 : i32
        %dma_start3A_242 = arith.constant 0 : i32
        %dma_start3A_243 = tpu.memref_slice %arg8[%dma_start3A_239, %dma_start3A_241, %dma_start3A_242] : memref<4x128x32xf32, #tpu.memory_space<vmem>> -> memref<1x128x32xf32, #tpu.memory_space<vmem>>
        %dma_start3A_244 = tpu.memref_squeeze %dma_start3A_243 : memref<1x128x32xf32, #tpu.memory_space<vmem>> -> memref<128x32xf32, #tpu.memory_space<vmem>>
        %dma_start3A_245 = tpu.memref_slice %arg7[%mul3A_238] : memref<10112xi32, #tpu.memory_space<vmem>> -> memref<128xi32, #tpu.memory_space<vmem>>
        %dma_start3A_246 = arith.constant 0 : i32
        %dma_start3A_247 = arith.constant 0 : i32
        %dma_start3A_248 = tpu.memref_slice %arg10[%dma_start3A_246, %dma_start3A_247] : memref<10112x32xf32, #tpu.memory_space<vmem_shared>> -> memref<10112x32xf32, #tpu.memory_space<vmem_shared>>
        %dma_start3A_249 = tpu.memref_slice %arg12[%dma_start3A_240] : memref<4x!tpu.dma_semaphore, #tpu.memory_space<semaphore_mem>> -> memref<1x!tpu.dma_semaphore, #tpu.memory_space<semaphore_mem>>
        %dma_start3A_250 = tpu.memref_squeeze %dma_start3A_249 : memref<1x!tpu.dma_semaphore, #tpu.memory_space<semaphore_mem>> -> memref<!tpu.dma_semaphore, #tpu.memory_space<semaphore_mem>>
        tpu.enqueue_indirect_dma source(%dma_start3A_244 : memref<128x32xf32, #tpu.memory_space<vmem>>) target(%dma_start3A_248 : memref<10112x32xf32, #tpu.memory_space<vmem_shared>>) offsets(%dma_start3A_245 : memref<128xi32, #tpu.memory_space<vmem>>) semaphore(%dma_start3A_250 : memref<!tpu.dma_semaphore, #tpu.memory_space<semaphore_mem>>) {add = true}
        %add3A_251 = arith.constant 2 : i32
        %add3A_252 = arith.addi %scan3A_198, %add3A_251 : i32
        %lt3A = arith.constant 79 : i32
        %lt3A_253 = arith.cmpi slt, %add3A_252, %lt3A : i32
        %convert_element_type3A_254 = arith.extui %lt3A_253 : i1 to i32
        %cond3A_255 = arith.constant 0 : i32
        %cond3A_256 = arith.cmpi ne, %convert_element_type3A_254, %cond3A_255 : i32
        scf.if %cond3A_256 {
          %ge3A = arith.constant 2 : i32
          %ge3A_257 = arith.cmpi sge, %scan3A_198, %ge3A : i32
          %convert_element_type3A_258 = arith.extui %ge3A_257 : i1 to i32
          %cond3A_259 = arith.constant 2 : i32
          %cond3A_260 = arith.constant 0 : i32
          %cond3A_261 = arith.cmpi ne, %convert_element_type3A_258, %cond3A_260 : i32
          scf.if %cond3A_261 {
            %sub3A = arith.constant 2 : i32
            %sub3A_278 = arith.subi %scan3A_198, %sub3A : i32
            %mul3A_279 = arith.constant 128 : i32
            %mul3A_280 = arith.muli %sub3A_278, %mul3A_279 : i32
            %dma_wait3A_281 = arith.constant 2 : i32
            %dma_wait3A_282 = arith.constant 0 : i32
            %dma_wait3A_283 = arith.constant 0 : i32
            %dma_wait3A_284 = tpu.memref_slice %arg8[%cond3A_259, %dma_wait3A_282, %dma_wait3A_283] : memref<4x128x32xf32, #tpu.memory_space<vmem>> -> memref<1x128x32xf32, #tpu.memory_space<vmem>>
            %dma_wait3A_285 = tpu.memref_squeeze %dma_wait3A_284 : memref<1x128x32xf32, #tpu.memory_space<vmem>> -> memref<128x32xf32, #tpu.memory_space<vmem>>
            %dma_wait3A_286 = tpu.memref_slice %arg7[%mul3A_280] : memref<10112xi32, #tpu.memory_space<vmem>> -> memref<128xi32, #tpu.memory_space<vmem>>
            %dma_wait3A_287 = arith.constant 0 : i32
            %dma_wait3A_288 = arith.constant 0 : i32
            %dma_wait3A_289 = tpu.memref_slice %arg10[%dma_wait3A_287, %dma_wait3A_288] : memref<10112x32xf32, #tpu.memory_space<vmem_shared>> -> memref<10112x32xf32, #tpu.memory_space<vmem_shared>>
            %dma_wait3A_290 = tpu.memref_slice %arg12[%dma_wait3A_281] : memref<4x!tpu.dma_semaphore, #tpu.memory_space<semaphore_mem>> -> memref<1x!tpu.dma_semaphore, #tpu.memory_space<semaphore_mem>>
            %dma_wait3A_291 = tpu.memref_squeeze %dma_wait3A_290 : memref<1x!tpu.dma_semaphore, #tpu.memory_space<semaphore_mem>> -> memref<!tpu.dma_semaphore, #tpu.memory_space<semaphore_mem>>
            tpu.wait_indirect_dma semaphore(%dma_wait3A_291 : memref<!tpu.dma_semaphore, #tpu.memory_space<semaphore_mem>>) src(%dma_wait3A_285 : memref<128x32xf32, #tpu.memory_space<vmem>>) dst(%dma_wait3A_289 : memref<10112x32xf32, #tpu.memory_space<vmem_shared>>)
          } else {
          }
          %add3A_262 = arith.constant 2 : i32
          %add3A_263 = arith.addi %scan3A_198, %add3A_262 : i32
          %mul3A_264 = arith.constant 128 : i32
          %mul3A_265 = arith.muli %add3A_263, %mul3A_264 : i32
          %dma_start3A_266 = arith.constant 2 : i32
          %dma_start3A_267 = arith.constant 2 : i32
          %dma_start3A_268 = arith.constant 0 : i32
          %dma_start3A_269 = arith.constant 0 : i32
          %dma_start3A_270 = tpu.memref_slice %arg8[%dma_start3A_266, %dma_start3A_268, %dma_start3A_269] : memref<4x128x32xf32, #tpu.memory_space<vmem>> -> memref<1x128x32xf32, #tpu.memory_space<vmem>>
          %dma_start3A_271 = tpu.memref_squeeze %dma_start3A_270 : memref<1x128x32xf32, #tpu.memory_space<vmem>> -> memref<128x32xf32, #tpu.memory_space<vmem>>
          %dma_start3A_272 = tpu.memref_slice %arg6[%mul3A_265] : memref<10112xi32, #tpu.memory_space<vmem>> -> memref<128xi32, #tpu.memory_space<vmem>>
          %dma_start3A_273 = arith.constant 0 : i32
          %dma_start3A_274 = arith.constant 0 : i32
          %dma_start3A_275 = tpu.memref_slice %arg9[%dma_start3A_273, %dma_start3A_274] : memref<10112x32xf32, #tpu.memory_space<vmem_shared>> -> memref<10112x32xf32, #tpu.memory_space<vmem_shared>>
          %dma_start3A_276 = tpu.memref_slice %arg11[%dma_start3A_267] : memref<4x!tpu.dma_semaphore, #tpu.memory_space<semaphore_mem>> -> memref<1x!tpu.dma_semaphore, #tpu.memory_space<semaphore_mem>>
          %dma_start3A_277 = tpu.memref_squeeze %dma_start3A_276 : memref<1x!tpu.dma_semaphore, #tpu.memory_space<semaphore_mem>> -> memref<!tpu.dma_semaphore, #tpu.memory_space<semaphore_mem>>
          tpu.enqueue_indirect_dma source(%dma_start3A_275 : memref<10112x32xf32, #tpu.memory_space<vmem_shared>>) target(%dma_start3A_271 : memref<128x32xf32, #tpu.memory_space<vmem>>) offsets(%dma_start3A_272 : memref<128xi32, #tpu.memory_space<vmem>>) semaphore(%dma_start3A_277 : memref<!tpu.dma_semaphore, #tpu.memory_space<semaphore_mem>>)
        } else {
        }
      } else {
      }
      %rem3A_202 = arith.constant 4 : i32
      %rem3A_203 = arith.remsi %scan3A_198, %rem3A_202 : i32
      %eq3A_204 = arith.constant 1 : i32
      %eq3A_205 = arith.cmpi eq, %rem3A_203, %eq3A_204 : i32
      %convert_element_type3A_206 = arith.extui %eq3A_205 : i1 to i32
      %cond3A_207 = arith.constant 0 : i32
      %cond3A_208 = arith.cmpi ne, %convert_element_type3A_206, %cond3A_207 : i32
      scf.if %cond3A_208 {
        %mul3A_223 = arith.constant 128 : i32
        %mul3A_224 = arith.muli %scan3A_198, %mul3A_223 : i32
        %dma_wait3A_225 = arith.constant 1 : i32
        %dma_wait3A_226 = arith.constant 1 : i32
        %dma_wait3A_227 = arith.constant 0 : i32
        %dma_wait3A_228 = arith.constant 0 : i32
        %dma_wait3A_229 = tpu.memref_slice %arg8[%dma_wait3A_225, %dma_wait3A_227, %dma_wait3A_228] : memref<4x128x32xf32, #tpu.memory_space<vmem>> -> memref<1x128x32xf32, #tpu.memory_space<vmem>>
        %dma_wait3A_230 = tpu.memref_squeeze %dma_wait3A_229 : memref<1x128x32xf32, #tpu.memory_space<vmem>> -> memref<128x32xf32, #tpu.memory_space<vmem>>
        %dma_wait3A_231 = tpu.memref_slice %arg6[%mul3A_224] : memref<10112xi32, #tpu.memory_space<vmem>> -> memref<128xi32, #tpu.memory_space<vmem>>
        %dma_wait3A_232 = arith.constant 0 : i32
        %dma_wait3A_233 = arith.constant 0 : i32
        %dma_wait3A_234 = tpu.memref_slice %arg9[%dma_wait3A_232, %dma_wait3A_233] : memref<10112x32xf32, #tpu.memory_space<vmem_shared>> -> memref<10112x32xf32, #tpu.memory_space<vmem_shared>>
        %dma_wait3A_235 = tpu.memref_slice %arg11[%dma_wait3A_226] : memref<4x!tpu.dma_semaphore, #tpu.memory_space<semaphore_mem>> -> memref<1x!tpu.dma_semaphore, #tpu.memory_space<semaphore_mem>>
        %dma_wait3A_236 = tpu.memref_squeeze %dma_wait3A_235 : memref<1x!tpu.dma_semaphore, #tpu.memory_space<semaphore_mem>> -> memref<!tpu.dma_semaphore, #tpu.memory_space<semaphore_mem>>
        tpu.wait_indirect_dma semaphore(%dma_wait3A_236 : memref<!tpu.dma_semaphore, #tpu.memory_space<semaphore_mem>>) src(%dma_wait3A_234 : memref<10112x32xf32, #tpu.memory_space<vmem_shared>>) dst(%dma_wait3A_230 : memref<128x32xf32, #tpu.memory_space<vmem>>)
        %mul3A_237 = arith.constant 128 : i32
        %mul3A_238 = arith.muli %scan3A_198, %mul3A_237 : i32
        %dma_start3A_239 = arith.constant 1 : i32
        %dma_start3A_240 = arith.constant 1 : i32
        %dma_start3A_241 = arith.constant 0 : i32
        %dma_start3A_242 = arith.constant 0 : i32
        %dma_start3A_243 = tpu.memref_slice %arg8[%dma_start3A_239, %dma_start3A_241, %dma_start3A_242] : memref<4x128x32xf32, #tpu.memory_space<vmem>> -> memref<1x128x32xf32, #tpu.memory_space<vmem>>
        %dma_start3A_244 = tpu.memref_squeeze %dma_start3A_243 : memref<1x128x32xf32, #tpu.memory_space<vmem>> -> memref<128x32xf32, #tpu.memory_space<vmem>>
        %dma_start3A_245 = tpu.memref_slice %arg7[%mul3A_238] : memref<10112xi32, #tpu.memory_space<vmem>> -> memref<128xi32, #tpu.memory_space<vmem>>
        %dma_start3A_246 = arith.constant 0 : i32
        %dma_start3A_247 = arith.constant 0 : i32
        %dma_start3A_248 = tpu.memref_slice %arg10[%dma_start3A_246, %dma_start3A_247] : memref<10112x32xf32, #tpu.memory_space<vmem_shared>> -> memref<10112x32xf32, #tpu.memory_space<vmem_shared>>
        %dma_start3A_249 = tpu.memref_slice %arg12[%dma_start3A_240] : memref<4x!tpu.dma_semaphore, #tpu.memory_space<semaphore_mem>> -> memref<1x!tpu.dma_semaphore, #tpu.memory_space<semaphore_mem>>
        %dma_start3A_250 = tpu.memref_squeeze %dma_start3A_249 : memref<1x!tpu.dma_semaphore, #tpu.memory_space<semaphore_mem>> -> memref<!tpu.dma_semaphore, #tpu.memory_space<semaphore_mem>>
        tpu.enqueue_indirect_dma source(%dma_start3A_244 : memref<128x32xf32, #tpu.memory_space<vmem>>) target(%dma_start3A_248 : memref<10112x32xf32, #tpu.memory_space<vmem_shared>>) offsets(%dma_start3A_245 : memref<128xi32, #tpu.memory_space<vmem>>) semaphore(%dma_start3A_250 : memref<!tpu.dma_semaphore, #tpu.memory_space<semaphore_mem>>) {add = true}
        %add3A_251 = arith.constant 2 : i32
        %add3A_252 = arith.addi %scan3A_198, %add3A_251 : i32
        %lt3A = arith.constant 79 : i32
        %lt3A_253 = arith.cmpi slt, %add3A_252, %lt3A : i32
        %convert_element_type3A_254 = arith.extui %lt3A_253 : i1 to i32
        %cond3A_255 = arith.constant 0 : i32
        %cond3A_256 = arith.cmpi ne, %convert_element_type3A_254, %cond3A_255 : i32
        scf.if %cond3A_256 {
          %ge3A = arith.constant 2 : i32
          %ge3A_257 = arith.cmpi sge, %scan3A_198, %ge3A : i32
          %convert_element_type3A_258 = arith.extui %ge3A_257 : i1 to i32
          %cond3A_259 = arith.constant 3 : i32
          %cond3A_260 = arith.constant 0 : i32
          %cond3A_261 = arith.cmpi ne, %convert_element_type3A_258, %cond3A_260 : i32
          scf.if %cond3A_261 {
            %sub3A = arith.constant 2 : i32
            %sub3A_278 = arith.subi %scan3A_198, %sub3A : i32
            %mul3A_279 = arith.constant 128 : i32
            %mul3A_280 = arith.muli %sub3A_278, %mul3A_279 : i32
            %dma_wait3A_281 = arith.constant 3 : i32
            %dma_wait3A_282 = arith.constant 0 : i32
            %dma_wait3A_283 = arith.constant 0 : i32
            %dma_wait3A_284 = tpu.memref_slice %arg8[%cond3A_259, %dma_wait3A_282, %dma_wait3A_283] : memref<4x128x32xf32, #tpu.memory_space<vmem>> -> memref<1x128x32xf32, #tpu.memory_space<vmem>>
            %dma_wait3A_285 = tpu.memref_squeeze %dma_wait3A_284 : memref<1x128x32xf32, #tpu.memory_space<vmem>> -> memref<128x32xf32, #tpu.memory_space<vmem>>
            %dma_wait3A_286 = tpu.memref_slice %arg7[%mul3A_280] : memref<10112xi32, #tpu.memory_space<vmem>> -> memref<128xi32, #tpu.memory_space<vmem>>
            %dma_wait3A_287 = arith.constant 0 : i32
            %dma_wait3A_288 = arith.constant 0 : i32
            %dma_wait3A_289 = tpu.memref_slice %arg10[%dma_wait3A_287, %dma_wait3A_288] : memref<10112x32xf32, #tpu.memory_space<vmem_shared>> -> memref<10112x32xf32, #tpu.memory_space<vmem_shared>>
            %dma_wait3A_290 = tpu.memref_slice %arg12[%dma_wait3A_281] : memref<4x!tpu.dma_semaphore, #tpu.memory_space<semaphore_mem>> -> memref<1x!tpu.dma_semaphore, #tpu.memory_space<semaphore_mem>>
            %dma_wait3A_291 = tpu.memref_squeeze %dma_wait3A_290 : memref<1x!tpu.dma_semaphore, #tpu.memory_space<semaphore_mem>> -> memref<!tpu.dma_semaphore, #tpu.memory_space<semaphore_mem>>
            tpu.wait_indirect_dma semaphore(%dma_wait3A_291 : memref<!tpu.dma_semaphore, #tpu.memory_space<semaphore_mem>>) src(%dma_wait3A_285 : memref<128x32xf32, #tpu.memory_space<vmem>>) dst(%dma_wait3A_289 : memref<10112x32xf32, #tpu.memory_space<vmem_shared>>)
          } else {
          }
          %add3A_262 = arith.constant 2 : i32
          %add3A_263 = arith.addi %scan3A_198, %add3A_262 : i32
          %mul3A_264 = arith.constant 128 : i32
          %mul3A_265 = arith.muli %add3A_263, %mul3A_264 : i32
          %dma_start3A_266 = arith.constant 3 : i32
          %dma_start3A_267 = arith.constant 3 : i32
          %dma_start3A_268 = arith.constant 0 : i32
          %dma_start3A_269 = arith.constant 0 : i32
          %dma_start3A_270 = tpu.memref_slice %arg8[%dma_start3A_266, %dma_start3A_268, %dma_start3A_269] : memref<4x128x32xf32, #tpu.memory_space<vmem>> -> memref<1x128x32xf32, #tpu.memory_space<vmem>>
          %dma_start3A_271 = tpu.memref_squeeze %dma_start3A_270 : memref<1x128x32xf32, #tpu.memory_space<vmem>> -> memref<128x32xf32, #tpu.memory_space<vmem>>
          %dma_start3A_272 = tpu.memref_slice %arg6[%mul3A_265] : memref<10112xi32, #tpu.memory_space<vmem>> -> memref<128xi32, #tpu.memory_space<vmem>>
          %dma_start3A_273 = arith.constant 0 : i32
          %dma_start3A_274 = arith.constant 0 : i32
          %dma_start3A_275 = tpu.memref_slice %arg9[%dma_start3A_273, %dma_start3A_274] : memref<10112x32xf32, #tpu.memory_space<vmem_shared>> -> memref<10112x32xf32, #tpu.memory_space<vmem_shared>>
          %dma_start3A_276 = tpu.memref_slice %arg11[%dma_start3A_267] : memref<4x!tpu.dma_semaphore, #tpu.memory_space<semaphore_mem>> -> memref<1x!tpu.dma_semaphore, #tpu.memory_space<semaphore_mem>>
          %dma_start3A_277 = tpu.memref_squeeze %dma_start3A_276 : memref<1x!tpu.dma_semaphore, #tpu.memory_space<semaphore_mem>> -> memref<!tpu.dma_semaphore, #tpu.memory_space<semaphore_mem>>
          tpu.enqueue_indirect_dma source(%dma_start3A_275 : memref<10112x32xf32, #tpu.memory_space<vmem_shared>>) target(%dma_start3A_271 : memref<128x32xf32, #tpu.memory_space<vmem>>) offsets(%dma_start3A_272 : memref<128xi32, #tpu.memory_space<vmem>>) semaphore(%dma_start3A_277 : memref<!tpu.dma_semaphore, #tpu.memory_space<semaphore_mem>>)
        } else {
        }
      } else {
      }
      %rem3A_209 = arith.constant 4 : i32
      %rem3A_210 = arith.remsi %scan3A_198, %rem3A_209 : i32
      %eq3A_211 = arith.constant 2 : i32
      %eq3A_212 = arith.cmpi eq, %rem3A_210, %eq3A_211 : i32
      %convert_element_type3A_213 = arith.extui %eq3A_212 : i1 to i32
      %cond3A_214 = arith.constant 0 : i32
      %cond3A_215 = arith.cmpi ne, %convert_element_type3A_213, %cond3A_214 : i32
      scf.if %cond3A_215 {
        %mul3A_223 = arith.constant 128 : i32
        %mul3A_224 = arith.muli %scan3A_198, %mul3A_223 : i32
        %dma_wait3A_225 = arith.constant 2 : i32
        %dma_wait3A_226 = arith.constant 2 : i32
        %dma_wait3A_227 = arith.constant 0 : i32
        %dma_wait3A_228 = arith.constant 0 : i32
        %dma_wait3A_229 = tpu.memref_slice %arg8[%dma_wait3A_225, %dma_wait3A_227, %dma_wait3A_228] : memref<4x128x32xf32, #tpu.memory_space<vmem>> -> memref<1x128x32xf32, #tpu.memory_space<vmem>>
        %dma_wait3A_230 = tpu.memref_squeeze %dma_wait3A_229 : memref<1x128x32xf32, #tpu.memory_space<vmem>> -> memref<128x32xf32, #tpu.memory_space<vmem>>
        %dma_wait3A_231 = tpu.memref_slice %arg6[%mul3A_224] : memref<10112xi32, #tpu.memory_space<vmem>> -> memref<128xi32, #tpu.memory_space<vmem>>
        %dma_wait3A_232 = arith.constant 0 : i32
        %dma_wait3A_233 = arith.constant 0 : i32
        %dma_wait3A_234 = tpu.memref_slice %arg9[%dma_wait3A_232, %dma_wait3A_233] : memref<10112x32xf32, #tpu.memory_space<vmem_shared>> -> memref<10112x32xf32, #tpu.memory_space<vmem_shared>>
        %dma_wait3A_235 = tpu.memref_slice %arg11[%dma_wait3A_226] : memref<4x!tpu.dma_semaphore, #tpu.memory_space<semaphore_mem>> -> memref<1x!tpu.dma_semaphore, #tpu.memory_space<semaphore_mem>>
        %dma_wait3A_236 = tpu.memref_squeeze %dma_wait3A_235 : memref<1x!tpu.dma_semaphore, #tpu.memory_space<semaphore_mem>> -> memref<!tpu.dma_semaphore, #tpu.memory_space<semaphore_mem>>
        tpu.wait_indirect_dma semaphore(%dma_wait3A_236 : memref<!tpu.dma_semaphore, #tpu.memory_space<semaphore_mem>>) src(%dma_wait3A_234 : memref<10112x32xf32, #tpu.memory_space<vmem_shared>>) dst(%dma_wait3A_230 : memref<128x32xf32, #tpu.memory_space<vmem>>)
        %mul3A_237 = arith.constant 128 : i32
        %mul3A_238 = arith.muli %scan3A_198, %mul3A_237 : i32
        %dma_start3A_239 = arith.constant 2 : i32
        %dma_start3A_240 = arith.constant 2 : i32
        %dma_start3A_241 = arith.constant 0 : i32
        %dma_start3A_242 = arith.constant 0 : i32
        %dma_start3A_243 = tpu.memref_slice %arg8[%dma_start3A_239, %dma_start3A_241, %dma_start3A_242] : memref<4x128x32xf32, #tpu.memory_space<vmem>> -> memref<1x128x32xf32, #tpu.memory_space<vmem>>
        %dma_start3A_244 = tpu.memref_squeeze %dma_start3A_243 : memref<1x128x32xf32, #tpu.memory_space<vmem>> -> memref<128x32xf32, #tpu.memory_space<vmem>>
        %dma_start3A_245 = tpu.memref_slice %arg7[%mul3A_238] : memref<10112xi32, #tpu.memory_space<vmem>> -> memref<128xi32, #tpu.memory_space<vmem>>
        %dma_start3A_246 = arith.constant 0 : i32
        %dma_start3A_247 = arith.constant 0 : i32
        %dma_start3A_248 = tpu.memref_slice %arg10[%dma_start3A_246, %dma_start3A_247] : memref<10112x32xf32, #tpu.memory_space<vmem_shared>> -> memref<10112x32xf32, #tpu.memory_space<vmem_shared>>
        %dma_start3A_249 = tpu.memref_slice %arg12[%dma_start3A_240] : memref<4x!tpu.dma_semaphore, #tpu.memory_space<semaphore_mem>> -> memref<1x!tpu.dma_semaphore, #tpu.memory_space<semaphore_mem>>
        %dma_start3A_250 = tpu.memref_squeeze %dma_start3A_249 : memref<1x!tpu.dma_semaphore, #tpu.memory_space<semaphore_mem>> -> memref<!tpu.dma_semaphore, #tpu.memory_space<semaphore_mem>>
        tpu.enqueue_indirect_dma source(%dma_start3A_244 : memref<128x32xf32, #tpu.memory_space<vmem>>) target(%dma_start3A_248 : memref<10112x32xf32, #tpu.memory_space<vmem_shared>>) offsets(%dma_start3A_245 : memref<128xi32, #tpu.memory_space<vmem>>) semaphore(%dma_start3A_250 : memref<!tpu.dma_semaphore, #tpu.memory_space<semaphore_mem>>) {add = true}
        %add3A_251 = arith.constant 2 : i32
        %add3A_252 = arith.addi %scan3A_198, %add3A_251 : i32
        %lt3A = arith.constant 79 : i32
        %lt3A_253 = arith.cmpi slt, %add3A_252, %lt3A : i32
        %convert_element_type3A_254 = arith.extui %lt3A_253 : i1 to i32
        %cond3A_255 = arith.constant 0 : i32
        %cond3A_256 = arith.cmpi ne, %convert_element_type3A_254, %cond3A_255 : i32
        scf.if %cond3A_256 {
          %ge3A = arith.constant 2 : i32
          %ge3A_257 = arith.cmpi sge, %scan3A_198, %ge3A : i32
          %convert_element_type3A_258 = arith.extui %ge3A_257 : i1 to i32
          %cond3A_259 = arith.constant 0 : i32
          %cond3A_260 = arith.constant 0 : i32
          %cond3A_261 = arith.cmpi ne, %convert_element_type3A_258, %cond3A_260 : i32
          scf.if %cond3A_261 {
            %sub3A = arith.constant 2 : i32
            %sub3A_278 = arith.subi %scan3A_198, %sub3A : i32
            %mul3A_279 = arith.constant 128 : i32
            %mul3A_280 = arith.muli %sub3A_278, %mul3A_279 : i32
            %dma_wait3A_281 = arith.constant 0 : i32
            %dma_wait3A_282 = arith.constant 0 : i32
            %dma_wait3A_283 = arith.constant 0 : i32
            %dma_wait3A_284 = tpu.memref_slice %arg8[%cond3A_259, %dma_wait3A_282, %dma_wait3A_283] : memref<4x128x32xf32, #tpu.memory_space<vmem>> -> memref<1x128x32xf32, #tpu.memory_space<vmem>>
            %dma_wait3A_285 = tpu.memref_squeeze %dma_wait3A_284 : memref<1x128x32xf32, #tpu.memory_space<vmem>> -> memref<128x32xf32, #tpu.memory_space<vmem>>
            %dma_wait3A_286 = tpu.memref_slice %arg7[%mul3A_280] : memref<10112xi32, #tpu.memory_space<vmem>> -> memref<128xi32, #tpu.memory_space<vmem>>
            %dma_wait3A_287 = arith.constant 0 : i32
            %dma_wait3A_288 = arith.constant 0 : i32
            %dma_wait3A_289 = tpu.memref_slice %arg10[%dma_wait3A_287, %dma_wait3A_288] : memref<10112x32xf32, #tpu.memory_space<vmem_shared>> -> memref<10112x32xf32, #tpu.memory_space<vmem_shared>>
            %dma_wait3A_290 = tpu.memref_slice %arg12[%dma_wait3A_281] : memref<4x!tpu.dma_semaphore, #tpu.memory_space<semaphore_mem>> -> memref<1x!tpu.dma_semaphore, #tpu.memory_space<semaphore_mem>>
            %dma_wait3A_291 = tpu.memref_squeeze %dma_wait3A_290 : memref<1x!tpu.dma_semaphore, #tpu.memory_space<semaphore_mem>> -> memref<!tpu.dma_semaphore, #tpu.memory_space<semaphore_mem>>
            tpu.wait_indirect_dma semaphore(%dma_wait3A_291 : memref<!tpu.dma_semaphore, #tpu.memory_space<semaphore_mem>>) src(%dma_wait3A_285 : memref<128x32xf32, #tpu.memory_space<vmem>>) dst(%dma_wait3A_289 : memref<10112x32xf32, #tpu.memory_space<vmem_shared>>)
          } else {
          }
          %add3A_262 = arith.constant 2 : i32
          %add3A_263 = arith.addi %scan3A_198, %add3A_262 : i32
          %mul3A_264 = arith.constant 128 : i32
          %mul3A_265 = arith.muli %add3A_263, %mul3A_264 : i32
          %dma_start3A_266 = arith.constant 0 : i32
          %dma_start3A_267 = arith.constant 0 : i32
          %dma_start3A_268 = arith.constant 0 : i32
          %dma_start3A_269 = arith.constant 0 : i32
          %dma_start3A_270 = tpu.memref_slice %arg8[%dma_start3A_266, %dma_start3A_268, %dma_start3A_269] : memref<4x128x32xf32, #tpu.memory_space<vmem>> -> memref<1x128x32xf32, #tpu.memory_space<vmem>>
          %dma_start3A_271 = tpu.memref_squeeze %dma_start3A_270 : memref<1x128x32xf32, #tpu.memory_space<vmem>> -> memref<128x32xf32, #tpu.memory_space<vmem>>
          %dma_start3A_272 = tpu.memref_slice %arg6[%mul3A_265] : memref<10112xi32, #tpu.memory_space<vmem>> -> memref<128xi32, #tpu.memory_space<vmem>>
          %dma_start3A_273 = arith.constant 0 : i32
          %dma_start3A_274 = arith.constant 0 : i32
          %dma_start3A_275 = tpu.memref_slice %arg9[%dma_start3A_273, %dma_start3A_274] : memref<10112x32xf32, #tpu.memory_space<vmem_shared>> -> memref<10112x32xf32, #tpu.memory_space<vmem_shared>>
          %dma_start3A_276 = tpu.memref_slice %arg11[%dma_start3A_267] : memref<4x!tpu.dma_semaphore, #tpu.memory_space<semaphore_mem>> -> memref<1x!tpu.dma_semaphore, #tpu.memory_space<semaphore_mem>>
          %dma_start3A_277 = tpu.memref_squeeze %dma_start3A_276 : memref<1x!tpu.dma_semaphore, #tpu.memory_space<semaphore_mem>> -> memref<!tpu.dma_semaphore, #tpu.memory_space<semaphore_mem>>
          tpu.enqueue_indirect_dma source(%dma_start3A_275 : memref<10112x32xf32, #tpu.memory_space<vmem_shared>>) target(%dma_start3A_271 : memref<128x32xf32, #tpu.memory_space<vmem>>) offsets(%dma_start3A_272 : memref<128xi32, #tpu.memory_space<vmem>>) semaphore(%dma_start3A_277 : memref<!tpu.dma_semaphore, #tpu.memory_space<semaphore_mem>>)
        } else {
        }
      } else {
      }
      %rem3A_216 = arith.constant 4 : i32
      %rem3A_217 = arith.remsi %scan3A_198, %rem3A_216 : i32
      %eq3A_218 = arith.constant 3 : i32
      %eq3A_219 = arith.cmpi eq, %rem3A_217, %eq3A_218 : i32
      %convert_element_type3A_220 = arith.extui %eq3A_219 : i1 to i32
      %cond3A_221 = arith.constant 0 : i32
      %cond3A_222 = arith.cmpi ne, %convert_element_type3A_220, %cond3A_221 : i32
      scf.if %cond3A_222 {
        %mul3A_223 = arith.constant 128 : i32
        %mul3A_224 = arith.muli %scan3A_198, %mul3A_223 : i32
        %dma_wait3A_225 = arith.constant 3 : i32
        %dma_wait3A_226 = arith.constant 3 : i32
        %dma_wait3A_227 = arith.constant 0 : i32
        %dma_wait3A_228 = arith.constant 0 : i32
        %dma_wait3A_229 = tpu.memref_slice %arg8[%dma_wait3A_225, %dma_wait3A_227, %dma_wait3A_228] : memref<4x128x32xf32, #tpu.memory_space<vmem>> -> memref<1x128x32xf32, #tpu.memory_space<vmem>>
        %dma_wait3A_230 = tpu.memref_squeeze %dma_wait3A_229 : memref<1x128x32xf32, #tpu.memory_space<vmem>> -> memref<128x32xf32, #tpu.memory_space<vmem>>
        %dma_wait3A_231 = tpu.memref_slice %arg6[%mul3A_224] : memref<10112xi32, #tpu.memory_space<vmem>> -> memref<128xi32, #tpu.memory_space<vmem>>
        %dma_wait3A_232 = arith.constant 0 : i32
        %dma_wait3A_233 = arith.constant 0 : i32
        %dma_wait3A_234 = tpu.memref_slice %arg9[%dma_wait3A_232, %dma_wait3A_233] : memref<10112x32xf32, #tpu.memory_space<vmem_shared>> -> memref<10112x32xf32, #tpu.memory_space<vmem_shared>>
        %dma_wait3A_235 = tpu.memref_slice %arg11[%dma_wait3A_226] : memref<4x!tpu.dma_semaphore, #tpu.memory_space<semaphore_mem>> -> memref<1x!tpu.dma_semaphore, #tpu.memory_space<semaphore_mem>>
        %dma_wait3A_236 = tpu.memref_squeeze %dma_wait3A_235 : memref<1x!tpu.dma_semaphore, #tpu.memory_space<semaphore_mem>> -> memref<!tpu.dma_semaphore, #tpu.memory_space<semaphore_mem>>
        tpu.wait_indirect_dma semaphore(%dma_wait3A_236 : memref<!tpu.dma_semaphore, #tpu.memory_space<semaphore_mem>>) src(%dma_wait3A_234 : memref<10112x32xf32, #tpu.memory_space<vmem_shared>>) dst(%dma_wait3A_230 : memref<128x32xf32, #tpu.memory_space<vmem>>)
        %mul3A_237 = arith.constant 128 : i32
        %mul3A_238 = arith.muli %scan3A_198, %mul3A_237 : i32
        %dma_start3A_239 = arith.constant 3 : i32
        %dma_start3A_240 = arith.constant 3 : i32
        %dma_start3A_241 = arith.constant 0 : i32
        %dma_start3A_242 = arith.constant 0 : i32
        %dma_start3A_243 = tpu.memref_slice %arg8[%dma_start3A_239, %dma_start3A_241, %dma_start3A_242] : memref<4x128x32xf32, #tpu.memory_space<vmem>> -> memref<1x128x32xf32, #tpu.memory_space<vmem>>
        %dma_start3A_244 = tpu.memref_squeeze %dma_start3A_243 : memref<1x128x32xf32, #tpu.memory_space<vmem>> -> memref<128x32xf32, #tpu.memory_space<vmem>>
        %dma_start3A_245 = tpu.memref_slice %arg7[%mul3A_238] : memref<10112xi32, #tpu.memory_space<vmem>> -> memref<128xi32, #tpu.memory_space<vmem>>
        %dma_start3A_246 = arith.constant 0 : i32
        %dma_start3A_247 = arith.constant 0 : i32
        %dma_start3A_248 = tpu.memref_slice %arg10[%dma_start3A_246, %dma_start3A_247] : memref<10112x32xf32, #tpu.memory_space<vmem_shared>> -> memref<10112x32xf32, #tpu.memory_space<vmem_shared>>
        %dma_start3A_249 = tpu.memref_slice %arg12[%dma_start3A_240] : memref<4x!tpu.dma_semaphore, #tpu.memory_space<semaphore_mem>> -> memref<1x!tpu.dma_semaphore, #tpu.memory_space<semaphore_mem>>
        %dma_start3A_250 = tpu.memref_squeeze %dma_start3A_249 : memref<1x!tpu.dma_semaphore, #tpu.memory_space<semaphore_mem>> -> memref<!tpu.dma_semaphore, #tpu.memory_space<semaphore_mem>>
        tpu.enqueue_indirect_dma source(%dma_start3A_244 : memref<128x32xf32, #tpu.memory_space<vmem>>) target(%dma_start3A_248 : memref<10112x32xf32, #tpu.memory_space<vmem_shared>>) offsets(%dma_start3A_245 : memref<128xi32, #tpu.memory_space<vmem>>) semaphore(%dma_start3A_250 : memref<!tpu.dma_semaphore, #tpu.memory_space<semaphore_mem>>) {add = true}
        %add3A_251 = arith.constant 2 : i32
        %add3A_252 = arith.addi %scan3A_198, %add3A_251 : i32
        %lt3A = arith.constant 79 : i32
        %lt3A_253 = arith.cmpi slt, %add3A_252, %lt3A : i32
        %convert_element_type3A_254 = arith.extui %lt3A_253 : i1 to i32
        %cond3A_255 = arith.constant 0 : i32
        %cond3A_256 = arith.cmpi ne, %convert_element_type3A_254, %cond3A_255 : i32
        scf.if %cond3A_256 {
          %ge3A = arith.constant 2 : i32
          %ge3A_257 = arith.cmpi sge, %scan3A_198, %ge3A : i32
          %convert_element_type3A_258 = arith.extui %ge3A_257 : i1 to i32
          %cond3A_259 = arith.constant 1 : i32
          %cond3A_260 = arith.constant 0 : i32
          %cond3A_261 = arith.cmpi ne, %convert_element_type3A_258, %cond3A_260 : i32
          scf.if %cond3A_261 {
            %sub3A = arith.constant 2 : i32
            %sub3A_278 = arith.subi %scan3A_198, %sub3A : i32
            %mul3A_279 = arith.constant 128 : i32
            %mul3A_280 = arith.muli %sub3A_278, %mul3A_279 : i32
            %dma_wait3A_281 = arith.constant 1 : i32
            %dma_wait3A_282 = arith.constant 0 : i32
            %dma_wait3A_283 = arith.constant 0 : i32
            %dma_wait3A_284 = tpu.memref_slice %arg8[%cond3A_259, %dma_wait3A_282, %dma_wait3A_283] : memref<4x128x32xf32, #tpu.memory_space<vmem>> -> memref<1x128x32xf32, #tpu.memory_space<vmem>>
            %dma_wait3A_285 = tpu.memref_squeeze %dma_wait3A_284 : memref<1x128x32xf32, #tpu.memory_space<vmem>> -> memref<128x32xf32, #tpu.memory_space<vmem>>
            %dma_wait3A_286 = tpu.memref_slice %arg7[%mul3A_280] : memref<10112xi32, #tpu.memory_space<vmem>> -> memref<128xi32, #tpu.memory_space<vmem>>
            %dma_wait3A_287 = arith.constant 0 : i32
            %dma_wait3A_288 = arith.constant 0 : i32
            %dma_wait3A_289 = tpu.memref_slice %arg10[%dma_wait3A_287, %dma_wait3A_288] : memref<10112x32xf32, #tpu.memory_space<vmem_shared>> -> memref<10112x32xf32, #tpu.memory_space<vmem_shared>>
            %dma_wait3A_290 = tpu.memref_slice %arg12[%dma_wait3A_281] : memref<4x!tpu.dma_semaphore, #tpu.memory_space<semaphore_mem>> -> memref<1x!tpu.dma_semaphore, #tpu.memory_space<semaphore_mem>>
            %dma_wait3A_291 = tpu.memref_squeeze %dma_wait3A_290 : memref<1x!tpu.dma_semaphore, #tpu.memory_space<semaphore_mem>> -> memref<!tpu.dma_semaphore, #tpu.memory_space<semaphore_mem>>
            tpu.wait_indirect_dma semaphore(%dma_wait3A_291 : memref<!tpu.dma_semaphore, #tpu.memory_space<semaphore_mem>>) src(%dma_wait3A_285 : memref<128x32xf32, #tpu.memory_space<vmem>>) dst(%dma_wait3A_289 : memref<10112x32xf32, #tpu.memory_space<vmem_shared>>)
          } else {
          }
          %add3A_262 = arith.constant 2 : i32
          %add3A_263 = arith.addi %scan3A_198, %add3A_262 : i32
          %mul3A_264 = arith.constant 128 : i32
          %mul3A_265 = arith.muli %add3A_263, %mul3A_264 : i32
          %dma_start3A_266 = arith.constant 1 : i32
          %dma_start3A_267 = arith.constant 1 : i32
          %dma_start3A_268 = arith.constant 0 : i32
          %dma_start3A_269 = arith.constant 0 : i32
          %dma_start3A_270 = tpu.memref_slice %arg8[%dma_start3A_266, %dma_start3A_268, %dma_start3A_269] : memref<4x128x32xf32, #tpu.memory_space<vmem>> -> memref<1x128x32xf32, #tpu.memory_space<vmem>>
          %dma_start3A_271 = tpu.memref_squeeze %dma_start3A_270 : memref<1x128x32xf32, #tpu.memory_space<vmem>> -> memref<128x32xf32, #tpu.memory_space<vmem>>
          %dma_start3A_272 = tpu.memref_slice %arg6[%mul3A_265] : memref<10112xi32, #tpu.memory_space<vmem>> -> memref<128xi32, #tpu.memory_space<vmem>>
          %dma_start3A_273 = arith.constant 0 : i32
          %dma_start3A_274 = arith.constant 0 : i32
          %dma_start3A_275 = tpu.memref_slice %arg9[%dma_start3A_273, %dma_start3A_274] : memref<10112x32xf32, #tpu.memory_space<vmem_shared>> -> memref<10112x32xf32, #tpu.memory_space<vmem_shared>>
          %dma_start3A_276 = tpu.memref_slice %arg11[%dma_start3A_267] : memref<4x!tpu.dma_semaphore, #tpu.memory_space<semaphore_mem>> -> memref<1x!tpu.dma_semaphore, #tpu.memory_space<semaphore_mem>>
          %dma_start3A_277 = tpu.memref_squeeze %dma_start3A_276 : memref<1x!tpu.dma_semaphore, #tpu.memory_space<semaphore_mem>> -> memref<!tpu.dma_semaphore, #tpu.memory_space<semaphore_mem>>
          tpu.enqueue_indirect_dma source(%dma_start3A_275 : memref<10112x32xf32, #tpu.memory_space<vmem_shared>>) target(%dma_start3A_271 : memref<128x32xf32, #tpu.memory_space<vmem>>) offsets(%dma_start3A_272 : memref<128xi32, #tpu.memory_space<vmem>>) semaphore(%dma_start3A_277 : memref<!tpu.dma_semaphore, #tpu.memory_space<semaphore_mem>>)
        } else {
        }
      } else {
      }
    }
    %scan3A_138 = arith.constant 79 : i32
    %dma_wait3A_139 = arith.constant 3 : i32
    %dma_wait3A_140 = arith.constant 3 : i32
    %dma_wait3A_141 = arith.constant 0 : i32
    %dma_wait3A_142 = arith.constant 0 : i32
    %dma_wait3A_143 = tpu.memref_slice %arg8[%dma_wait3A_139, %dma_wait3A_141, %dma_wait3A_142] : memref<4x128x32xf32, #tpu.memory_space<vmem>> -> memref<1x128x32xf32, #tpu.memory_space<vmem>>
    %dma_wait3A_144 = tpu.memref_squeeze %dma_wait3A_143 : memref<1x128x32xf32, #tpu.memory_space<vmem>> -> memref<128x32xf32, #tpu.memory_space<vmem>>
    %dma_wait3A_145 = arith.constant 9600 : i32
    %dma_wait3A_146 = tpu.memref_slice %arg7[%dma_wait3A_145] : memref<10112xi32, #tpu.memory_space<vmem>> -> memref<128xi32, #tpu.memory_space<vmem>>
    %dma_wait3A_147 = arith.constant 0 : i32
    %dma_wait3A_148 = arith.constant 0 : i32
    %dma_wait3A_149 = tpu.memref_slice %arg10[%dma_wait3A_147, %dma_wait3A_148] : memref<10112x32xf32, #tpu.memory_space<vmem_shared>> -> memref<10112x32xf32, #tpu.memory_space<vmem_shared>>
    %dma_wait3A_150 = tpu.memref_slice %arg12[%dma_wait3A_140] : memref<4x!tpu.dma_semaphore, #tpu.memory_space<semaphore_mem>> -> memref<1x!tpu.dma_semaphore, #tpu.memory_space<semaphore_mem>>
    %dma_wait3A_151 = tpu.memref_squeeze %dma_wait3A_150 : memref<1x!tpu.dma_semaphore, #tpu.memory_space<semaphore_mem>> -> memref<!tpu.dma_semaphore, #tpu.memory_space<semaphore_mem>>
    tpu.wait_indirect_dma semaphore(%dma_wait3A_151 : memref<!tpu.dma_semaphore, #tpu.memory_space<semaphore_mem>>) src(%dma_wait3A_144 : memref<128x32xf32, #tpu.memory_space<vmem>>) dst(%dma_wait3A_149 : memref<10112x32xf32, #tpu.memory_space<vmem_shared>>)
    %dma_wait3A_152 = arith.constant 0 : i32
    %dma_wait3A_153 = arith.constant 0 : i32
    %dma_wait3A_154 = arith.constant 0 : i32
    %dma_wait3A_155 = arith.constant 0 : i32
    %dma_wait3A_156 = tpu.memref_slice %arg8[%dma_wait3A_152, %dma_wait3A_154, %dma_wait3A_155] : memref<4x128x32xf32, #tpu.memory_space<vmem>> -> memref<1x128x32xf32, #tpu.memory_space<vmem>>
    %dma_wait3A_157 = tpu.memref_squeeze %dma_wait3A_156 : memref<1x128x32xf32, #tpu.memory_space<vmem>> -> memref<128x32xf32, #tpu.memory_space<vmem>>
    %dma_wait3A_158 = arith.constant 9728 : i32
    %dma_wait3A_159 = tpu.memref_slice %arg7[%dma_wait3A_158] : memref<10112xi32, #tpu.memory_space<vmem>> -> memref<128xi32, #tpu.memory_space<vmem>>
    %dma_wait3A_160 = arith.constant 0 : i32
    %dma_wait3A_161 = arith.constant 0 : i32
    %dma_wait3A_162 = tpu.memref_slice %arg10[%dma_wait3A_160, %dma_wait3A_161] : memref<10112x32xf32, #tpu.memory_space<vmem_shared>> -> memref<10112x32xf32, #tpu.memory_space<vmem_shared>>
    %dma_wait3A_163 = tpu.memref_slice %arg12[%dma_wait3A_153] : memref<4x!tpu.dma_semaphore, #tpu.memory_space<semaphore_mem>> -> memref<1x!tpu.dma_semaphore, #tpu.memory_space<semaphore_mem>>
    %dma_wait3A_164 = tpu.memref_squeeze %dma_wait3A_163 : memref<1x!tpu.dma_semaphore, #tpu.memory_space<semaphore_mem>> -> memref<!tpu.dma_semaphore, #tpu.memory_space<semaphore_mem>>
    tpu.wait_indirect_dma semaphore(%dma_wait3A_164 : memref<!tpu.dma_semaphore, #tpu.memory_space<semaphore_mem>>) src(%dma_wait3A_157 : memref<128x32xf32, #tpu.memory_space<vmem>>) dst(%dma_wait3A_162 : memref<10112x32xf32, #tpu.memory_space<vmem_shared>>)
    %dma_wait3A_165 = arith.constant 1 : i32
    %dma_wait3A_166 = arith.constant 1 : i32
    %dma_wait3A_167 = arith.constant 0 : i32
    %dma_wait3A_168 = arith.constant 0 : i32
    %dma_wait3A_169 = tpu.memref_slice %arg8[%dma_wait3A_165, %dma_wait3A_167, %dma_wait3A_168] : memref<4x128x32xf32, #tpu.memory_space<vmem>> -> memref<1x128x32xf32, #tpu.memory_space<vmem>>
    %dma_wait3A_170 = tpu.memref_squeeze %dma_wait3A_169 : memref<1x128x32xf32, #tpu.memory_space<vmem>> -> memref<128x32xf32, #tpu.memory_space<vmem>>
    %dma_wait3A_171 = arith.constant 9856 : i32
    %dma_wait3A_172 = tpu.memref_slice %arg7[%dma_wait3A_171] : memref<10112xi32, #tpu.memory_space<vmem>> -> memref<128xi32, #tpu.memory_space<vmem>>
    %dma_wait3A_173 = arith.constant 0 : i32
    %dma_wait3A_174 = arith.constant 0 : i32
    %dma_wait3A_175 = tpu.memref_slice %arg10[%dma_wait3A_173, %dma_wait3A_174] : memref<10112x32xf32, #tpu.memory_space<vmem_shared>> -> memref<10112x32xf32, #tpu.memory_space<vmem_shared>>
    %dma_wait3A_176 = tpu.memref_slice %arg12[%dma_wait3A_166] : memref<4x!tpu.dma_semaphore, #tpu.memory_space<semaphore_mem>> -> memref<1x!tpu.dma_semaphore, #tpu.memory_space<semaphore_mem>>
    %dma_wait3A_177 = tpu.memref_squeeze %dma_wait3A_176 : memref<1x!tpu.dma_semaphore, #tpu.memory_space<semaphore_mem>> -> memref<!tpu.dma_semaphore, #tpu.memory_space<semaphore_mem>>
    tpu.wait_indirect_dma semaphore(%dma_wait3A_177 : memref<!tpu.dma_semaphore, #tpu.memory_space<semaphore_mem>>) src(%dma_wait3A_170 : memref<128x32xf32, #tpu.memory_space<vmem>>) dst(%dma_wait3A_175 : memref<10112x32xf32, #tpu.memory_space<vmem_shared>>)
    %dma_wait3A_178 = arith.constant 2 : i32
    %dma_wait3A_179 = arith.constant 2 : i32
    %dma_wait3A_180 = arith.constant 0 : i32
    %dma_wait3A_181 = arith.constant 0 : i32
    %dma_wait3A_182 = tpu.memref_slice %arg8[%dma_wait3A_178, %dma_wait3A_180, %dma_wait3A_181] : memref<4x128x32xf32, #tpu.memory_space<vmem>> -> memref<1x128x32xf32, #tpu.memory_space<vmem>>
    %dma_wait3A_183 = tpu.memref_squeeze %dma_wait3A_182 : memref<1x128x32xf32, #tpu.memory_space<vmem>> -> memref<128x32xf32, #tpu.memory_space<vmem>>
    %dma_wait3A_184 = arith.constant 9984 : i32
    %dma_wait3A_185 = tpu.memref_slice %arg7[%dma_wait3A_184] : memref<10112xi32, #tpu.memory_space<vmem>> -> memref<128xi32, #tpu.memory_space<vmem>>
    %dma_wait3A_186 = arith.constant 0 : i32
    %dma_wait3A_187 = arith.constant 0 : i32
    %dma_wait3A_188 = tpu.memref_slice %arg10[%dma_wait3A_186, %dma_wait3A_187] : memref<10112x32xf32, #tpu.memory_space<vmem_shared>> -> memref<10112x32xf32, #tpu.memory_space<vmem_shared>>
    %dma_wait3A_189 = tpu.memref_slice %arg12[%dma_wait3A_179] : memref<4x!tpu.dma_semaphore, #tpu.memory_space<semaphore_mem>> -> memref<1x!tpu.dma_semaphore, #tpu.memory_space<semaphore_mem>>
    %dma_wait3A_190 = tpu.memref_squeeze %dma_wait3A_189 : memref<1x!tpu.dma_semaphore, #tpu.memory_space<semaphore_mem>> -> memref<!tpu.dma_semaphore, #tpu.memory_space<semaphore_mem>>
    tpu.wait_indirect_dma semaphore(%dma_wait3A_190 : memref<!tpu.dma_semaphore, #tpu.memory_space<semaphore_mem>>) src(%dma_wait3A_183 : memref<128x32xf32, #tpu.memory_space<vmem>>) dst(%dma_wait3A_188 : memref<10112x32xf32, #tpu.memory_space<vmem_shared>>)
    %barrier3A_191 = arith.constant 0 : index
    tpu.barrier barrier_id(%barrier3A_191)
    %mul3A_192 = arith.constant 632 : i32
    %mul3A_193 = arith.muli %arg1, %mul3A_192 : i32
    %mul3A_194 = arith.constant 632 : i32
    %mul3A_195 = arith.muli %arg1, %mul3A_194 : i32
    %mul3A_196 = arith.constant 32 : i32
    %mul3A_197 = arith.muli %arg0, %mul3A_196 : i32
    "tpu.region"() ({
      %run_scoped3A = tpu.sem_alloc : memref<!tpu.dma_semaphore, #tpu.memory_space<semaphore_mem>>
      %dma_start3A_198 = tpu.memref_slice %arg5[%mul3A_195, %mul3A_197] : memref<10112x128xf32, #tpu.memory_space<hbm>> -> memref<632x32xf32, #tpu.memory_space<hbm>>
      %dma_start3A_199 = arith.constant 0 : i32
      %dma_start3A_200 = tpu.memref_slice %arg10[%mul3A_193, %dma_start3A_199] : memref<10112x32xf32, #tpu.memory_space<vmem_shared>> -> memref<632x32xf32, #tpu.memory_space<vmem_shared>>
      tpu.enqueue_dma source(%dma_start3A_200 : memref<632x32xf32, #tpu.memory_space<vmem_shared>>) target(%dma_start3A_198 : memref<632x32xf32, #tpu.memory_space<hbm>>) target_semaphore(%run_scoped3A : memref<!tpu.dma_semaphore, #tpu.memory_space<semaphore_mem>>)
      %dma_wait3A_201 = tpu.memref_slice %arg5[%mul3A_195, %mul3A_197] : memref<10112x128xf32, #tpu.memory_space<hbm>> -> memref<632x32xf32, #tpu.memory_space<hbm>>
      %dma_wait3A_202 = arith.constant 0 : i32
      %dma_wait3A_203 = tpu.memref_slice %arg10[%mul3A_193, %dma_wait3A_202] : memref<10112x32xf32, #tpu.memory_space<vmem_shared>> -> memref<632x32xf32, #tpu.memory_space<vmem_shared>>
      tpu.wait_dma2 semaphore(%run_scoped3A : memref<!tpu.dma_semaphore, #tpu.memory_space<semaphore_mem>>) src(%dma_wait3A_203 : memref<632x32xf32, #tpu.memory_space<vmem_shared>>) dst(%dma_wait3A_201 : memref<632x32xf32, #tpu.memory_space<hbm>>)
      tpu.yield
    }) : () -> ()
    return
  }
}

#map = affine_map<(d0, d1) -> (0, 0)>
module attributes {stable_mosaic.version = 14 : i64} {
  func.func @_deg_body(%arg0: i32, %arg1: i32, %arg2: memref<2x320000xi32, #tpu.memory_space<hbm>>, %arg3: memref<128x8xf32, #tpu.memory_space<hbm>>, %arg4: memref<10112x8xf32, #tpu.memory_space<hbm>>, %arg5: memref<10112x128xf32, #tpu.memory_space<hbm>>, %arg6: memref<10112xi32, #tpu.memory_space<vmem>>, %arg7: memref<10112xi32, #tpu.memory_space<vmem>>, %arg8: memref<128x8xf32, #tpu.memory_space<vmem>>, %arg9: memref<10112x8xf32, #tpu.memory_space<vmem_shared>>, %arg10: memref<10112x8xf32, #tpu.memory_space<vmem_shared>>, %arg11: memref<!tpu.dma_semaphore, #tpu.memory_space<semaphore_mem>>, %arg12: memref<!tpu.dma_semaphore, #tpu.memory_space<semaphore_mem>>) attributes {dimension_semantics = [#tpu.dimension_semantics<core_parallel>, #tpu.dimension_semantics<subcore_parallel>], iteration_bounds = array<i64: 2, 16>, scalar_prefetch = 0 : i64, scratch_operands = 7 : i64, tpu.core_type = #tpu.core_type<sc_vector_subcore>, window_params = [{transform_indices = #map}, {transform_indices = #map}, {transform_indices = #map}, {transform_indices = #map}]} {
    %mul3A = arith.constant 2 : i32
    %mul3A_0 = arith.muli %arg1, %mul3A : i32
    %add3A = arith.addi %mul3A_0, %arg0 : i32
    %mul3A_1 = arith.constant 10000 : i32
    %mul3A_2 = arith.muli %add3A, %mul3A_1 : i32
    %dma_start3A = arith.constant 0 : i32
    %dma_start3A_3 = arith.constant 0 : i32
    %dma_start3A_4 = tpu.memref_slice %arg6[%dma_start3A_3] : memref<10112xi32, #tpu.memory_space<vmem>> -> memref<10000xi32, #tpu.memory_space<vmem>>
    %dma_start3A_5 = tpu.memref_slice %arg2[%dma_start3A, %mul3A_2] : memref<2x320000xi32, #tpu.memory_space<hbm>> -> memref<1x10000xi32, #tpu.memory_space<hbm>>
    %dma_start3A_6 = tpu.memref_squeeze %dma_start3A_5 : memref<1x10000xi32, #tpu.memory_space<hbm>> -> memref<10000xi32, #tpu.memory_space<hbm>>
    %dma_start3A_7 = arith.constant 0 : i32
    %dma_start3A_8 = tpu.memref_slice %arg6[%dma_start3A_7] : memref<10112xi32, #tpu.memory_space<vmem>> -> memref<10000xi32, #tpu.memory_space<vmem>>
    %dma_start3A_9 = tpu.memref_slice %arg2[%dma_start3A, %mul3A_2] : memref<2x320000xi32, #tpu.memory_space<hbm>> -> memref<1x10000xi32, #tpu.memory_space<hbm>>
    %dma_start3A_10 = tpu.memref_squeeze %dma_start3A_9 : memref<1x10000xi32, #tpu.memory_space<hbm>> -> memref<10000xi32, #tpu.memory_space<hbm>>
    tpu.enqueue_dma source(%dma_start3A_10 : memref<10000xi32, #tpu.memory_space<hbm>>) target(%dma_start3A_8 : memref<10000xi32, #tpu.memory_space<vmem>>) target_semaphore(%arg11 : memref<!tpu.dma_semaphore, #tpu.memory_space<semaphore_mem>>)
    %mul3A_11 = arith.constant 10000 : i32
    %mul3A_12 = arith.muli %add3A, %mul3A_11 : i32
    %dma_start3A_13 = arith.constant 1 : i32
    %dma_start3A_14 = arith.constant 0 : i32
    %dma_start3A_15 = tpu.memref_slice %arg7[%dma_start3A_14] : memref<10112xi32, #tpu.memory_space<vmem>> -> memref<10000xi32, #tpu.memory_space<vmem>>
    %dma_start3A_16 = tpu.memref_slice %arg2[%dma_start3A_13, %mul3A_12] : memref<2x320000xi32, #tpu.memory_space<hbm>> -> memref<1x10000xi32, #tpu.memory_space<hbm>>
    %dma_start3A_17 = tpu.memref_squeeze %dma_start3A_16 : memref<1x10000xi32, #tpu.memory_space<hbm>> -> memref<10000xi32, #tpu.memory_space<hbm>>
    %dma_start3A_18 = arith.constant 0 : i32
    %dma_start3A_19 = tpu.memref_slice %arg7[%dma_start3A_18] : memref<10112xi32, #tpu.memory_space<vmem>> -> memref<10000xi32, #tpu.memory_space<vmem>>
    %dma_start3A_20 = tpu.memref_slice %arg2[%dma_start3A_13, %mul3A_12] : memref<2x320000xi32, #tpu.memory_space<hbm>> -> memref<1x10000xi32, #tpu.memory_space<hbm>>
    %dma_start3A_21 = tpu.memref_squeeze %dma_start3A_20 : memref<1x10000xi32, #tpu.memory_space<hbm>> -> memref<10000xi32, #tpu.memory_space<hbm>>
    tpu.enqueue_dma source(%dma_start3A_21 : memref<10000xi32, #tpu.memory_space<hbm>>) target(%dma_start3A_19 : memref<10000xi32, #tpu.memory_space<vmem>>) target_semaphore(%arg11 : memref<!tpu.dma_semaphore, #tpu.memory_space<semaphore_mem>>)
    %mul3A_22 = arith.constant 632 : i32
    %mul3A_23 = arith.muli %arg1, %mul3A_22 : i32
    %mul3A_24 = arith.constant 632 : i32
    %mul3A_25 = arith.muli %arg1, %mul3A_24 : i32
    %dma_start3A_26 = arith.constant 0 : i32
    %dma_start3A_27 = tpu.memref_slice %arg9[%mul3A_25, %dma_start3A_26] : memref<10112x8xf32, #tpu.memory_space<vmem_shared>> -> memref<632x8xf32, #tpu.memory_space<vmem_shared>>
    %dma_start3A_28 = arith.constant 0 : i32
    %dma_start3A_29 = tpu.memref_slice %arg4[%mul3A_23, %dma_start3A_28] : memref<10112x8xf32, #tpu.memory_space<hbm>> -> memref<632x8xf32, #tpu.memory_space<hbm>>
    tpu.enqueue_dma source(%dma_start3A_29 : memref<632x8xf32, #tpu.memory_space<hbm>>) target(%dma_start3A_27 : memref<632x8xf32, #tpu.memory_space<vmem_shared>>) target_semaphore(%arg12 : memref<!tpu.dma_semaphore, #tpu.memory_space<semaphore_mem>>)
    %mul3A_30 = arith.constant 632 : i32
    %mul3A_31 = arith.muli %arg1, %mul3A_30 : i32
    %mul3A_32 = arith.constant 632 : i32
    %mul3A_33 = arith.muli %arg1, %mul3A_32 : i32
    %dma_start3A_34 = arith.constant 0 : i32
    %dma_start3A_35 = tpu.memref_slice %arg10[%mul3A_33, %dma_start3A_34] : memref<10112x8xf32, #tpu.memory_space<vmem_shared>> -> memref<632x8xf32, #tpu.memory_space<vmem_shared>>
    %dma_start3A_36 = arith.constant 0 : i32
    %dma_start3A_37 = tpu.memref_slice %arg4[%mul3A_31, %dma_start3A_36] : memref<10112x8xf32, #tpu.memory_space<hbm>> -> memref<632x8xf32, #tpu.memory_space<hbm>>
    tpu.enqueue_dma source(%dma_start3A_37 : memref<632x8xf32, #tpu.memory_space<hbm>>) target(%dma_start3A_35 : memref<632x8xf32, #tpu.memory_space<vmem_shared>>) target_semaphore(%arg12 : memref<!tpu.dma_semaphore, #tpu.memory_space<semaphore_mem>>)
    "tpu.region"() ({
      %run_scoped3A = tpu.sem_alloc : memref<!tpu.dma_semaphore, #tpu.memory_space<semaphore_mem>>
      tpu.enqueue_dma source(%arg3 : memref<128x8xf32, #tpu.memory_space<hbm>>) target(%arg8 : memref<128x8xf32, #tpu.memory_space<vmem>>) target_semaphore(%run_scoped3A : memref<!tpu.dma_semaphore, #tpu.memory_space<semaphore_mem>>)
      tpu.wait_dma2 semaphore(%run_scoped3A : memref<!tpu.dma_semaphore, #tpu.memory_space<semaphore_mem>>) src(%arg3 : memref<128x8xf32, #tpu.memory_space<hbm>>) dst(%arg8 : memref<128x8xf32, #tpu.memory_space<vmem>>)
      tpu.yield
    }) : () -> ()
    %mul3A_38 = arith.constant 10000 : i32
    %mul3A_39 = arith.muli %add3A, %mul3A_38 : i32
    %dma_wait3A = arith.constant 0 : i32
    %dma_wait3A_40 = arith.constant 0 : i32
    %dma_wait3A_41 = tpu.memref_slice %arg6[%dma_wait3A_40] : memref<10112xi32, #tpu.memory_space<vmem>> -> memref<10000xi32, #tpu.memory_space<vmem>>
    %dma_wait3A_42 = tpu.memref_slice %arg2[%dma_wait3A, %mul3A_39] : memref<2x320000xi32, #tpu.memory_space<hbm>> -> memref<1x10000xi32, #tpu.memory_space<hbm>>
    %dma_wait3A_43 = tpu.memref_squeeze %dma_wait3A_42 : memref<1x10000xi32, #tpu.memory_space<hbm>> -> memref<10000xi32, #tpu.memory_space<hbm>>
    %dma_wait3A_44 = arith.constant 0 : i32
    %dma_wait3A_45 = tpu.memref_slice %arg6[%dma_wait3A_44] : memref<10112xi32, #tpu.memory_space<vmem>> -> memref<10000xi32, #tpu.memory_space<vmem>>
    %dma_wait3A_46 = tpu.memref_slice %arg2[%dma_wait3A, %mul3A_39] : memref<2x320000xi32, #tpu.memory_space<hbm>> -> memref<1x10000xi32, #tpu.memory_space<hbm>>
    %dma_wait3A_47 = tpu.memref_squeeze %dma_wait3A_46 : memref<1x10000xi32, #tpu.memory_space<hbm>> -> memref<10000xi32, #tpu.memory_space<hbm>>
    tpu.wait_dma2 semaphore(%arg11 : memref<!tpu.dma_semaphore, #tpu.memory_space<semaphore_mem>>) src(%dma_wait3A_47 : memref<10000xi32, #tpu.memory_space<hbm>>) dst(%dma_wait3A_45 : memref<10000xi32, #tpu.memory_space<vmem>>)
    %mul3A_48 = arith.constant 10000 : i32
    %mul3A_49 = arith.muli %add3A, %mul3A_48 : i32
    %dma_wait3A_50 = arith.constant 1 : i32
    %dma_wait3A_51 = arith.constant 0 : i32
    %dma_wait3A_52 = tpu.memref_slice %arg7[%dma_wait3A_51] : memref<10112xi32, #tpu.memory_space<vmem>> -> memref<10000xi32, #tpu.memory_space<vmem>>
    %dma_wait3A_53 = tpu.memref_slice %arg2[%dma_wait3A_50, %mul3A_49] : memref<2x320000xi32, #tpu.memory_space<hbm>> -> memref<1x10000xi32, #tpu.memory_space<hbm>>
    %dma_wait3A_54 = tpu.memref_squeeze %dma_wait3A_53 : memref<1x10000xi32, #tpu.memory_space<hbm>> -> memref<10000xi32, #tpu.memory_space<hbm>>
    %dma_wait3A_55 = arith.constant 0 : i32
    %dma_wait3A_56 = tpu.memref_slice %arg7[%dma_wait3A_55] : memref<10112xi32, #tpu.memory_space<vmem>> -> memref<10000xi32, #tpu.memory_space<vmem>>
    %dma_wait3A_57 = tpu.memref_slice %arg2[%dma_wait3A_50, %mul3A_49] : memref<2x320000xi32, #tpu.memory_space<hbm>> -> memref<1x10000xi32, #tpu.memory_space<hbm>>
    %dma_wait3A_58 = tpu.memref_squeeze %dma_wait3A_57 : memref<1x10000xi32, #tpu.memory_space<hbm>> -> memref<10000xi32, #tpu.memory_space<hbm>>
    tpu.wait_dma2 semaphore(%arg11 : memref<!tpu.dma_semaphore, #tpu.memory_space<semaphore_mem>>) src(%dma_wait3A_58 : memref<10000xi32, #tpu.memory_space<hbm>>) dst(%dma_wait3A_56 : memref<10000xi32, #tpu.memory_space<vmem>>)
    %iota3A = tpu.iota {dimensions = array<i32: 0>} : vector<16xi32>
    %add3A_59 = arith.constant 10000 : i32
    %add3A_60 = vector.broadcast %add3A_59 : i32 to vector<16xi32>
    %add3A_61 = arith.addi %iota3A, %add3A_60 : vector<16xi32>
    %scan3A = arith.constant 0 : i32
    %scan3A_62 = arith.constant 0 : i32
    %scan3A_63 = arith.constant 7 : i32
    %scan3A_64 = arith.addi %scan3A_62, %scan3A_63 : i32
    %scan3A_65 = arith.constant 1 : i32
    scf.for %scan3A_110 = %scan3A_62 to %scan3A_64 step %scan3A_65  : i32 {
      %mul3A_111 = arith.constant 16 : i32
      %mul3A_112 = arith.muli %scan3A_110, %mul3A_111 : i32
      %add3A_113 = vector.broadcast %mul3A_112 : i32 to vector<16xi32>
      %add3A_114 = arith.addi %add3A_61, %add3A_113 : vector<16xi32>
      %mul3A_115 = arith.constant 16 : i32
      %mul3A_116 = arith.muli %scan3A_110, %mul3A_115 : i32
      %add3A_117 = arith.constant 10000 : i32
      %add3A_118 = arith.addi %add3A_117, %mul3A_116 : i32
      %swap3A = arith.index_cast %add3A_118 : i32 to index
      %swap3A_119 = tpu.vector_load %arg6[%swap3A] {strides = array<i32>} : memref<10112xi32, #tpu.memory_space<vmem>>, vector<16xi32>,
      %swap3A_120 = vector.shape_cast %swap3A_119 : vector<16xi32> to vector<16xi32>
      %swap3A_121 = vector.shape_cast %add3A_114 : vector<16xi32> to vector<16xi32>
      tpu.vector_store %arg6[%swap3A], %swap3A_121 {strides = array<i32>} : memref<10112xi32, #tpu.memory_space<vmem>>, vector<16xi32>,
      %mul3A_122 = arith.constant 16 : i32
      %mul3A_123 = arith.muli %scan3A_110, %mul3A_122 : i32
      %add3A_124 = vector.broadcast %mul3A_123 : i32 to vector<16xi32>
      %add3A_125 = arith.addi %add3A_61, %add3A_124 : vector<16xi32>
      %mul3A_126 = arith.constant 16 : i32
      %mul3A_127 = arith.muli %scan3A_110, %mul3A_126 : i32
      %add3A_128 = arith.constant 10000 : i32
      %add3A_129 = arith.addi %add3A_128, %mul3A_127 : i32
      %swap3A_130 = arith.index_cast %add3A_129 : i32 to index
      %swap3A_131 = tpu.vector_load %arg7[%swap3A_130] {strides = array<i32>} : memref<10112xi32, #tpu.memory_space<vmem>>, vector<16xi32>,
      %swap3A_132 = vector.shape_cast %swap3A_131 : vector<16xi32> to vector<16xi32>
      %swap3A_133 = vector.shape_cast %add3A_125 : vector<16xi32> to vector<16xi32>
      tpu.vector_store %arg7[%swap3A_130], %swap3A_133 {strides = array<i32>} : memref<10112xi32, #tpu.memory_space<vmem>>, vector<16xi32>,
    }
    %scan3A_66 = arith.constant 7 : i32
    %mul3A_67 = arith.constant 632 : i32
    %mul3A_68 = arith.muli %arg1, %mul3A_67 : i32
    %mul3A_69 = arith.constant 632 : i32
    %mul3A_70 = arith.muli %arg1, %mul3A_69 : i32
    %dma_wait3A_71 = arith.constant 0 : i32
    %dma_wait3A_72 = tpu.memref_slice %arg9[%mul3A_70, %dma_wait3A_71] : memref<10112x8xf32, #tpu.memory_space<vmem_shared>> -> memref<632x8xf32, #tpu.memory_space<vmem_shared>>
    %dma_wait3A_73 = arith.constant 0 : i32
    %dma_wait3A_74 = tpu.memref_slice %arg4[%mul3A_68, %dma_wait3A_73] : memref<10112x8xf32, #tpu.memory_space<hbm>> -> memref<632x8xf32, #tpu.memory_space<hbm>>
    tpu.wait_dma2 semaphore(%arg12 : memref<!tpu.dma_semaphore, #tpu.memory_space<semaphore_mem>>) src(%dma_wait3A_74 : memref<632x8xf32, #tpu.memory_space<hbm>>) dst(%dma_wait3A_72 : memref<632x8xf32, #tpu.memory_space<vmem_shared>>)
    %mul3A_75 = arith.constant 632 : i32
    %mul3A_76 = arith.muli %arg1, %mul3A_75 : i32
    %mul3A_77 = arith.constant 632 : i32
    %mul3A_78 = arith.muli %arg1, %mul3A_77 : i32
    %dma_wait3A_79 = arith.constant 0 : i32
    %dma_wait3A_80 = tpu.memref_slice %arg10[%mul3A_78, %dma_wait3A_79] : memref<10112x8xf32, #tpu.memory_space<vmem_shared>> -> memref<632x8xf32, #tpu.memory_space<vmem_shared>>
    %dma_wait3A_81 = arith.constant 0 : i32
    %dma_wait3A_82 = tpu.memref_slice %arg4[%mul3A_76, %dma_wait3A_81] : memref<10112x8xf32, #tpu.memory_space<hbm>> -> memref<632x8xf32, #tpu.memory_space<hbm>>
    tpu.wait_dma2 semaphore(%arg12 : memref<!tpu.dma_semaphore, #tpu.memory_space<semaphore_mem>>) src(%dma_wait3A_82 : memref<632x8xf32, #tpu.memory_space<hbm>>) dst(%dma_wait3A_80 : memref<632x8xf32, #tpu.memory_space<vmem_shared>>)
    %barrier3A = arith.constant 0 : index
    tpu.barrier barrier_id(%barrier3A)
    %scan3A_83 = arith.constant 0 : i32
    %scan3A_84 = arith.constant 0 : i32
    %scan3A_85 = arith.constant 79 : i32
    %scan3A_86 = arith.addi %scan3A_84, %scan3A_85 : i32
    %scan3A_87 = arith.constant 1 : i32
    scf.for %scan3A_110 = %scan3A_84 to %scan3A_86 step %scan3A_87  : i32 {
      %mul3A_111 = arith.constant 128 : i32
      %mul3A_112 = arith.muli %scan3A_110, %mul3A_111 : i32
      %dma_start3A_113 = tpu.memref_slice %arg7[%mul3A_112] : memref<10112xi32, #tpu.memory_space<vmem>> -> memref<128xi32, #tpu.memory_space<vmem>>
      %dma_start3A_114 = arith.constant 0 : i32
      %dma_start3A_115 = arith.constant 0 : i32
      %dma_start3A_116 = tpu.memref_slice %arg9[%dma_start3A_114, %dma_start3A_115] : memref<10112x8xf32, #tpu.memory_space<vmem_shared>> -> memref<10112x8xf32, #tpu.memory_space<vmem_shared>>
      tpu.enqueue_indirect_dma source(%arg8 : memref<128x8xf32, #tpu.memory_space<vmem>>) target(%dma_start3A_116 : memref<10112x8xf32, #tpu.memory_space<vmem_shared>>) offsets(%dma_start3A_113 : memref<128xi32, #tpu.memory_space<vmem>>) semaphore(%arg11 : memref<!tpu.dma_semaphore, #tpu.memory_space<semaphore_mem>>) {add = true}
      %mul3A_117 = arith.constant 128 : i32
      %mul3A_118 = arith.muli %scan3A_110, %mul3A_117 : i32
      %dma_start3A_119 = tpu.memref_slice %arg6[%mul3A_118] : memref<10112xi32, #tpu.memory_space<vmem>> -> memref<128xi32, #tpu.memory_space<vmem>>
      %dma_start3A_120 = arith.constant 0 : i32
      %dma_start3A_121 = arith.constant 0 : i32
      %dma_start3A_122 = tpu.memref_slice %arg10[%dma_start3A_120, %dma_start3A_121] : memref<10112x8xf32, #tpu.memory_space<vmem_shared>> -> memref<10112x8xf32, #tpu.memory_space<vmem_shared>>
      tpu.enqueue_indirect_dma source(%arg8 : memref<128x8xf32, #tpu.memory_space<vmem>>) target(%dma_start3A_122 : memref<10112x8xf32, #tpu.memory_space<vmem_shared>>) offsets(%dma_start3A_119 : memref<128xi32, #tpu.memory_space<vmem>>) semaphore(%arg12 : memref<!tpu.dma_semaphore, #tpu.memory_space<semaphore_mem>>) {add = true}
    }
    %scan3A_88 = arith.constant 79 : i32
    %scan3A_89 = arith.constant 0 : i32
    %scan3A_90 = arith.constant 0 : i32
    %scan3A_91 = arith.constant 79 : i32
    %scan3A_92 = arith.addi %scan3A_90, %scan3A_91 : i32
    %scan3A_93 = arith.constant 1 : i32
    scf.for %scan3A_110 = %scan3A_90 to %scan3A_92 step %scan3A_93  : i32 {
      %mul3A_111 = arith.constant 128 : i32
      %mul3A_112 = arith.muli %scan3A_110, %mul3A_111 : i32
      %dma_wait3A_113 = tpu.memref_slice %arg7[%mul3A_112] : memref<10112xi32, #tpu.memory_space<vmem>> -> memref<128xi32, #tpu.memory_space<vmem>>
      %dma_wait3A_114 = arith.constant 0 : i32
      %dma_wait3A_115 = arith.constant 0 : i32
      %dma_wait3A_116 = tpu.memref_slice %arg9[%dma_wait3A_114, %dma_wait3A_115] : memref<10112x8xf32, #tpu.memory_space<vmem_shared>> -> memref<10112x8xf32, #tpu.memory_space<vmem_shared>>
      tpu.wait_indirect_dma semaphore(%arg11 : memref<!tpu.dma_semaphore, #tpu.memory_space<semaphore_mem>>) src(%arg8 : memref<128x8xf32, #tpu.memory_space<vmem>>) dst(%dma_wait3A_116 : memref<10112x8xf32, #tpu.memory_space<vmem_shared>>)
      %mul3A_117 = arith.constant 128 : i32
      %mul3A_118 = arith.muli %scan3A_110, %mul3A_117 : i32
      %dma_wait3A_119 = tpu.memref_slice %arg6[%mul3A_118] : memref<10112xi32, #tpu.memory_space<vmem>> -> memref<128xi32, #tpu.memory_space<vmem>>
      %dma_wait3A_120 = arith.constant 0 : i32
      %dma_wait3A_121 = arith.constant 0 : i32
      %dma_wait3A_122 = tpu.memref_slice %arg10[%dma_wait3A_120, %dma_wait3A_121] : memref<10112x8xf32, #tpu.memory_space<vmem_shared>> -> memref<10112x8xf32, #tpu.memory_space<vmem_shared>>
      tpu.wait_indirect_dma semaphore(%arg12 : memref<!tpu.dma_semaphore, #tpu.memory_space<semaphore_mem>>) src(%arg8 : memref<128x8xf32, #tpu.memory_space<vmem>>) dst(%dma_wait3A_122 : memref<10112x8xf32, #tpu.memory_space<vmem_shared>>)
    }
    %scan3A_94 = arith.constant 79 : i32
    %barrier3A_95 = arith.constant 0 : index
    tpu.barrier barrier_id(%barrier3A_95)
    %mul3A_96 = arith.constant 632 : i32
    %mul3A_97 = arith.muli %arg1, %mul3A_96 : i32
    %mul3A_98 = arith.constant 632 : i32
    %mul3A_99 = arith.muli %arg1, %mul3A_98 : i32
    %mul3A_100 = arith.constant 8 : i32
    %mul3A_101 = arith.muli %arg0, %mul3A_100 : i32
    "tpu.region"() ({
      %run_scoped3A = tpu.sem_alloc : memref<!tpu.dma_semaphore, #tpu.memory_space<semaphore_mem>>
      %dma_start3A_110 = tpu.memref_slice %arg5[%mul3A_99, %mul3A_101] : memref<10112x128xf32, #tpu.memory_space<hbm>> -> memref<632x8xf32, #tpu.memory_space<hbm>>
      %dma_start3A_111 = arith.constant 0 : i32
      %dma_start3A_112 = tpu.memref_slice %arg9[%mul3A_97, %dma_start3A_111] : memref<10112x8xf32, #tpu.memory_space<vmem_shared>> -> memref<632x8xf32, #tpu.memory_space<vmem_shared>>
      tpu.enqueue_dma source(%dma_start3A_112 : memref<632x8xf32, #tpu.memory_space<vmem_shared>>) target(%dma_start3A_110 : memref<632x8xf32, #tpu.memory_space<hbm>>) target_semaphore(%run_scoped3A : memref<!tpu.dma_semaphore, #tpu.memory_space<semaphore_mem>>)
      %dma_wait3A_113 = tpu.memref_slice %arg5[%mul3A_99, %mul3A_101] : memref<10112x128xf32, #tpu.memory_space<hbm>> -> memref<632x8xf32, #tpu.memory_space<hbm>>
      %dma_wait3A_114 = arith.constant 0 : i32
      %dma_wait3A_115 = tpu.memref_slice %arg9[%mul3A_97, %dma_wait3A_114] : memref<10112x8xf32, #tpu.memory_space<vmem_shared>> -> memref<632x8xf32, #tpu.memory_space<vmem_shared>>
      tpu.wait_dma2 semaphore(%run_scoped3A : memref<!tpu.dma_semaphore, #tpu.memory_space<semaphore_mem>>) src(%dma_wait3A_115 : memref<632x8xf32, #tpu.memory_space<vmem_shared>>) dst(%dma_wait3A_113 : memref<632x8xf32, #tpu.memory_space<hbm>>)
      tpu.yield
    }) : () -> ()
    %mul3A_102 = arith.constant 632 : i32
    %mul3A_103 = arith.muli %arg1, %mul3A_102 : i32
    %mul3A_104 = arith.constant 632 : i32
    %mul3A_105 = arith.muli %arg1, %mul3A_104 : i32
    %mul3A_106 = arith.constant 8 : i32
    %mul3A_107 = arith.muli %arg0, %mul3A_106 : i32
    %add3A_108 = arith.constant 16 : i32
    %add3A_109 = arith.addi %add3A_108, %mul3A_107 : i32
    "tpu.region"() ({
      %run_scoped3A = tpu.sem_alloc : memref<!tpu.dma_semaphore, #tpu.memory_space<semaphore_mem>>
      %dma_start3A_110 = tpu.memref_slice %arg5[%mul3A_105, %add3A_109] : memref<10112x128xf32, #tpu.memory_space<hbm>> -> memref<632x8xf32, #tpu.memory_space<hbm>>
      %dma_start3A_111 = arith.constant 0 : i32
      %dma_start3A_112 = tpu.memref_slice %arg10[%mul3A_103, %dma_start3A_111] : memref<10112x8xf32, #tpu.memory_space<vmem_shared>> -> memref<632x8xf32, #tpu.memory_space<vmem_shared>>
      tpu.enqueue_dma source(%dma_start3A_112 : memref<632x8xf32, #tpu.memory_space<vmem_shared>>) target(%dma_start3A_110 : memref<632x8xf32, #tpu.memory_space<hbm>>) target_semaphore(%run_scoped3A : memref<!tpu.dma_semaphore, #tpu.memory_space<semaphore_mem>>)
      %dma_wait3A_113 = tpu.memref_slice %arg5[%mul3A_105, %add3A_109] : memref<10112x128xf32, #tpu.memory_space<hbm>> -> memref<632x8xf32, #tpu.memory_space<hbm>>
      %dma_wait3A_114 = arith.constant 0 : i32
      %dma_wait3A_115 = tpu.memref_slice %arg10[%mul3A_103, %dma_wait3A_114] : memref<10112x8xf32, #tpu.memory_space<vmem_shared>> -> memref<632x8xf32, #tpu.memory_space<vmem_shared>>
      tpu.wait_dma2 semaphore(%run_scoped3A : memref<!tpu.dma_semaphore, #tpu.memory_space<semaphore_mem>>) src(%dma_wait3A_115 : memref<632x8xf32, #tpu.memory_space<vmem_shared>>) dst(%dma_wait3A_113 : memref<632x8xf32, #tpu.memory_space<hbm>>)
      tpu.yield
    }) : () -> ()
    return
  }
}

#map = affine_map<(d0, d1) -> (0, 0)>
module attributes {stable_mosaic.version = 14 : i64} {
  func.func @_agg_body(%arg0: i32, %arg1: i32, %arg2: memref<10112x128xf32, #tpu.memory_space<hbm>>, %arg3: memref<2x320000xi32, #tpu.memory_space<hbm>>, %arg4: memref<10112x32xf32, #tpu.memory_space<hbm>>, %arg5: memref<10112x128xf32, #tpu.memory_space<hbm>>, %arg6: memref<10112xi32, #tpu.memory_space<vmem>>, %arg7: memref<10112xi32, #tpu.memory_space<vmem>>, %arg8: memref<4x128x32xf32, #tpu.memory_space<vmem>>, %arg9: memref<10112x32xf32, #tpu.memory_space<vmem_shared>>, %arg10: memref<10112x32xf32, #tpu.memory_space<vmem_shared>>, %arg11: memref<4x!tpu.dma_semaphore, #tpu.memory_space<semaphore_mem>>, %arg12: memref<4x!tpu.dma_semaphore, #tpu.memory_space<semaphore_mem>>) attributes {dimension_semantics = [#tpu.dimension_semantics<core_parallel>, #tpu.dimension_semantics<subcore_parallel>], iteration_bounds = array<i64: 2, 16>, scalar_prefetch = 0 : i64, scratch_operands = 7 : i64, tpu.core_type = #tpu.core_type<sc_vector_subcore>, window_params = [{transform_indices = #map}, {transform_indices = #map}, {transform_indices = #map}, {transform_indices = #map}]} {
    %mul3A = arith.constant 2 : i32
    %mul3A_0 = arith.muli %arg1, %mul3A : i32
    %add3A = arith.addi %mul3A_0, %arg0 : i32
    %mul3A_1 = arith.constant 10000 : i32
    %mul3A_2 = arith.muli %add3A, %mul3A_1 : i32
    %dma_start3A = arith.constant 0 : i32
    %dma_start3A_3 = arith.constant 0 : i32
    %dma_start3A_4 = arith.constant 0 : i32
    %dma_start3A_5 = tpu.memref_slice %arg6[%dma_start3A_4] : memref<10112xi32, #tpu.memory_space<vmem>> -> memref<10000xi32, #tpu.memory_space<vmem>>
    %dma_start3A_6 = tpu.memref_slice %arg3[%dma_start3A, %mul3A_2] : memref<2x320000xi32, #tpu.memory_space<hbm>> -> memref<1x10000xi32, #tpu.memory_space<hbm>>
    %dma_start3A_7 = tpu.memref_squeeze %dma_start3A_6 : memref<1x10000xi32, #tpu.memory_space<hbm>> -> memref<10000xi32, #tpu.memory_space<hbm>>
    %dma_start3A_8 = tpu.memref_slice %arg11[%dma_start3A_3] : memref<4x!tpu.dma_semaphore, #tpu.memory_space<semaphore_mem>> -> memref<1x!tpu.dma_semaphore, #tpu.memory_space<semaphore_mem>>
    %dma_start3A_9 = tpu.memref_squeeze %dma_start3A_8 : memref<1x!tpu.dma_semaphore, #tpu.memory_space<semaphore_mem>> -> memref<!tpu.dma_semaphore, #tpu.memory_space<semaphore_mem>>
    %dma_start3A_10 = arith.constant 0 : i32
    %dma_start3A_11 = tpu.memref_slice %arg6[%dma_start3A_10] : memref<10112xi32, #tpu.memory_space<vmem>> -> memref<10000xi32, #tpu.memory_space<vmem>>
    %dma_start3A_12 = tpu.memref_slice %arg3[%dma_start3A, %mul3A_2] : memref<2x320000xi32, #tpu.memory_space<hbm>> -> memref<1x10000xi32, #tpu.memory_space<hbm>>
    %dma_start3A_13 = tpu.memref_squeeze %dma_start3A_12 : memref<1x10000xi32, #tpu.memory_space<hbm>> -> memref<10000xi32, #tpu.memory_space<hbm>>
    tpu.enqueue_dma source(%dma_start3A_13 : memref<10000xi32, #tpu.memory_space<hbm>>) target(%dma_start3A_11 : memref<10000xi32, #tpu.memory_space<vmem>>) target_semaphore(%dma_start3A_9 : memref<!tpu.dma_semaphore, #tpu.memory_space<semaphore_mem>>)
    %mul3A_14 = arith.constant 10000 : i32
    %mul3A_15 = arith.muli %add3A, %mul3A_14 : i32
    %dma_start3A_16 = arith.constant 1 : i32
    %dma_start3A_17 = arith.constant 0 : i32
    %dma_start3A_18 = arith.constant 0 : i32
    %dma_start3A_19 = tpu.memref_slice %arg7[%dma_start3A_18] : memref<10112xi32, #tpu.memory_space<vmem>> -> memref<10000xi32, #tpu.memory_space<vmem>>
    %dma_start3A_20 = tpu.memref_slice %arg3[%dma_start3A_16, %mul3A_15] : memref<2x320000xi32, #tpu.memory_space<hbm>> -> memref<1x10000xi32, #tpu.memory_space<hbm>>
    %dma_start3A_21 = tpu.memref_squeeze %dma_start3A_20 : memref<1x10000xi32, #tpu.memory_space<hbm>> -> memref<10000xi32, #tpu.memory_space<hbm>>
    %dma_start3A_22 = tpu.memref_slice %arg11[%dma_start3A_17] : memref<4x!tpu.dma_semaphore, #tpu.memory_space<semaphore_mem>> -> memref<1x!tpu.dma_semaphore, #tpu.memory_space<semaphore_mem>>
    %dma_start3A_23 = tpu.memref_squeeze %dma_start3A_22 : memref<1x!tpu.dma_semaphore, #tpu.memory_space<semaphore_mem>> -> memref<!tpu.dma_semaphore, #tpu.memory_space<semaphore_mem>>
    %dma_start3A_24 = arith.constant 0 : i32
    %dma_start3A_25 = tpu.memref_slice %arg7[%dma_start3A_24] : memref<10112xi32, #tpu.memory_space<vmem>> -> memref<10000xi32, #tpu.memory_space<vmem>>
    %dma_start3A_26 = tpu.memref_slice %arg3[%dma_start3A_16, %mul3A_15] : memref<2x320000xi32, #tpu.memory_space<hbm>> -> memref<1x10000xi32, #tpu.memory_space<hbm>>
    %dma_start3A_27 = tpu.memref_squeeze %dma_start3A_26 : memref<1x10000xi32, #tpu.memory_space<hbm>> -> memref<10000xi32, #tpu.memory_space<hbm>>
    tpu.enqueue_dma source(%dma_start3A_27 : memref<10000xi32, #tpu.memory_space<hbm>>) target(%dma_start3A_25 : memref<10000xi32, #tpu.memory_space<vmem>>) target_semaphore(%dma_start3A_23 : memref<!tpu.dma_semaphore, #tpu.memory_space<semaphore_mem>>)
    %mul3A_28 = arith.constant 632 : i32
    %mul3A_29 = arith.muli %arg1, %mul3A_28 : i32
    %mul3A_30 = arith.constant 632 : i32
    %mul3A_31 = arith.muli %arg1, %mul3A_30 : i32
    %dma_start3A_32 = arith.constant 0 : i32
    %dma_start3A_33 = tpu.memref_slice %arg12[%dma_start3A_32] : memref<4x!tpu.dma_semaphore, #tpu.memory_space<semaphore_mem>> -> memref<1x!tpu.dma_semaphore, #tpu.memory_space<semaphore_mem>>
    %dma_start3A_34 = tpu.memref_squeeze %dma_start3A_33 : memref<1x!tpu.dma_semaphore, #tpu.memory_space<semaphore_mem>> -> memref<!tpu.dma_semaphore, #tpu.memory_space<semaphore_mem>>
    %dma_start3A_35 = arith.constant 0 : i32
    %dma_start3A_36 = tpu.memref_slice %arg10[%mul3A_31, %dma_start3A_35] : memref<10112x32xf32, #tpu.memory_space<vmem_shared>> -> memref<632x32xf32, #tpu.memory_space<vmem_shared>>
    %dma_start3A_37 = arith.constant 0 : i32
    %dma_start3A_38 = tpu.memref_slice %arg4[%mul3A_29, %dma_start3A_37] : memref<10112x32xf32, #tpu.memory_space<hbm>> -> memref<632x32xf32, #tpu.memory_space<hbm>>
    tpu.enqueue_dma source(%dma_start3A_38 : memref<632x32xf32, #tpu.memory_space<hbm>>) target(%dma_start3A_36 : memref<632x32xf32, #tpu.memory_space<vmem_shared>>) target_semaphore(%dma_start3A_34 : memref<!tpu.dma_semaphore, #tpu.memory_space<semaphore_mem>>)
    %mul3A_39 = arith.constant 632 : i32
    %mul3A_40 = arith.muli %arg1, %mul3A_39 : i32
    %mul3A_41 = arith.constant 632 : i32
    %mul3A_42 = arith.muli %arg1, %mul3A_41 : i32
    %dma_start3A_43 = arith.constant 1 : i32
    %dma_start3A_44 = tpu.memref_slice %arg12[%dma_start3A_43] : memref<4x!tpu.dma_semaphore, #tpu.memory_space<semaphore_mem>> -> memref<1x!tpu.dma_semaphore, #tpu.memory_space<semaphore_mem>>
    %dma_start3A_45 = tpu.memref_squeeze %dma_start3A_44 : memref<1x!tpu.dma_semaphore, #tpu.memory_space<semaphore_mem>> -> memref<!tpu.dma_semaphore, #tpu.memory_space<semaphore_mem>>
    %dma_start3A_46 = arith.constant 0 : i32
    %dma_start3A_47 = tpu.memref_slice %arg9[%mul3A_42, %dma_start3A_46] : memref<10112x32xf32, #tpu.memory_space<vmem_shared>> -> memref<632x32xf32, #tpu.memory_space<vmem_shared>>
    %dma_start3A_48 = arith.constant 0 : i32
    %dma_start3A_49 = tpu.memref_slice %arg2[%mul3A_40, %dma_start3A_48] : memref<10112x128xf32, #tpu.memory_space<hbm>> -> memref<632x32xf32, #tpu.memory_space<hbm>>
    tpu.enqueue_dma source(%dma_start3A_49 : memref<632x32xf32, #tpu.memory_space<hbm>>) target(%dma_start3A_47 : memref<632x32xf32, #tpu.memory_space<vmem_shared>>) target_semaphore(%dma_start3A_45 : memref<!tpu.dma_semaphore, #tpu.memory_space<semaphore_mem>>)
    %mul3A_50 = arith.constant 10000 : i32
    %mul3A_51 = arith.muli %add3A, %mul3A_50 : i32
    %dma_wait3A = arith.constant 0 : i32
    %dma_wait3A_52 = arith.constant 0 : i32
    %dma_wait3A_53 = arith.constant 0 : i32
    %dma_wait3A_54 = tpu.memref_slice %arg6[%dma_wait3A_53] : memref<10112xi32, #tpu.memory_space<vmem>> -> memref<10000xi32, #tpu.memory_space<vmem>>
    %dma_wait3A_55 = tpu.memref_slice %arg3[%dma_wait3A, %mul3A_51] : memref<2x320000xi32, #tpu.memory_space<hbm>> -> memref<1x10000xi32, #tpu.memory_space<hbm>>
    %dma_wait3A_56 = tpu.memref_squeeze %dma_wait3A_55 : memref<1x10000xi32, #tpu.memory_space<hbm>> -> memref<10000xi32, #tpu.memory_space<hbm>>
    %dma_wait3A_57 = tpu.memref_slice %arg11[%dma_wait3A_52] : memref<4x!tpu.dma_semaphore, #tpu.memory_space<semaphore_mem>> -> memref<1x!tpu.dma_semaphore, #tpu.memory_space<semaphore_mem>>
    %dma_wait3A_58 = tpu.memref_squeeze %dma_wait3A_57 : memref<1x!tpu.dma_semaphore, #tpu.memory_space<semaphore_mem>> -> memref<!tpu.dma_semaphore, #tpu.memory_space<semaphore_mem>>
    %dma_wait3A_59 = arith.constant 0 : i32
    %dma_wait3A_60 = tpu.memref_slice %arg6[%dma_wait3A_59] : memref<10112xi32, #tpu.memory_space<vmem>> -> memref<10000xi32, #tpu.memory_space<vmem>>
    %dma_wait3A_61 = tpu.memref_slice %arg3[%dma_wait3A, %mul3A_51] : memref<2x320000xi32, #tpu.memory_space<hbm>> -> memref<1x10000xi32, #tpu.memory_space<hbm>>
    %dma_wait3A_62 = tpu.memref_squeeze %dma_wait3A_61 : memref<1x10000xi32, #tpu.memory_space<hbm>> -> memref<10000xi32, #tpu.memory_space<hbm>>
    tpu.wait_dma2 semaphore(%dma_wait3A_58 : memref<!tpu.dma_semaphore, #tpu.memory_space<semaphore_mem>>) src(%dma_wait3A_62 : memref<10000xi32, #tpu.memory_space<hbm>>) dst(%dma_wait3A_60 : memref<10000xi32, #tpu.memory_space<vmem>>)
    %mul3A_63 = arith.constant 10000 : i32
    %mul3A_64 = arith.muli %add3A, %mul3A_63 : i32
    %dma_wait3A_65 = arith.constant 1 : i32
    %dma_wait3A_66 = arith.constant 0 : i32
    %dma_wait3A_67 = arith.constant 0 : i32
    %dma_wait3A_68 = tpu.memref_slice %arg7[%dma_wait3A_67] : memref<10112xi32, #tpu.memory_space<vmem>> -> memref<10000xi32, #tpu.memory_space<vmem>>
    %dma_wait3A_69 = tpu.memref_slice %arg3[%dma_wait3A_65, %mul3A_64] : memref<2x320000xi32, #tpu.memory_space<hbm>> -> memref<1x10000xi32, #tpu.memory_space<hbm>>
    %dma_wait3A_70 = tpu.memref_squeeze %dma_wait3A_69 : memref<1x10000xi32, #tpu.memory_space<hbm>> -> memref<10000xi32, #tpu.memory_space<hbm>>
    %dma_wait3A_71 = tpu.memref_slice %arg11[%dma_wait3A_66] : memref<4x!tpu.dma_semaphore, #tpu.memory_space<semaphore_mem>> -> memref<1x!tpu.dma_semaphore, #tpu.memory_space<semaphore_mem>>
    %dma_wait3A_72 = tpu.memref_squeeze %dma_wait3A_71 : memref<1x!tpu.dma_semaphore, #tpu.memory_space<semaphore_mem>> -> memref<!tpu.dma_semaphore, #tpu.memory_space<semaphore_mem>>
    %dma_wait3A_73 = arith.constant 0 : i32
    %dma_wait3A_74 = tpu.memref_slice %arg7[%dma_wait3A_73] : memref<10112xi32, #tpu.memory_space<vmem>> -> memref<10000xi32, #tpu.memory_space<vmem>>
    %dma_wait3A_75 = tpu.memref_slice %arg3[%dma_wait3A_65, %mul3A_64] : memref<2x320000xi32, #tpu.memory_space<hbm>> -> memref<1x10000xi32, #tpu.memory_space<hbm>>
    %dma_wait3A_76 = tpu.memref_squeeze %dma_wait3A_75 : memref<1x10000xi32, #tpu.memory_space<hbm>> -> memref<10000xi32, #tpu.memory_space<hbm>>
    tpu.wait_dma2 semaphore(%dma_wait3A_72 : memref<!tpu.dma_semaphore, #tpu.memory_space<semaphore_mem>>) src(%dma_wait3A_76 : memref<10000xi32, #tpu.memory_space<hbm>>) dst(%dma_wait3A_74 : memref<10000xi32, #tpu.memory_space<vmem>>)
    %iota3A = tpu.iota {dimensions = array<i32: 0>} : vector<16xi32>
    %add3A_77 = arith.constant 10000 : i32
    %add3A_78 = vector.broadcast %add3A_77 : i32 to vector<16xi32>
    %add3A_79 = arith.addi %iota3A, %add3A_78 : vector<16xi32>
    %scan3A = arith.constant 0 : i32
    %scan3A_80 = arith.constant 0 : i32
    %scan3A_81 = arith.constant 7 : i32
    %scan3A_82 = arith.addi %scan3A_80, %scan3A_81 : i32
    %scan3A_83 = arith.constant 1 : i32
    scf.for %scan3A_198 = %scan3A_80 to %scan3A_82 step %scan3A_83  : i32 {
      %mul3A_199 = arith.constant 16 : i32
      %mul3A_200 = arith.muli %scan3A_198, %mul3A_199 : i32
      %add3A_201 = vector.broadcast %mul3A_200 : i32 to vector<16xi32>
      %add3A_202 = arith.addi %add3A_79, %add3A_201 : vector<16xi32>
      %mul3A_203 = arith.constant 16 : i32
      %mul3A_204 = arith.muli %scan3A_198, %mul3A_203 : i32
      %add3A_205 = arith.constant 10000 : i32
      %add3A_206 = arith.addi %add3A_205, %mul3A_204 : i32
      %swap3A = arith.index_cast %add3A_206 : i32 to index
      %swap3A_207 = tpu.vector_load %arg6[%swap3A] {strides = array<i32>} : memref<10112xi32, #tpu.memory_space<vmem>>, vector<16xi32>,
      %swap3A_208 = vector.shape_cast %swap3A_207 : vector<16xi32> to vector<16xi32>
      %swap3A_209 = vector.shape_cast %add3A_202 : vector<16xi32> to vector<16xi32>
      tpu.vector_store %arg6[%swap3A], %swap3A_209 {strides = array<i32>} : memref<10112xi32, #tpu.memory_space<vmem>>, vector<16xi32>,
      %mul3A_210 = arith.constant 16 : i32
      %mul3A_211 = arith.muli %scan3A_198, %mul3A_210 : i32
      %add3A_212 = vector.broadcast %mul3A_211 : i32 to vector<16xi32>
      %add3A_213 = arith.addi %add3A_79, %add3A_212 : vector<16xi32>
      %mul3A_214 = arith.constant 16 : i32
      %mul3A_215 = arith.muli %scan3A_198, %mul3A_214 : i32
      %add3A_216 = arith.constant 10000 : i32
      %add3A_217 = arith.addi %add3A_216, %mul3A_215 : i32
      %swap3A_218 = arith.index_cast %add3A_217 : i32 to index
      %swap3A_219 = tpu.vector_load %arg7[%swap3A_218] {strides = array<i32>} : memref<10112xi32, #tpu.memory_space<vmem>>, vector<16xi32>,
      %swap3A_220 = vector.shape_cast %swap3A_219 : vector<16xi32> to vector<16xi32>
      %swap3A_221 = vector.shape_cast %add3A_213 : vector<16xi32> to vector<16xi32>
      tpu.vector_store %arg7[%swap3A_218], %swap3A_221 {strides = array<i32>} : memref<10112xi32, #tpu.memory_space<vmem>>, vector<16xi32>,
    }
    %scan3A_84 = arith.constant 7 : i32
    %mul3A_85 = arith.constant 632 : i32
    %mul3A_86 = arith.muli %arg1, %mul3A_85 : i32
    %mul3A_87 = arith.constant 632 : i32
    %mul3A_88 = arith.muli %arg1, %mul3A_87 : i32
    %dma_wait3A_89 = arith.constant 0 : i32
    %dma_wait3A_90 = tpu.memref_slice %arg12[%dma_wait3A_89] : memref<4x!tpu.dma_semaphore, #tpu.memory_space<semaphore_mem>> -> memref<1x!tpu.dma_semaphore, #tpu.memory_space<semaphore_mem>>
    %dma_wait3A_91 = tpu.memref_squeeze %dma_wait3A_90 : memref<1x!tpu.dma_semaphore, #tpu.memory_space<semaphore_mem>> -> memref<!tpu.dma_semaphore, #tpu.memory_space<semaphore_mem>>
    %dma_wait3A_92 = arith.constant 0 : i32
    %dma_wait3A_93 = tpu.memref_slice %arg10[%mul3A_88, %dma_wait3A_92] : memref<10112x32xf32, #tpu.memory_space<vmem_shared>> -> memref<632x32xf32, #tpu.memory_space<vmem_shared>>
    %dma_wait3A_94 = arith.constant 0 : i32
    %dma_wait3A_95 = tpu.memref_slice %arg4[%mul3A_86, %dma_wait3A_94] : memref<10112x32xf32, #tpu.memory_space<hbm>> -> memref<632x32xf32, #tpu.memory_space<hbm>>
    tpu.wait_dma2 semaphore(%dma_wait3A_91 : memref<!tpu.dma_semaphore, #tpu.memory_space<semaphore_mem>>) src(%dma_wait3A_95 : memref<632x32xf32, #tpu.memory_space<hbm>>) dst(%dma_wait3A_93 : memref<632x32xf32, #tpu.memory_space<vmem_shared>>)
    %mul3A_96 = arith.constant 632 : i32
    %mul3A_97 = arith.muli %arg1, %mul3A_96 : i32
    %mul3A_98 = arith.constant 632 : i32
    %mul3A_99 = arith.muli %arg1, %mul3A_98 : i32
    %dma_wait3A_100 = arith.constant 1 : i32
    %dma_wait3A_101 = tpu.memref_slice %arg12[%dma_wait3A_100] : memref<4x!tpu.dma_semaphore, #tpu.memory_space<semaphore_mem>> -> memref<1x!tpu.dma_semaphore, #tpu.memory_space<semaphore_mem>>
    %dma_wait3A_102 = tpu.memref_squeeze %dma_wait3A_101 : memref<1x!tpu.dma_semaphore, #tpu.memory_space<semaphore_mem>> -> memref<!tpu.dma_semaphore, #tpu.memory_space<semaphore_mem>>
    %dma_wait3A_103 = arith.constant 0 : i32
    %dma_wait3A_104 = tpu.memref_slice %arg9[%mul3A_99, %dma_wait3A_103] : memref<10112x32xf32, #tpu.memory_space<vmem_shared>> -> memref<632x32xf32, #tpu.memory_space<vmem_shared>>
    %dma_wait3A_105 = arith.constant 0 : i32
    %dma_wait3A_106 = tpu.memref_slice %arg2[%mul3A_97, %dma_wait3A_105] : memref<10112x128xf32, #tpu.memory_space<hbm>> -> memref<632x32xf32, #tpu.memory_space<hbm>>
    tpu.wait_dma2 semaphore(%dma_wait3A_102 : memref<!tpu.dma_semaphore, #tpu.memory_space<semaphore_mem>>) src(%dma_wait3A_106 : memref<632x32xf32, #tpu.memory_space<hbm>>) dst(%dma_wait3A_104 : memref<632x32xf32, #tpu.memory_space<vmem_shared>>)
    %barrier3A = arith.constant 0 : index
    tpu.barrier barrier_id(%barrier3A)
    %dma_start3A_107 = arith.constant 0 : i32
    %dma_start3A_108 = arith.constant 0 : i32
    %dma_start3A_109 = arith.constant 0 : i32
    %dma_start3A_110 = arith.constant 0 : i32
    %dma_start3A_111 = tpu.memref_slice %arg8[%dma_start3A_107, %dma_start3A_109, %dma_start3A_110] : memref<4x128x32xf32, #tpu.memory_space<vmem>> -> memref<1x128x32xf32, #tpu.memory_space<vmem>>
    %dma_start3A_112 = tpu.memref_squeeze %dma_start3A_111 : memref<1x128x32xf32, #tpu.memory_space<vmem>> -> memref<128x32xf32, #tpu.memory_space<vmem>>
    %dma_start3A_113 = arith.constant 0 : i32
    %dma_start3A_114 = tpu.memref_slice %arg6[%dma_start3A_113] : memref<10112xi32, #tpu.memory_space<vmem>> -> memref<128xi32, #tpu.memory_space<vmem>>
    %dma_start3A_115 = arith.constant 0 : i32
    %dma_start3A_116 = arith.constant 0 : i32
    %dma_start3A_117 = tpu.memref_slice %arg9[%dma_start3A_115, %dma_start3A_116] : memref<10112x32xf32, #tpu.memory_space<vmem_shared>> -> memref<10112x32xf32, #tpu.memory_space<vmem_shared>>
    %dma_start3A_118 = tpu.memref_slice %arg11[%dma_start3A_108] : memref<4x!tpu.dma_semaphore, #tpu.memory_space<semaphore_mem>> -> memref<1x!tpu.dma_semaphore, #tpu.memory_space<semaphore_mem>>
    %dma_start3A_119 = tpu.memref_squeeze %dma_start3A_118 : memref<1x!tpu.dma_semaphore, #tpu.memory_space<semaphore_mem>> -> memref<!tpu.dma_semaphore, #tpu.memory_space<semaphore_mem>>
    tpu.enqueue_indirect_dma source(%dma_start3A_117 : memref<10112x32xf32, #tpu.memory_space<vmem_shared>>) target(%dma_start3A_112 : memref<128x32xf32, #tpu.memory_space<vmem>>) offsets(%dma_start3A_114 : memref<128xi32, #tpu.memory_space<vmem>>) semaphore(%dma_start3A_119 : memref<!tpu.dma_semaphore, #tpu.memory_space<semaphore_mem>>)
    %dma_start3A_120 = arith.constant 1 : i32
    %dma_start3A_121 = arith.constant 1 : i32
    %dma_start3A_122 = arith.constant 0 : i32
    %dma_start3A_123 = arith.constant 0 : i32
    %dma_start3A_124 = tpu.memref_slice %arg8[%dma_start3A_120, %dma_start3A_122, %dma_start3A_123] : memref<4x128x32xf32, #tpu.memory_space<vmem>> -> memref<1x128x32xf32, #tpu.memory_space<vmem>>
    %dma_start3A_125 = tpu.memref_squeeze %dma_start3A_124 : memref<1x128x32xf32, #tpu.memory_space<vmem>> -> memref<128x32xf32, #tpu.memory_space<vmem>>
    %dma_start3A_126 = arith.constant 128 : i32
    %dma_start3A_127 = tpu.memref_slice %arg6[%dma_start3A_126] : memref<10112xi32, #tpu.memory_space<vmem>> -> memref<128xi32, #tpu.memory_space<vmem>>
    %dma_start3A_128 = arith.constant 0 : i32
    %dma_start3A_129 = arith.constant 0 : i32
    %dma_start3A_130 = tpu.memref_slice %arg9[%dma_start3A_128, %dma_start3A_129] : memref<10112x32xf32, #tpu.memory_space<vmem_shared>> -> memref<10112x32xf32, #tpu.memory_space<vmem_shared>>
    %dma_start3A_131 = tpu.memref_slice %arg11[%dma_start3A_121] : memref<4x!tpu.dma_semaphore, #tpu.memory_space<semaphore_mem>> -> memref<1x!tpu.dma_semaphore, #tpu.memory_space<semaphore_mem>>
    %dma_start3A_132 = tpu.memref_squeeze %dma_start3A_131 : memref<1x!tpu.dma_semaphore, #tpu.memory_space<semaphore_mem>> -> memref<!tpu.dma_semaphore, #tpu.memory_space<semaphore_mem>>
    tpu.enqueue_indirect_dma source(%dma_start3A_130 : memref<10112x32xf32, #tpu.memory_space<vmem_shared>>) target(%dma_start3A_125 : memref<128x32xf32, #tpu.memory_space<vmem>>) offsets(%dma_start3A_127 : memref<128xi32, #tpu.memory_space<vmem>>) semaphore(%dma_start3A_132 : memref<!tpu.dma_semaphore, #tpu.memory_space<semaphore_mem>>)
    %scan3A_133 = arith.constant 0 : i32
    %scan3A_134 = arith.constant 0 : i32
    %scan3A_135 = arith.constant 79 : i32
    %scan3A_136 = arith.addi %scan3A_134, %scan3A_135 : i32
    %scan3A_137 = arith.constant 1 : i32
    scf.for %scan3A_198 = %scan3A_134 to %scan3A_136 step %scan3A_137  : i32 {
      %rem3A = arith.constant 4 : i32
      %rem3A_199 = arith.remsi %scan3A_198, %rem3A : i32
      %eq3A = arith.constant 0 : i32
      %eq3A_200 = arith.cmpi eq, %rem3A_199, %eq3A : i32
      %convert_element_type3A = arith.extui %eq3A_200 : i1 to i32
      %cond3A = arith.constant 0 : i32
      %cond3A_201 = arith.cmpi ne, %convert_element_type3A, %cond3A : i32
      scf.if %cond3A_201 {
        %mul3A_223 = arith.constant 128 : i32
        %mul3A_224 = arith.muli %scan3A_198, %mul3A_223 : i32
        %dma_wait3A_225 = arith.constant 0 : i32
        %dma_wait3A_226 = arith.constant 0 : i32
        %dma_wait3A_227 = arith.constant 0 : i32
        %dma_wait3A_228 = arith.constant 0 : i32
        %dma_wait3A_229 = tpu.memref_slice %arg8[%dma_wait3A_225, %dma_wait3A_227, %dma_wait3A_228] : memref<4x128x32xf32, #tpu.memory_space<vmem>> -> memref<1x128x32xf32, #tpu.memory_space<vmem>>
        %dma_wait3A_230 = tpu.memref_squeeze %dma_wait3A_229 : memref<1x128x32xf32, #tpu.memory_space<vmem>> -> memref<128x32xf32, #tpu.memory_space<vmem>>
        %dma_wait3A_231 = tpu.memref_slice %arg6[%mul3A_224] : memref<10112xi32, #tpu.memory_space<vmem>> -> memref<128xi32, #tpu.memory_space<vmem>>
        %dma_wait3A_232 = arith.constant 0 : i32
        %dma_wait3A_233 = arith.constant 0 : i32
        %dma_wait3A_234 = tpu.memref_slice %arg9[%dma_wait3A_232, %dma_wait3A_233] : memref<10112x32xf32, #tpu.memory_space<vmem_shared>> -> memref<10112x32xf32, #tpu.memory_space<vmem_shared>>
        %dma_wait3A_235 = tpu.memref_slice %arg11[%dma_wait3A_226] : memref<4x!tpu.dma_semaphore, #tpu.memory_space<semaphore_mem>> -> memref<1x!tpu.dma_semaphore, #tpu.memory_space<semaphore_mem>>
        %dma_wait3A_236 = tpu.memref_squeeze %dma_wait3A_235 : memref<1x!tpu.dma_semaphore, #tpu.memory_space<semaphore_mem>> -> memref<!tpu.dma_semaphore, #tpu.memory_space<semaphore_mem>>
        tpu.wait_indirect_dma semaphore(%dma_wait3A_236 : memref<!tpu.dma_semaphore, #tpu.memory_space<semaphore_mem>>) src(%dma_wait3A_234 : memref<10112x32xf32, #tpu.memory_space<vmem_shared>>) dst(%dma_wait3A_230 : memref<128x32xf32, #tpu.memory_space<vmem>>)
        %mul3A_237 = arith.constant 128 : i32
        %mul3A_238 = arith.muli %scan3A_198, %mul3A_237 : i32
        %dma_start3A_239 = arith.constant 0 : i32
        %dma_start3A_240 = arith.constant 0 : i32
        %dma_start3A_241 = arith.constant 0 : i32
        %dma_start3A_242 = arith.constant 0 : i32
        %dma_start3A_243 = tpu.memref_slice %arg8[%dma_start3A_239, %dma_start3A_241, %dma_start3A_242] : memref<4x128x32xf32, #tpu.memory_space<vmem>> -> memref<1x128x32xf32, #tpu.memory_space<vmem>>
        %dma_start3A_244 = tpu.memref_squeeze %dma_start3A_243 : memref<1x128x32xf32, #tpu.memory_space<vmem>> -> memref<128x32xf32, #tpu.memory_space<vmem>>
        %dma_start3A_245 = tpu.memref_slice %arg7[%mul3A_238] : memref<10112xi32, #tpu.memory_space<vmem>> -> memref<128xi32, #tpu.memory_space<vmem>>
        %dma_start3A_246 = arith.constant 0 : i32
        %dma_start3A_247 = arith.constant 0 : i32
        %dma_start3A_248 = tpu.memref_slice %arg10[%dma_start3A_246, %dma_start3A_247] : memref<10112x32xf32, #tpu.memory_space<vmem_shared>> -> memref<10112x32xf32, #tpu.memory_space<vmem_shared>>
        %dma_start3A_249 = tpu.memref_slice %arg12[%dma_start3A_240] : memref<4x!tpu.dma_semaphore, #tpu.memory_space<semaphore_mem>> -> memref<1x!tpu.dma_semaphore, #tpu.memory_space<semaphore_mem>>
        %dma_start3A_250 = tpu.memref_squeeze %dma_start3A_249 : memref<1x!tpu.dma_semaphore, #tpu.memory_space<semaphore_mem>> -> memref<!tpu.dma_semaphore, #tpu.memory_space<semaphore_mem>>
        tpu.enqueue_indirect_dma source(%dma_start3A_244 : memref<128x32xf32, #tpu.memory_space<vmem>>) target(%dma_start3A_248 : memref<10112x32xf32, #tpu.memory_space<vmem_shared>>) offsets(%dma_start3A_245 : memref<128xi32, #tpu.memory_space<vmem>>) semaphore(%dma_start3A_250 : memref<!tpu.dma_semaphore, #tpu.memory_space<semaphore_mem>>) {add = true}
        %add3A_251 = arith.constant 2 : i32
        %add3A_252 = arith.addi %scan3A_198, %add3A_251 : i32
        %lt3A = arith.constant 79 : i32
        %lt3A_253 = arith.cmpi slt, %add3A_252, %lt3A : i32
        %convert_element_type3A_254 = arith.extui %lt3A_253 : i1 to i32
        %cond3A_255 = arith.constant 0 : i32
        %cond3A_256 = arith.cmpi ne, %convert_element_type3A_254, %cond3A_255 : i32
        scf.if %cond3A_256 {
          %ge3A = arith.constant 2 : i32
          %ge3A_257 = arith.cmpi sge, %scan3A_198, %ge3A : i32
          %convert_element_type3A_258 = arith.extui %ge3A_257 : i1 to i32
          %cond3A_259 = arith.constant 2 : i32
          %cond3A_260 = arith.constant 0 : i32
          %cond3A_261 = arith.cmpi ne, %convert_element_type3A_258, %cond3A_260 : i32
          scf.if %cond3A_261 {
            %sub3A = arith.constant 2 : i32
            %sub3A_278 = arith.subi %scan3A_198, %sub3A : i32
            %mul3A_279 = arith.constant 128 : i32
            %mul3A_280 = arith.muli %sub3A_278, %mul3A_279 : i32
            %dma_wait3A_281 = arith.constant 2 : i32
            %dma_wait3A_282 = arith.constant 0 : i32
            %dma_wait3A_283 = arith.constant 0 : i32
            %dma_wait3A_284 = tpu.memref_slice %arg8[%cond3A_259, %dma_wait3A_282, %dma_wait3A_283] : memref<4x128x32xf32, #tpu.memory_space<vmem>> -> memref<1x128x32xf32, #tpu.memory_space<vmem>>
            %dma_wait3A_285 = tpu.memref_squeeze %dma_wait3A_284 : memref<1x128x32xf32, #tpu.memory_space<vmem>> -> memref<128x32xf32, #tpu.memory_space<vmem>>
            %dma_wait3A_286 = tpu.memref_slice %arg7[%mul3A_280] : memref<10112xi32, #tpu.memory_space<vmem>> -> memref<128xi32, #tpu.memory_space<vmem>>
            %dma_wait3A_287 = arith.constant 0 : i32
            %dma_wait3A_288 = arith.constant 0 : i32
            %dma_wait3A_289 = tpu.memref_slice %arg10[%dma_wait3A_287, %dma_wait3A_288] : memref<10112x32xf32, #tpu.memory_space<vmem_shared>> -> memref<10112x32xf32, #tpu.memory_space<vmem_shared>>
            %dma_wait3A_290 = tpu.memref_slice %arg12[%dma_wait3A_281] : memref<4x!tpu.dma_semaphore, #tpu.memory_space<semaphore_mem>> -> memref<1x!tpu.dma_semaphore, #tpu.memory_space<semaphore_mem>>
            %dma_wait3A_291 = tpu.memref_squeeze %dma_wait3A_290 : memref<1x!tpu.dma_semaphore, #tpu.memory_space<semaphore_mem>> -> memref<!tpu.dma_semaphore, #tpu.memory_space<semaphore_mem>>
            tpu.wait_indirect_dma semaphore(%dma_wait3A_291 : memref<!tpu.dma_semaphore, #tpu.memory_space<semaphore_mem>>) src(%dma_wait3A_285 : memref<128x32xf32, #tpu.memory_space<vmem>>) dst(%dma_wait3A_289 : memref<10112x32xf32, #tpu.memory_space<vmem_shared>>)
          } else {
          }
          %add3A_262 = arith.constant 2 : i32
          %add3A_263 = arith.addi %scan3A_198, %add3A_262 : i32
          %mul3A_264 = arith.constant 128 : i32
          %mul3A_265 = arith.muli %add3A_263, %mul3A_264 : i32
          %dma_start3A_266 = arith.constant 2 : i32
          %dma_start3A_267 = arith.constant 2 : i32
          %dma_start3A_268 = arith.constant 0 : i32
          %dma_start3A_269 = arith.constant 0 : i32
          %dma_start3A_270 = tpu.memref_slice %arg8[%dma_start3A_266, %dma_start3A_268, %dma_start3A_269] : memref<4x128x32xf32, #tpu.memory_space<vmem>> -> memref<1x128x32xf32, #tpu.memory_space<vmem>>
          %dma_start3A_271 = tpu.memref_squeeze %dma_start3A_270 : memref<1x128x32xf32, #tpu.memory_space<vmem>> -> memref<128x32xf32, #tpu.memory_space<vmem>>
          %dma_start3A_272 = tpu.memref_slice %arg6[%mul3A_265] : memref<10112xi32, #tpu.memory_space<vmem>> -> memref<128xi32, #tpu.memory_space<vmem>>
          %dma_start3A_273 = arith.constant 0 : i32
          %dma_start3A_274 = arith.constant 0 : i32
          %dma_start3A_275 = tpu.memref_slice %arg9[%dma_start3A_273, %dma_start3A_274] : memref<10112x32xf32, #tpu.memory_space<vmem_shared>> -> memref<10112x32xf32, #tpu.memory_space<vmem_shared>>
          %dma_start3A_276 = tpu.memref_slice %arg11[%dma_start3A_267] : memref<4x!tpu.dma_semaphore, #tpu.memory_space<semaphore_mem>> -> memref<1x!tpu.dma_semaphore, #tpu.memory_space<semaphore_mem>>
          %dma_start3A_277 = tpu.memref_squeeze %dma_start3A_276 : memref<1x!tpu.dma_semaphore, #tpu.memory_space<semaphore_mem>> -> memref<!tpu.dma_semaphore, #tpu.memory_space<semaphore_mem>>
          tpu.enqueue_indirect_dma source(%dma_start3A_275 : memref<10112x32xf32, #tpu.memory_space<vmem_shared>>) target(%dma_start3A_271 : memref<128x32xf32, #tpu.memory_space<vmem>>) offsets(%dma_start3A_272 : memref<128xi32, #tpu.memory_space<vmem>>) semaphore(%dma_start3A_277 : memref<!tpu.dma_semaphore, #tpu.memory_space<semaphore_mem>>)
        } else {
        }
      } else {
      }
      %rem3A_202 = arith.constant 4 : i32
      %rem3A_203 = arith.remsi %scan3A_198, %rem3A_202 : i32
      %eq3A_204 = arith.constant 1 : i32
      %eq3A_205 = arith.cmpi eq, %rem3A_203, %eq3A_204 : i32
      %convert_element_type3A_206 = arith.extui %eq3A_205 : i1 to i32
      %cond3A_207 = arith.constant 0 : i32
      %cond3A_208 = arith.cmpi ne, %convert_element_type3A_206, %cond3A_207 : i32
      scf.if %cond3A_208 {
        %mul3A_223 = arith.constant 128 : i32
        %mul3A_224 = arith.muli %scan3A_198, %mul3A_223 : i32
        %dma_wait3A_225 = arith.constant 1 : i32
        %dma_wait3A_226 = arith.constant 1 : i32
        %dma_wait3A_227 = arith.constant 0 : i32
        %dma_wait3A_228 = arith.constant 0 : i32
        %dma_wait3A_229 = tpu.memref_slice %arg8[%dma_wait3A_225, %dma_wait3A_227, %dma_wait3A_228] : memref<4x128x32xf32, #tpu.memory_space<vmem>> -> memref<1x128x32xf32, #tpu.memory_space<vmem>>
        %dma_wait3A_230 = tpu.memref_squeeze %dma_wait3A_229 : memref<1x128x32xf32, #tpu.memory_space<vmem>> -> memref<128x32xf32, #tpu.memory_space<vmem>>
        %dma_wait3A_231 = tpu.memref_slice %arg6[%mul3A_224] : memref<10112xi32, #tpu.memory_space<vmem>> -> memref<128xi32, #tpu.memory_space<vmem>>
        %dma_wait3A_232 = arith.constant 0 : i32
        %dma_wait3A_233 = arith.constant 0 : i32
        %dma_wait3A_234 = tpu.memref_slice %arg9[%dma_wait3A_232, %dma_wait3A_233] : memref<10112x32xf32, #tpu.memory_space<vmem_shared>> -> memref<10112x32xf32, #tpu.memory_space<vmem_shared>>
        %dma_wait3A_235 = tpu.memref_slice %arg11[%dma_wait3A_226] : memref<4x!tpu.dma_semaphore, #tpu.memory_space<semaphore_mem>> -> memref<1x!tpu.dma_semaphore, #tpu.memory_space<semaphore_mem>>
        %dma_wait3A_236 = tpu.memref_squeeze %dma_wait3A_235 : memref<1x!tpu.dma_semaphore, #tpu.memory_space<semaphore_mem>> -> memref<!tpu.dma_semaphore, #tpu.memory_space<semaphore_mem>>
        tpu.wait_indirect_dma semaphore(%dma_wait3A_236 : memref<!tpu.dma_semaphore, #tpu.memory_space<semaphore_mem>>) src(%dma_wait3A_234 : memref<10112x32xf32, #tpu.memory_space<vmem_shared>>) dst(%dma_wait3A_230 : memref<128x32xf32, #tpu.memory_space<vmem>>)
        %mul3A_237 = arith.constant 128 : i32
        %mul3A_238 = arith.muli %scan3A_198, %mul3A_237 : i32
        %dma_start3A_239 = arith.constant 1 : i32
        %dma_start3A_240 = arith.constant 1 : i32
        %dma_start3A_241 = arith.constant 0 : i32
        %dma_start3A_242 = arith.constant 0 : i32
        %dma_start3A_243 = tpu.memref_slice %arg8[%dma_start3A_239, %dma_start3A_241, %dma_start3A_242] : memref<4x128x32xf32, #tpu.memory_space<vmem>> -> memref<1x128x32xf32, #tpu.memory_space<vmem>>
        %dma_start3A_244 = tpu.memref_squeeze %dma_start3A_243 : memref<1x128x32xf32, #tpu.memory_space<vmem>> -> memref<128x32xf32, #tpu.memory_space<vmem>>
        %dma_start3A_245 = tpu.memref_slice %arg7[%mul3A_238] : memref<10112xi32, #tpu.memory_space<vmem>> -> memref<128xi32, #tpu.memory_space<vmem>>
        %dma_start3A_246 = arith.constant 0 : i32
        %dma_start3A_247 = arith.constant 0 : i32
        %dma_start3A_248 = tpu.memref_slice %arg10[%dma_start3A_246, %dma_start3A_247] : memref<10112x32xf32, #tpu.memory_space<vmem_shared>> -> memref<10112x32xf32, #tpu.memory_space<vmem_shared>>
        %dma_start3A_249 = tpu.memref_slice %arg12[%dma_start3A_240] : memref<4x!tpu.dma_semaphore, #tpu.memory_space<semaphore_mem>> -> memref<1x!tpu.dma_semaphore, #tpu.memory_space<semaphore_mem>>
        %dma_start3A_250 = tpu.memref_squeeze %dma_start3A_249 : memref<1x!tpu.dma_semaphore, #tpu.memory_space<semaphore_mem>> -> memref<!tpu.dma_semaphore, #tpu.memory_space<semaphore_mem>>
        tpu.enqueue_indirect_dma source(%dma_start3A_244 : memref<128x32xf32, #tpu.memory_space<vmem>>) target(%dma_start3A_248 : memref<10112x32xf32, #tpu.memory_space<vmem_shared>>) offsets(%dma_start3A_245 : memref<128xi32, #tpu.memory_space<vmem>>) semaphore(%dma_start3A_250 : memref<!tpu.dma_semaphore, #tpu.memory_space<semaphore_mem>>) {add = true}
        %add3A_251 = arith.constant 2 : i32
        %add3A_252 = arith.addi %scan3A_198, %add3A_251 : i32
        %lt3A = arith.constant 79 : i32
        %lt3A_253 = arith.cmpi slt, %add3A_252, %lt3A : i32
        %convert_element_type3A_254 = arith.extui %lt3A_253 : i1 to i32
        %cond3A_255 = arith.constant 0 : i32
        %cond3A_256 = arith.cmpi ne, %convert_element_type3A_254, %cond3A_255 : i32
        scf.if %cond3A_256 {
          %ge3A = arith.constant 2 : i32
          %ge3A_257 = arith.cmpi sge, %scan3A_198, %ge3A : i32
          %convert_element_type3A_258 = arith.extui %ge3A_257 : i1 to i32
          %cond3A_259 = arith.constant 3 : i32
          %cond3A_260 = arith.constant 0 : i32
          %cond3A_261 = arith.cmpi ne, %convert_element_type3A_258, %cond3A_260 : i32
          scf.if %cond3A_261 {
            %sub3A = arith.constant 2 : i32
            %sub3A_278 = arith.subi %scan3A_198, %sub3A : i32
            %mul3A_279 = arith.constant 128 : i32
            %mul3A_280 = arith.muli %sub3A_278, %mul3A_279 : i32
            %dma_wait3A_281 = arith.constant 3 : i32
            %dma_wait3A_282 = arith.constant 0 : i32
            %dma_wait3A_283 = arith.constant 0 : i32
            %dma_wait3A_284 = tpu.memref_slice %arg8[%cond3A_259, %dma_wait3A_282, %dma_wait3A_283] : memref<4x128x32xf32, #tpu.memory_space<vmem>> -> memref<1x128x32xf32, #tpu.memory_space<vmem>>
            %dma_wait3A_285 = tpu.memref_squeeze %dma_wait3A_284 : memref<1x128x32xf32, #tpu.memory_space<vmem>> -> memref<128x32xf32, #tpu.memory_space<vmem>>
            %dma_wait3A_286 = tpu.memref_slice %arg7[%mul3A_280] : memref<10112xi32, #tpu.memory_space<vmem>> -> memref<128xi32, #tpu.memory_space<vmem>>
            %dma_wait3A_287 = arith.constant 0 : i32
            %dma_wait3A_288 = arith.constant 0 : i32
            %dma_wait3A_289 = tpu.memref_slice %arg10[%dma_wait3A_287, %dma_wait3A_288] : memref<10112x32xf32, #tpu.memory_space<vmem_shared>> -> memref<10112x32xf32, #tpu.memory_space<vmem_shared>>
            %dma_wait3A_290 = tpu.memref_slice %arg12[%dma_wait3A_281] : memref<4x!tpu.dma_semaphore, #tpu.memory_space<semaphore_mem>> -> memref<1x!tpu.dma_semaphore, #tpu.memory_space<semaphore_mem>>
            %dma_wait3A_291 = tpu.memref_squeeze %dma_wait3A_290 : memref<1x!tpu.dma_semaphore, #tpu.memory_space<semaphore_mem>> -> memref<!tpu.dma_semaphore, #tpu.memory_space<semaphore_mem>>
            tpu.wait_indirect_dma semaphore(%dma_wait3A_291 : memref<!tpu.dma_semaphore, #tpu.memory_space<semaphore_mem>>) src(%dma_wait3A_285 : memref<128x32xf32, #tpu.memory_space<vmem>>) dst(%dma_wait3A_289 : memref<10112x32xf32, #tpu.memory_space<vmem_shared>>)
          } else {
          }
          %add3A_262 = arith.constant 2 : i32
          %add3A_263 = arith.addi %scan3A_198, %add3A_262 : i32
          %mul3A_264 = arith.constant 128 : i32
          %mul3A_265 = arith.muli %add3A_263, %mul3A_264 : i32
          %dma_start3A_266 = arith.constant 3 : i32
          %dma_start3A_267 = arith.constant 3 : i32
          %dma_start3A_268 = arith.constant 0 : i32
          %dma_start3A_269 = arith.constant 0 : i32
          %dma_start3A_270 = tpu.memref_slice %arg8[%dma_start3A_266, %dma_start3A_268, %dma_start3A_269] : memref<4x128x32xf32, #tpu.memory_space<vmem>> -> memref<1x128x32xf32, #tpu.memory_space<vmem>>
          %dma_start3A_271 = tpu.memref_squeeze %dma_start3A_270 : memref<1x128x32xf32, #tpu.memory_space<vmem>> -> memref<128x32xf32, #tpu.memory_space<vmem>>
          %dma_start3A_272 = tpu.memref_slice %arg6[%mul3A_265] : memref<10112xi32, #tpu.memory_space<vmem>> -> memref<128xi32, #tpu.memory_space<vmem>>
          %dma_start3A_273 = arith.constant 0 : i32
          %dma_start3A_274 = arith.constant 0 : i32
          %dma_start3A_275 = tpu.memref_slice %arg9[%dma_start3A_273, %dma_start3A_274] : memref<10112x32xf32, #tpu.memory_space<vmem_shared>> -> memref<10112x32xf32, #tpu.memory_space<vmem_shared>>
          %dma_start3A_276 = tpu.memref_slice %arg11[%dma_start3A_267] : memref<4x!tpu.dma_semaphore, #tpu.memory_space<semaphore_mem>> -> memref<1x!tpu.dma_semaphore, #tpu.memory_space<semaphore_mem>>
          %dma_start3A_277 = tpu.memref_squeeze %dma_start3A_276 : memref<1x!tpu.dma_semaphore, #tpu.memory_space<semaphore_mem>> -> memref<!tpu.dma_semaphore, #tpu.memory_space<semaphore_mem>>
          tpu.enqueue_indirect_dma source(%dma_start3A_275 : memref<10112x32xf32, #tpu.memory_space<vmem_shared>>) target(%dma_start3A_271 : memref<128x32xf32, #tpu.memory_space<vmem>>) offsets(%dma_start3A_272 : memref<128xi32, #tpu.memory_space<vmem>>) semaphore(%dma_start3A_277 : memref<!tpu.dma_semaphore, #tpu.memory_space<semaphore_mem>>)
        } else {
        }
      } else {
      }
      %rem3A_209 = arith.constant 4 : i32
      %rem3A_210 = arith.remsi %scan3A_198, %rem3A_209 : i32
      %eq3A_211 = arith.constant 2 : i32
      %eq3A_212 = arith.cmpi eq, %rem3A_210, %eq3A_211 : i32
      %convert_element_type3A_213 = arith.extui %eq3A_212 : i1 to i32
      %cond3A_214 = arith.constant 0 : i32
      %cond3A_215 = arith.cmpi ne, %convert_element_type3A_213, %cond3A_214 : i32
      scf.if %cond3A_215 {
        %mul3A_223 = arith.constant 128 : i32
        %mul3A_224 = arith.muli %scan3A_198, %mul3A_223 : i32
        %dma_wait3A_225 = arith.constant 2 : i32
        %dma_wait3A_226 = arith.constant 2 : i32
        %dma_wait3A_227 = arith.constant 0 : i32
        %dma_wait3A_228 = arith.constant 0 : i32
        %dma_wait3A_229 = tpu.memref_slice %arg8[%dma_wait3A_225, %dma_wait3A_227, %dma_wait3A_228] : memref<4x128x32xf32, #tpu.memory_space<vmem>> -> memref<1x128x32xf32, #tpu.memory_space<vmem>>
        %dma_wait3A_230 = tpu.memref_squeeze %dma_wait3A_229 : memref<1x128x32xf32, #tpu.memory_space<vmem>> -> memref<128x32xf32, #tpu.memory_space<vmem>>
        %dma_wait3A_231 = tpu.memref_slice %arg6[%mul3A_224] : memref<10112xi32, #tpu.memory_space<vmem>> -> memref<128xi32, #tpu.memory_space<vmem>>
        %dma_wait3A_232 = arith.constant 0 : i32
        %dma_wait3A_233 = arith.constant 0 : i32
        %dma_wait3A_234 = tpu.memref_slice %arg9[%dma_wait3A_232, %dma_wait3A_233] : memref<10112x32xf32, #tpu.memory_space<vmem_shared>> -> memref<10112x32xf32, #tpu.memory_space<vmem_shared>>
        %dma_wait3A_235 = tpu.memref_slice %arg11[%dma_wait3A_226] : memref<4x!tpu.dma_semaphore, #tpu.memory_space<semaphore_mem>> -> memref<1x!tpu.dma_semaphore, #tpu.memory_space<semaphore_mem>>
        %dma_wait3A_236 = tpu.memref_squeeze %dma_wait3A_235 : memref<1x!tpu.dma_semaphore, #tpu.memory_space<semaphore_mem>> -> memref<!tpu.dma_semaphore, #tpu.memory_space<semaphore_mem>>
        tpu.wait_indirect_dma semaphore(%dma_wait3A_236 : memref<!tpu.dma_semaphore, #tpu.memory_space<semaphore_mem>>) src(%dma_wait3A_234 : memref<10112x32xf32, #tpu.memory_space<vmem_shared>>) dst(%dma_wait3A_230 : memref<128x32xf32, #tpu.memory_space<vmem>>)
        %mul3A_237 = arith.constant 128 : i32
        %mul3A_238 = arith.muli %scan3A_198, %mul3A_237 : i32
        %dma_start3A_239 = arith.constant 2 : i32
        %dma_start3A_240 = arith.constant 2 : i32
        %dma_start3A_241 = arith.constant 0 : i32
        %dma_start3A_242 = arith.constant 0 : i32
        %dma_start3A_243 = tpu.memref_slice %arg8[%dma_start3A_239, %dma_start3A_241, %dma_start3A_242] : memref<4x128x32xf32, #tpu.memory_space<vmem>> -> memref<1x128x32xf32, #tpu.memory_space<vmem>>
        %dma_start3A_244 = tpu.memref_squeeze %dma_start3A_243 : memref<1x128x32xf32, #tpu.memory_space<vmem>> -> memref<128x32xf32, #tpu.memory_space<vmem>>
        %dma_start3A_245 = tpu.memref_slice %arg7[%mul3A_238] : memref<10112xi32, #tpu.memory_space<vmem>> -> memref<128xi32, #tpu.memory_space<vmem>>
        %dma_start3A_246 = arith.constant 0 : i32
        %dma_start3A_247 = arith.constant 0 : i32
        %dma_start3A_248 = tpu.memref_slice %arg10[%dma_start3A_246, %dma_start3A_247] : memref<10112x32xf32, #tpu.memory_space<vmem_shared>> -> memref<10112x32xf32, #tpu.memory_space<vmem_shared>>
        %dma_start3A_249 = tpu.memref_slice %arg12[%dma_start3A_240] : memref<4x!tpu.dma_semaphore, #tpu.memory_space<semaphore_mem>> -> memref<1x!tpu.dma_semaphore, #tpu.memory_space<semaphore_mem>>
        %dma_start3A_250 = tpu.memref_squeeze %dma_start3A_249 : memref<1x!tpu.dma_semaphore, #tpu.memory_space<semaphore_mem>> -> memref<!tpu.dma_semaphore, #tpu.memory_space<semaphore_mem>>
        tpu.enqueue_indirect_dma source(%dma_start3A_244 : memref<128x32xf32, #tpu.memory_space<vmem>>) target(%dma_start3A_248 : memref<10112x32xf32, #tpu.memory_space<vmem_shared>>) offsets(%dma_start3A_245 : memref<128xi32, #tpu.memory_space<vmem>>) semaphore(%dma_start3A_250 : memref<!tpu.dma_semaphore, #tpu.memory_space<semaphore_mem>>) {add = true}
        %add3A_251 = arith.constant 2 : i32
        %add3A_252 = arith.addi %scan3A_198, %add3A_251 : i32
        %lt3A = arith.constant 79 : i32
        %lt3A_253 = arith.cmpi slt, %add3A_252, %lt3A : i32
        %convert_element_type3A_254 = arith.extui %lt3A_253 : i1 to i32
        %cond3A_255 = arith.constant 0 : i32
        %cond3A_256 = arith.cmpi ne, %convert_element_type3A_254, %cond3A_255 : i32
        scf.if %cond3A_256 {
          %ge3A = arith.constant 2 : i32
          %ge3A_257 = arith.cmpi sge, %scan3A_198, %ge3A : i32
          %convert_element_type3A_258 = arith.extui %ge3A_257 : i1 to i32
          %cond3A_259 = arith.constant 0 : i32
          %cond3A_260 = arith.constant 0 : i32
          %cond3A_261 = arith.cmpi ne, %convert_element_type3A_258, %cond3A_260 : i32
          scf.if %cond3A_261 {
            %sub3A = arith.constant 2 : i32
            %sub3A_278 = arith.subi %scan3A_198, %sub3A : i32
            %mul3A_279 = arith.constant 128 : i32
            %mul3A_280 = arith.muli %sub3A_278, %mul3A_279 : i32
            %dma_wait3A_281 = arith.constant 0 : i32
            %dma_wait3A_282 = arith.constant 0 : i32
            %dma_wait3A_283 = arith.constant 0 : i32
            %dma_wait3A_284 = tpu.memref_slice %arg8[%cond3A_259, %dma_wait3A_282, %dma_wait3A_283] : memref<4x128x32xf32, #tpu.memory_space<vmem>> -> memref<1x128x32xf32, #tpu.memory_space<vmem>>
            %dma_wait3A_285 = tpu.memref_squeeze %dma_wait3A_284 : memref<1x128x32xf32, #tpu.memory_space<vmem>> -> memref<128x32xf32, #tpu.memory_space<vmem>>
            %dma_wait3A_286 = tpu.memref_slice %arg7[%mul3A_280] : memref<10112xi32, #tpu.memory_space<vmem>> -> memref<128xi32, #tpu.memory_space<vmem>>
            %dma_wait3A_287 = arith.constant 0 : i32
            %dma_wait3A_288 = arith.constant 0 : i32
            %dma_wait3A_289 = tpu.memref_slice %arg10[%dma_wait3A_287, %dma_wait3A_288] : memref<10112x32xf32, #tpu.memory_space<vmem_shared>> -> memref<10112x32xf32, #tpu.memory_space<vmem_shared>>
            %dma_wait3A_290 = tpu.memref_slice %arg12[%dma_wait3A_281] : memref<4x!tpu.dma_semaphore, #tpu.memory_space<semaphore_mem>> -> memref<1x!tpu.dma_semaphore, #tpu.memory_space<semaphore_mem>>
            %dma_wait3A_291 = tpu.memref_squeeze %dma_wait3A_290 : memref<1x!tpu.dma_semaphore, #tpu.memory_space<semaphore_mem>> -> memref<!tpu.dma_semaphore, #tpu.memory_space<semaphore_mem>>
            tpu.wait_indirect_dma semaphore(%dma_wait3A_291 : memref<!tpu.dma_semaphore, #tpu.memory_space<semaphore_mem>>) src(%dma_wait3A_285 : memref<128x32xf32, #tpu.memory_space<vmem>>) dst(%dma_wait3A_289 : memref<10112x32xf32, #tpu.memory_space<vmem_shared>>)
          } else {
          }
          %add3A_262 = arith.constant 2 : i32
          %add3A_263 = arith.addi %scan3A_198, %add3A_262 : i32
          %mul3A_264 = arith.constant 128 : i32
          %mul3A_265 = arith.muli %add3A_263, %mul3A_264 : i32
          %dma_start3A_266 = arith.constant 0 : i32
          %dma_start3A_267 = arith.constant 0 : i32
          %dma_start3A_268 = arith.constant 0 : i32
          %dma_start3A_269 = arith.constant 0 : i32
          %dma_start3A_270 = tpu.memref_slice %arg8[%dma_start3A_266, %dma_start3A_268, %dma_start3A_269] : memref<4x128x32xf32, #tpu.memory_space<vmem>> -> memref<1x128x32xf32, #tpu.memory_space<vmem>>
          %dma_start3A_271 = tpu.memref_squeeze %dma_start3A_270 : memref<1x128x32xf32, #tpu.memory_space<vmem>> -> memref<128x32xf32, #tpu.memory_space<vmem>>
          %dma_start3A_272 = tpu.memref_slice %arg6[%mul3A_265] : memref<10112xi32, #tpu.memory_space<vmem>> -> memref<128xi32, #tpu.memory_space<vmem>>
          %dma_start3A_273 = arith.constant 0 : i32
          %dma_start3A_274 = arith.constant 0 : i32
          %dma_start3A_275 = tpu.memref_slice %arg9[%dma_start3A_273, %dma_start3A_274] : memref<10112x32xf32, #tpu.memory_space<vmem_shared>> -> memref<10112x32xf32, #tpu.memory_space<vmem_shared>>
          %dma_start3A_276 = tpu.memref_slice %arg11[%dma_start3A_267] : memref<4x!tpu.dma_semaphore, #tpu.memory_space<semaphore_mem>> -> memref<1x!tpu.dma_semaphore, #tpu.memory_space<semaphore_mem>>
          %dma_start3A_277 = tpu.memref_squeeze %dma_start3A_276 : memref<1x!tpu.dma_semaphore, #tpu.memory_space<semaphore_mem>> -> memref<!tpu.dma_semaphore, #tpu.memory_space<semaphore_mem>>
          tpu.enqueue_indirect_dma source(%dma_start3A_275 : memref<10112x32xf32, #tpu.memory_space<vmem_shared>>) target(%dma_start3A_271 : memref<128x32xf32, #tpu.memory_space<vmem>>) offsets(%dma_start3A_272 : memref<128xi32, #tpu.memory_space<vmem>>) semaphore(%dma_start3A_277 : memref<!tpu.dma_semaphore, #tpu.memory_space<semaphore_mem>>)
        } else {
        }
      } else {
      }
      %rem3A_216 = arith.constant 4 : i32
      %rem3A_217 = arith.remsi %scan3A_198, %rem3A_216 : i32
      %eq3A_218 = arith.constant 3 : i32
      %eq3A_219 = arith.cmpi eq, %rem3A_217, %eq3A_218 : i32
      %convert_element_type3A_220 = arith.extui %eq3A_219 : i1 to i32
      %cond3A_221 = arith.constant 0 : i32
      %cond3A_222 = arith.cmpi ne, %convert_element_type3A_220, %cond3A_221 : i32
      scf.if %cond3A_222 {
        %mul3A_223 = arith.constant 128 : i32
        %mul3A_224 = arith.muli %scan3A_198, %mul3A_223 : i32
        %dma_wait3A_225 = arith.constant 3 : i32
        %dma_wait3A_226 = arith.constant 3 : i32
        %dma_wait3A_227 = arith.constant 0 : i32
        %dma_wait3A_228 = arith.constant 0 : i32
        %dma_wait3A_229 = tpu.memref_slice %arg8[%dma_wait3A_225, %dma_wait3A_227, %dma_wait3A_228] : memref<4x128x32xf32, #tpu.memory_space<vmem>> -> memref<1x128x32xf32, #tpu.memory_space<vmem>>
        %dma_wait3A_230 = tpu.memref_squeeze %dma_wait3A_229 : memref<1x128x32xf32, #tpu.memory_space<vmem>> -> memref<128x32xf32, #tpu.memory_space<vmem>>
        %dma_wait3A_231 = tpu.memref_slice %arg6[%mul3A_224] : memref<10112xi32, #tpu.memory_space<vmem>> -> memref<128xi32, #tpu.memory_space<vmem>>
        %dma_wait3A_232 = arith.constant 0 : i32
        %dma_wait3A_233 = arith.constant 0 : i32
        %dma_wait3A_234 = tpu.memref_slice %arg9[%dma_wait3A_232, %dma_wait3A_233] : memref<10112x32xf32, #tpu.memory_space<vmem_shared>> -> memref<10112x32xf32, #tpu.memory_space<vmem_shared>>
        %dma_wait3A_235 = tpu.memref_slice %arg11[%dma_wait3A_226] : memref<4x!tpu.dma_semaphore, #tpu.memory_space<semaphore_mem>> -> memref<1x!tpu.dma_semaphore, #tpu.memory_space<semaphore_mem>>
        %dma_wait3A_236 = tpu.memref_squeeze %dma_wait3A_235 : memref<1x!tpu.dma_semaphore, #tpu.memory_space<semaphore_mem>> -> memref<!tpu.dma_semaphore, #tpu.memory_space<semaphore_mem>>
        tpu.wait_indirect_dma semaphore(%dma_wait3A_236 : memref<!tpu.dma_semaphore, #tpu.memory_space<semaphore_mem>>) src(%dma_wait3A_234 : memref<10112x32xf32, #tpu.memory_space<vmem_shared>>) dst(%dma_wait3A_230 : memref<128x32xf32, #tpu.memory_space<vmem>>)
        %mul3A_237 = arith.constant 128 : i32
        %mul3A_238 = arith.muli %scan3A_198, %mul3A_237 : i32
        %dma_start3A_239 = arith.constant 3 : i32
        %dma_start3A_240 = arith.constant 3 : i32
        %dma_start3A_241 = arith.constant 0 : i32
        %dma_start3A_242 = arith.constant 0 : i32
        %dma_start3A_243 = tpu.memref_slice %arg8[%dma_start3A_239, %dma_start3A_241, %dma_start3A_242] : memref<4x128x32xf32, #tpu.memory_space<vmem>> -> memref<1x128x32xf32, #tpu.memory_space<vmem>>
        %dma_start3A_244 = tpu.memref_squeeze %dma_start3A_243 : memref<1x128x32xf32, #tpu.memory_space<vmem>> -> memref<128x32xf32, #tpu.memory_space<vmem>>
        %dma_start3A_245 = tpu.memref_slice %arg7[%mul3A_238] : memref<10112xi32, #tpu.memory_space<vmem>> -> memref<128xi32, #tpu.memory_space<vmem>>
        %dma_start3A_246 = arith.constant 0 : i32
        %dma_start3A_247 = arith.constant 0 : i32
        %dma_start3A_248 = tpu.memref_slice %arg10[%dma_start3A_246, %dma_start3A_247] : memref<10112x32xf32, #tpu.memory_space<vmem_shared>> -> memref<10112x32xf32, #tpu.memory_space<vmem_shared>>
        %dma_start3A_249 = tpu.memref_slice %arg12[%dma_start3A_240] : memref<4x!tpu.dma_semaphore, #tpu.memory_space<semaphore_mem>> -> memref<1x!tpu.dma_semaphore, #tpu.memory_space<semaphore_mem>>
        %dma_start3A_250 = tpu.memref_squeeze %dma_start3A_249 : memref<1x!tpu.dma_semaphore, #tpu.memory_space<semaphore_mem>> -> memref<!tpu.dma_semaphore, #tpu.memory_space<semaphore_mem>>
        tpu.enqueue_indirect_dma source(%dma_start3A_244 : memref<128x32xf32, #tpu.memory_space<vmem>>) target(%dma_start3A_248 : memref<10112x32xf32, #tpu.memory_space<vmem_shared>>) offsets(%dma_start3A_245 : memref<128xi32, #tpu.memory_space<vmem>>) semaphore(%dma_start3A_250 : memref<!tpu.dma_semaphore, #tpu.memory_space<semaphore_mem>>) {add = true}
        %add3A_251 = arith.constant 2 : i32
        %add3A_252 = arith.addi %scan3A_198, %add3A_251 : i32
        %lt3A = arith.constant 79 : i32
        %lt3A_253 = arith.cmpi slt, %add3A_252, %lt3A : i32
        %convert_element_type3A_254 = arith.extui %lt3A_253 : i1 to i32
        %cond3A_255 = arith.constant 0 : i32
        %cond3A_256 = arith.cmpi ne, %convert_element_type3A_254, %cond3A_255 : i32
        scf.if %cond3A_256 {
          %ge3A = arith.constant 2 : i32
          %ge3A_257 = arith.cmpi sge, %scan3A_198, %ge3A : i32
          %convert_element_type3A_258 = arith.extui %ge3A_257 : i1 to i32
          %cond3A_259 = arith.constant 1 : i32
          %cond3A_260 = arith.constant 0 : i32
          %cond3A_261 = arith.cmpi ne, %convert_element_type3A_258, %cond3A_260 : i32
          scf.if %cond3A_261 {
            %sub3A = arith.constant 2 : i32
            %sub3A_278 = arith.subi %scan3A_198, %sub3A : i32
            %mul3A_279 = arith.constant 128 : i32
            %mul3A_280 = arith.muli %sub3A_278, %mul3A_279 : i32
            %dma_wait3A_281 = arith.constant 1 : i32
            %dma_wait3A_282 = arith.constant 0 : i32
            %dma_wait3A_283 = arith.constant 0 : i32
            %dma_wait3A_284 = tpu.memref_slice %arg8[%cond3A_259, %dma_wait3A_282, %dma_wait3A_283] : memref<4x128x32xf32, #tpu.memory_space<vmem>> -> memref<1x128x32xf32, #tpu.memory_space<vmem>>
            %dma_wait3A_285 = tpu.memref_squeeze %dma_wait3A_284 : memref<1x128x32xf32, #tpu.memory_space<vmem>> -> memref<128x32xf32, #tpu.memory_space<vmem>>
            %dma_wait3A_286 = tpu.memref_slice %arg7[%mul3A_280] : memref<10112xi32, #tpu.memory_space<vmem>> -> memref<128xi32, #tpu.memory_space<vmem>>
            %dma_wait3A_287 = arith.constant 0 : i32
            %dma_wait3A_288 = arith.constant 0 : i32
            %dma_wait3A_289 = tpu.memref_slice %arg10[%dma_wait3A_287, %dma_wait3A_288] : memref<10112x32xf32, #tpu.memory_space<vmem_shared>> -> memref<10112x32xf32, #tpu.memory_space<vmem_shared>>
            %dma_wait3A_290 = tpu.memref_slice %arg12[%dma_wait3A_281] : memref<4x!tpu.dma_semaphore, #tpu.memory_space<semaphore_mem>> -> memref<1x!tpu.dma_semaphore, #tpu.memory_space<semaphore_mem>>
            %dma_wait3A_291 = tpu.memref_squeeze %dma_wait3A_290 : memref<1x!tpu.dma_semaphore, #tpu.memory_space<semaphore_mem>> -> memref<!tpu.dma_semaphore, #tpu.memory_space<semaphore_mem>>
            tpu.wait_indirect_dma semaphore(%dma_wait3A_291 : memref<!tpu.dma_semaphore, #tpu.memory_space<semaphore_mem>>) src(%dma_wait3A_285 : memref<128x32xf32, #tpu.memory_space<vmem>>) dst(%dma_wait3A_289 : memref<10112x32xf32, #tpu.memory_space<vmem_shared>>)
          } else {
          }
          %add3A_262 = arith.constant 2 : i32
          %add3A_263 = arith.addi %scan3A_198, %add3A_262 : i32
          %mul3A_264 = arith.constant 128 : i32
          %mul3A_265 = arith.muli %add3A_263, %mul3A_264 : i32
          %dma_start3A_266 = arith.constant 1 : i32
          %dma_start3A_267 = arith.constant 1 : i32
          %dma_start3A_268 = arith.constant 0 : i32
          %dma_start3A_269 = arith.constant 0 : i32
          %dma_start3A_270 = tpu.memref_slice %arg8[%dma_start3A_266, %dma_start3A_268, %dma_start3A_269] : memref<4x128x32xf32, #tpu.memory_space<vmem>> -> memref<1x128x32xf32, #tpu.memory_space<vmem>>
          %dma_start3A_271 = tpu.memref_squeeze %dma_start3A_270 : memref<1x128x32xf32, #tpu.memory_space<vmem>> -> memref<128x32xf32, #tpu.memory_space<vmem>>
          %dma_start3A_272 = tpu.memref_slice %arg6[%mul3A_265] : memref<10112xi32, #tpu.memory_space<vmem>> -> memref<128xi32, #tpu.memory_space<vmem>>
          %dma_start3A_273 = arith.constant 0 : i32
          %dma_start3A_274 = arith.constant 0 : i32
          %dma_start3A_275 = tpu.memref_slice %arg9[%dma_start3A_273, %dma_start3A_274] : memref<10112x32xf32, #tpu.memory_space<vmem_shared>> -> memref<10112x32xf32, #tpu.memory_space<vmem_shared>>
          %dma_start3A_276 = tpu.memref_slice %arg11[%dma_start3A_267] : memref<4x!tpu.dma_semaphore, #tpu.memory_space<semaphore_mem>> -> memref<1x!tpu.dma_semaphore, #tpu.memory_space<semaphore_mem>>
          %dma_start3A_277 = tpu.memref_squeeze %dma_start3A_276 : memref<1x!tpu.dma_semaphore, #tpu.memory_space<semaphore_mem>> -> memref<!tpu.dma_semaphore, #tpu.memory_space<semaphore_mem>>
          tpu.enqueue_indirect_dma source(%dma_start3A_275 : memref<10112x32xf32, #tpu.memory_space<vmem_shared>>) target(%dma_start3A_271 : memref<128x32xf32, #tpu.memory_space<vmem>>) offsets(%dma_start3A_272 : memref<128xi32, #tpu.memory_space<vmem>>) semaphore(%dma_start3A_277 : memref<!tpu.dma_semaphore, #tpu.memory_space<semaphore_mem>>)
        } else {
        }
      } else {
      }
    }
    %scan3A_138 = arith.constant 79 : i32
    %dma_wait3A_139 = arith.constant 3 : i32
    %dma_wait3A_140 = arith.constant 3 : i32
    %dma_wait3A_141 = arith.constant 0 : i32
    %dma_wait3A_142 = arith.constant 0 : i32
    %dma_wait3A_143 = tpu.memref_slice %arg8[%dma_wait3A_139, %dma_wait3A_141, %dma_wait3A_142] : memref<4x128x32xf32, #tpu.memory_space<vmem>> -> memref<1x128x32xf32, #tpu.memory_space<vmem>>
    %dma_wait3A_144 = tpu.memref_squeeze %dma_wait3A_143 : memref<1x128x32xf32, #tpu.memory_space<vmem>> -> memref<128x32xf32, #tpu.memory_space<vmem>>
    %dma_wait3A_145 = arith.constant 9600 : i32
    %dma_wait3A_146 = tpu.memref_slice %arg7[%dma_wait3A_145] : memref<10112xi32, #tpu.memory_space<vmem>> -> memref<128xi32, #tpu.memory_space<vmem>>
    %dma_wait3A_147 = arith.constant 0 : i32
    %dma_wait3A_148 = arith.constant 0 : i32
    %dma_wait3A_149 = tpu.memref_slice %arg10[%dma_wait3A_147, %dma_wait3A_148] : memref<10112x32xf32, #tpu.memory_space<vmem_shared>> -> memref<10112x32xf32, #tpu.memory_space<vmem_shared>>
    %dma_wait3A_150 = tpu.memref_slice %arg12[%dma_wait3A_140] : memref<4x!tpu.dma_semaphore, #tpu.memory_space<semaphore_mem>> -> memref<1x!tpu.dma_semaphore, #tpu.memory_space<semaphore_mem>>
    %dma_wait3A_151 = tpu.memref_squeeze %dma_wait3A_150 : memref<1x!tpu.dma_semaphore, #tpu.memory_space<semaphore_mem>> -> memref<!tpu.dma_semaphore, #tpu.memory_space<semaphore_mem>>
    tpu.wait_indirect_dma semaphore(%dma_wait3A_151 : memref<!tpu.dma_semaphore, #tpu.memory_space<semaphore_mem>>) src(%dma_wait3A_144 : memref<128x32xf32, #tpu.memory_space<vmem>>) dst(%dma_wait3A_149 : memref<10112x32xf32, #tpu.memory_space<vmem_shared>>)
    %dma_wait3A_152 = arith.constant 0 : i32
    %dma_wait3A_153 = arith.constant 0 : i32
    %dma_wait3A_154 = arith.constant 0 : i32
    %dma_wait3A_155 = arith.constant 0 : i32
    %dma_wait3A_156 = tpu.memref_slice %arg8[%dma_wait3A_152, %dma_wait3A_154, %dma_wait3A_155] : memref<4x128x32xf32, #tpu.memory_space<vmem>> -> memref<1x128x32xf32, #tpu.memory_space<vmem>>
    %dma_wait3A_157 = tpu.memref_squeeze %dma_wait3A_156 : memref<1x128x32xf32, #tpu.memory_space<vmem>> -> memref<128x32xf32, #tpu.memory_space<vmem>>
    %dma_wait3A_158 = arith.constant 9728 : i32
    %dma_wait3A_159 = tpu.memref_slice %arg7[%dma_wait3A_158] : memref<10112xi32, #tpu.memory_space<vmem>> -> memref<128xi32, #tpu.memory_space<vmem>>
    %dma_wait3A_160 = arith.constant 0 : i32
    %dma_wait3A_161 = arith.constant 0 : i32
    %dma_wait3A_162 = tpu.memref_slice %arg10[%dma_wait3A_160, %dma_wait3A_161] : memref<10112x32xf32, #tpu.memory_space<vmem_shared>> -> memref<10112x32xf32, #tpu.memory_space<vmem_shared>>
    %dma_wait3A_163 = tpu.memref_slice %arg12[%dma_wait3A_153] : memref<4x!tpu.dma_semaphore, #tpu.memory_space<semaphore_mem>> -> memref<1x!tpu.dma_semaphore, #tpu.memory_space<semaphore_mem>>
    %dma_wait3A_164 = tpu.memref_squeeze %dma_wait3A_163 : memref<1x!tpu.dma_semaphore, #tpu.memory_space<semaphore_mem>> -> memref<!tpu.dma_semaphore, #tpu.memory_space<semaphore_mem>>
    tpu.wait_indirect_dma semaphore(%dma_wait3A_164 : memref<!tpu.dma_semaphore, #tpu.memory_space<semaphore_mem>>) src(%dma_wait3A_157 : memref<128x32xf32, #tpu.memory_space<vmem>>) dst(%dma_wait3A_162 : memref<10112x32xf32, #tpu.memory_space<vmem_shared>>)
    %dma_wait3A_165 = arith.constant 1 : i32
    %dma_wait3A_166 = arith.constant 1 : i32
    %dma_wait3A_167 = arith.constant 0 : i32
    %dma_wait3A_168 = arith.constant 0 : i32
    %dma_wait3A_169 = tpu.memref_slice %arg8[%dma_wait3A_165, %dma_wait3A_167, %dma_wait3A_168] : memref<4x128x32xf32, #tpu.memory_space<vmem>> -> memref<1x128x32xf32, #tpu.memory_space<vmem>>
    %dma_wait3A_170 = tpu.memref_squeeze %dma_wait3A_169 : memref<1x128x32xf32, #tpu.memory_space<vmem>> -> memref<128x32xf32, #tpu.memory_space<vmem>>
    %dma_wait3A_171 = arith.constant 9856 : i32
    %dma_wait3A_172 = tpu.memref_slice %arg7[%dma_wait3A_171] : memref<10112xi32, #tpu.memory_space<vmem>> -> memref<128xi32, #tpu.memory_space<vmem>>
    %dma_wait3A_173 = arith.constant 0 : i32
    %dma_wait3A_174 = arith.constant 0 : i32
    %dma_wait3A_175 = tpu.memref_slice %arg10[%dma_wait3A_173, %dma_wait3A_174] : memref<10112x32xf32, #tpu.memory_space<vmem_shared>> -> memref<10112x32xf32, #tpu.memory_space<vmem_shared>>
    %dma_wait3A_176 = tpu.memref_slice %arg12[%dma_wait3A_166] : memref<4x!tpu.dma_semaphore, #tpu.memory_space<semaphore_mem>> -> memref<1x!tpu.dma_semaphore, #tpu.memory_space<semaphore_mem>>
    %dma_wait3A_177 = tpu.memref_squeeze %dma_wait3A_176 : memref<1x!tpu.dma_semaphore, #tpu.memory_space<semaphore_mem>> -> memref<!tpu.dma_semaphore, #tpu.memory_space<semaphore_mem>>
    tpu.wait_indirect_dma semaphore(%dma_wait3A_177 : memref<!tpu.dma_semaphore, #tpu.memory_space<semaphore_mem>>) src(%dma_wait3A_170 : memref<128x32xf32, #tpu.memory_space<vmem>>) dst(%dma_wait3A_175 : memref<10112x32xf32, #tpu.memory_space<vmem_shared>>)
    %dma_wait3A_178 = arith.constant 2 : i32
    %dma_wait3A_179 = arith.constant 2 : i32
    %dma_wait3A_180 = arith.constant 0 : i32
    %dma_wait3A_181 = arith.constant 0 : i32
    %dma_wait3A_182 = tpu.memref_slice %arg8[%dma_wait3A_178, %dma_wait3A_180, %dma_wait3A_181] : memref<4x128x32xf32, #tpu.memory_space<vmem>> -> memref<1x128x32xf32, #tpu.memory_space<vmem>>
    %dma_wait3A_183 = tpu.memref_squeeze %dma_wait3A_182 : memref<1x128x32xf32, #tpu.memory_space<vmem>> -> memref<128x32xf32, #tpu.memory_space<vmem>>
    %dma_wait3A_184 = arith.constant 9984 : i32
    %dma_wait3A_185 = tpu.memref_slice %arg7[%dma_wait3A_184] : memref<10112xi32, #tpu.memory_space<vmem>> -> memref<128xi32, #tpu.memory_space<vmem>>
    %dma_wait3A_186 = arith.constant 0 : i32
    %dma_wait3A_187 = arith.constant 0 : i32
    %dma_wait3A_188 = tpu.memref_slice %arg10[%dma_wait3A_186, %dma_wait3A_187] : memref<10112x32xf32, #tpu.memory_space<vmem_shared>> -> memref<10112x32xf32, #tpu.memory_space<vmem_shared>>
    %dma_wait3A_189 = tpu.memref_slice %arg12[%dma_wait3A_179] : memref<4x!tpu.dma_semaphore, #tpu.memory_space<semaphore_mem>> -> memref<1x!tpu.dma_semaphore, #tpu.memory_space<semaphore_mem>>
    %dma_wait3A_190 = tpu.memref_squeeze %dma_wait3A_189 : memref<1x!tpu.dma_semaphore, #tpu.memory_space<semaphore_mem>> -> memref<!tpu.dma_semaphore, #tpu.memory_space<semaphore_mem>>
    tpu.wait_indirect_dma semaphore(%dma_wait3A_190 : memref<!tpu.dma_semaphore, #tpu.memory_space<semaphore_mem>>) src(%dma_wait3A_183 : memref<128x32xf32, #tpu.memory_space<vmem>>) dst(%dma_wait3A_188 : memref<10112x32xf32, #tpu.memory_space<vmem_shared>>)
    %barrier3A_191 = arith.constant 0 : index
    tpu.barrier barrier_id(%barrier3A_191)
    %mul3A_192 = arith.constant 632 : i32
    %mul3A_193 = arith.muli %arg1, %mul3A_192 : i32
    %mul3A_194 = arith.constant 632 : i32
    %mul3A_195 = arith.muli %arg1, %mul3A_194 : i32
    %mul3A_196 = arith.constant 32 : i32
    %mul3A_197 = arith.muli %arg0, %mul3A_196 : i32
    "tpu.region"() ({
      %run_scoped3A = tpu.sem_alloc : memref<!tpu.dma_semaphore, #tpu.memory_space<semaphore_mem>>
      %dma_start3A_198 = tpu.memref_slice %arg5[%mul3A_195, %mul3A_197] : memref<10112x128xf32, #tpu.memory_space<hbm>> -> memref<632x32xf32, #tpu.memory_space<hbm>>
      %dma_start3A_199 = arith.constant 0 : i32
      %dma_start3A_200 = tpu.memref_slice %arg10[%mul3A_193, %dma_start3A_199] : memref<10112x32xf32, #tpu.memory_space<vmem_shared>> -> memref<632x32xf32, #tpu.memory_space<vmem_shared>>
      tpu.enqueue_dma source(%dma_start3A_200 : memref<632x32xf32, #tpu.memory_space<vmem_shared>>) target(%dma_start3A_198 : memref<632x32xf32, #tpu.memory_space<hbm>>) target_semaphore(%run_scoped3A : memref<!tpu.dma_semaphore, #tpu.memory_space<semaphore_mem>>)
      %dma_wait3A_201 = tpu.memref_slice %arg5[%mul3A_195, %mul3A_197] : memref<10112x128xf32, #tpu.memory_space<hbm>> -> memref<632x32xf32, #tpu.memory_space<hbm>>
      %dma_wait3A_202 = arith.constant 0 : i32
      %dma_wait3A_203 = tpu.memref_slice %arg10[%mul3A_193, %dma_wait3A_202] : memref<10112x32xf32, #tpu.memory_space<vmem_shared>> -> memref<632x32xf32, #tpu.memory_space<vmem_shared>>
      tpu.wait_dma2 semaphore(%run_scoped3A : memref<!tpu.dma_semaphore, #tpu.memory_space<semaphore_mem>>) src(%dma_wait3A_203 : memref<632x32xf32, #tpu.memory_space<vmem_shared>>) dst(%dma_wait3A_201 : memref<632x32xf32, #tpu.memory_space<hbm>>)
      tpu.yield
    }) : () -> ()
    return
  }
}

module attributes {stable_mosaic.version = 14 : i64} {
  func.func @_mm1_body(%arg0: memref<10112x128xf32, #tpu.memory_space<vmem>>, %arg1: memref<128x32xf32, #tpu.memory_space<vmem>>, %arg2: memref<128x32xf32, #tpu.memory_space<vmem>>, %arg3: memref<10112x32xf32, #tpu.memory_space<vmem>>, %arg4: memref<10112x32xf32, #tpu.memory_space<vmem>>) attributes {dimension_semantics = [], scalar_prefetch = 0 : i64, scratch_operands = 0 : i64, tpu.core_type = #tpu.core_type<tc>} {
    %get3A = arith.constant 0 : index
    %get3A_0 = arith.constant 0 : index
    %get3A_1 = vector.load %arg0[%get3A, %get3A_0] : memref<10112x128xf32, #tpu.memory_space<vmem>>, vector<10112x128xf32>
    %get3A_2 = arith.constant 0 : index
    %get3A_3 = arith.constant 0 : index
    %get3A_4 = vector.load %arg1[%get3A_2, %get3A_3] : memref<128x32xf32, #tpu.memory_space<vmem>>, vector<128x32xf32>
    %dot_general3A = arith.constant dense<0.000000e+00> : vector<10112x32xf32>
    %dot_general3A_5 = tpu.matmul %get3A_1, %get3A_4, %dot_general3A {dimension_numbers = #tpu.dot_dimension_numbers<[1], [0], [0], [1], [0, 0, 1, 1], [], []>, transpose_lhs_hint = false} : vector<10112x128xf32>, vector<128x32xf32>, vector<10112x32xf32> -> vector<10112x32xf32>
    %swap3A = arith.constant 0 : index
    %swap3A_6 = arith.constant 0 : index
    %swap3A_7 = vector.load %arg3[%swap3A, %swap3A_6] : memref<10112x32xf32, #tpu.memory_space<vmem>>, vector<10112x32xf32>
    tpu.vector_store %arg3[%swap3A, %swap3A_6], %dot_general3A_5 {strides = array<i32>} : memref<10112x32xf32, #tpu.memory_space<vmem>>, vector<10112x32xf32>,
    %get3A_8 = arith.constant 0 : index
    %get3A_9 = arith.constant 0 : index
    %get3A_10 = vector.load %arg2[%get3A_8, %get3A_9] : memref<128x32xf32, #tpu.memory_space<vmem>>, vector<128x32xf32>
    %dot_general3A_11 = arith.constant dense<0.000000e+00> : vector<10112x32xf32>
    %dot_general3A_12 = tpu.matmul %get3A_1, %get3A_10, %dot_general3A_11 {dimension_numbers = #tpu.dot_dimension_numbers<[1], [0], [0], [1], [0, 0, 1, 1], [], []>, transpose_lhs_hint = false} : vector<10112x128xf32>, vector<128x32xf32>, vector<10112x32xf32> -> vector<10112x32xf32>
    %swap3A_13 = arith.constant 0 : index
    %swap3A_14 = arith.constant 0 : index
    %swap3A_15 = vector.load %arg4[%swap3A_13, %swap3A_14] : memref<10112x32xf32, #tpu.memory_space<vmem>>, vector<10112x32xf32>
    tpu.vector_store %arg4[%swap3A_13, %swap3A_14], %dot_general3A_12 {strides = array<i32>} : memref<10112x32xf32, #tpu.memory_space<vmem>>, vector<10112x32xf32>,
    return
  }
}

module attributes {stable_mosaic.version = 14 : i64} {
  func.func @_scale_body(%arg0: memref<10112x128xf32, #tpu.memory_space<vmem>>, %arg1: memref<10112x32xf32, #tpu.memory_space<vmem>>, %arg2: memref<10112x128xf32, #tpu.memory_space<vmem>>, %arg3: memref<10112x32xf32, #tpu.memory_space<vmem>>, %arg4: memref<10112x32xf32, #tpu.memory_space<vmem>>) attributes {dimension_semantics = [], scalar_prefetch = 0 : i64, scratch_operands = 0 : i64, tpu.core_type = #tpu.core_type<tc>} {
    %get3A = arith.constant 0 : index
    %get3A_0 = arith.constant 0 : index
    %get3A_1 = vector.load %arg0[%get3A, %get3A_0] : memref<10112x128xf32, #tpu.memory_space<vmem>>, vector<10112x1xf32>
    %get3A_2 = arith.constant 0 : index
    %get3A_3 = arith.constant 8 : index
    %get3A_4 = vector.load %arg0[%get3A_2, %get3A_3] : memref<10112x128xf32, #tpu.memory_space<vmem>>, vector<10112x1xf32>
    %add3A = arith.addf %get3A_1, %get3A_4 : vector<10112x1xf32>
    %get3A_5 = arith.constant 0 : index
    %get3A_6 = arith.constant 16 : index
    %get3A_7 = vector.load %arg0[%get3A_5, %get3A_6] : memref<10112x128xf32, #tpu.memory_space<vmem>>, vector<10112x1xf32>
    %get3A_8 = arith.constant 0 : index
    %get3A_9 = arith.constant 24 : index
    %get3A_10 = vector.load %arg0[%get3A_8, %get3A_9] : memref<10112x128xf32, #tpu.memory_space<vmem>>, vector<10112x1xf32>
    %add3A_11 = arith.addf %get3A_7, %get3A_10 : vector<10112x1xf32>
    %gt3A = arith.constant 0.000000e+00 : f32
    %gt3A_12 = vector.broadcast %gt3A : f32 to vector<10112x1xf32>
    %gt3A_13 = arith.cmpf ogt, %add3A, %gt3A_12 : vector<10112x1xf32>
    %max3A = arith.constant 1.000000e+00 : f32
    %max3A_14 = vector.broadcast %max3A : f32 to vector<10112x1xf32>
    %max3A_15 = arith.maximumf %add3A, %max3A_14 : vector<10112x1xf32>
    %rsqrt3A = math.rsqrt %max3A_15 : vector<10112x1xf32>
    %jit3A = arith.constant 0.000000e+00 : f32
    %broadcast_in_dim3A = vector.broadcast %jit3A : f32 to vector<10112x1xf32>
    %select_n3A = arith.select %gt3A_13, %rsqrt3A, %broadcast_in_dim3A : vector<10112x1xi1>, vector<10112x1xf32>
    %gt3A_16 = arith.constant 0.000000e+00 : f32
    %gt3A_17 = vector.broadcast %gt3A_16 : f32 to vector<10112x1xf32>
    %gt3A_18 = arith.cmpf ogt, %add3A_11, %gt3A_17 : vector<10112x1xf32>
    %max3A_19 = arith.constant 1.000000e+00 : f32
    %max3A_20 = vector.broadcast %max3A_19 : f32 to vector<10112x1xf32>
    %max3A_21 = arith.maximumf %add3A_11, %max3A_20 : vector<10112x1xf32>
    %rsqrt3A_22 = math.rsqrt %max3A_21 : vector<10112x1xf32>
    %jit3A_23 = arith.constant 0.000000e+00 : f32
    %broadcast_in_dim3A_24 = vector.broadcast %jit3A_23 : f32 to vector<10112x1xf32>
    %select_n3A_25 = arith.select %gt3A_18, %rsqrt3A_22, %broadcast_in_dim3A_24 : vector<10112x1xi1>, vector<10112x1xf32>
    %get3A_26 = arith.constant 0 : index
    %get3A_27 = arith.constant 0 : index
    %get3A_28 = vector.load %arg1[%get3A_26, %get3A_27] : memref<10112x32xf32, #tpu.memory_space<vmem>>, vector<10112x32xf32>
    %mul3A = vector.broadcast %select_n3A_25 : vector<10112x1xf32> to vector<10112x32xf32>
    %mul3A_29 = arith.mulf %mul3A, %get3A_28 : vector<10112x32xf32>
    %swap3A = arith.constant 0 : index
    %swap3A_30 = arith.constant 0 : index
    %swap3A_31 = vector.load %arg2[%swap3A, %swap3A_30] : memref<10112x128xf32, #tpu.memory_space<vmem>>, vector<10112x32xf32>
    tpu.vector_store %arg2[%swap3A, %swap3A_30], %mul3A_29 {strides = array<i32>} : memref<10112x128xf32, #tpu.memory_space<vmem>>, vector<10112x32xf32>,
    %broadcast_in_dim3A_32 = vector.shape_cast %select_n3A : vector<10112x1xf32> to vector<10112x1xf32>
    %broadcast_in_dim3A_33 = vector.broadcast %broadcast_in_dim3A_32 : vector<10112x1xf32> to vector<10112x32xf32>
    %swap3A_34 = arith.constant 0 : index
    %swap3A_35 = arith.constant 0 : index
    %swap3A_36 = vector.load %arg3[%swap3A_34, %swap3A_35] : memref<10112x32xf32, #tpu.memory_space<vmem>>, vector<10112x32xf32>
    tpu.vector_store %arg3[%swap3A_34, %swap3A_35], %broadcast_in_dim3A_33 {strides = array<i32>} : memref<10112x32xf32, #tpu.memory_space<vmem>>, vector<10112x32xf32>,
    %broadcast_in_dim3A_37 = vector.shape_cast %select_n3A_25 : vector<10112x1xf32> to vector<10112x1xf32>
    %broadcast_in_dim3A_38 = vector.broadcast %broadcast_in_dim3A_37 : vector<10112x1xf32> to vector<10112x32xf32>
    %swap3A_39 = arith.constant 0 : index
    %swap3A_40 = arith.constant 0 : index
    %swap3A_41 = vector.load %arg4[%swap3A_39, %swap3A_40] : memref<10112x32xf32, #tpu.memory_space<vmem>>, vector<10112x32xf32>
    tpu.vector_store %arg4[%swap3A_39, %swap3A_40], %broadcast_in_dim3A_38 {strides = array<i32>} : memref<10112x32xf32, #tpu.memory_space<vmem>>, vector<10112x32xf32>,
    return
  }
}

module attributes {stable_mosaic.version = 14 : i64} {
  func.func @_mid_body(%arg0: memref<10112x128xf32, #tpu.memory_space<vmem>>, %arg1: memref<10112x32xf32, #tpu.memory_space<vmem>>, %arg2: memref<10112x32xf32, #tpu.memory_space<vmem>>, %arg3: memref<10112x32xf32, #tpu.memory_space<vmem>>, %arg4: memref<1x32xf32, #tpu.memory_space<vmem>>, %arg5: memref<32x32xf32, #tpu.memory_space<vmem>>, %arg6: memref<32x32xf32, #tpu.memory_space<vmem>>, %arg7: memref<10112x128xf32, #tpu.memory_space<vmem>>, %arg8: memref<10112x32xf32, #tpu.memory_space<vmem>>) attributes {dimension_semantics = [], scalar_prefetch = 0 : i64, scratch_operands = 0 : i64, tpu.core_type = #tpu.core_type<tc>} {
    %get3A = arith.constant 0 : index
    %get3A_0 = arith.constant 0 : index
    %get3A_1 = vector.load %arg0[%get3A, %get3A_0] : memref<10112x128xf32, #tpu.memory_space<vmem>>, vector<10112x32xf32>
    %get3A_2 = arith.constant 0 : index
    %get3A_3 = arith.constant 32 : index
    %get3A_4 = vector.load %arg0[%get3A_2, %get3A_3] : memref<10112x128xf32, #tpu.memory_space<vmem>>, vector<10112x32xf32>
    %add3A = arith.addf %get3A_1, %get3A_4 : vector<10112x32xf32>
    %get3A_5 = arith.constant 0 : index
    %get3A_6 = arith.constant 0 : index
    %get3A_7 = vector.load %arg2[%get3A_5, %get3A_6] : memref<10112x32xf32, #tpu.memory_space<vmem>>, vector<10112x32xf32>
    %mul3A = arith.mulf %get3A_7, %add3A : vector<10112x32xf32>
    %get3A_8 = arith.constant 0 : index
    %get3A_9 = arith.constant 0 : index
    %get3A_10 = vector.load %arg1[%get3A_8, %get3A_9] : memref<10112x32xf32, #tpu.memory_space<vmem>>, vector<10112x32xf32>
    %add3A_11 = arith.addf %mul3A, %get3A_10 : vector<10112x32xf32>
    %get3A_12 = arith.constant 0 : index
    %get3A_13 = arith.constant 0 : index
    %get3A_14 = vector.load %arg4[%get3A_12, %get3A_13] : memref<1x32xf32, #tpu.memory_space<vmem>>, vector<1x32xf32>
    %add3A_15 = vector.broadcast %get3A_14 : vector<1x32xf32> to vector<10112x32xf32>
    %add3A_16 = arith.addf %add3A_11, %add3A_15 : vector<10112x32xf32>
    %max3A = arith.constant 0.000000e+00 : f32
    %max3A_17 = vector.broadcast %max3A : f32 to vector<10112x32xf32>
    %max3A_18 = arith.maximumf %add3A_16, %max3A_17 : vector<10112x32xf32>
    %get3A_19 = arith.constant 0 : index
    %get3A_20 = arith.constant 0 : index
    %get3A_21 = vector.load %arg3[%get3A_19, %get3A_20] : memref<10112x32xf32, #tpu.memory_space<vmem>>, vector<10112x32xf32>
    %get3A_22 = arith.constant 0 : index
    %get3A_23 = arith.constant 0 : index
    %get3A_24 = vector.load %arg5[%get3A_22, %get3A_23] : memref<32x32xf32, #tpu.memory_space<vmem>>, vector<32x32xf32>
    %dot_general3A = arith.constant dense<0.000000e+00> : vector<10112x32xf32>
    %dot_general3A_25 = tpu.matmul %max3A_18, %get3A_24, %dot_general3A {dimension_numbers = #tpu.dot_dimension_numbers<[1], [0], [0], [1], [0, 0, 1, 1], [], []>, transpose_lhs_hint = false} : vector<10112x32xf32>, vector<32x32xf32>, vector<10112x32xf32> -> vector<10112x32xf32>
    %mul3A_26 = arith.mulf %get3A_21, %dot_general3A_25 : vector<10112x32xf32>
    %swap3A = arith.constant 0 : index
    %swap3A_27 = arith.constant 0 : index
    %swap3A_28 = vector.load %arg7[%swap3A, %swap3A_27] : memref<10112x128xf32, #tpu.memory_space<vmem>>, vector<10112x32xf32>
    tpu.vector_store %arg7[%swap3A, %swap3A_27], %mul3A_26 {strides = array<i32>} : memref<10112x128xf32, #tpu.memory_space<vmem>>, vector<10112x32xf32>,
    %get3A_29 = arith.constant 0 : index
    %get3A_30 = arith.constant 0 : index
    %get3A_31 = vector.load %arg6[%get3A_29, %get3A_30] : memref<32x32xf32, #tpu.memory_space<vmem>>, vector<32x32xf32>
    %dot_general3A_32 = arith.constant dense<0.000000e+00> : vector<10112x32xf32>
    %dot_general3A_33 = tpu.matmul %max3A_18, %get3A_31, %dot_general3A_32 {dimension_numbers = #tpu.dot_dimension_numbers<[1], [0], [0], [1], [0, 0, 1, 1], [], []>, transpose_lhs_hint = false} : vector<10112x32xf32>, vector<32x32xf32>, vector<10112x32xf32> -> vector<10112x32xf32>
    %swap3A_34 = arith.constant 0 : index
    %swap3A_35 = arith.constant 0 : index
    %swap3A_36 = vector.load %arg8[%swap3A_34, %swap3A_35] : memref<10112x32xf32, #tpu.memory_space<vmem>>, vector<10112x32xf32>
    tpu.vector_store %arg8[%swap3A_34, %swap3A_35], %dot_general3A_33 {strides = array<i32>} : memref<10112x32xf32, #tpu.memory_space<vmem>>, vector<10112x32xf32>,
    return
  }
}

module attributes {stable_mosaic.version = 14 : i64} {
  func.func @_final_body(%arg0: memref<10112x128xf32, #tpu.memory_space<vmem>>, %arg1: memref<10112x32xf32, #tpu.memory_space<vmem>>, %arg2: memref<10112x32xf32, #tpu.memory_space<vmem>>, %arg3: memref<1x32xf32, #tpu.memory_space<vmem>>, %arg4: memref<1x10112xi32, #tpu.memory_space<vmem>>, %arg5: memref<32x10xf32, #tpu.memory_space<vmem>>, %arg6: memref<1x10xf32, #tpu.memory_space<vmem>>, %arg7: memref<128x10xf32, #tpu.memory_space<vmem>>) attributes {dimension_semantics = [], scalar_prefetch = 0 : i64, scratch_operands = 0 : i64, tpu.core_type = #tpu.core_type<tc>} {
    %get3A = arith.constant 0 : index
    %get3A_0 = arith.constant 0 : index
    %get3A_1 = vector.load %arg0[%get3A, %get3A_0] : memref<10112x128xf32, #tpu.memory_space<vmem>>, vector<10112x32xf32>
    %get3A_2 = arith.constant 0 : index
    %get3A_3 = arith.constant 32 : index
    %get3A_4 = vector.load %arg0[%get3A_2, %get3A_3] : memref<10112x128xf32, #tpu.memory_space<vmem>>, vector<10112x32xf32>
    %add3A = arith.addf %get3A_1, %get3A_4 : vector<10112x32xf32>
    %get3A_5 = arith.constant 0 : index
    %get3A_6 = arith.constant 0 : index
    %get3A_7 = vector.load %arg2[%get3A_5, %get3A_6] : memref<10112x32xf32, #tpu.memory_space<vmem>>, vector<10112x32xf32>
    %mul3A = arith.mulf %get3A_7, %add3A : vector<10112x32xf32>
    %get3A_8 = arith.constant 0 : index
    %get3A_9 = arith.constant 0 : index
    %get3A_10 = vector.load %arg1[%get3A_8, %get3A_9] : memref<10112x32xf32, #tpu.memory_space<vmem>>, vector<10112x32xf32>
    %add3A_11 = arith.addf %mul3A, %get3A_10 : vector<10112x32xf32>
    %get3A_12 = arith.constant 0 : index
    %get3A_13 = arith.constant 0 : index
    %get3A_14 = vector.load %arg3[%get3A_12, %get3A_13] : memref<1x32xf32, #tpu.memory_space<vmem>>, vector<1x32xf32>
    %add3A_15 = vector.broadcast %get3A_14 : vector<1x32xf32> to vector<10112x32xf32>
    %add3A_16 = arith.addf %add3A_11, %add3A_15 : vector<10112x32xf32>
    %max3A = arith.constant 0.000000e+00 : f32
    %max3A_17 = vector.broadcast %max3A : f32 to vector<10112x32xf32>
    %max3A_18 = arith.maximumf %add3A_16, %max3A_17 : vector<10112x32xf32>
    %iota3A = tpu.iota {dimensions = array<i32: 0>} : vector<128x10112xi32>
    %get3A_19 = arith.constant 0 : index
    %get3A_20 = arith.constant 0 : index
    %get3A_21 = vector.load %arg4[%get3A_19, %get3A_20] : memref<1x10112xi32, #tpu.memory_space<vmem>>, vector<1x10112xi32>
    %eq3A = vector.broadcast %get3A_21 : vector<1x10112xi32> to vector<128x10112xi32>
    %eq3A_22 = arith.cmpi eq, %iota3A, %eq3A : vector<128x10112xi32>
    %convert_element_type3A = arith.extui %eq3A_22 : vector<128x10112xi1> to vector<128x10112xi32>
    %convert_element_type3A_23 = arith.sitofp %convert_element_type3A : vector<128x10112xi32> to vector<128x10112xf32>
    %dot_general3A = arith.constant dense<0.000000e+00> : vector<128x32xf32>
    %dot_general3A_24 = tpu.matmul %convert_element_type3A_23, %max3A_18, %dot_general3A {dimension_numbers = #tpu.dot_dimension_numbers<[1], [0], [0], [1], [0, 0, 1, 1], [], []>, transpose_lhs_hint = false} : vector<128x10112xf32>, vector<10112x32xf32>, vector<128x32xf32> -> vector<128x32xf32>
    %reduce_sum3A = arith.constant dense<0.000000e+00> : vector<128xf32>
    %reduce_sum3A_25 = vector.multi_reduction <add>, %convert_element_type3A_23, %reduce_sum3A [1] : vector<128x10112xf32> to vector<128xf32>
    %broadcast_in_dim3A = vector.shape_cast %reduce_sum3A_25 : vector<128xf32> to vector<128x1xf32>
    %max3A_26 = arith.constant 1.000000e+00 : f32
    %max3A_27 = vector.broadcast %max3A_26 : f32 to vector<128x1xf32>
    %max3A_28 = arith.maximumf %broadcast_in_dim3A, %max3A_27 : vector<128x1xf32>
    %div3A = vector.broadcast %max3A_28 : vector<128x1xf32> to vector<128x32xf32>
    %div3A_29 = arith.divf %dot_general3A_24, %div3A : vector<128x32xf32>
    %get3A_30 = arith.constant 0 : index
    %get3A_31 = arith.constant 0 : index
    %get3A_32 = vector.load %arg5[%get3A_30, %get3A_31] : memref<32x10xf32, #tpu.memory_space<vmem>>, vector<32x10xf32>
    %dot_general3A_33 = arith.constant dense<0.000000e+00> : vector<128x10xf32>
    %dot_general3A_34 = tpu.matmul %div3A_29, %get3A_32, %dot_general3A_33 {dimension_numbers = #tpu.dot_dimension_numbers<[1], [0], [0], [1], [0, 0, 1, 1], [], []>, transpose_lhs_hint = false} : vector<128x32xf32>, vector<32x10xf32>, vector<128x10xf32> -> vector<128x10xf32>
    %get3A_35 = arith.constant 0 : index
    %get3A_36 = arith.constant 0 : index
    %get3A_37 = vector.load %arg6[%get3A_35, %get3A_36] : memref<1x10xf32, #tpu.memory_space<vmem>>, vector<1x10xf32>
    %add3A_38 = vector.broadcast %get3A_37 : vector<1x10xf32> to vector<128x10xf32>
    %add3A_39 = arith.addf %dot_general3A_34, %add3A_38 : vector<128x10xf32>
    %reduce_max3A = arith.constant dense<0xFF800000> : vector<128xf32>
    %reduce_max3A_40 = vector.multi_reduction <maximumf>, %add3A_39, %reduce_max3A [1] : vector<128x10xf32> to vector<128xf32>
    %broadcast_in_dim3A_41 = vector.shape_cast %reduce_max3A_40 : vector<128xf32> to vector<128x1xf32>
    %sub3A = vector.broadcast %broadcast_in_dim3A_41 : vector<128x1xf32> to vector<128x10xf32>
    %sub3A_42 = arith.subf %add3A_39, %sub3A : vector<128x10xf32>
    %exp3A = math.exp %sub3A_42 : vector<128x10xf32>
    %reduce_sum3A_43 = arith.constant dense<0.000000e+00> : vector<128xf32>
    %reduce_sum3A_44 = vector.multi_reduction <add>, %exp3A, %reduce_sum3A_43 [1] : vector<128x10xf32> to vector<128xf32>
    %broadcast_in_dim3A_45 = vector.shape_cast %reduce_sum3A_44 : vector<128xf32> to vector<128x1xf32>
    %div3A_46 = vector.broadcast %broadcast_in_dim3A_45 : vector<128x1xf32> to vector<128x10xf32>
    %div3A_47 = arith.divf %exp3A, %div3A_46 : vector<128x10xf32>
    %swap3A = arith.constant 0 : index
    %swap3A_48 = arith.constant 0 : index
    %swap3A_49 = vector.load %arg7[%swap3A, %swap3A_48] : memref<128x10xf32, #tpu.memory_space<vmem>>, vector<128x10xf32>
    tpu.vector_store %arg7[%swap3A, %swap3A_48], %div3A_47 {strides = array<i32>} : memref<128x10xf32, #tpu.memory_space<vmem>>, vector<128x10xf32>,
    return
  }
}

</mosaic_0001>

<sc_bundles>
// kernel: kernel.11.cloned.1.call-start
scs
__scs_entry_jumppad:
0x0: {  	(pc) =	sbr.rel $0x88, $3  }
0x1: {  	(tag) =	ssettag $0x0;
	lr =	simm.s32 $0x1  }
0x2: {  	[smem:$0x3F93] =	sst lr;
	_ =	strace $0xD0000000  }
0x3: {  	_ = 	snop  }
0x4: {  	_ = 	snop  }
0x5: {  	_ = 	snop  }
0x6: {  	_ = 	snop  }
0x7: {  	_ = 	snop  }
__scs_overlays_trampoline_lowered:
0x8: {  	[smem:$0x3FA2] =	sst s0  }
0x9: {  	[smem:$0x3FA3] =	sst s1  }
0xa: {  	[smem:$0x3FA4] =	sst s2  }
0xb: {  	[smem:$0x3FA5] =	sst s3  }
0xc: {  	[smem:$0x3FA6] =	sst s4  }
0xd: {  	[smem:$0x3FA7] =	sst s5  }
0xe: {  	[smem:$0x3FA8] =	sst s6  }
0xf: {  	[smem:$0x3FA9] =	sst s7  }
0x10: {  	[smem:$0x3FAA] =	sst s8  }
0x11: {  	[smem:$0x3FAB] =	sst s9;
	s0 =	simm.s32 @!p0 $0x0  }
0x12: {  	s1 =	sld [smem:$0x3F91];
	s0 =	simm.s32 @p0 $0x1  }
0x13: {  	[smem:$0x3FAC] =	sst s0;
	s0 =	simm.s32 @!p1 $0x0  }
0x14: {  	s2 =	sld [smem:$0x3F90];
	s0 =	simm.s32 @p1 $0x1  }
0x15: {  	[smem:$0x3FAD] =	sst s0;
	s0 =	simm.s32 @!p2 $0x0  }
0x16: {  	s3 =	sld [smem:$0x3FDB];
	s0 =	simm.s32 @p2 $0x1  }
0x17: {  	s4 =	simm.s32 $0x1BF5;
	[smem:$0x3FAF] =	sst s0  }
0x18: {  	s0 =	sld [smem:$0x3F92];
	_ =	swait.ge [sflag:s4], $0x0  }
0x19: {  	s7 =	sld [smem:$0x3F93]  }
0x1a: {  	s8 =	sadd.s32 $0xFFFFE003, lr  }
0x1b: {  	s9 =	sadd.s32 $0xFFFFFEF7, lr;
	s5 =	simm.s32 $0xFFFFFFFF;
	p2 =	slt.u32 s8, $0xFFFFF086  }
0x1c: {  	p1 =	slt.u32 s9, $0xF7A;
	s5 =	simm.s32 @!p2 $0x0  }
0x1d: {  	s5 =	simm.s32 @p1 $0x1;
	p0 =	seq.s32 s7, s2  }
0x1e: {  	s7 =	smul.u32 @!p0 $0xF7A, s2;
	p2 =	seq.s32 @!p0 s5, $0x0  }
0x1f: {  	s9 =	smul.u32 $0xF7A, s1;
	s8 =	simm.s32 @!p0 $0x1BF5;
	p2 =	por !p2, p0  }
0x20: {  	[sflag:s8] =	ssyncset.s32 @!p0 $0xFFFFF086;
	s6 =	sadd.s32 @!p0 s3, s7;
	s7 =	simm.s32 @!p0 $0x108  }
0x21: {  	s3 =	sadd.s32 s3, s9;
	s6 =	sadd.s32 @!p0 $0x88, s6;
	s7 =	simm.s32 @p2 $0x1082  }
0x22: {  	[simem:s7], [sflag:s8] =	dma.local @!p0 [hbm:s6], $0xF7A  }
0x23: {  	s9 =	sor.u32 $0xD0000000, s2;
	s6 =	simm.s32 $0x108;
	_ =	swait.ge @!p0 [sflag:s8], $0x0  }
0x24: {  	s3 =	sadd.s32 $0x88, s3;
	s6 =	simm.s32 @!p1 $0x1082;
	[sflag:s4] =	ssyncset.s32 $0xFFFFF086  }
0x25: {  	[simem:s6], [sflag:s4] =	dma.local [hbm:s3], $0xF7A  }
0x26: {  	[smem:$0x3F93] =	sst s1;
	(tag) =	ssettag s2;
	_ =	strace s9  }
0x27: {  	s1 =	sld [smem:$0x3FA3]  }
0x28: {  	s2 =	sld [smem:$0x3FA4]  }
0x29: {  	s4 =	sld [smem:$0x3FA6]  }
0x2a: {  	p0 =	seq.s32 s5, $0x0;
	s5 =	sld [smem:$0x3FA7]  }
0x2b: {  	s6 =	sld [smem:$0x3FA8]  }
0x2c: {  	s7 =	sld [smem:$0x3FA9]  }
0x2d: {  	s3 =	simm.s32 $0x108;
	s8 =	sld [smem:$0x3FAA]  }
0x2e: {  	s3 =	simm.s32 @!p0 $0x1082;
	s9 =	sld [smem:$0x3FAB]  }
0x2f: {  	lr =	sadd.s32 s0, s3;
	s0 =	sld [smem:$0x3FA2]  }
0x30: {  	s3 =	sld [smem:$0x3FA5]  }
0x31: {  	[smem:$0x3FAE] =	sst s10  }
0x32: {  	s10 =	sld [smem:$0x3FAC];
	_ =	sdelay $0x3  }
0x33: {  	p0 =	seq.s32 s10, $0x1;
	s10 =	sld [smem:$0x3FAE];
	_ =	sdelay $0x3  }
0x34: {  	[smem:$0x3FAE] =	sst s10  }
0x35: {  	s10 =	sld [smem:$0x3FAD];
	_ =	sdelay $0x3  }
0x36: {  	p1 =	seq.s32 s10, $0x1;
	s10 =	sld [smem:$0x3FAE];
	_ =	sdelay $0x3  }
0x37: {  	[smem:$0x3FAE] =	sst s10  }
0x38: {  	s10 =	sld [smem:$0x3FAF]  }
0x39: {  	_ = 	snop;
	(pc) =	sbr.ind lr, $3  }
0x3a: {  	_ = 	snop  }
0x3b: {  	_ = 	snop  }
0x3c: {  	p2 =	seq.s32 s10, $0x1;
	s10 =	sld [smem:$0x3FAE]  }
0x3d: {  	_ =	shalt  }
0x3e: {  	_ =	shalt  }
0x3f: {  	_ =	shalt  }
0x40: {  	_ =	shalt  }
0x41: {  	_ =	shalt  }
0x42: {  	_ =	shalt  }
0x43: {  	_ =	shalt  }
0x44: {  	_ =	shalt  }
0x45: {  	_ =	shalt  }
0x46: {  	_ =	shalt  }
0x47: {  	_ =	shalt  }
0x48: {  	_ =	shalt  }
0x49: {  	_ =	shalt  }
0x4a: {  	_ =	shalt  }
0x4b: {  	_ =	shalt  }
0x4c: {  	_ =	shalt  }
0x4d: {  	_ =	shalt  }
0x4e: {  	_ =	shalt  }
0x4f: {  	_ =	shalt  }
0x50: {  	_ =	shalt  }
0x51: {  	_ =	shalt  }
0x52: {  	_ =	shalt  }
0x53: {  	_ =	shalt  }
0x54: {  	_ =	shalt  }
0x55: {  	_ =	shalt  }
0x56: {  	_ =	shalt  }
0x57: {  	_ =	shalt  }
0x58: {  	_ =	shalt  }
0x59: {  	_ =	shalt  }
0x5a: {  	_ =	shalt  }
0x5b: {  	_ =	shalt  }
0x5c: {  	_ =	shalt  }
0x5d: {  	_ =	shalt  }
0x5e: {  	_ =	shalt  }
0x5f: {  	_ =	shalt  }
0x60: {  	_ =	shalt  }
0x61: {  	_ =	shalt  }
0x62: {  	_ =	shalt  }
0x63: {  	_ =	shalt  }
0x64: {  	_ =	shalt  }
0x65: {  	_ =	shalt  }
0x66: {  	_ =	shalt  }
0x67: {  	_ =	shalt  }
0x68: {  	_ =	shalt  }
0x69: {  	_ =	shalt  }
0x6a: {  	_ =	shalt  }
0x6b: {  	_ =	shalt  }
0x6c: {  	_ =	shalt  }
0x6d: {  	_ =	shalt  }
0x6e: {  	_ =	shalt  }
0x6f: {  	_ =	shalt  }
0x70: {  	_ =	shalt  }
0x71: {  	_ =	shalt  }
0x72: {  	_ =	shalt  }
0x73: {  	_ =	shalt  }
0x74: {  	_ =	shalt  }
0x75: {  	_ =	shalt  }
0x76: {  	_ =	shalt  }
0x77: {  	_ =	shalt  }
0x78: {  	_ =	shalt  }
0x79: {  	_ =	shalt  }
0x7a: {  	_ =	shalt  }
0x7b: {  	_ =	shalt  }
0x7c: {  	_ =	shalt  }
0x7d: {  	_ =	shalt  }
0x7e: {  	_ =	shalt  }
0x7f: {  	_ =	shalt  }
0x80: {  	_ =	shalt  }
0x81: {  	_ =	shalt  }
0x82: {  	_ =	shalt  }
0x83: {  	_ =	shalt  }
0x84: {  	_ =	shalt  }
0x85: {  	_ =	shalt  }
0x86: {  	_ =	shalt  }
0x87: {  	_ =	shalt  }
.Lfunc_end0:
.L_simem_size_0:
called_computation_lowered:
.L_overlay_start_0:
0x88: {  	s2 =	sld [smem:$0x3FD9]  }
0x89: {  	s3 =	sld [smem:$0x3FFE];
	_ =	sdelay $0x1  }
0x8a: {  	s1 =	srdreg.scid  }
0x8b: {  	s0 =	sand.u32 $0x1, s1  }
0x8c: {  	s17 =	sshll.u32 s0, $0xA;
	s2 =	sadd.s32 s3, s2  }
0x8d: {  	s2 =	sadd.s32 s2, s17  }
0x8e: {  	[smem:$0x3FBA] =	sst s2  }
0x8f: {  	_ = 	snop  }
0x90: {  	s2 =	sld [smem:$0x3FD0];
	(tm) =	ssettm $0x1  }
0x91: {  	s18 =	sld [smem:$0x3FFB];
	_ =	sdelay $0x3  }
0x92: {  	_ =	strace s18  }
0x93: {  	s3 =	sld [smem:$0x3FFC];
	_ =	sdelay $0x3  }
0x94: {  	_ =	strace s3  }
0x95: {  	s3 =	sld [smem:$0x3FFD];
	_ =	sdelay $0x3  }
0x96: {  	_ =	strace s3  }
0x97: {  	_ =	strace $0x8FFFFFFF  }
0x98: {  	s19 =	sld [smem:$0x3FDB];
	_ =	sdelay $0x1  }
0x99: {  	s4 =	simm.s32 $_scs_section_size  }
0x9a: {  	s5 =	simm.s32 $_size__tile_overlayer_lowered;
	s6 =	simm.s32 $_tile_overlayer_lowered  }
0x9b: {  	s22 =	simm.s32 $0x1BFF;
	s21 =	sshll.u32 s6, $0x1;
	s3 =	sadd.s32 s4, s19  }
0x9c: {  	s7 =	simm.s32 $0x0;
	s20 =	sshll.u32 s5, $0x1;
	s5 =	sadd.s32 s21, s3  }
0x9d: {  	[timem:s7], [sflag:s22] =	dma.local [hbm:s5], s20  }
0x9e: {  	_ =	swait.ge [sflag:s22], s20  }
0x9f: {  	s4 =	ssub.s32 $0x0, s20;
	[sflag:s22] =	ssyncset.done $0x0  }
0xa0: {  	[sflag:s22] =	ssyncadd.s32 s4;
	_ =	sdelay $0x1  }
0xa1: {  	s23 =	simm.s32 $0x1B8B  }
0xa2: {  	_ =	swait.ge [sflag:s23], $0x1  }
0xa3: {  	[sflag:s23] =	ssyncset.done $0x0  }
0xa4: {  	s25 =	simm.s32 $0x1B8E;
	s24 =	sld [smem:$0x3FFE];
	[sflag:s23] =	ssyncadd.s32 $0xFFFFFFFF  }
0xa5: {  	s26 =	simm.s32 $execute0_lowered;
	[smem:$0x3FD2] =	sst s25  }
0xa6: {  	s5 =	sshll.u32 s26, $0x1;
	_ =	strace $0x80000046;
	[dreg:$0x1] =	wrdreg $0xFFFFFFFF  }
0xa7: {  	s28 =	simm.s32 $_size_execute0_lowered;
	s3 =	sadd.s32 s3, s5;
	[dreg:$0x0] =	wrdreg $0x0  }
0xa8: {  	s5 =	sshll.u32 s28, $0x1;
	[dreg:$0x2] =	wrdreg s3  }
0xa9: {  	[dreg:$0x3] =	wrdreg s5  }
0xaa: {  	[dreg:$0x4] =	wrdreg $0xC0  }
0xab: {  	_ =	task [dreg:s7], $0x5FFFF  }
0xac: {  	[dreg:$0x1] =	wrdreg $0xFFFFFFFF  }
0xad: {  	[dreg:$0x0] =	wrdreg $0x60  }
0xae: {  	[dreg:$0x2] =	wrdreg s24  }
0xaf: {  	[dreg:$0x3] =	wrdreg s2  }
0xb0: {  	[dreg:$0x4] =	wrdreg $0x53000  }
0xb1: {  	[dreg:$0x5] =	wrdreg $0x66C00  }
0xb2: {  	[dreg:$0x6] =	wrdreg $0x9  }
0xb3: {  	_ =	task.clear_ibuf [dreg:s7], $0x7FFFF;
	_ =	strace $0x90000046  }
0xb4: {  	s29 =	simm.s32 $0x9;
	_ =	strace $0x80000048  }
0xb5: {  	_ =	swait.ge [sflag:s29], $0x1  }
0xb6: {  	[sflag:s29] =	ssyncadd.s32 $0xFFFFFFFF  }
0xb7: {  	_ =	strace $0x90000048  }
0xb8: {  	_ =	sfence  }
0xb9: {  	s30 =	sld [smem:$0x0];
	_ =	sdelay $0x2  }
0xba: {  	s31 =	sshll.u32 s1, $0xD;
	s1 =	sshrl.u32 s1, $0x2  }
0xbb: {  	s3 =	sand.u32 $0x4000, s31;
	s1 =	sadd.s32 s1, s30  }
0xbc: {  	s0 =	sor.u32 s3, s0;
	s1 =	sshll.u32 s1, $0x11  }
0xbd: {  	s0 =	sor.u32 s1, s0  }
0xbe: {  	s0 =	sadd.s32 $0x8F2B, s0  }
0xbf: {  	[sflag:s0] =	ssyncadd.remote.s32 $0x1  }
0xc0: {  	_ =	sfence.sel $0xFFFF  }
0xc1: {  	[dreg:$0x0] =	wrdreg $0xFFFFFFFF;
	(pc) =	sbr.abs _section_cstart, $3  }
0xc2: {  	[dreg:$0x1] =	wrdreg $0xFFFFFFFF  }
0xc3: {  	_ =	task.clear_ibuf [dreg:s7], $0x2FFFF;
	_ =	strace $0x9FFFFFFF  }
0xc4: {  	(tm) =	ssettm $0x7FFFFFFF  }
0xc5: {  	_ =	shalt  }
tec
execute0_lowered:
.L_overlay_start_1:
0x0: {  	(tag) =	ssettag $0x1  }
0x1: {  	s6 =	rddreg [dreg:$0x0]  }
0x2: {  	s1 =	rddreg [dreg:$0x1];
	s2 =	srdreg.scid  }
0x3: {  	s0 =	stileid.u32;
	s3 =	rddreg [dreg:$0x2]  }
0x4: {  	s4 =	rddreg [dreg:$0x3];
	s5 =	simm.s32 $0x0;
	s20 =	simm.s32 $0x2  }
0x5: {  	s21 =	simm.s32 $0x80;
	s22 =	simm.s32 $0x10;
	s23 =	simm.s32 $0x0  }
0x6: {  	s11 =	sand.u32 $0x1, s2;
	s30 =	sshll.u32 s0, $0x1;
	s2 =	rddreg [dreg:$0x4]  }
0x7: {  	[smem:$0x7FF] =	sst s5;
	s12 =	smul.u32 $0x13C0, s0;
	s13 =	sadd.s32 $0x1B600, s6  }
0x8: {  	s15 =	smul.u32 $0x2780, s0;
	s7 =	sor.u32 s11, s30;
	_ =	strace $0x80000047  }
0x9: {  	s8 =	ssub.s32 $0x2, s11;
	s17 =	sadd.s32 s13, s11;
	s7 =	smul.u32 $0x2710, s7  }
0xa: {  	s9 =	sshrl.u32 s12, $0x3;
	s10 =	sshrl.u32 s8, $0x1;
	s16 =	sadd.s32 s12, s3  }
0xb: {  	s18 =	sor.u32 s11, s15;
	s19 =	sadd.s32 s12, s4;
	s11 =	sadd.s32 s15, s17  }
0xc: {  	s17 =	simm.s32 $0x4F00;
	s9 =	sadd.s32 s9, s6;
	s14 =	ssub.s32 s8, s10  }
0xd: {  	s31 =	sadd.s32 s18, s13;
	s15 =	sshrl.u32 s16, $0x3;
	s16 =	sshrl.u32 s19, $0x3  }
0xe: {  	v6 =	vlaneseq.u32;
	s18 =	simm.s32 $0x3;
	s19 =	simm.s32 $0x1;
	s7 =	sshrl.u32 s7, $0x3  }
0xf: {  	v0 =	vor.u32 $0x2710, v6;
	s8 =	sadd.s32 $0x18E00, s9;
	s9 =	sshll.u32 s0, $0x6;
	s12 =	sadd.s32 $0x2, s31  }
0x10: {  	v1 =	vor.u32 $0x2720, v6;
	v2 =	vor.u32 $0x2730, v6;
	v3 =	vor.u32 $0x2740, v6;
	s13 =	smax.u32 s14, $0x1;
	s14 =	simm.s32 $0x2780;
	s7 =	sadd.s32 s7, s6  }
0x11: {  	v4 =	vor.u32 $0x2750, v6;
	v5 =	vor.u32 $0x2760, v6;
	v6 =	vor.u32 $0x2770, v6;
	s10 =	sor.u32 $0x1C02, s9;
	s6 =	sadd.s32 $0x5400, s7;
	s7 =	sadd.s32 $0xF040, s7  }
.LBB2_1:
0x12: {  	[tilespmem:s5], [sflag:$0x1] =	stream.linear.gather [hbm4b:s6+s5], $0x2710, $0x38;
	[tilespmem:$0x7A80] =	vst v63  }
0x13: {  	_ = 	snop  }
0x14: {  	[tilespmem:s14], [sflag:$0x1] =	stream.linear.gather [hbm4b:s7+s5], $0x2710, $0x38;
	[tilespmem:$0x7A80] =	vst v63  }
0x15: {  	[spmem:s15], [sflag:s10] =	dma.local [hbm:s8], $0x278  }
0x16: {  	[spmem:s16], [sflag:s10] =	dma.local [hbm:s8], $0x278  }
0x17: {  	[tilespmem:s17], [sflag:$0x3] =	stream.linear.gather [hbm4b:s1+s5], $0x400, $0x38;
	[tilespmem:$0x7A80] =	vst v63  }
0x18: {  	_ =	swait.ge [sflag:s18], $0x400  }
0x19: {  	[sflag:s18] =	ssyncset.done $0x0  }
0x1a: {  	[sflag:s18] =	ssyncadd.s32 $0xFFFFFC00  }
0x1b: {  	_ =	swait.ge [sflag:s19], $0x2710  }
0x1c: {  	[sflag:s19] =	ssyncset.done $0x0  }
0x1d: {  	[sflag:s19] =	ssyncadd.s32 $0xFFFFD8F0  }
0x1e: {  	_ =	swait.ge [sflag:s19], $0x2710  }
0x1f: {  	[sflag:s19] =	ssyncset.done $0x0  }
0x20: {  	[sflag:s19] =	ssyncadd.s32 $0xFFFFD8F0  }
0x21: {  	[tilespmem:$0x2710] =	vst v0  }
0x22: {  	[tilespmem:$0x4E90] =	vst v0  }
0x23: {  	[tilespmem:$0x2720] =	vst v1  }
0x24: {  	[tilespmem:$0x4EA0] =	vst v1  }
0x25: {  	[tilespmem:$0x2730] =	vst v2  }
0x26: {  	[tilespmem:$0x4EB0] =	vst v2  }
0x27: {  	[tilespmem:$0x2740] =	vst v3  }
0x28: {  	[tilespmem:$0x4EC0] =	vst v3  }
0x29: {  	[tilespmem:$0x2750] =	vst v4  }
0x2a: {  	[tilespmem:$0x4ED0] =	vst v4  }
0x2b: {  	[tilespmem:$0x2760] =	vst v5  }
0x2c: {  	[tilespmem:$0x4EE0] =	vst v5  }
0x2d: {  	[tilespmem:$0x2770] =	vst v6  }
0x2e: {  	[tilespmem:$0x4EF0] =	vst v6  }
0x2f: {  	_ =	swait.ge [sflag:s20], $0x278  }
0x30: {  	[sflag:s20] =	ssyncset.done $0x0  }
0x31: {  	[sflag:s20] =	ssyncadd.s32 $0xFFFFFD88  }
0x32: {  	_ =	swait.ge [sflag:s20], $0x278  }
0x33: {  	[sflag:s20] =	ssyncset.done $0x0  }
0x34: {  	[sflag:s20] =	ssyncadd.s32 $0xFFFFFD88  }
0x35: {  	s24 =	simm.s32 $0x2780;
	[bflag:$0x0] =	sbarrier.arrive $0xFFFF  }
0x36: {  	[spmem:s3] =	stream.indirect.scatter.add.f32 [tilespmem:s17], [sflag:$0x1], $0x8, s24, s21, $0xb8;
	[tilespmem:$0x7A80] =	vst v63  }
0x37: {  	s25 =	simm.s32 $0x0;
	s24 =	simm.s32 $0x200  }
.LBB2_2:
0x38: {  	[spmem:s4] =	stream.indirect.scatter.add.f32 [tilespmem:s17], [sflag:$0x2], $0x8, s25, s21, $0xb8;
	[tilespmem:$0x7A80] =	vst v63  }
0x39: {  	p0 =	sne.s32 s24, $0x9C00  }
.Ltmp0:
0x3a: {  	s25 =	smov.u32 s24;
	(pc) =	sbr.rel @p0 .LBB2_2-.Ltmp0, $4  }
0x3b: {  	s24 =	sadd.s32 $0x200, s24  }
0x3c: {  	s25 =	sshra.s32 s25, $0x2  }
0x3d: {  	s26 =	sadd.s32 $0x2780, s25  }
0x3e: {  	[spmem:s3] =	stream.indirect.scatter.add.f32 [tilespmem:s17], [sflag:$0x1], $0x8, s26, s21, $0xb8;
	[tilespmem:$0x7A80] =	vst v63  }
0x3f: {  	[spmem:s4] =	stream.indirect.scatter.add.f32 [tilespmem:s17], [sflag:$0x2], $0x8, s25, s21, $0xb8;
	[tilespmem:$0x7A80] =	vst v63  }
0x40: {  	_ =	swait.ge [sflag:s19], $0x400  }
0x41: {  	[sflag:s19] =	ssyncset.done $0x0  }
0x42: {  	[sflag:s19] =	ssyncadd.s32 $0xFFFFFC00  }
0x43: {  	_ =	swait.ge [sflag:s20], $0x400  }
0x44: {  	s24 =	simm.s32 $0x4E;
	[sflag:s20] =	ssyncset.done $0x0  }
.LBB2_4:
0x45: {  	p0 =	sne.s32 s24, $0x1;
	s24 =	sadd.s32 $0xFFFFFFFF, s24;
	[sflag:s20] =	ssyncadd.s32 $0xFFFFFC00  }
.Ltmp1:
0x46: {  	_ =	swait.ge [sflag:s19], $0x400;
	(pc) =	sbr.rel @p0 .LBB2_4-.Ltmp1, $4  }
0x47: {  	[sflag:s19] =	ssyncset.done $0x0  }
0x48: {  	[sflag:s19] =	ssyncadd.s32 $0xFFFFFC00  }
0x49: {  	_ =	swait.ge [sflag:s20], $0x400  }
0x4a: {  	[sflag:s20] =	ssyncset.done $0x0  }
0x4b: {  	[sflag:s20] =	ssyncadd.s32 $0xFFFFFC00  }
0x4c: {  	s24 =	sor.u32 $0x1C03, s9;
	[bflag:$0x0] =	sbarrier.arrive $0xFFFF  }
0x4d: {  	[hbm:s11@s22], [sflag:s24] =	dma.strided [spmem:s15@s19], $0x278, s19, $0x1   }
0x4e: {  	s23 =	sadd.s32 $0x1, s23;
	_ =	swait.ge [sflag:s18], $0x278  }
0x4f: {  	p0 =	sne.s32 s23, s13;
	[sflag:s18] =	ssyncset.done $0x0  }
.Ltmp2:
0x50: {  	[sflag:s18] =	ssyncadd.s32 $0xFFFFFD88;
	(pc) =	sbr.rel @p0 .LBB2_1-.Ltmp2, $4  }
0x51: {  	[hbm:s12@s22], [sflag:s24] =	dma.strided [spmem:s16@s19], $0x278, s19, $0x1   }
0x52: {  	_ =	swait.ge [sflag:s18], $0x278  }
0x53: {  	[sflag:s18] =	ssyncset.done $0x0  }
0x54: {  	[sflag:s18] =	ssyncadd.s32 $0xFFFFFD88  }
0x55: {  	_ =	sfence.sel $0x180000  }
0x56: {  	[bflag:$0x0] =	sbarrier.arrive $0xFFFF  }
0x57: {  	p0 =	sne.s32 s0, $0x0;
	_ =	strace $0x90000047  }
0x58: {  	s0 =	sadd.s32 @!p0 $0x100000, s2;
	[bflag:$0x2] =	sbarrier.arrive $0xFFFF  }
0x59: {  	[sflag:s0] =	ssyncadd.tile.s32 @!p0 $0x1;
	_ =	shalt  }
.Lfunc_end2:
_tile_overlayer_lowered:
.L_overlay_start_2:
0x5a: {  	(tag) =	ssettag $0x2  }
0x5b: {  	s0 =	rddreg [dreg:$0x0];
	s2 =	stileid.u32  }
0x5c: {  	s1 =	rddreg [dreg:$0x1];
	p0 =	sne.s32 s2, $0x0  }
0x5d: {  	s3 =	rddreg [dreg:$0x2];
	[bflag:$0x3] =	sbarrier.arrive $0xFFFF;
	s2 =	simm.s32 @!p0 $0x1C03  }
0x5e: {  	[timem:s3], [sflag:s2] =	dma.local @!p0 [hbm:s0], s1  }
0x5f: {  	s0 =	simm.s32 @!p0 $0x3  }
0x60: {  	_ =	swait.ge @!p0 [sflag:s0], s1  }
0x61: {  	s1 =	ssub.s32 @!p0 $0x0, s1;
	[sflag:s0] =	ssyncset.done @!p0 $0x0  }
0x62: {  	[sflag:s0] =	ssyncadd.s32 @!p0 s1  }
0x63: {  	[bflag:$0x3] =	sbarrier.arrive $0xFFFF  }
0x64: {  	_ =	shalt  }

// kernel: kernel.14.cloned.1.call-start
scs
__scs_entry_jumppad:
0x0: {  	(pc) =	sbr.rel $0x88, $3  }
0x1: {  	(tag) =	ssettag $0x0;
	lr =	simm.s32 $0x1  }
0x2: {  	[smem:$0x3F93] =	sst lr;
	_ =	strace $0xD0000000  }
0x3: {  	_ = 	snop  }
0x4: {  	_ = 	snop  }
0x5: {  	_ = 	snop  }
0x6: {  	_ = 	snop  }
0x7: {  	_ = 	snop  }
__scs_overlays_trampoline_lowered:
0x8: {  	[smem:$0x3FA2] =	sst s0  }
0x9: {  	[smem:$0x3FA3] =	sst s1  }
0xa: {  	[smem:$0x3FA4] =	sst s2  }
0xb: {  	[smem:$0x3FA5] =	sst s3  }
0xc: {  	[smem:$0x3FA6] =	sst s4  }
0xd: {  	[smem:$0x3FA7] =	sst s5  }
0xe: {  	[smem:$0x3FA8] =	sst s6  }
0xf: {  	[smem:$0x3FA9] =	sst s7  }
0x10: {  	[smem:$0x3FAA] =	sst s8  }
0x11: {  	[smem:$0x3FAB] =	sst s9;
	s0 =	simm.s32 @!p0 $0x0  }
0x12: {  	s1 =	sld [smem:$0x3F91];
	s0 =	simm.s32 @p0 $0x1  }
0x13: {  	[smem:$0x3FAC] =	sst s0;
	s0 =	simm.s32 @!p1 $0x0  }
0x14: {  	s2 =	sld [smem:$0x3F90];
	s0 =	simm.s32 @p1 $0x1  }
0x15: {  	[smem:$0x3FAD] =	sst s0;
	s0 =	simm.s32 @!p2 $0x0  }
0x16: {  	s3 =	sld [smem:$0x3FDB];
	s0 =	simm.s32 @p2 $0x1  }
0x17: {  	s4 =	simm.s32 $0x1BF5;
	[smem:$0x3FAF] =	sst s0  }
0x18: {  	s0 =	sld [smem:$0x3F92];
	_ =	swait.ge [sflag:s4], $0x0  }
0x19: {  	s7 =	sld [smem:$0x3F93]  }
0x1a: {  	s8 =	sadd.s32 $0xFFFFE003, lr  }
0x1b: {  	s9 =	sadd.s32 $0xFFFFFEF7, lr;
	s5 =	simm.s32 $0xFFFFFFFF;
	p2 =	slt.u32 s8, $0xFFFFF086  }
0x1c: {  	p1 =	slt.u32 s9, $0xF7A;
	s5 =	simm.s32 @!p2 $0x0  }
0x1d: {  	s5 =	simm.s32 @p1 $0x1;
	p0 =	seq.s32 s7, s2  }
0x1e: {  	s7 =	smul.u32 @!p0 $0xF7A, s2;
	p2 =	seq.s32 @!p0 s5, $0x0  }
0x1f: {  	s9 =	smul.u32 $0xF7A, s1;
	s8 =	simm.s32 @!p0 $0x1BF5;
	p2 =	por !p2, p0  }
0x20: {  	[sflag:s8] =	ssyncset.s32 @!p0 $0xFFFFF086;
	s6 =	sadd.s32 @!p0 s3, s7;
	s7 =	simm.s32 @!p0 $0x108  }
0x21: {  	s3 =	sadd.s32 s3, s9;
	s6 =	sadd.s32 @!p0 $0x88, s6;
	s7 =	simm.s32 @p2 $0x1082  }
0x22: {  	[simem:s7], [sflag:s8] =	dma.local @!p0 [hbm:s6], $0xF7A  }
0x23: {  	s9 =	sor.u32 $0xD0000000, s2;
	s6 =	simm.s32 $0x108;
	_ =	swait.ge @!p0 [sflag:s8], $0x0  }
0x24: {  	s3 =	sadd.s32 $0x88, s3;
	s6 =	simm.s32 @!p1 $0x1082;
	[sflag:s4] =	ssyncset.s32 $0xFFFFF086  }
0x25: {  	[simem:s6], [sflag:s4] =	dma.local [hbm:s3], $0xF7A  }
0x26: {  	[smem:$0x3F93] =	sst s1;
	(tag) =	ssettag s2;
	_ =	strace s9  }
0x27: {  	s1 =	sld [smem:$0x3FA3]  }
0x28: {  	s2 =	sld [smem:$0x3FA4]  }
0x29: {  	s4 =	sld [smem:$0x3FA6]  }
0x2a: {  	p0 =	seq.s32 s5, $0x0;
	s5 =	sld [smem:$0x3FA7]  }
0x2b: {  	s6 =	sld [smem:$0x3FA8]  }
0x2c: {  	s7 =	sld [smem:$0x3FA9]  }
0x2d: {  	s3 =	simm.s32 $0x108;
	s8 =	sld [smem:$0x3FAA]  }
0x2e: {  	s3 =	simm.s32 @!p0 $0x1082;
	s9 =	sld [smem:$0x3FAB]  }
0x2f: {  	lr =	sadd.s32 s0, s3;
	s0 =	sld [smem:$0x3FA2]  }
0x30: {  	s3 =	sld [smem:$0x3FA5]  }
0x31: {  	[smem:$0x3FAE] =	sst s10  }
0x32: {  	s10 =	sld [smem:$0x3FAC];
	_ =	sdelay $0x3  }
0x33: {  	p0 =	seq.s32 s10, $0x1;
	s10 =	sld [smem:$0x3FAE];
	_ =	sdelay $0x3  }
0x34: {  	[smem:$0x3FAE] =	sst s10  }
0x35: {  	s10 =	sld [smem:$0x3FAD];
	_ =	sdelay $0x3  }
0x36: {  	p1 =	seq.s32 s10, $0x1;
	s10 =	sld [smem:$0x3FAE];
	_ =	sdelay $0x3  }
0x37: {  	[smem:$0x3FAE] =	sst s10  }
0x38: {  	s10 =	sld [smem:$0x3FAF]  }
0x39: {  	_ = 	snop;
	(pc) =	sbr.ind lr, $3  }
0x3a: {  	_ = 	snop  }
0x3b: {  	_ = 	snop  }
0x3c: {  	p2 =	seq.s32 s10, $0x1;
	s10 =	sld [smem:$0x3FAE]  }
0x3d: {  	_ =	shalt  }
0x3e: {  	_ =	shalt  }
0x3f: {  	_ =	shalt  }
0x40: {  	_ =	shalt  }
0x41: {  	_ =	shalt  }
0x42: {  	_ =	shalt  }
0x43: {  	_ =	shalt  }
0x44: {  	_ =	shalt  }
0x45: {  	_ =	shalt  }
0x46: {  	_ =	shalt  }
0x47: {  	_ =	shalt  }
0x48: {  	_ =	shalt  }
0x49: {  	_ =	shalt  }
0x4a: {  	_ =	shalt  }
0x4b: {  	_ =	shalt  }
0x4c: {  	_ =	shalt  }
0x4d: {  	_ =	shalt  }
0x4e: {  	_ =	shalt  }
0x4f: {  	_ =	shalt  }
0x50: {  	_ =	shalt  }
0x51: {  	_ =	shalt  }
0x52: {  	_ =	shalt  }
0x53: {  	_ =	shalt  }
0x54: {  	_ =	shalt  }
0x55: {  	_ =	shalt  }
0x56: {  	_ =	shalt  }
0x57: {  	_ =	shalt  }
0x58: {  	_ =	shalt  }
0x59: {  	_ =	shalt  }
0x5a: {  	_ =	shalt  }
0x5b: {  	_ =	shalt  }
0x5c: {  	_ =	shalt  }
0x5d: {  	_ =	shalt  }
0x5e: {  	_ =	shalt  }
0x5f: {  	_ =	shalt  }
0x60: {  	_ =	shalt  }
0x61: {  	_ =	shalt  }
0x62: {  	_ =	shalt  }
0x63: {  	_ =	shalt  }
0x64: {  	_ =	shalt  }
0x65: {  	_ =	shalt  }
0x66: {  	_ =	shalt  }
0x67: {  	_ =	shalt  }
0x68: {  	_ =	shalt  }
0x69: {  	_ =	shalt  }
0x6a: {  	_ =	shalt  }
0x6b: {  	_ =	shalt  }
0x6c: {  	_ =	shalt  }
0x6d: {  	_ =	shalt  }
0x6e: {  	_ =	shalt  }
0x6f: {  	_ =	shalt  }
0x70: {  	_ =	shalt  }
0x71: {  	_ =	shalt  }
0x72: {  	_ =	shalt  }
0x73: {  	_ =	shalt  }
0x74: {  	_ =	shalt  }
0x75: {  	_ =	shalt  }
0x76: {  	_ =	shalt  }
0x77: {  	_ =	shalt  }
0x78: {  	_ =	shalt  }
0x79: {  	_ =	shalt  }
0x7a: {  	_ =	shalt  }
0x7b: {  	_ =	shalt  }
0x7c: {  	_ =	shalt  }
0x7d: {  	_ =	shalt  }
0x7e: {  	_ =	shalt  }
0x7f: {  	_ =	shalt  }
0x80: {  	_ =	shalt  }
0x81: {  	_ =	shalt  }
0x82: {  	_ =	shalt  }
0x83: {  	_ =	shalt  }
0x84: {  	_ =	shalt  }
0x85: {  	_ =	shalt  }
0x86: {  	_ =	shalt  }
0x87: {  	_ =	shalt  }
.Lfunc_end0:
.L_simem_size_0:
called_computation.1_lowered:
.L_overlay_start_0:
0x88: {  	s2 =	sld [smem:$0x3FD9]  }
0x89: {  	s3 =	sld [smem:$0x3FFE];
	_ =	sdelay $0x1  }
0x8a: {  	s1 =	srdreg.scid  }
0x8b: {  	s0 =	sand.u32 $0x1, s1  }
0x8c: {  	s16 =	sshll.u32 s0, $0xA;
	s2 =	sadd.s32 s3, s2  }
0x8d: {  	s2 =	sadd.s32 s2, s16  }
0x8e: {  	[smem:$0x3FBA] =	sst s2  }
0x8f: {  	_ = 	snop  }
0x90: {  	(tm) =	ssettm $0x1  }
0x91: {  	s17 =	sld [smem:$0x3FFB];
	_ =	sdelay $0x3  }
0x92: {  	_ =	strace s17  }
0x93: {  	s2 =	sld [smem:$0x3FFC];
	_ =	sdelay $0x3  }
0x94: {  	_ =	strace s2  }
0x95: {  	s2 =	sld [smem:$0x3FFD];
	_ =	sdelay $0x3  }
0x96: {  	_ =	strace s2  }
0x97: {  	_ =	strace $0x8FFFFFFF  }
0x98: {  	s18 =	sld [smem:$0x3FDB];
	_ =	sdelay $0x1  }
0x99: {  	s19 =	simm.s32 $_scs_section_size  }
0x9a: {  	s4 =	simm.s32 $_size__tile_overlayer_lowered;
	s5 =	simm.s32 $_tile_overlayer_lowered  }
0x9b: {  	s22 =	simm.s32 $0x1BFF;
	s21 =	sshll.u32 s5, $0x1;
	s2 =	sadd.s32 s19, s18  }
0x9c: {  	s6 =	simm.s32 $0x0;
	s20 =	sshll.u32 s4, $0x1;
	s4 =	sadd.s32 s21, s2  }
0x9d: {  	[timem:s6], [sflag:s22] =	dma.local [hbm:s4], s20  }
0x9e: {  	_ =	swait.ge [sflag:s22], s20  }
0x9f: {  	s3 =	ssub.s32 $0x0, s20;
	[sflag:s22] =	ssyncset.done $0x0  }
0xa0: {  	[sflag:s22] =	ssyncadd.s32 s3;
	_ =	sdelay $0x1  }
0xa1: {  	s23 =	simm.s32 $0x1B8B  }
0xa2: {  	_ =	swait.ge [sflag:s23], $0x1  }
0xa3: {  	[sflag:s23] =	ssyncset.done $0x0  }
0xa4: {  	s25 =	simm.s32 $0x1B8E;
	s24 =	sld [smem:$0x3FFE];
	[sflag:s23] =	ssyncadd.s32 $0xFFFFFFFF  }
0xa5: {  	s26 =	simm.s32 $execute0_lowered;
	[smem:$0x3FD2] =	sst s25  }
0xa6: {  	s4 =	sshll.u32 s26, $0x1;
	_ =	strace $0x80000049;
	[dreg:$0x1] =	wrdreg $0xFFFFFFFF  }
0xa7: {  	s28 =	simm.s32 $_size_execute0_lowered;
	s2 =	sadd.s32 s2, s4;
	[dreg:$0x0] =	wrdreg $0x0  }
0xa8: {  	s4 =	sshll.u32 s28, $0x1;
	[dreg:$0x2] =	wrdreg s2  }
0xa9: {  	[dreg:$0x3] =	wrdreg s4  }
0xaa: {  	[dreg:$0x4] =	wrdreg $0xC0  }
0xab: {  	_ =	task [dreg:s6], $0x5FFFF  }
0xac: {  	[dreg:$0x1] =	wrdreg $0xFFFFFFFF  }
0xad: {  	[dreg:$0x0] =	wrdreg $0x60  }
0xae: {  	[dreg:$0x2] =	wrdreg s24  }
0xaf: {  	[dreg:$0x3] =	wrdreg $0xDE000  }
0xb0: {  	[dreg:$0x4] =	wrdreg $0x8F000  }
0xb1: {  	[dreg:$0x5] =	wrdreg $0x9  }
0xb2: {  	_ =	task.clear_ibuf [dreg:s6], $0x6FFFF;
	_ =	strace $0x90000049  }
0xb3: {  	s29 =	simm.s32 $0x9;
	_ =	strace $0x8000004B  }
0xb4: {  	_ =	swait.ge [sflag:s29], $0x1  }
0xb5: {  	[sflag:s29] =	ssyncadd.s32 $0xFFFFFFFF  }
0xb6: {  	_ =	strace $0x9000004B  }
0xb7: {  	_ =	sfence  }
0xb8: {  	s30 =	sld [smem:$0x0];
	_ =	sdelay $0x2  }
0xb9: {  	s31 =	sshll.u32 s1, $0xD;
	s1 =	sshrl.u32 s1, $0x2  }
0xba: {  	s3 =	sand.u32 $0x4000, s31;
	s1 =	sadd.s32 s1, s30  }
0xbb: {  	s0 =	sor.u32 s3, s0;
	s1 =	sshll.u32 s1, $0x11  }
0xbc: {  	s0 =	sor.u32 s1, s0  }
0xbd: {  	s0 =	sadd.s32 $0x8F2B, s0  }
0xbe: {  	[sflag:s0] =	ssyncadd.remote.s32 $0x1  }
0xbf: {  	_ =	sfence.sel $0xFFFF  }
0xc0: {  	[dreg:$0x0] =	wrdreg $0xFFFFFFFF;
	(pc) =	sbr.abs _section_cstart, $3  }
0xc1: {  	[dreg:$0x1] =	wrdreg $0xFFFFFFFF  }
0xc2: {  	_ =	task.clear_ibuf [dreg:s6], $0x2FFFF;
	_ =	strace $0x9FFFFFFF  }
0xc3: {  	(tm) =	ssettm $0x7FFFFFFF  }
tec
execute0_lowered:
.L_overlay_start_1:
0x0: {  	(tag) =	ssettag $0x1  }
0x1: {  	s5 =	rddreg [dreg:$0x0]  }
0x2: {  	s2 =	rddreg [dreg:$0x1]  }
0x3: {  	s3 =	rddreg [dreg:$0x2]  }
0x4: {  	s0 =	stileid.u32;
	s4 =	srdreg.scid;
	s16 =	simm.s32 $0x1  }
0x5: {  	s17 =	simm.s32 $0x4;
	s18 =	simm.s32 $0x10;
	s19 =	simm.s32 $0x5  }
0x6: {  	s20 =	simm.s32 $0x6;
	s21 =	simm.s32 $0x80;
	s23 =	simm.s32 $0x5F00  }
0x7: {  	s24 =	simm.s32 $0x8;
	s25 =	simm.s32 $0x7;
	s26 =	simm.s32 $0x9  }
0x8: {  	s28 =	simm.s32 $0x0;
	s6 =	sand.u32 $0x1, s4;
	s8 =	smul.u32 $0x13C00, s0  }
0x9: {  	s7 =	sshll.u32 s0, $0x1;
	s4 =	simm.s32 $0x0;
	s10 =	smul.u32 $0x4F00, s0  }
0xa: {  	s7 =	sor.u32 s6, s7;
	[smem:$0x7FF] =	sst s4;
	s29 =	sshll.u32 s6, $0x5  }
0xb: {  	s6 =	ssub.s32 $0x2, s6;
	s7 =	smul.u32 $0x2710, s7;
	_ =	strace $0x8000004A  }
0xc: {  	s9 =	sshrl.u32 s8, $0x3;
	s12 =	sshrl.u32 s10, $0x3;
	s8 =	sor.u32 s29, s8  }
0xd: {  	s31 =	sshrl.u32 s6, $0x1;
	s14 =	sadd.s32 s10, s2;
	s15 =	sadd.s32 s10, s3  }
0xe: {  	s11 =	sadd.s32 s9, s5;
	s30 =	sadd.s32 s12, s5;
	s8 =	sshrl.u32 s8, $0x3  }
0xf: {  	s12 =	ssub.s32 s6, s31;
	s15 =	sshrl.u32 s15, $0x3;
	s7 =	sshrl.u32 s7, $0x3  }
0x10: {  	v6 =	vlaneseq.u32;
	s13 =	sadd.s32 s8, s5;
	s8 =	sadd.s32 $0x8F600, s30;
	s10 =	sadd.s32 $0x18E00, s11  }
0x11: {  	v0 =	vor.u32 $0x2710, v6;
	s12 =	smax.u32 s12, $0x1;
	s7 =	sadd.s32 s7, s5;
	s11 =	sadd.s32 $0x99400, s13  }
0x12: {  	v1 =	vor.u32 $0x2720, v6;
	v2 =	vor.u32 $0x2730, v6;
	v3 =	vor.u32 $0x2740, v6;
	s5 =	sadd.s32 $0x5400, s7;
	s6 =	sadd.s32 $0xF040, s7;
	s7 =	sshll.u32 s0, $0x6  }
0x13: {  	v4 =	vor.u32 $0x2750, v6;
	v5 =	vor.u32 $0x2760, v6;
	v6 =	vor.u32 $0x2770, v6;
	s13 =	sshrl.u32 s14, $0x3;
	s9 =	sor.u32 $0x1C05, s7;
	s14 =	sor.u32 $0x1C06, s7  }
.LBB2_1:
0x14: {  	[tilespmem:s4], [sflag:$0x1] =	stream.linear.gather [hbm4b:s5+s4], $0x2710, $0x38;
	[tilespmem:$0x12D00] =	vst v63  }
0x15: {  	s29 =	simm.s32 $0x2780  }
0x16: {  	[tilespmem:s29], [sflag:$0x1] =	stream.linear.gather [hbm4b:s6+s4], $0x2710, $0x38;
	[tilespmem:$0x12D00] =	vst v63  }
0x17: {  	[spmem:s13], [sflag:s9] =	dma.local [hbm:s8], $0x9E0  }
0x18: {  	[spmem:s15@s17], [sflag:s14] =	dma.strided [hbm:s10@s18], $0x9E0, s16, $0x4   }
0x19: {  	_ =	swait.ge [sflag:s16], $0x2710  }
0x1a: {  	[sflag:s16] =	ssyncset.done $0x0  }
0x1b: {  	[sflag:s16] =	ssyncadd.s32 $0xFFFFD8F0  }
0x1c: {  	_ =	swait.ge [sflag:s16], $0x2710  }
0x1d: {  	[sflag:s16] =	ssyncset.done $0x0  }
0x1e: {  	[sflag:s16] =	ssyncadd.s32 $0xFFFFD8F0  }
0x1f: {  	[tilespmem:$0x2710] =	vst v0  }
0x20: {  	[tilespmem:$0x4E90] =	vst v0  }
0x21: {  	[tilespmem:$0x2720] =	vst v1  }
0x22: {  	[tilespmem:$0x4EA0] =	vst v1  }
0x23: {  	[tilespmem:$0x2730] =	vst v2  }
0x24: {  	[tilespmem:$0x4EB0] =	vst v2  }
0x25: {  	[tilespmem:$0x2740] =	vst v3  }
0x26: {  	[tilespmem:$0x4EC0] =	vst v3  }
0x27: {  	[tilespmem:$0x2750] =	vst v4  }
0x28: {  	[tilespmem:$0x4ED0] =	vst v4  }
0x29: {  	[tilespmem:$0x2760] =	vst v5  }
0x2a: {  	[tilespmem:$0x4EE0] =	vst v5  }
0x2b: {  	[tilespmem:$0x2770] =	vst v6  }
0x2c: {  	[tilespmem:$0x4EF0] =	vst v6  }
0x2d: {  	_ =	swait.ge [sflag:s19], $0x9E0  }
0x2e: {  	[sflag:s19] =	ssyncset.done $0x0  }
0x2f: {  	[sflag:s19] =	ssyncadd.s32 $0xFFFFF620  }
0x30: {  	_ =	swait.ge [sflag:s20], $0x9E0  }
0x31: {  	[sflag:s20] =	ssyncset.done $0x0  }
0x32: {  	[sflag:s20] =	ssyncadd.s32 $0xFFFFF620  }
0x33: {  	s0 =	simm.s32 $0x4F00;
	[bflag:$0x0] =	sbarrier.arrive $0xFFFF  }
0x34: {  	[tilespmem:s0], [sflag:$0x1] =	stream.indirect.gather [spmem:s3], $0x20, s4, s21, $0xb8;
	[tilespmem:$0x12D00] =	vst v63  }
0x35: {  	s30 =	simm.s32 $0x100;
	s31 =	simm.s32 $0x0  }
0x36: {  	[tilespmem:s23], [sflag:$0x2] =	stream.indirect.gather [spmem:s3], $0x20, s21, s21, $0xb8;
	[tilespmem:$0x12D00] =	vst v63  }
.LBB2_2:
0x37: {  	s0 =	sand.u32 $0x3, s31  }
0x38: {  	p0 =	sgt.s32 s0, $0x1  }
0x39: {  	p1 =	seq.s32 @p0 s0, $0x2  }
0x3a: {  	p2 =	por !p1, !p0  }
0x3b: {  	s1 =	simm.s32 @!p2 $0x3;
	p3 =	sgt.u32 @!p2 s31, $0x4C  }
0x3c: {  	_ =	swait.ge @!p2 [sflag:s1], $0x1000;
	p4 =	por @p0 p3, !p1  }
0x3d: {  	s22 =	simm.s32 @!p2 $0x6F00;
	[sflag:s1] =	ssyncset.done @!p2 $0x0;
	p4 =	por p4, !p0  }
0x3e: {  	[sflag:s1] =	ssyncadd.s32 @!p2 $0xFFFFF000;
	s1 =	simm.s32 @!p2 $0x80;
	p5 =	slt.u32 @!p4 s31, $0x2  }
0x3f: {  	[spmem:s2] =	stream.indirect.scatter.add.f32 @!p2 [tilespmem:s22], [sflag:$0x7], $0x20, s29, s1, $0xb8;
	[tilespmem:$0x12D00] =	vst v63  }
0x40: {  	p2 =	por @!p2 p5, p3  }
0x41: {  	p2 =	por @p0 p2, !p1  }
0x42: {  	p2 =	por p2, !p0  }
0x43: {  	s1 =	simm.s32 @!p2 $0x5  }
0x44: {  	_ =	swait.ge @!p2 [sflag:s1], $0x1000  }
0x45: {  	s22 =	simm.s32 @!p4 $0x4F00;
	[sflag:s1] =	ssyncset.done @!p2 $0x0  }
0x46: {  	[sflag:s1] =	ssyncadd.s32 @!p2 $0xFFFFF000;
	s1 =	simm.s32 @!p4 $0x80;
	p2 =	por p1, !p0  }
0x47: {  	[tilespmem:s22], [sflag:$0x1] =	stream.indirect.gather @!p4 [spmem:s3], $0x20, s30, s1, $0xb8;
	[tilespmem:$0x12D00] =	vst v63  }
0x48: {  	s1 =	simm.s32 @!p2 $0x4;
	p3 =	sgt.u32 @!p2 s31, $0x4C  }
0x49: {  	_ =	swait.ge @!p2 [sflag:s1], $0x1000;
	p4 =	por @p0 p3, p1  }
0x4a: {  	s22 =	simm.s32 @!p2 $0x7F00;
	[sflag:s1] =	ssyncset.done @!p2 $0x0;
	p4 =	por p4, !p0  }
0x4b: {  	[sflag:s1] =	ssyncadd.s32 @!p2 $0xFFFFF000;
	s1 =	simm.s32 @!p2 $0x80;
	p5 =	slt.u32 @!p4 s31, $0x2  }
0x4c: {  	[spmem:s2] =	stream.indirect.scatter.add.f32 @!p2 [tilespmem:s22], [sflag:$0x8], $0x20, s29, s1, $0xb8;
	[tilespmem:$0x12D00] =	vst v63  }
0x4d: {  	p2 =	por @!p2 p5, p3  }
0x4e: {  	p1 =	por @p0 p2, p1  }
0x4f: {  	p1 =	por p1, !p0  }
0x50: {  	s1 =	simm.s32 @!p1 $0x6  }
0x51: {  	_ =	swait.ge @!p1 [sflag:s1], $0x1000  }
0x52: {  	s22 =	simm.s32 @!p4 $0x5F00;
	[sflag:s1] =	ssyncset.done @!p1 $0x0  }
0x53: {  	[sflag:s1] =	ssyncadd.s32 @!p1 $0xFFFFF000;
	s1 =	simm.s32 @!p4 $0x80;
	p1 =	seq.s32 @!p0 s0, $0x0  }
0x54: {  	[tilespmem:s22], [sflag:$0x2] =	stream.indirect.gather @!p4 [spmem:s3], $0x20, s30, s1, $0xb8;
	[tilespmem:$0x12D00] =	vst v63  }
0x55: {  	p2 =	por !p1, p0  }
0x56: {  	s0 =	simm.s32 @!p2 $0x1;
	p3 =	sgt.u32 @!p2 s31, $0x4C  }
0x57: {  	_ =	swait.ge @!p2 [sflag:s0], $0x1000;
	p4 =	por @!p0 p3, !p1  }
0x58: {  	s1 =	simm.s32 @!p2 $0x4F00;
	[sflag:s0] =	ssyncset.done @!p2 $0x0;
	p4 =	por p4, p0  }
0x59: {  	[sflag:s0] =	ssyncadd.s32 @!p2 $0xFFFFF000;
	s0 =	simm.s32 @!p2 $0x80;
	p5 =	slt.u32 @!p4 s31, $0x2  }
0x5a: {  	[spmem:s2] =	stream.indirect.scatter.add.f32 @!p2 [tilespmem:s1], [sflag:$0x5], $0x20, s29, s0, $0xb8;
	[tilespmem:$0x12D00] =	vst v63  }
0x5b: {  	p2 =	por @!p2 p5, p3  }
0x5c: {  	p2 =	por @!p0 p2, !p1  }
0x5d: {  	p2 =	por p2, p0  }
0x5e: {  	s0 =	simm.s32 @!p2 $0x7  }
0x5f: {  	_ =	swait.ge @!p2 [sflag:s0], $0x1000  }
0x60: {  	s1 =	simm.s32 @!p4 $0x6F00;
	[sflag:s0] =	ssyncset.done @!p2 $0x0  }
0x61: {  	[sflag:s0] =	ssyncadd.s32 @!p2 $0xFFFFF000;
	s0 =	simm.s32 @!p4 $0x80;
	p2 =	por p1, p0  }
0x62: {  	[tilespmem:s1], [sflag:$0x3] =	stream.indirect.gather @!p4 [spmem:s3], $0x20, s30, s0, $0xb8;
	[tilespmem:$0x12D00] =	vst v63  }
0x63: {  	s0 =	simm.s32 @!p2 $0x2;
	p3 =	sgt.u32 @!p2 s31, $0x4C  }
0x64: {  	_ =	swait.ge @!p2 [sflag:s0], $0x1000;
	p4 =	por @!p0 p3, p1  }
0x65: {  	s1 =	simm.s32 @!p2 $0x5F00;
	[sflag:s0] =	ssyncset.done @!p2 $0x0;
	p4 =	por p4, p0  }
0x66: {  	[sflag:s0] =	ssyncadd.s32 @!p2 $0xFFFFF000;
	s0 =	simm.s32 @!p2 $0x80;
	p5 =	slt.u32 @!p4 s31, $0x2  }
0x67: {  	[spmem:s2] =	stream.indirect.scatter.add.f32 @!p2 [tilespmem:s1], [sflag:$0x6], $0x20, s29, s0, $0xb8;
	[tilespmem:$0x12D00] =	vst v63  }
0x68: {  	p2 =	por @!p2 p5, p3  }
0x69: {  	p1 =	por @!p0 p2, p1  }
0x6a: {  	p0 =	por p1, p0  }
0x6b: {  	s0 =	simm.s32 @!p0 $0x8  }
0x6c: {  	_ =	swait.ge @!p0 [sflag:s0], $0x1000  }
0x6d: {  	s31 =	sadd.s32 $0x1, s31;
	[sflag:s0] =	ssyncset.done @!p0 $0x0  }
0x6e: {  	[sflag:s0] =	ssyncadd.s32 @!p0 $0xFFFFF000;
	p0 =	sne.s32 s31, $0x4F  }
.Ltmp0:
0x6f: {  	_ = 	snop;
	(pc) =	sbr.rel @p0 .LBB2_2-.Ltmp0, $4  }
0x70: {  	_ = 	snop  }
0x71: {  	s1 =	simm.s32 @!p4 $0x7F00;
	s0 =	simm.s32 @!p4 $0x80  }
0x72: {  	[tilespmem:s1], [sflag:$0x4] =	stream.indirect.gather @!p4 [spmem:s3], $0x20, s30, s0, $0xb8;
	[tilespmem:$0x12D00] =	vst v63  }
0x73: {  	s29 =	sadd.s32 $0x80, s29;
	s30 =	sadd.s32 $0x80, s30  }
0x74: {  	_ =	swait.ge [sflag:s24], $0x1000  }
0x75: {  	[sflag:s24] =	ssyncset.done $0x0  }
0x76: {  	[sflag:s24] =	ssyncadd.s32 $0xFFFFF000  }
0x77: {  	_ =	swait.ge [sflag:s19], $0x1000  }
0x78: {  	[sflag:s19] =	ssyncset.done $0x0  }
0x79: {  	[sflag:s19] =	ssyncadd.s32 $0xFFFFF000  }
0x7a: {  	_ =	swait.ge [sflag:s20], $0x1000  }
0x7b: {  	[sflag:s20] =	ssyncset.done $0x0  }
0x7c: {  	[sflag:s20] =	ssyncadd.s32 $0xFFFFF000  }
0x7d: {  	_ =	swait.ge [sflag:s25], $0x1000  }
0x7e: {  	s28 =	sadd.s32 $0x1, s28;
	[sflag:s25] =	ssyncset.done $0x0  }
0x7f: {  	p0 =	sne.s32 s28, s12;
	[sflag:s25] =	ssyncadd.s32 $0xFFFFF000  }
.Ltmp1:
0x80: {  	s0 =	sor.u32 $0x1C09, s7;
	[bflag:$0x0] =	sbarrier.arrive $0xFFFF;
	(pc) =	sbr.rel @p0 .LBB2_1-.Ltmp1, $4  }
0x81: {  	[hbm:s11@s18], [sflag:s0] =	dma.strided [spmem:s13@s17], $0x9E0, s16, $0x4   }
0x82: {  	_ =	swait.ge [sflag:s26], $0x9E0  }
0x83: {  	[sflag:s26] =	ssyncset.done $0x0  }
0x84: {  	[sflag:s26] =	ssyncadd.s32 $0xFFFFF620  }
0x85: {  	_ =	sfence.sel $0x180000  }
0x86: {  	[bflag:$0x0] =	sbarrier.arrive $0xFFFF  }
0x87: {  	_ =	strace $0x9000004A  }
0x88: {  	s0 =	stileid.u32;
	[bflag:$0x2] =	sbarrier.arrive $0xFFFF  }
0x89: {  	p0 =	sne.s32 s0, $0x0;
	s0 =	rddreg [dreg:$0x3]  }
0x8a: {  	s0 =	sadd.s32 @!p0 $0x100000, s0  }
0x8b: {  	[sflag:s0] =	ssyncadd.tile.s32 @!p0 $0x1;
	_ =	shalt  }
.Lfunc_end2:
_tile_overlayer_lowered:
.L_overlay_start_2:
0x8c: {  	(tag) =	ssettag $0x2  }
0x8d: {  	s0 =	rddreg [dreg:$0x0];
	s2 =	stileid.u32  }
0x8e: {  	s1 =	rddreg [dreg:$0x1];
	p0 =	sne.s32 s2, $0x0  }
0x8f: {  	s3 =	rddreg [dreg:$0x2];
	[bflag:$0x3] =	sbarrier.arrive $0xFFFF;
	s2 =	simm.s32 @!p0 $0x1C09  }
0x90: {  	[timem:s3], [sflag:s2] =	dma.local @!p0 [hbm:s0], s1  }
0x91: {  	s0 =	simm.s32 @!p0 $0x9  }
0x92: {  	_ =	swait.ge @!p0 [sflag:s0], s1  }
0x93: {  	s1 =	ssub.s32 @!p0 $0x0, s1;
	[sflag:s0] =	ssyncset.done @!p0 $0x0  }
0x94: {  	[sflag:s0] =	ssyncadd.s32 @!p0 s1  }
0x95: {  	[bflag:$0x3] =	sbarrier.arrive $0xFFFF  }
0x96: {  	_ =	shalt  }

// kernel: kernel.17.cloned.1.call-start
scs
__scs_entry_jumppad:
0x0: {  	(pc) =	sbr.rel $0x88, $3  }
0x1: {  	(tag) =	ssettag $0x0;
	lr =	simm.s32 $0x1  }
0x2: {  	[smem:$0x3F93] =	sst lr;
	_ =	strace $0xD0000000  }
0x3: {  	_ = 	snop  }
0x4: {  	_ = 	snop  }
0x5: {  	_ = 	snop  }
0x6: {  	_ = 	snop  }
0x7: {  	_ = 	snop  }
__scs_overlays_trampoline_lowered:
0x8: {  	[smem:$0x3FA2] =	sst s0  }
0x9: {  	[smem:$0x3FA3] =	sst s1  }
0xa: {  	[smem:$0x3FA4] =	sst s2  }
0xb: {  	[smem:$0x3FA5] =	sst s3  }
0xc: {  	[smem:$0x3FA6] =	sst s4  }
0xd: {  	[smem:$0x3FA7] =	sst s5  }
0xe: {  	[smem:$0x3FA8] =	sst s6  }
0xf: {  	[smem:$0x3FA9] =	sst s7  }
0x10: {  	[smem:$0x3FAA] =	sst s8  }
0x11: {  	[smem:$0x3FAB] =	sst s9;
	s0 =	simm.s32 @!p0 $0x0  }
0x12: {  	s1 =	sld [smem:$0x3F91];
	s0 =	simm.s32 @p0 $0x1  }
0x13: {  	[smem:$0x3FAC] =	sst s0;
	s0 =	simm.s32 @!p1 $0x0  }
0x14: {  	s2 =	sld [smem:$0x3F90];
	s0 =	simm.s32 @p1 $0x1  }
0x15: {  	[smem:$0x3FAD] =	sst s0;
	s0 =	simm.s32 @!p2 $0x0  }
0x16: {  	s3 =	sld [smem:$0x3FDB];
	s0 =	simm.s32 @p2 $0x1  }
0x17: {  	s4 =	simm.s32 $0x1BF5;
	[smem:$0x3FAF] =	sst s0  }
0x18: {  	s0 =	sld [smem:$0x3F92];
	_ =	swait.ge [sflag:s4], $0x0  }
0x19: {  	s7 =	sld [smem:$0x3F93]  }
0x1a: {  	s8 =	sadd.s32 $0xFFFFE003, lr  }
0x1b: {  	s9 =	sadd.s32 $0xFFFFFEF7, lr;
	s5 =	simm.s32 $0xFFFFFFFF;
	p2 =	slt.u32 s8, $0xFFFFF086  }
0x1c: {  	p1 =	slt.u32 s9, $0xF7A;
	s5 =	simm.s32 @!p2 $0x0  }
0x1d: {  	s5 =	simm.s32 @p1 $0x1;
	p0 =	seq.s32 s7, s2  }
0x1e: {  	s7 =	smul.u32 @!p0 $0xF7A, s2;
	p2 =	seq.s32 @!p0 s5, $0x0  }
0x1f: {  	s9 =	smul.u32 $0xF7A, s1;
	s8 =	simm.s32 @!p0 $0x1BF5;
	p2 =	por !p2, p0  }
0x20: {  	[sflag:s8] =	ssyncset.s32 @!p0 $0xFFFFF086;
	s6 =	sadd.s32 @!p0 s3, s7;
	s7 =	simm.s32 @!p0 $0x108  }
0x21: {  	s3 =	sadd.s32 s3, s9;
	s6 =	sadd.s32 @!p0 $0x88, s6;
	s7 =	simm.s32 @p2 $0x1082  }
0x22: {  	[simem:s7], [sflag:s8] =	dma.local @!p0 [hbm:s6], $0xF7A  }
0x23: {  	s9 =	sor.u32 $0xD0000000, s2;
	s6 =	simm.s32 $0x108;
	_ =	swait.ge @!p0 [sflag:s8], $0x0  }
0x24: {  	s3 =	sadd.s32 $0x88, s3;
	s6 =	simm.s32 @!p1 $0x1082;
	[sflag:s4] =	ssyncset.s32 $0xFFFFF086  }
0x25: {  	[simem:s6], [sflag:s4] =	dma.local [hbm:s3], $0xF7A  }
0x26: {  	[smem:$0x3F93] =	sst s1;
	(tag) =	ssettag s2;
	_ =	strace s9  }
0x27: {  	s1 =	sld [smem:$0x3FA3]  }
0x28: {  	s2 =	sld [smem:$0x3FA4]  }
0x29: {  	s4 =	sld [smem:$0x3FA6]  }
0x2a: {  	p0 =	seq.s32 s5, $0x0;
	s5 =	sld [smem:$0x3FA7]  }
0x2b: {  	s6 =	sld [smem:$0x3FA8]  }
0x2c: {  	s7 =	sld [smem:$0x3FA9]  }
0x2d: {  	s3 =	simm.s32 $0x108;
	s8 =	sld [smem:$0x3FAA]  }
0x2e: {  	s3 =	simm.s32 @!p0 $0x1082;
	s9 =	sld [smem:$0x3FAB]  }
0x2f: {  	lr =	sadd.s32 s0, s3;
	s0 =	sld [smem:$0x3FA2]  }
0x30: {  	s3 =	sld [smem:$0x3FA5]  }
0x31: {  	[smem:$0x3FAE] =	sst s10  }
0x32: {  	s10 =	sld [smem:$0x3FAC];
	_ =	sdelay $0x3  }
0x33: {  	p0 =	seq.s32 s10, $0x1;
	s10 =	sld [smem:$0x3FAE];
	_ =	sdelay $0x3  }
0x34: {  	[smem:$0x3FAE] =	sst s10  }
0x35: {  	s10 =	sld [smem:$0x3FAD];
	_ =	sdelay $0x3  }
0x36: {  	p1 =	seq.s32 s10, $0x1;
	s10 =	sld [smem:$0x3FAE];
	_ =	sdelay $0x3  }
0x37: {  	[smem:$0x3FAE] =	sst s10  }
0x38: {  	s10 =	sld [smem:$0x3FAF]  }
0x39: {  	_ = 	snop;
	(pc) =	sbr.ind lr, $3  }
0x3a: {  	_ = 	snop  }
0x3b: {  	_ = 	snop  }
0x3c: {  	p2 =	seq.s32 s10, $0x1;
	s10 =	sld [smem:$0x3FAE]  }
0x3d: {  	_ =	shalt  }
0x3e: {  	_ =	shalt  }
0x3f: {  	_ =	shalt  }
0x40: {  	_ =	shalt  }
0x41: {  	_ =	shalt  }
0x42: {  	_ =	shalt  }
0x43: {  	_ =	shalt  }
0x44: {  	_ =	shalt  }
0x45: {  	_ =	shalt  }
0x46: {  	_ =	shalt  }
0x47: {  	_ =	shalt  }
0x48: {  	_ =	shalt  }
0x49: {  	_ =	shalt  }
0x4a: {  	_ =	shalt  }
0x4b: {  	_ =	shalt  }
0x4c: {  	_ =	shalt  }
0x4d: {  	_ =	shalt  }
0x4e: {  	_ =	shalt  }
0x4f: {  	_ =	shalt  }
0x50: {  	_ =	shalt  }
0x51: {  	_ =	shalt  }
0x52: {  	_ =	shalt  }
0x53: {  	_ =	shalt  }
0x54: {  	_ =	shalt  }
0x55: {  	_ =	shalt  }
0x56: {  	_ =	shalt  }
0x57: {  	_ =	shalt  }
0x58: {  	_ =	shalt  }
0x59: {  	_ =	shalt  }
0x5a: {  	_ =	shalt  }
0x5b: {  	_ =	shalt  }
0x5c: {  	_ =	shalt  }
0x5d: {  	_ =	shalt  }
0x5e: {  	_ =	shalt  }
0x5f: {  	_ =	shalt  }
0x60: {  	_ =	shalt  }
0x61: {  	_ =	shalt  }
0x62: {  	_ =	shalt  }
0x63: {  	_ =	shalt  }
0x64: {  	_ =	shalt  }
0x65: {  	_ =	shalt  }
0x66: {  	_ =	shalt  }
0x67: {  	_ =	shalt  }
0x68: {  	_ =	shalt  }
0x69: {  	_ =	shalt  }
0x6a: {  	_ =	shalt  }
0x6b: {  	_ =	shalt  }
0x6c: {  	_ =	shalt  }
0x6d: {  	_ =	shalt  }
0x6e: {  	_ =	shalt  }
0x6f: {  	_ =	shalt  }
0x70: {  	_ =	shalt  }
0x71: {  	_ =	shalt  }
0x72: {  	_ =	shalt  }
0x73: {  	_ =	shalt  }
0x74: {  	_ =	shalt  }
0x75: {  	_ =	shalt  }
0x76: {  	_ =	shalt  }
0x77: {  	_ =	shalt  }
0x78: {  	_ =	shalt  }
0x79: {  	_ =	shalt  }
0x7a: {  	_ =	shalt  }
0x7b: {  	_ =	shalt  }
0x7c: {  	_ =	shalt  }
0x7d: {  	_ =	shalt  }
0x7e: {  	_ =	shalt  }
0x7f: {  	_ =	shalt  }
0x80: {  	_ =	shalt  }
0x81: {  	_ =	shalt  }
0x82: {  	_ =	shalt  }
0x83: {  	_ =	shalt  }
0x84: {  	_ =	shalt  }
0x85: {  	_ =	shalt  }
0x86: {  	_ =	shalt  }
0x87: {  	_ =	shalt  }
.Lfunc_end0:
.L_simem_size_0:
called_computation.2_lowered:
.L_overlay_start_0:
0x88: {  	s2 =	sld [smem:$0x3FD9]  }
0x89: {  	s3 =	sld [smem:$0x3FFE];
	_ =	sdelay $0x1  }
0x8a: {  	s1 =	srdreg.scid  }
0x8b: {  	s0 =	sand.u32 $0x1, s1  }
0x8c: {  	s16 =	sshll.u32 s0, $0xA;
	s2 =	sadd.s32 s3, s2  }
0x8d: {  	s2 =	sadd.s32 s2, s16  }
0x8e: {  	[smem:$0x3FBA] =	sst s2  }
0x8f: {  	_ = 	snop  }
0x90: {  	(tm) =	ssettm $0x1  }
0x91: {  	s17 =	sld [smem:$0x3FFB];
	_ =	sdelay $0x3  }
0x92: {  	_ =	strace s17  }
0x93: {  	s2 =	sld [smem:$0x3FFC];
	_ =	sdelay $0x3  }
0x94: {  	_ =	strace s2  }
0x95: {  	s2 =	sld [smem:$0x3FFD];
	_ =	sdelay $0x3  }
0x96: {  	_ =	strace s2  }
0x97: {  	_ =	strace $0x8FFFFFFF  }
0x98: {  	s18 =	sld [smem:$0x3FDB];
	_ =	sdelay $0x1  }
0x99: {  	s19 =	simm.s32 $_scs_section_size  }
0x9a: {  	s4 =	simm.s32 $_size__tile_overlayer_lowered;
	s5 =	simm.s32 $_tile_overlayer_lowered  }
0x9b: {  	s22 =	simm.s32 $0x1BFF;
	s21 =	sshll.u32 s5, $0x1;
	s2 =	sadd.s32 s19, s18  }
0x9c: {  	s6 =	simm.s32 $0x0;
	s20 =	sshll.u32 s4, $0x1;
	s4 =	sadd.s32 s21, s2  }
0x9d: {  	[timem:s6], [sflag:s22] =	dma.local [hbm:s4], s20  }
0x9e: {  	_ =	swait.ge [sflag:s22], s20  }
0x9f: {  	s3 =	ssub.s32 $0x0, s20;
	[sflag:s22] =	ssyncset.done $0x0  }
0xa0: {  	[sflag:s22] =	ssyncadd.s32 s3;
	_ =	sdelay $0x1  }
0xa1: {  	s23 =	simm.s32 $0x1B8B  }
0xa2: {  	_ =	swait.ge [sflag:s23], $0x1  }
0xa3: {  	[sflag:s23] =	ssyncset.done $0x0  }
0xa4: {  	s25 =	simm.s32 $0x1B8E;
	s24 =	sld [smem:$0x3FFE];
	[sflag:s23] =	ssyncadd.s32 $0xFFFFFFFF  }
0xa5: {  	s26 =	simm.s32 $execute0_lowered;
	[smem:$0x3FD2] =	sst s25  }
0xa6: {  	s4 =	sshll.u32 s26, $0x1;
	_ =	strace $0x8000004C;
	[dreg:$0x1] =	wrdreg $0xFFFFFFFF  }
0xa7: {  	s28 =	simm.s32 $_size_execute0_lowered;
	s2 =	sadd.s32 s2, s4;
	[dreg:$0x0] =	wrdreg $0x0  }
0xa8: {  	s4 =	sshll.u32 s28, $0x1;
	[dreg:$0x2] =	wrdreg s2  }
0xa9: {  	[dreg:$0x3] =	wrdreg s4  }
0xaa: {  	[dreg:$0x4] =	wrdreg $0xC0  }
0xab: {  	_ =	task [dreg:s6], $0x5FFFF  }
0xac: {  	[dreg:$0x1] =	wrdreg $0xFFFFFFFF  }
0xad: {  	[dreg:$0x0] =	wrdreg $0x60  }
0xae: {  	[dreg:$0x2] =	wrdreg s24  }
0xaf: {  	[dreg:$0x3] =	wrdreg $0xDE000  }
0xb0: {  	[dreg:$0x4] =	wrdreg $0x8F000  }
0xb1: {  	[dreg:$0x5] =	wrdreg $0x9  }
0xb2: {  	_ =	task.clear_ibuf [dreg:s6], $0x6FFFF;
	_ =	strace $0x9000004C  }
0xb3: {  	s29 =	simm.s32 $0x9;
	_ =	strace $0x8000004E  }
0xb4: {  	_ =	swait.ge [sflag:s29], $0x1  }
0xb5: {  	[sflag:s29] =	ssyncadd.s32 $0xFFFFFFFF  }
0xb6: {  	_ =	strace $0x9000004E  }
0xb7: {  	_ =	sfence  }
0xb8: {  	s30 =	sld [smem:$0x0];
	_ =	sdelay $0x2  }
0xb9: {  	s31 =	sshll.u32 s1, $0xD;
	s1 =	sshrl.u32 s1, $0x2  }
0xba: {  	s3 =	sand.u32 $0x4000, s31;
	s1 =	sadd.s32 s1, s30  }
0xbb: {  	s0 =	sor.u32 s3, s0;
	s1 =	sshll.u32 s1, $0x11  }
0xbc: {  	s0 =	sor.u32 s1, s0  }
0xbd: {  	s0 =	sadd.s32 $0x8F2B, s0  }
0xbe: {  	[sflag:s0] =	ssyncadd.remote.s32 $0x1  }
0xbf: {  	_ =	sfence.sel $0xFFFF  }
0xc0: {  	[dreg:$0x0] =	wrdreg $0xFFFFFFFF;
	(pc) =	sbr.abs _section_cstart, $3  }
0xc1: {  	[dreg:$0x1] =	wrdreg $0xFFFFFFFF  }
0xc2: {  	_ =	task.clear_ibuf [dreg:s6], $0x2FFFF;
	_ =	strace $0x9FFFFFFF  }
0xc3: {  	(tm) =	ssettm $0x7FFFFFFF  }
tec
execute0_lowered:
.L_overlay_start_1:
0x0: {  	(tag) =	ssettag $0x1  }
0x1: {  	s5 =	rddreg [dreg:$0x0]  }
0x2: {  	s2 =	rddreg [dreg:$0x1]  }
0x3: {  	s3 =	rddreg [dreg:$0x2]  }
0x4: {  	s0 =	stileid.u32;
	s4 =	srdreg.scid;
	s16 =	simm.s32 $0x1  }
0x5: {  	s17 =	simm.s32 $0x4;
	s18 =	simm.s32 $0x10;
	s19 =	simm.s32 $0x5  }
0x6: {  	s20 =	simm.s32 $0x6;
	s21 =	simm.s32 $0x80;
	s23 =	simm.s32 $0x5F00  }
0x7: {  	s24 =	simm.s32 $0x8;
	s25 =	simm.s32 $0x7;
	s26 =	simm.s32 $0x9  }
0x8: {  	s28 =	simm.s32 $0x0;
	s6 =	sand.u32 $0x1, s4;
	s8 =	smul.u32 $0x13C00, s0  }
0x9: {  	s7 =	sshll.u32 s0, $0x1;
	s4 =	simm.s32 $0x0;
	s10 =	smul.u32 $0x4F00, s0  }
0xa: {  	s7 =	sor.u32 s6, s7;
	[smem:$0x7FF] =	sst s4;
	s29 =	sshll.u32 s6, $0x5  }
0xb: {  	s6 =	ssub.s32 $0x2, s6;
	s7 =	smul.u32 $0x2710, s7;
	_ =	strace $0x8000004D  }
0xc: {  	s9 =	sshrl.u32 s8, $0x3;
	s12 =	sshrl.u32 s10, $0x3;
	s8 =	sor.u32 s29, s8  }
0xd: {  	s31 =	sshrl.u32 s6, $0x1;
	s14 =	sadd.s32 s10, s2;
	s15 =	sadd.s32 s10, s3  }
0xe: {  	s11 =	sadd.s32 s9, s5;
	s30 =	sadd.s32 s12, s5;
	s8 =	sshrl.u32 s8, $0x3  }
0xf: {  	s12 =	ssub.s32 s6, s31;
	s15 =	sshrl.u32 s15, $0x3;
	s7 =	sshrl.u32 s7, $0x3  }
0x10: {  	v6 =	vlaneseq.u32;
	s13 =	sadd.s32 s8, s5;
	s8 =	sadd.s32 $0x8F600, s30;
	s10 =	sadd.s32 $0x18E00, s11  }
0x11: {  	v0 =	vor.u32 $0x2710, v6;
	s12 =	smax.u32 s12, $0x1;
	s7 =	sadd.s32 s7, s5;
	s11 =	sadd.s32 $0x99400, s13  }
0x12: {  	v1 =	vor.u32 $0x2720, v6;
	v2 =	vor.u32 $0x2730, v6;
	v3 =	vor.u32 $0x2740, v6;
	s5 =	sadd.s32 $0x5400, s7;
	s6 =	sadd.s32 $0xF040, s7;
	s7 =	sshll.u32 s0, $0x6  }
0x13: {  	v4 =	vor.u32 $0x2750, v6;
	v5 =	vor.u32 $0x2760, v6;
	v6 =	vor.u32 $0x2770, v6;
	s13 =	sshrl.u32 s14, $0x3;
	s9 =	sor.u32 $0x1C05, s7;
	s14 =	sor.u32 $0x1C06, s7  }
.LBB2_1:
0x14: {  	[tilespmem:s4], [sflag:$0x1] =	stream.linear.gather [hbm4b:s5+s4], $0x2710, $0x38;
	[tilespmem:$0x12D00] =	vst v63  }
0x15: {  	s29 =	simm.s32 $0x2780  }
0x16: {  	[tilespmem:s29], [sflag:$0x1] =	stream.linear.gather [hbm4b:s6+s4], $0x2710, $0x38;
	[tilespmem:$0x12D00] =	vst v63  }
0x17: {  	[spmem:s13], [sflag:s9] =	dma.local [hbm:s8], $0x9E0  }
0x18: {  	[spmem:s15@s17], [sflag:s14] =	dma.strided [hbm:s10@s18], $0x9E0, s16, $0x4   }
0x19: {  	_ =	swait.ge [sflag:s16], $0x2710  }
0x1a: {  	[sflag:s16] =	ssyncset.done $0x0  }
0x1b: {  	[sflag:s16] =	ssyncadd.s32 $0xFFFFD8F0  }
0x1c: {  	_ =	swait.ge [sflag:s16], $0x2710  }
0x1d: {  	[sflag:s16] =	ssyncset.done $0x0  }
0x1e: {  	[sflag:s16] =	ssyncadd.s32 $0xFFFFD8F0  }
0x1f: {  	[tilespmem:$0x2710] =	vst v0  }
0x20: {  	[tilespmem:$0x4E90] =	vst v0  }
0x21: {  	[tilespmem:$0x2720] =	vst v1  }
0x22: {  	[tilespmem:$0x4EA0] =	vst v1  }
0x23: {  	[tilespmem:$0x2730] =	vst v2  }
0x24: {  	[tilespmem:$0x4EB0] =	vst v2  }
0x25: {  	[tilespmem:$0x2740] =	vst v3  }
0x26: {  	[tilespmem:$0x4EC0] =	vst v3  }
0x27: {  	[tilespmem:$0x2750] =	vst v4  }
0x28: {  	[tilespmem:$0x4ED0] =	vst v4  }
0x29: {  	[tilespmem:$0x2760] =	vst v5  }
0x2a: {  	[tilespmem:$0x4EE0] =	vst v5  }
0x2b: {  	[tilespmem:$0x2770] =	vst v6  }
0x2c: {  	[tilespmem:$0x4EF0] =	vst v6  }
0x2d: {  	_ =	swait.ge [sflag:s19], $0x9E0  }
0x2e: {  	[sflag:s19] =	ssyncset.done $0x0  }
0x2f: {  	[sflag:s19] =	ssyncadd.s32 $0xFFFFF620  }
0x30: {  	_ =	swait.ge [sflag:s20], $0x9E0  }
0x31: {  	[sflag:s20] =	ssyncset.done $0x0  }
0x32: {  	[sflag:s20] =	ssyncadd.s32 $0xFFFFF620  }
0x33: {  	s0 =	simm.s32 $0x4F00;
	[bflag:$0x0] =	sbarrier.arrive $0xFFFF  }
0x34: {  	[tilespmem:s0], [sflag:$0x1] =	stream.indirect.gather [spmem:s3], $0x20, s4, s21, $0xb8;
	[tilespmem:$0x12D00] =	vst v63  }
0x35: {  	s30 =	simm.s32 $0x100;
	s31 =	simm.s32 $0x0  }
0x36: {  	[tilespmem:s23], [sflag:$0x2] =	stream.indirect.gather [spmem:s3], $0x20, s21, s21, $0xb8;
	[tilespmem:$0x12D00] =	vst v63  }
.LBB2_2:
0x37: {  	s0 =	sand.u32 $0x3, s31  }
0x38: {  	p0 =	sgt.s32 s0, $0x1  }
0x39: {  	p1 =	seq.s32 @p0 s0, $0x2  }
0x3a: {  	p2 =	por !p1, !p0  }
0x3b: {  	s1 =	simm.s32 @!p2 $0x3;
	p3 =	sgt.u32 @!p2 s31, $0x4C  }
0x3c: {  	_ =	swait.ge @!p2 [sflag:s1], $0x1000;
	p4 =	por @p0 p3, !p1  }
0x3d: {  	s22 =	simm.s32 @!p2 $0x6F00;
	[sflag:s1] =	ssyncset.done @!p2 $0x0;
	p4 =	por p4, !p0  }
0x3e: {  	[sflag:s1] =	ssyncadd.s32 @!p2 $0xFFFFF000;
	s1 =	simm.s32 @!p2 $0x80;
	p5 =	slt.u32 @!p4 s31, $0x2  }
0x3f: {  	[spmem:s2] =	stream.indirect.scatter.add.f32 @!p2 [tilespmem:s22], [sflag:$0x7], $0x20, s29, s1, $0xb8;
	[tilespmem:$0x12D00] =	vst v63  }
0x40: {  	p2 =	por @!p2 p5, p3  }
0x41: {  	p2 =	por @p0 p2, !p1  }
0x42: {  	p2 =	por p2, !p0  }
0x43: {  	s1 =	simm.s32 @!p2 $0x5  }
0x44: {  	_ =	swait.ge @!p2 [sflag:s1], $0x1000  }
0x45: {  	s22 =	simm.s32 @!p4 $0x4F00;
	[sflag:s1] =	ssyncset.done @!p2 $0x0  }
0x46: {  	[sflag:s1] =	ssyncadd.s32 @!p2 $0xFFFFF000;
	s1 =	simm.s32 @!p4 $0x80;
	p2 =	por p1, !p0  }
0x47: {  	[tilespmem:s22], [sflag:$0x1] =	stream.indirect.gather @!p4 [spmem:s3], $0x20, s30, s1, $0xb8;
	[tilespmem:$0x12D00] =	vst v63  }
0x48: {  	s1 =	simm.s32 @!p2 $0x4;
	p3 =	sgt.u32 @!p2 s31, $0x4C  }
0x49: {  	_ =	swait.ge @!p2 [sflag:s1], $0x1000;
	p4 =	por @p0 p3, p1  }
0x4a: {  	s22 =	simm.s32 @!p2 $0x7F00;
	[sflag:s1] =	ssyncset.done @!p2 $0x0;
	p4 =	por p4, !p0  }
0x4b: {  	[sflag:s1] =	ssyncadd.s32 @!p2 $0xFFFFF000;
	s1 =	simm.s32 @!p2 $0x80;
	p5 =	slt.u32 @!p4 s31, $0x2  }
0x4c: {  	[spmem:s2] =	stream.indirect.scatter.add.f32 @!p2 [tilespmem:s22], [sflag:$0x8], $0x20, s29, s1, $0xb8;
	[tilespmem:$0x12D00] =	vst v63  }
0x4d: {  	p2 =	por @!p2 p5, p3  }
0x4e: {  	p1 =	por @p0 p2, p1  }
0x4f: {  	p1 =	por p1, !p0  }
0x50: {  	s1 =	simm.s32 @!p1 $0x6  }
0x51: {  	_ =	swait.ge @!p1 [sflag:s1], $0x1000  }
0x52: {  	s22 =	simm.s32 @!p4 $0x5F00;
	[sflag:s1] =	ssyncset.done @!p1 $0x0  }
0x53: {  	[sflag:s1] =	ssyncadd.s32 @!p1 $0xFFFFF000;
	s1 =	simm.s32 @!p4 $0x80;
	p1 =	seq.s32 @!p0 s0, $0x0  }
0x54: {  	[tilespmem:s22], [sflag:$0x2] =	stream.indirect.gather @!p4 [spmem:s3], $0x20, s30, s1, $0xb8;
	[tilespmem:$0x12D00] =	vst v63  }
0x55: {  	p2 =	por !p1, p0  }
0x56: {  	s0 =	simm.s32 @!p2 $0x1;
	p3 =	sgt.u32 @!p2 s31, $0x4C  }
0x57: {  	_ =	swait.ge @!p2 [sflag:s0], $0x1000;
	p4 =	por @!p0 p3, !p1  }
0x58: {  	s1 =	simm.s32 @!p2 $0x4F00;
	[sflag:s0] =	ssyncset.done @!p2 $0x0;
	p4 =	por p4, p0  }
0x59: {  	[sflag:s0] =	ssyncadd.s32 @!p2 $0xFFFFF000;
	s0 =	simm.s32 @!p2 $0x80;
	p5 =	slt.u32 @!p4 s31, $0x2  }
0x5a: {  	[spmem:s2] =	stream.indirect.scatter.add.f32 @!p2 [tilespmem:s1], [sflag:$0x5], $0x20, s29, s0, $0xb8;
	[tilespmem:$0x12D00] =	vst v63  }
0x5b: {  	p2 =	por @!p2 p5, p3  }
0x5c: {  	p2 =	por @!p0 p2, !p1  }
0x5d: {  	p2 =	por p2, p0  }
0x5e: {  	s0 =	simm.s32 @!p2 $0x7  }
0x5f: {  	_ =	swait.ge @!p2 [sflag:s0], $0x1000  }
0x60: {  	s1 =	simm.s32 @!p4 $0x6F00;
	[sflag:s0] =	ssyncset.done @!p2 $0x0  }
0x61: {  	[sflag:s0] =	ssyncadd.s32 @!p2 $0xFFFFF000;
	s0 =	simm.s32 @!p4 $0x80;
	p2 =	por p1, p0  }
0x62: {  	[tilespmem:s1], [sflag:$0x3] =	stream.indirect.gather @!p4 [spmem:s3], $0x20, s30, s0, $0xb8;
	[tilespmem:$0x12D00] =	vst v63  }
0x63: {  	s0 =	simm.s32 @!p2 $0x2;
	p3 =	sgt.u32 @!p2 s31, $0x4C  }
0x64: {  	_ =	swait.ge @!p2 [sflag:s0], $0x1000;
	p4 =	por @!p0 p3, p1  }
0x65: {  	s1 =	simm.s32 @!p2 $0x5F00;
	[sflag:s0] =	ssyncset.done @!p2 $0x0;
	p4 =	por p4, p0  }
0x66: {  	[sflag:s0] =	ssyncadd.s32 @!p2 $0xFFFFF000;
	s0 =	simm.s32 @!p2 $0x80;
	p5 =	slt.u32 @!p4 s31, $0x2  }
0x67: {  	[spmem:s2] =	stream.indirect.scatter.add.f32 @!p2 [tilespmem:s1], [sflag:$0x6], $0x20, s29, s0, $0xb8;
	[tilespmem:$0x12D00] =	vst v63  }
0x68: {  	p2 =	por @!p2 p5, p3  }
0x69: {  	p1 =	por @!p0 p2, p1  }
0x6a: {  	p0 =	por p1, p0  }
0x6b: {  	s0 =	simm.s32 @!p0 $0x8  }
0x6c: {  	_ =	swait.ge @!p0 [sflag:s0], $0x1000  }
0x6d: {  	s31 =	sadd.s32 $0x1, s31;
	[sflag:s0] =	ssyncset.done @!p0 $0x0  }
0x6e: {  	[sflag:s0] =	ssyncadd.s32 @!p0 $0xFFFFF000;
	p0 =	sne.s32 s31, $0x4F  }
.Ltmp0:
0x6f: {  	_ = 	snop;
	(pc) =	sbr.rel @p0 .LBB2_2-.Ltmp0, $4  }
0x70: {  	_ = 	snop  }
0x71: {  	s1 =	simm.s32 @!p4 $0x7F00;
	s0 =	simm.s32 @!p4 $0x80  }
0x72: {  	[tilespmem:s1], [sflag:$0x4] =	stream.indirect.gather @!p4 [spmem:s3], $0x20, s30, s0, $0xb8;
	[tilespmem:$0x12D00] =	vst v63  }
0x73: {  	s29 =	sadd.s32 $0x80, s29;
	s30 =	sadd.s32 $0x80, s30  }
0x74: {  	_ =	swait.ge [sflag:s24], $0x1000  }
0x75: {  	[sflag:s24] =	ssyncset.done $0x0  }
0x76: {  	[sflag:s24] =	ssyncadd.s32 $0xFFFFF000  }
0x77: {  	_ =	swait.ge [sflag:s19], $0x1000  }
0x78: {  	[sflag:s19] =	ssyncset.done $0x0  }
0x79: {  	[sflag:s19] =	ssyncadd.s32 $0xFFFFF000  }
0x7a: {  	_ =	swait.ge [sflag:s20], $0x1000  }
0x7b: {  	[sflag:s20] =	ssyncset.done $0x0  }
0x7c: {  	[sflag:s20] =	ssyncadd.s32 $0xFFFFF000  }
0x7d: {  	_ =	swait.ge [sflag:s25], $0x1000  }
0x7e: {  	s28 =	sadd.s32 $0x1, s28;
	[sflag:s25] =	ssyncset.done $0x0  }
0x7f: {  	p0 =	sne.s32 s28, s12;
	[sflag:s25] =	ssyncadd.s32 $0xFFFFF000  }
.Ltmp1:
0x80: {  	s0 =	sor.u32 $0x1C09, s7;
	[bflag:$0x0] =	sbarrier.arrive $0xFFFF;
	(pc) =	sbr.rel @p0 .LBB2_1-.Ltmp1, $4  }
0x81: {  	[hbm:s11@s18], [sflag:s0] =	dma.strided [spmem:s13@s17], $0x9E0, s16, $0x4   }
0x82: {  	_ =	swait.ge [sflag:s26], $0x9E0  }
0x83: {  	[sflag:s26] =	ssyncset.done $0x0  }
0x84: {  	[sflag:s26] =	ssyncadd.s32 $0xFFFFF620  }
0x85: {  	_ =	sfence.sel $0x180000  }
0x86: {  	[bflag:$0x0] =	sbarrier.arrive $0xFFFF  }
0x87: {  	_ =	strace $0x9000004D  }
0x88: {  	s0 =	stileid.u32;
	[bflag:$0x2] =	sbarrier.arrive $0xFFFF  }
0x89: {  	p0 =	sne.s32 s0, $0x0;
	s0 =	rddreg [dreg:$0x3]  }
0x8a: {  	s0 =	sadd.s32 @!p0 $0x100000, s0  }
0x8b: {  	[sflag:s0] =	ssyncadd.tile.s32 @!p0 $0x1;
	_ =	shalt  }
.Lfunc_end2:
_tile_overlayer_lowered:
.L_overlay_start_2:
0x8c: {  	(tag) =	ssettag $0x2  }
0x8d: {  	s0 =	rddreg [dreg:$0x0];
	s2 =	stileid.u32  }
0x8e: {  	s1 =	rddreg [dreg:$0x1];
	p0 =	sne.s32 s2, $0x0  }
0x8f: {  	s3 =	rddreg [dreg:$0x2];
	[bflag:$0x3] =	sbarrier.arrive $0xFFFF;
	s2 =	simm.s32 @!p0 $0x1C09  }
0x90: {  	[timem:s3], [sflag:s2] =	dma.local @!p0 [hbm:s0], s1  }
0x91: {  	s0 =	simm.s32 @!p0 $0x9  }
0x92: {  	_ =	swait.ge @!p0 [sflag:s0], s1  }
0x93: {  	s1 =	ssub.s32 @!p0 $0x0, s1;
	[sflag:s0] =	ssyncset.done @!p0 $0x0  }
0x94: {  	[sflag:s0] =	ssyncadd.s32 @!p0 s1  }
0x95: {  	[bflag:$0x3] =	sbarrier.arrive $0xFFFF  }
0x96: {  	_ =	shalt  }

// kernel: kernel.20.cloned.1.call-start
scs
__scs_entry_jumppad:
0x0: {  	(pc) =	sbr.rel $0x88, $3  }
0x1: {  	(tag) =	ssettag $0x0;
	lr =	simm.s32 $0x1  }
0x2: {  	[smem:$0x3F93] =	sst lr;
	_ =	strace $0xD0000000  }
0x3: {  	_ = 	snop  }
0x4: {  	_ = 	snop  }
0x5: {  	_ = 	snop  }
0x6: {  	_ = 	snop  }
0x7: {  	_ = 	snop  }
__scs_overlays_trampoline_lowered:
0x8: {  	[smem:$0x3FA2] =	sst s0  }
0x9: {  	[smem:$0x3FA3] =	sst s1  }
0xa: {  	[smem:$0x3FA4] =	sst s2  }
0xb: {  	[smem:$0x3FA5] =	sst s3  }
0xc: {  	[smem:$0x3FA6] =	sst s4  }
0xd: {  	[smem:$0x3FA7] =	sst s5  }
0xe: {  	[smem:$0x3FA8] =	sst s6  }
0xf: {  	[smem:$0x3FA9] =	sst s7  }
0x10: {  	[smem:$0x3FAA] =	sst s8  }
0x11: {  	[smem:$0x3FAB] =	sst s9;
	s0 =	simm.s32 @!p0 $0x0  }
0x12: {  	s1 =	sld [smem:$0x3F91];
	s0 =	simm.s32 @p0 $0x1  }
0x13: {  	[smem:$0x3FAC] =	sst s0;
	s0 =	simm.s32 @!p1 $0x0  }
0x14: {  	s2 =	sld [smem:$0x3F90];
	s0 =	simm.s32 @p1 $0x1  }
0x15: {  	[smem:$0x3FAD] =	sst s0;
	s0 =	simm.s32 @!p2 $0x0  }
0x16: {  	s3 =	sld [smem:$0x3FDB];
	s0 =	simm.s32 @p2 $0x1  }
0x17: {  	s4 =	simm.s32 $0x1BF5;
	[smem:$0x3FAF] =	sst s0  }
0x18: {  	s0 =	sld [smem:$0x3F92];
	_ =	swait.ge [sflag:s4], $0x0  }
0x19: {  	s7 =	sld [smem:$0x3F93]  }
0x1a: {  	s8 =	sadd.s32 $0xFFFFE003, lr  }
0x1b: {  	s9 =	sadd.s32 $0xFFFFFEF7, lr;
	s5 =	simm.s32 $0xFFFFFFFF;
	p2 =	slt.u32 s8, $0xFFFFF086  }
0x1c: {  	p1 =	slt.u32 s9, $0xF7A;
	s5 =	simm.s32 @!p2 $0x0  }
0x1d: {  	s5 =	simm.s32 @p1 $0x1;
	p0 =	seq.s32 s7, s2  }
0x1e: {  	s7 =	smul.u32 @!p0 $0xF7A, s2;
	p2 =	seq.s32 @!p0 s5, $0x0  }
0x1f: {  	s9 =	smul.u32 $0xF7A, s1;
	s8 =	simm.s32 @!p0 $0x1BF5;
	p2 =	por !p2, p0  }
0x20: {  	[sflag:s8] =	ssyncset.s32 @!p0 $0xFFFFF086;
	s6 =	sadd.s32 @!p0 s3, s7;
	s7 =	simm.s32 @!p0 $0x108  }
0x21: {  	s3 =	sadd.s32 s3, s9;
	s6 =	sadd.s32 @!p0 $0x88, s6;
	s7 =	simm.s32 @p2 $0x1082  }
0x22: {  	[simem:s7], [sflag:s8] =	dma.local @!p0 [hbm:s6], $0xF7A  }
0x23: {  	s9 =	sor.u32 $0xD0000000, s2;
	s6 =	simm.s32 $0x108;
	_ =	swait.ge @!p0 [sflag:s8], $0x0  }
0x24: {  	s3 =	sadd.s32 $0x88, s3;
	s6 =	simm.s32 @!p1 $0x1082;
	[sflag:s4] =	ssyncset.s32 $0xFFFFF086  }
0x25: {  	[simem:s6], [sflag:s4] =	dma.local [hbm:s3], $0xF7A  }
0x26: {  	[smem:$0x3F93] =	sst s1;
	(tag) =	ssettag s2;
	_ =	strace s9  }
0x27: {  	s1 =	sld [smem:$0x3FA3]  }
0x28: {  	s2 =	sld [smem:$0x3FA4]  }
0x29: {  	s4 =	sld [smem:$0x3FA6]  }
0x2a: {  	p0 =	seq.s32 s5, $0x0;
	s5 =	sld [smem:$0x3FA7]  }
0x2b: {  	s6 =	sld [smem:$0x3FA8]  }
0x2c: {  	s7 =	sld [smem:$0x3FA9]  }
0x2d: {  	s3 =	simm.s32 $0x108;
	s8 =	sld [smem:$0x3FAA]  }
0x2e: {  	s3 =	simm.s32 @!p0 $0x1082;
	s9 =	sld [smem:$0x3FAB]  }
0x2f: {  	lr =	sadd.s32 s0, s3;
	s0 =	sld [smem:$0x3FA2]  }
0x30: {  	s3 =	sld [smem:$0x3FA5]  }
0x31: {  	[smem:$0x3FAE] =	sst s10  }
0x32: {  	s10 =	sld [smem:$0x3FAC];
	_ =	sdelay $0x3  }
0x33: {  	p0 =	seq.s32 s10, $0x1;
	s10 =	sld [smem:$0x3FAE];
	_ =	sdelay $0x3  }
0x34: {  	[smem:$0x3FAE] =	sst s10  }
0x35: {  	s10 =	sld [smem:$0x3FAD];
	_ =	sdelay $0x3  }
0x36: {  	p1 =	seq.s32 s10, $0x1;
	s10 =	sld [smem:$0x3FAE];
	_ =	sdelay $0x3  }
0x37: {  	[smem:$0x3FAE] =	sst s10  }
0x38: {  	s10 =	sld [smem:$0x3FAF]  }
0x39: {  	_ = 	snop;
	(pc) =	sbr.ind lr, $3  }
0x3a: {  	_ = 	snop  }
0x3b: {  	_ = 	snop  }
0x3c: {  	p2 =	seq.s32 s10, $0x1;
	s10 =	sld [smem:$0x3FAE]  }
0x3d: {  	_ =	shalt  }
0x3e: {  	_ =	shalt  }
0x3f: {  	_ =	shalt  }
0x40: {  	_ =	shalt  }
0x41: {  	_ =	shalt  }
0x42: {  	_ =	shalt  }
0x43: {  	_ =	shalt  }
0x44: {  	_ =	shalt  }
0x45: {  	_ =	shalt  }
0x46: {  	_ =	shalt  }
0x47: {  	_ =	shalt  }
0x48: {  	_ =	shalt  }
0x49: {  	_ =	shalt  }
0x4a: {  	_ =	shalt  }
0x4b: {  	_ =	shalt  }
0x4c: {  	_ =	shalt  }
0x4d: {  	_ =	shalt  }
0x4e: {  	_ =	shalt  }
0x4f: {  	_ =	shalt  }
0x50: {  	_ =	shalt  }
0x51: {  	_ =	shalt  }
0x52: {  	_ =	shalt  }
0x53: {  	_ =	shalt  }
0x54: {  	_ =	shalt  }
0x55: {  	_ =	shalt  }
0x56: {  	_ =	shalt  }
0x57: {  	_ =	shalt  }
0x58: {  	_ =	shalt  }
0x59: {  	_ =	shalt  }
0x5a: {  	_ =	shalt  }
0x5b: {  	_ =	shalt  }
0x5c: {  	_ =	shalt  }
0x5d: {  	_ =	shalt  }
0x5e: {  	_ =	shalt  }
0x5f: {  	_ =	shalt  }
0x60: {  	_ =	shalt  }
0x61: {  	_ =	shalt  }
0x62: {  	_ =	shalt  }
0x63: {  	_ =	shalt  }
0x64: {  	_ =	shalt  }
0x65: {  	_ =	shalt  }
0x66: {  	_ =	shalt  }
0x67: {  	_ =	shalt  }
0x68: {  	_ =	shalt  }
0x69: {  	_ =	shalt  }
0x6a: {  	_ =	shalt  }
0x6b: {  	_ =	shalt  }
0x6c: {  	_ =	shalt  }
0x6d: {  	_ =	shalt  }
0x6e: {  	_ =	shalt  }
0x6f: {  	_ =	shalt  }
0x70: {  	_ =	shalt  }
0x71: {  	_ =	shalt  }
0x72: {  	_ =	shalt  }
0x73: {  	_ =	shalt  }
0x74: {  	_ =	shalt  }
0x75: {  	_ =	shalt  }
0x76: {  	_ =	shalt  }
0x77: {  	_ =	shalt  }
0x78: {  	_ =	shalt  }
0x79: {  	_ =	shalt  }
0x7a: {  	_ =	shalt  }
0x7b: {  	_ =	shalt  }
0x7c: {  	_ =	shalt  }
0x7d: {  	_ =	shalt  }
0x7e: {  	_ =	shalt  }
0x7f: {  	_ =	shalt  }
0x80: {  	_ =	shalt  }
0x81: {  	_ =	shalt  }
0x82: {  	_ =	shalt  }
0x83: {  	_ =	shalt  }
0x84: {  	_ =	shalt  }
0x85: {  	_ =	shalt  }
0x86: {  	_ =	shalt  }
0x87: {  	_ =	shalt  }
.Lfunc_end0:
.L_simem_size_0:
called_computation.3_lowered:
.L_overlay_start_0:
0x88: {  	s2 =	sld [smem:$0x3FD9]  }
0x89: {  	s3 =	sld [smem:$0x3FFE];
	_ =	sdelay $0x1  }
0x8a: {  	s1 =	srdreg.scid  }
0x8b: {  	s0 =	sand.u32 $0x1, s1  }
0x8c: {  	s16 =	sshll.u32 s0, $0xA;
	s2 =	sadd.s32 s3, s2  }
0x8d: {  	s2 =	sadd.s32 s2, s16  }
0x8e: {  	[smem:$0x3FBA] =	sst s2  }
0x8f: {  	_ = 	snop  }
0x90: {  	(tm) =	ssettm $0x1  }
0x91: {  	s17 =	sld [smem:$0x3FFB];
	_ =	sdelay $0x3  }
0x92: {  	_ =	strace s17  }
0x93: {  	s2 =	sld [smem:$0x3FFC];
	_ =	sdelay $0x3  }
0x94: {  	_ =	strace s2  }
0x95: {  	s2 =	sld [smem:$0x3FFD];
	_ =	sdelay $0x3  }
0x96: {  	_ =	strace s2  }
0x97: {  	_ =	strace $0x8FFFFFFF  }
0x98: {  	s18 =	sld [smem:$0x3FDB];
	_ =	sdelay $0x1  }
0x99: {  	s19 =	simm.s32 $_scs_section_size  }
0x9a: {  	s4 =	simm.s32 $_size__tile_overlayer_lowered;
	s5 =	simm.s32 $_tile_overlayer_lowered  }
0x9b: {  	s22 =	simm.s32 $0x1BFF;
	s21 =	sshll.u32 s5, $0x1;
	s2 =	sadd.s32 s19, s18  }
0x9c: {  	s6 =	simm.s32 $0x0;
	s20 =	sshll.u32 s4, $0x1;
	s4 =	sadd.s32 s21, s2  }
0x9d: {  	[timem:s6], [sflag:s22] =	dma.local [hbm:s4], s20  }
0x9e: {  	_ =	swait.ge [sflag:s22], s20  }
0x9f: {  	s3 =	ssub.s32 $0x0, s20;
	[sflag:s22] =	ssyncset.done $0x0  }
0xa0: {  	[sflag:s22] =	ssyncadd.s32 s3;
	_ =	sdelay $0x1  }
0xa1: {  	s23 =	simm.s32 $0x1B8B  }
0xa2: {  	_ =	swait.ge [sflag:s23], $0x1  }
0xa3: {  	[sflag:s23] =	ssyncset.done $0x0  }
0xa4: {  	s25 =	simm.s32 $0x1B8E;
	s24 =	sld [smem:$0x3FFE];
	[sflag:s23] =	ssyncadd.s32 $0xFFFFFFFF  }
0xa5: {  	s26 =	simm.s32 $execute0_lowered;
	[smem:$0x3FD2] =	sst s25  }
0xa6: {  	s4 =	sshll.u32 s26, $0x1;
	_ =	strace $0x8000004F;
	[dreg:$0x1] =	wrdreg $0xFFFFFFFF  }
0xa7: {  	s28 =	simm.s32 $_size_execute0_lowered;
	s2 =	sadd.s32 s2, s4;
	[dreg:$0x0] =	wrdreg $0x0  }
0xa8: {  	s4 =	sshll.u32 s28, $0x1;
	[dreg:$0x2] =	wrdreg s2  }
0xa9: {  	[dreg:$0x3] =	wrdreg s4  }
0xaa: {  	[dreg:$0x4] =	wrdreg $0xC0  }
0xab: {  	_ =	task [dreg:s6], $0x5FFFF  }
0xac: {  	[dreg:$0x1] =	wrdreg $0xFFFFFFFF  }
0xad: {  	[dreg:$0x0] =	wrdreg $0x60  }
0xae: {  	[dreg:$0x2] =	wrdreg s24  }
0xaf: {  	[dreg:$0x3] =	wrdreg $0xDE000  }
0xb0: {  	[dreg:$0x4] =	wrdreg $0x8F000  }
0xb1: {  	[dreg:$0x5] =	wrdreg $0x9  }
0xb2: {  	_ =	task.clear_ibuf [dreg:s6], $0x6FFFF;
	_ =	strace $0x9000004F  }
0xb3: {  	s29 =	simm.s32 $0x9;
	_ =	strace $0x80000051  }
0xb4: {  	_ =	swait.ge [sflag:s29], $0x1  }
0xb5: {  	[sflag:s29] =	ssyncadd.s32 $0xFFFFFFFF  }
0xb6: {  	_ =	strace $0x90000051  }
0xb7: {  	_ =	sfence  }
0xb8: {  	s30 =	sld [smem:$0x0];
	_ =	sdelay $0x2  }
0xb9: {  	s31 =	sshll.u32 s1, $0xD;
	s1 =	sshrl.u32 s1, $0x2  }
0xba: {  	s3 =	sand.u32 $0x4000, s31;
	s1 =	sadd.s32 s1, s30  }
0xbb: {  	s0 =	sor.u32 s3, s0;
	s1 =	sshll.u32 s1, $0x11  }
0xbc: {  	s0 =	sor.u32 s1, s0  }
0xbd: {  	s0 =	sadd.s32 $0x8F2B, s0  }
0xbe: {  	[sflag:s0] =	ssyncadd.remote.s32 $0x1  }
0xbf: {  	_ =	sfence.sel $0xFFFF  }
0xc0: {  	[dreg:$0x0] =	wrdreg $0xFFFFFFFF;
	(pc) =	sbr.abs _section_cstart, $3  }
0xc1: {  	[dreg:$0x1] =	wrdreg $0xFFFFFFFF  }
0xc2: {  	_ =	task.clear_ibuf [dreg:s6], $0x2FFFF;
	_ =	strace $0x9FFFFFFF  }
0xc3: {  	(tm) =	ssettm $0x7FFFFFFF  }
tec
execute0_lowered:
.L_overlay_start_1:
0x0: {  	(tag) =	ssettag $0x1  }
0x1: {  	s5 =	rddreg [dreg:$0x0]  }
0x2: {  	s2 =	rddreg [dreg:$0x1]  }
0x3: {  	s3 =	rddreg [dreg:$0x2]  }
0x4: {  	s0 =	stileid.u32;
	s4 =	srdreg.scid;
	s16 =	simm.s32 $0x1  }
0x5: {  	s17 =	simm.s32 $0x4;
	s18 =	simm.s32 $0x10;
	s19 =	simm.s32 $0x5  }
0x6: {  	s20 =	simm.s32 $0x6;
	s21 =	simm.s32 $0x80;
	s23 =	simm.s32 $0x5F00  }
0x7: {  	s24 =	simm.s32 $0x8;
	s25 =	simm.s32 $0x7;
	s26 =	simm.s32 $0x9  }
0x8: {  	s28 =	simm.s32 $0x0;
	s6 =	sand.u32 $0x1, s4;
	s8 =	smul.u32 $0x13C00, s0  }
0x9: {  	s7 =	sshll.u32 s0, $0x1;
	s4 =	simm.s32 $0x0;
	s10 =	smul.u32 $0x4F00, s0  }
0xa: {  	s7 =	sor.u32 s6, s7;
	[smem:$0x7FF] =	sst s4;
	s29 =	sshll.u32 s6, $0x5  }
0xb: {  	s6 =	ssub.s32 $0x2, s6;
	s7 =	smul.u32 $0x2710, s7;
	_ =	strace $0x80000050  }
0xc: {  	s9 =	sshrl.u32 s8, $0x3;
	s12 =	sshrl.u32 s10, $0x3;
	s8 =	sor.u32 s29, s8  }
0xd: {  	s31 =	sshrl.u32 s6, $0x1;
	s14 =	sadd.s32 s10, s2;
	s15 =	sadd.s32 s10, s3  }
0xe: {  	s11 =	sadd.s32 s9, s5;
	s30 =	sadd.s32 s12, s5;
	s8 =	sshrl.u32 s8, $0x3  }
0xf: {  	s12 =	ssub.s32 s6, s31;
	s15 =	sshrl.u32 s15, $0x3;
	s7 =	sshrl.u32 s7, $0x3  }
0x10: {  	v6 =	vlaneseq.u32;
	s13 =	sadd.s32 s8, s5;
	s8 =	sadd.s32 $0x8F600, s30;
	s10 =	sadd.s32 $0x18E00, s11  }
0x11: {  	v0 =	vor.u32 $0x2710, v6;
	s12 =	smax.u32 s12, $0x1;
	s7 =	sadd.s32 s7, s5;
	s11 =	sadd.s32 $0x67E00, s13  }
0x12: {  	v1 =	vor.u32 $0x2720, v6;
	v2 =	vor.u32 $0x2730, v6;
	v3 =	vor.u32 $0x2740, v6;
	s5 =	sadd.s32 $0x5400, s7;
	s6 =	sadd.s32 $0xF040, s7;
	s7 =	sshll.u32 s0, $0x6  }
0x13: {  	v4 =	vor.u32 $0x2750, v6;
	v5 =	vor.u32 $0x2760, v6;
	v6 =	vor.u32 $0x2770, v6;
	s13 =	sshrl.u32 s14, $0x3;
	s9 =	sor.u32 $0x1C05, s7;
	s14 =	sor.u32 $0x1C06, s7  }
.LBB2_1:
0x14: {  	[tilespmem:s4], [sflag:$0x1] =	stream.linear.gather [hbm4b:s5+s4], $0x2710, $0x38;
	[tilespmem:$0x12D00] =	vst v63  }
0x15: {  	s29 =	simm.s32 $0x2780  }
0x16: {  	[tilespmem:s29], [sflag:$0x1] =	stream.linear.gather [hbm4b:s6+s4], $0x2710, $0x38;
	[tilespmem:$0x12D00] =	vst v63  }
0x17: {  	[spmem:s13], [sflag:s9] =	dma.local [hbm:s8], $0x9E0  }
0x18: {  	[spmem:s15@s17], [sflag:s14] =	dma.strided [hbm:s10@s18], $0x9E0, s16, $0x4   }
0x19: {  	_ =	swait.ge [sflag:s16], $0x2710  }
0x1a: {  	[sflag:s16] =	ssyncset.done $0x0  }
0x1b: {  	[sflag:s16] =	ssyncadd.s32 $0xFFFFD8F0  }
0x1c: {  	_ =	swait.ge [sflag:s16], $0x2710  }
0x1d: {  	[sflag:s16] =	ssyncset.done $0x0  }
0x1e: {  	[sflag:s16] =	ssyncadd.s32 $0xFFFFD8F0  }
0x1f: {  	[tilespmem:$0x2710] =	vst v0  }
0x20: {  	[tilespmem:$0x4E90] =	vst v0  }
0x21: {  	[tilespmem:$0x2720] =	vst v1  }
0x22: {  	[tilespmem:$0x4EA0] =	vst v1  }
0x23: {  	[tilespmem:$0x2730] =	vst v2  }
0x24: {  	[tilespmem:$0x4EB0] =	vst v2  }
0x25: {  	[tilespmem:$0x2740] =	vst v3  }
0x26: {  	[tilespmem:$0x4EC0] =	vst v3  }
0x27: {  	[tilespmem:$0x2750] =	vst v4  }
0x28: {  	[tilespmem:$0x4ED0] =	vst v4  }
0x29: {  	[tilespmem:$0x2760] =	vst v5  }
0x2a: {  	[tilespmem:$0x4EE0] =	vst v5  }
0x2b: {  	[tilespmem:$0x2770] =	vst v6  }
0x2c: {  	[tilespmem:$0x4EF0] =	vst v6  }
0x2d: {  	_ =	swait.ge [sflag:s19], $0x9E0  }
0x2e: {  	[sflag:s19] =	ssyncset.done $0x0  }
0x2f: {  	[sflag:s19] =	ssyncadd.s32 $0xFFFFF620  }
0x30: {  	_ =	swait.ge [sflag:s20], $0x9E0  }
0x31: {  	[sflag:s20] =	ssyncset.done $0x0  }
0x32: {  	[sflag:s20] =	ssyncadd.s32 $0xFFFFF620  }
0x33: {  	s0 =	simm.s32 $0x4F00;
	[bflag:$0x0] =	sbarrier.arrive $0xFFFF  }
0x34: {  	[tilespmem:s0], [sflag:$0x1] =	stream.indirect.gather [spmem:s3], $0x20, s4, s21, $0xb8;
	[tilespmem:$0x12D00] =	vst v63  }
0x35: {  	s30 =	simm.s32 $0x100;
	s31 =	simm.s32 $0x0  }
0x36: {  	[tilespmem:s23], [sflag:$0x2] =	stream.indirect.gather [spmem:s3], $0x20, s21, s21, $0xb8;
	[tilespmem:$0x12D00] =	vst v63  }
.LBB2_2:
0x37: {  	s0 =	sand.u32 $0x3, s31  }
0x38: {  	p0 =	sgt.s32 s0, $0x1  }
0x39: {  	p1 =	seq.s32 @p0 s0, $0x2  }
0x3a: {  	p2 =	por !p1, !p0  }
0x3b: {  	s1 =	simm.s32 @!p2 $0x3;
	p3 =	sgt.u32 @!p2 s31, $0x4C  }
0x3c: {  	_ =	swait.ge @!p2 [sflag:s1], $0x1000;
	p4 =	por @p0 p3, !p1  }
0x3d: {  	s22 =	simm.s32 @!p2 $0x6F00;
	[sflag:s1] =	ssyncset.done @!p2 $0x0;
	p4 =	por p4, !p0  }
0x3e: {  	[sflag:s1] =	ssyncadd.s32 @!p2 $0xFFFFF000;
	s1 =	simm.s32 @!p2 $0x80;
	p5 =	slt.u32 @!p4 s31, $0x2  }
0x3f: {  	[spmem:s2] =	stream.indirect.scatter.add.f32 @!p2 [tilespmem:s22], [sflag:$0x7], $0x20, s29, s1, $0xb8;
	[tilespmem:$0x12D00] =	vst v63  }
0x40: {  	p2 =	por @!p2 p5, p3  }
0x41: {  	p2 =	por @p0 p2, !p1  }
0x42: {  	p2 =	por p2, !p0  }
0x43: {  	s1 =	simm.s32 @!p2 $0x5  }
0x44: {  	_ =	swait.ge @!p2 [sflag:s1], $0x1000  }
0x45: {  	s22 =	simm.s32 @!p4 $0x4F00;
	[sflag:s1] =	ssyncset.done @!p2 $0x0  }
0x46: {  	[sflag:s1] =	ssyncadd.s32 @!p2 $0xFFFFF000;
	s1 =	simm.s32 @!p4 $0x80;
	p2 =	por p1, !p0  }
0x47: {  	[tilespmem:s22], [sflag:$0x1] =	stream.indirect.gather @!p4 [spmem:s3], $0x20, s30, s1, $0xb8;
	[tilespmem:$0x12D00] =	vst v63  }
0x48: {  	s1 =	simm.s32 @!p2 $0x4;
	p3 =	sgt.u32 @!p2 s31, $0x4C  }
0x49: {  	_ =	swait.ge @!p2 [sflag:s1], $0x1000;
	p4 =	por @p0 p3, p1  }
0x4a: {  	s22 =	simm.s32 @!p2 $0x7F00;
	[sflag:s1] =	ssyncset.done @!p2 $0x0;
	p4 =	por p4, !p0  }
0x4b: {  	[sflag:s1] =	ssyncadd.s32 @!p2 $0xFFFFF000;
	s1 =	simm.s32 @!p2 $0x80;
	p5 =	slt.u32 @!p4 s31, $0x2  }
0x4c: {  	[spmem:s2] =	stream.indirect.scatter.add.f32 @!p2 [tilespmem:s22], [sflag:$0x8], $0x20, s29, s1, $0xb8;
	[tilespmem:$0x12D00] =	vst v63  }
0x4d: {  	p2 =	por @!p2 p5, p3  }
0x4e: {  	p1 =	por @p0 p2, p1  }
0x4f: {  	p1 =	por p1, !p0  }
0x50: {  	s1 =	simm.s32 @!p1 $0x6  }
0x51: {  	_ =	swait.ge @!p1 [sflag:s1], $0x1000  }
0x52: {  	s22 =	simm.s32 @!p4 $0x5F00;
	[sflag:s1] =	ssyncset.done @!p1 $0x0  }
0x53: {  	[sflag:s1] =	ssyncadd.s32 @!p1 $0xFFFFF000;
	s1 =	simm.s32 @!p4 $0x80;
	p1 =	seq.s32 @!p0 s0, $0x0  }
0x54: {  	[tilespmem:s22], [sflag:$0x2] =	stream.indirect.gather @!p4 [spmem:s3], $0x20, s30, s1, $0xb8;
	[tilespmem:$0x12D00] =	vst v63  }
0x55: {  	p2 =	por !p1, p0  }
0x56: {  	s0 =	simm.s32 @!p2 $0x1;
	p3 =	sgt.u32 @!p2 s31, $0x4C  }
0x57: {  	_ =	swait.ge @!p2 [sflag:s0], $0x1000;
	p4 =	por @!p0 p3, !p1  }
0x58: {  	s1 =	simm.s32 @!p2 $0x4F00;
	[sflag:s0] =	ssyncset.done @!p2 $0x0;
	p4 =	por p4, p0  }
0x59: {  	[sflag:s0] =	ssyncadd.s32 @!p2 $0xFFFFF000;
	s0 =	simm.s32 @!p2 $0x80;
	p5 =	slt.u32 @!p4 s31, $0x2  }
0x5a: {  	[spmem:s2] =	stream.indirect.scatter.add.f32 @!p2 [tilespmem:s1], [sflag:$0x5], $0x20, s29, s0, $0xb8;
	[tilespmem:$0x12D00] =	vst v63  }
0x5b: {  	p2 =	por @!p2 p5, p3  }
0x5c: {  	p2 =	por @!p0 p2, !p1  }
0x5d: {  	p2 =	por p2, p0  }
0x5e: {  	s0 =	simm.s32 @!p2 $0x7  }
0x5f: {  	_ =	swait.ge @!p2 [sflag:s0], $0x1000  }
0x60: {  	s1 =	simm.s32 @!p4 $0x6F00;
	[sflag:s0] =	ssyncset.done @!p2 $0x0  }
0x61: {  	[sflag:s0] =	ssyncadd.s32 @!p2 $0xFFFFF000;
	s0 =	simm.s32 @!p4 $0x80;
	p2 =	por p1, p0  }
0x62: {  	[tilespmem:s1], [sflag:$0x3] =	stream.indirect.gather @!p4 [spmem:s3], $0x20, s30, s0, $0xb8;
	[tilespmem:$0x12D00] =	vst v63  }
0x63: {  	s0 =	simm.s32 @!p2 $0x2;
	p3 =	sgt.u32 @!p2 s31, $0x4C  }
0x64: {  	_ =	swait.ge @!p2 [sflag:s0], $0x1000;
	p4 =	por @!p0 p3, p1  }
0x65: {  	s1 =	simm.s32 @!p2 $0x5F00;
	[sflag:s0] =	ssyncset.done @!p2 $0x0;
	p4 =	por p4, p0  }
0x66: {  	[sflag:s0] =	ssyncadd.s32 @!p2 $0xFFFFF000;
	s0 =	simm.s32 @!p2 $0x80;
	p5 =	slt.u32 @!p4 s31, $0x2  }
0x67: {  	[spmem:s2] =	stream.indirect.scatter.add.f32 @!p2 [tilespmem:s1], [sflag:$0x6], $0x20, s29, s0, $0xb8;
	[tilespmem:$0x12D00] =	vst v63  }
0x68: {  	p2 =	por @!p2 p5, p3  }
0x69: {  	p1 =	por @!p0 p2, p1  }
0x6a: {  	p0 =	por p1, p0  }
0x6b: {  	s0 =	simm.s32 @!p0 $0x8  }
0x6c: {  	_ =	swait.ge @!p0 [sflag:s0], $0x1000  }
0x6d: {  	s31 =	sadd.s32 $0x1, s31;
	[sflag:s0] =	ssyncset.done @!p0 $0x0  }
0x6e: {  	[sflag:s0] =	ssyncadd.s32 @!p0 $0xFFFFF000;
	p0 =	sne.s32 s31, $0x4F  }
.Ltmp0:
0x6f: {  	_ = 	snop;
	(pc) =	sbr.rel @p0 .LBB2_2-.Ltmp0, $4  }
0x70: {  	_ = 	snop  }
0x71: {  	s1 =	simm.s32 @!p4 $0x7F00;
	s0 =	simm.s32 @!p4 $0x80  }
0x72: {  	[tilespmem:s1], [sflag:$0x4] =	stream.indirect.gather @!p4 [spmem:s3], $0x20, s30, s0, $0xb8;
	[tilespmem:$0x12D00] =	vst v63  }
0x73: {  	s29 =	sadd.s32 $0x80, s29;
	s30 =	sadd.s32 $0x80, s30  }
0x74: {  	_ =	swait.ge [sflag:s24], $0x1000  }
0x75: {  	[sflag:s24] =	ssyncset.done $0x0  }
0x76: {  	[sflag:s24] =	ssyncadd.s32 $0xFFFFF000  }
0x77: {  	_ =	swait.ge [sflag:s19], $0x1000  }
0x78: {  	[sflag:s19] =	ssyncset.done $0x0  }
0x79: {  	[sflag:s19] =	ssyncadd.s32 $0xFFFFF000  }
0x7a: {  	_ =	swait.ge [sflag:s20], $0x1000  }
0x7b: {  	[sflag:s20] =	ssyncset.done $0x0  }
0x7c: {  	[sflag:s20] =	ssyncadd.s32 $0xFFFFF000  }
0x7d: {  	_ =	swait.ge [sflag:s25], $0x1000  }
0x7e: {  	s28 =	sadd.s32 $0x1, s28;
	[sflag:s25] =	ssyncset.done $0x0  }
0x7f: {  	p0 =	sne.s32 s28, s12;
	[sflag:s25] =	ssyncadd.s32 $0xFFFFF000  }
.Ltmp1:
0x80: {  	s0 =	sor.u32 $0x1C09, s7;
	[bflag:$0x0] =	sbarrier.arrive $0xFFFF;
	(pc) =	sbr.rel @p0 .LBB2_1-.Ltmp1, $4  }
0x81: {  	[hbm:s11@s18], [sflag:s0] =	dma.strided [spmem:s13@s17], $0x9E0, s16, $0x4   }
0x82: {  	_ =	swait.ge [sflag:s26], $0x9E0  }
0x83: {  	[sflag:s26] =	ssyncset.done $0x0  }
0x84: {  	[sflag:s26] =	ssyncadd.s32 $0xFFFFF620  }
0x85: {  	_ =	sfence.sel $0x180000  }
0x86: {  	[bflag:$0x0] =	sbarrier.arrive $0xFFFF  }
0x87: {  	_ =	strace $0x90000050  }
0x88: {  	s0 =	stileid.u32;
	[bflag:$0x2] =	sbarrier.arrive $0xFFFF  }
0x89: {  	p0 =	sne.s32 s0, $0x0;
	s0 =	rddreg [dreg:$0x3]  }
0x8a: {  	s0 =	sadd.s32 @!p0 $0x100000, s0  }
0x8b: {  	[sflag:s0] =	ssyncadd.tile.s32 @!p0 $0x1;
	_ =	shalt  }
.Lfunc_end2:
_tile_overlayer_lowered:
.L_overlay_start_2:
0x8c: {  	(tag) =	ssettag $0x2  }
0x8d: {  	s0 =	rddreg [dreg:$0x0];
	s2 =	stileid.u32  }
0x8e: {  	s1 =	rddreg [dreg:$0x1];
	p0 =	sne.s32 s2, $0x0  }
0x8f: {  	s3 =	rddreg [dreg:$0x2];
	[bflag:$0x3] =	sbarrier.arrive $0xFFFF;
	s2 =	simm.s32 @!p0 $0x1C09  }
0x90: {  	[timem:s3], [sflag:s2] =	dma.local @!p0 [hbm:s0], s1  }
0x91: {  	s0 =	simm.s32 @!p0 $0x9  }
0x92: {  	_ =	swait.ge @!p0 [sflag:s0], s1  }
0x93: {  	s1 =	ssub.s32 @!p0 $0x0, s1;
	[sflag:s0] =	ssyncset.done @!p0 $0x0  }
0x94: {  	[sflag:s0] =	ssyncadd.s32 @!p0 s1  }
0x95: {  	[bflag:$0x3] =	sbarrier.arrive $0xFFFF  }
0x96: {  	_ =	shalt  }

</sc_bundles>
